<compile_context>
chip_gen: v7x
topology: tpu7x:2x2x1
jax: 0.10.2.dev20260603
libtpu: 0.0.44.dev20260713+nightly
codegen_flags: <defaults>
</compile_context>

<pallas_src>
import functools

import jax
import jax.numpy as jnp
from jax import lax
from jax.experimental import pallas as pl
from jax.experimental.pallas import tpu as pltpu
from jax.experimental.pallas import tpu_sc as plsc


def _sc_embed_pool(xv, emb_table, H):
    B = xv.shape[0] // 2
    V, D = emb_table.shape
    L = 16
    NW = 32
    BPW = B // NW
    IWA = 128
    IWB = H - IWA
    CHUNK = 4
    NBUF = 2
    NCHUNK = BPW // CHUNK
    NACC = 4

    mesh = plsc.VectorSubcoreMesh(core_axis_name="c", subcore_axis_name="s")

    @functools.partial(
        pl.kernel,
        out_type=jax.ShapeDtypeStruct((B, D), jnp.float32),
        mesh=mesh,
        compiler_params=pltpu.CompilerParams(use_tc_tiling_on_sc=False),
        scratch_types=[
            pltpu.VMEM((2 * BPW, 128), jnp.int32),
            pltpu.VMEM((NBUF, CHUNK * H, D), jnp.float32),
            pltpu.VMEM((BPW, D), jnp.float32),
            pltpu.SemaphoreType.DMA,
            pltpu.SemaphoreType.DMA,
            pltpu.SemaphoreType.DMA,
        ],
    )
    def k(x_hbm, tab_hbm, out_hbm, idx_v, gbuf, pooled_v,
          semi, sem0, sem1):
        wid = lax.axis_index("s") * 2 + lax.axis_index("c")
        row0 = wid * BPW
        sems = [sem0, sem1]

        pltpu.async_copy(x_hbm.at[pl.ds(wid * 2 * BPW, 2 * BPW)], idx_v,
                         semi)
        pltpu.make_async_copy(x_hbm.at[pl.ds(wid * 2 * BPW, 2 * BPW)],
                              idx_v, semi).wait()

        def copies(chunk, b):
            out = []
            for r in range(CHUNK):
                i = chunk * CHUNK + r
                out.append((tab_hbm.at[idx_v.at[2 * i]],
                            gbuf.at[b, pl.ds(r * H, IWA)]))
                out.append((tab_hbm.at[idx_v.at[2 * i + 1, pl.ds(0, IWB)]],
                            gbuf.at[b, pl.ds(r * H + IWA, IWB)]))
            return out

        def fire(chunk, b):
            for src, dst in copies(chunk, b):
                pltpu.async_copy(src, dst, sems[b])

        def drain(chunk, b):
            for src, dst in copies(chunk, b):
                pltpu.make_async_copy(src, dst, sems[b]).wait()

        def accumulate(chunk, b):
            base = chunk * CHUNK
            for r in range(CHUNK):
                off = r * H

                def jbody(jj, accs, off=off):
                    j = jj * NACC
                    new = []
                    for kk in range(NACC):
                        a0, a1 = accs[2 * kk], accs[2 * kk + 1]
                        new.append(a0 + gbuf[b, off + j + kk, 0:L])
                        new.append(a1 + gbuf[b, off + j + kk, L:2 * L])
                    return tuple(new)

                zero = jnp.zeros((L,), jnp.float32)
                accs = lax.fori_loop(0, H // NACC, jbody,
                                     tuple(zero for _ in range(2 * NACC)))
                scale = jnp.float32(1.0 / H)
                lo = (accs[0] + accs[2]) + (accs[4] + accs[6])
                hi = (accs[1] + accs[3]) + (accs[5] + accs[7])
                pooled_v[base + r, 0:L] = lo * scale
                pooled_v[base + r, L:2 * L] = hi * scale

        for b in range(NBUF):
            fire(b, b)

        @pl.loop(0, NCHUNK // NBUF - 1)
        def _(oi):
            for b in range(NBUF):
                chunk = oi * NBUF + b
                drain(chunk, b)
                accumulate(chunk, b)
                fire(chunk + NBUF, b)

        for b in range(NBUF):
            chunk = NCHUNK - NBUF + b
            drain(chunk, b)
            accumulate(chunk, b)

        pltpu.sync_copy(pooled_v, out_hbm.at[pl.ds(row0, BPW)])

    return k(xv, emb_table)


def _dense_tc(pooled, W, b):
    B, D = pooled.shape
    O = W.shape[1]

    def body(p_ref, w_ref, b_ref, o_ref):
        logits = jnp.dot(p_ref[...], w_ref[...],
                         preferred_element_type=jnp.float32) + b_ref[...]
        m = jnp.max(logits, axis=1, keepdims=True)
        e = jnp.exp(logits - m)
        o_ref[...] = e / jnp.sum(e, axis=1, keepdims=True)

    return pl.pallas_call(
        body,
        out_shape=jax.ShapeDtypeStruct((B, O), jnp.float32),
    )(pooled, W, b.reshape(1, O))


def kernel(x, emb_table, W, b):
    B, H = x.shape
    xv = jnp.pad(x, ((0, 0), (0, 256 - H))).reshape(2 * B, 128)
    pooled = _sc_embed_pool(xv, emb_table, H)
    return _dense_tc(pooled, W, b)

# --- scband reference (transcript-rebuilt; emitter-appended) ---
"""Pipeline reference for scband-neural-router-model-80479097192997 (READ-ONLY COPY).

The authoritative reference and input builder live on the scoring server;
editing this copy changes nothing except your own understanding.
"""

import jax, jax.numpy as jnp
import numpy as np

VOCAB = 1000000
EMBED_DIM = 32
OUTPUT_DIM = 64
BATCH = 4096
HIST = 200


def setup_inputs(seed: int = 0) -> dict:
    key = jax.random.key(seed)
    k1, k2, k3, k4 = jax.random.split(key, 4)
    x = jax.random.randint(k1, (BATCH, HIST), 0, VOCAB, dtype=jnp.int64 if jax.config.jax_enable_x64 else jnp.int32).astype(jnp.int32)
    emb_table = jax.random.normal(k2, (VOCAB, EMBED_DIM), dtype=jnp.float32) * 0.02
    W = jax.random.normal(k3, (EMBED_DIM, OUTPUT_DIM), dtype=jnp.float32) * (1.0 / np.sqrt(EMBED_DIM))
    b = jax.random.normal(k4, (OUTPUT_DIM,), dtype=jnp.float32) * 0.01
    return {"x": x, "emb_table": emb_table, "W": W, "b": b}


def reference(x, emb_table, W, b):
    # nn.Embedding lookup -> gather rows
    embedded = jnp.take(emb_table, x, axis=0)          # [B, L, D]
    pooled = jnp.mean(embedded, axis=1)                 # [B, D]
    logits = pooled @ W + b                             # [B, O]
    probs = jax.nn.softmax(logits, axis=1)              # [B, O]
    return probs

if __name__ == "__main__":
    import jax
    _d = setup_inputs()
    print(jax.jit(kernel)(*tuple(_d.values())))

</pallas_src>

<mosaic_0001>
#map = affine_map<(d0, d1) -> (0, 0)>
module attributes {stable_mosaic.version = 14 : i64} {
  func.func @k(%arg0: i32, %arg1: i32, %arg2: memref<8192x128xi32, #tpu.memory_space<hbm>>, %arg3: memref<1000000x32xf32, #tpu.memory_space<hbm>>, %arg4: memref<4096x32xf32, #tpu.memory_space<hbm>>, %arg5: memref<256x128xi32, #tpu.memory_space<vmem>>, %arg6: memref<2x800x32xf32, #tpu.memory_space<vmem>>, %arg7: memref<128x32xf32, #tpu.memory_space<vmem>>, %arg8: memref<!tpu.dma_semaphore, #tpu.memory_space<semaphore_mem>>, %arg9: memref<!tpu.dma_semaphore, #tpu.memory_space<semaphore_mem>>, %arg10: memref<!tpu.dma_semaphore, #tpu.memory_space<semaphore_mem>>) attributes {dimension_semantics = [#tpu.dimension_semantics<core_parallel>, #tpu.dimension_semantics<subcore_parallel>], iteration_bounds = array<i64: 2, 16>, scalar_prefetch = 0 : i64, scratch_operands = 6 : i64, tpu.core_type = #tpu.core_type<sc_vector_subcore>, window_params = [{transform_indices = #map}, {transform_indices = #map}, {transform_indices = #map}]} {
    %mul3A = arith.constant 2 : i32
    %mul3A_0 = arith.muli %arg1, %mul3A : i32
    %add3A = arith.addi %mul3A_0, %arg0 : i32
    %mul3A_1 = arith.constant 128 : i32
    %mul3A_2 = arith.muli %add3A, %mul3A_1 : i32
    %mul3A_3 = arith.constant 2 : i32
    %mul3A_4 = arith.muli %add3A, %mul3A_3 : i32
    %mul3A_5 = arith.constant 128 : i32
    %mul3A_6 = arith.muli %mul3A_4, %mul3A_5 : i32
    %dma_start3A = arith.constant 0 : i32
    %dma_start3A_7 = tpu.memref_slice %arg2[%mul3A_6, %dma_start3A] : memref<8192x128xi32, #tpu.memory_space<hbm>> -> memref<256x128xi32, #tpu.memory_space<hbm>>
    %dma_start3A_8 = arith.constant 0 : i32
    %dma_start3A_9 = tpu.memref_slice %arg2[%mul3A_6, %dma_start3A_8] : memref<8192x128xi32, #tpu.memory_space<hbm>> -> memref<256x128xi32, #tpu.memory_space<hbm>>
    tpu.enqueue_dma source(%dma_start3A_9 : memref<256x128xi32, #tpu.memory_space<hbm>>) target(%arg5 : memref<256x128xi32, #tpu.memory_space<vmem>>) target_semaphore(%arg8 : memref<!tpu.dma_semaphore, #tpu.memory_space<semaphore_mem>>)
    %mul3A_10 = arith.constant 2 : i32
    %mul3A_11 = arith.muli %add3A, %mul3A_10 : i32
    %mul3A_12 = arith.constant 128 : i32
    %mul3A_13 = arith.muli %mul3A_11, %mul3A_12 : i32
    %dma_wait3A = arith.constant 0 : i32
    %dma_wait3A_14 = tpu.memref_slice %arg2[%mul3A_13, %dma_wait3A] : memref<8192x128xi32, #tpu.memory_space<hbm>> -> memref<256x128xi32, #tpu.memory_space<hbm>>
    %dma_wait3A_15 = arith.constant 0 : i32
    %dma_wait3A_16 = tpu.memref_slice %arg2[%mul3A_13, %dma_wait3A_15] : memref<8192x128xi32, #tpu.memory_space<hbm>> -> memref<256x128xi32, #tpu.memory_space<hbm>>
    tpu.wait_dma2 semaphore(%arg8 : memref<!tpu.dma_semaphore, #tpu.memory_space<semaphore_mem>>) src(%dma_wait3A_16 : memref<256x128xi32, #tpu.memory_space<hbm>>) dst(%arg5 : memref<256x128xi32, #tpu.memory_space<vmem>>)
    %dma_start3A_17 = arith.constant 0 : i32
    %dma_start3A_18 = arith.constant 0 : i32
    %dma_start3A_19 = arith.constant 0 : i32
    %dma_start3A_20 = arith.constant 0 : i32
    %dma_start3A_21 = tpu.memref_slice %arg6[%dma_start3A_18, %dma_start3A_19, %dma_start3A_20] : memref<2x800x32xf32, #tpu.memory_space<vmem>> -> memref<1x128x32xf32, #tpu.memory_space<vmem>>
    %dma_start3A_22 = tpu.memref_squeeze %dma_start3A_21 : memref<1x128x32xf32, #tpu.memory_space<vmem>> -> memref<128x32xf32, #tpu.memory_space<vmem>>
    %dma_start3A_23 = arith.constant 0 : i32
    %dma_start3A_24 = tpu.memref_slice %arg5[%dma_start3A_17, %dma_start3A_23] : memref<256x128xi32, #tpu.memory_space<vmem>> -> memref<1x128xi32, #tpu.memory_space<vmem>>
    %dma_start3A_25 = tpu.memref_squeeze %dma_start3A_24 : memref<1x128xi32, #tpu.memory_space<vmem>> -> memref<128xi32, #tpu.memory_space<vmem>>
    %dma_start3A_26 = arith.constant 0 : i32
    %dma_start3A_27 = arith.constant 0 : i32
    %dma_start3A_28 = tpu.memref_slice %arg3[%dma_start3A_26, %dma_start3A_27] : memref<1000000x32xf32, #tpu.memory_space<hbm>> -> memref<1000000x32xf32, #tpu.memory_space<hbm>>
    tpu.enqueue_indirect_dma source(%dma_start3A_28 : memref<1000000x32xf32, #tpu.memory_space<hbm>>) target(%dma_start3A_22 : memref<128x32xf32, #tpu.memory_space<vmem>>) offsets(%dma_start3A_25 : memref<128xi32, #tpu.memory_space<vmem>>) semaphore(%arg9 : memref<!tpu.dma_semaphore, #tpu.memory_space<semaphore_mem>>)
    %dma_start3A_29 = arith.constant 1 : i32
    %dma_start3A_30 = arith.constant 0 : i32
    %dma_start3A_31 = arith.constant 128 : i32
    %dma_start3A_32 = arith.constant 0 : i32
    %dma_start3A_33 = tpu.memref_slice %arg6[%dma_start3A_30, %dma_start3A_31, %dma_start3A_32] : memref<2x800x32xf32, #tpu.memory_space<vmem>> -> memref<1x72x32xf32, #tpu.memory_space<vmem>>
    %dma_start3A_34 = tpu.memref_squeeze %dma_start3A_33 : memref<1x72x32xf32, #tpu.memory_space<vmem>> -> memref<72x32xf32, #tpu.memory_space<vmem>>
    %dma_start3A_35 = arith.constant 0 : i32
    %dma_start3A_36 = tpu.memref_slice %arg5[%dma_start3A_29, %dma_start3A_35] : memref<256x128xi32, #tpu.memory_space<vmem>> -> memref<1x72xi32, #tpu.memory_space<vmem>>
    %dma_start3A_37 = tpu.memref_squeeze %dma_start3A_36 : memref<1x72xi32, #tpu.memory_space<vmem>> -> memref<72xi32, #tpu.memory_space<vmem>>
    %dma_start3A_38 = arith.constant 0 : i32
    %dma_start3A_39 = arith.constant 0 : i32
    %dma_start3A_40 = tpu.memref_slice %arg3[%dma_start3A_38, %dma_start3A_39] : memref<1000000x32xf32, #tpu.memory_space<hbm>> -> memref<1000000x32xf32, #tpu.memory_space<hbm>>
    tpu.enqueue_indirect_dma source(%dma_start3A_40 : memref<1000000x32xf32, #tpu.memory_space<hbm>>) target(%dma_start3A_34 : memref<72x32xf32, #tpu.memory_space<vmem>>) offsets(%dma_start3A_37 : memref<72xi32, #tpu.memory_space<vmem>>) semaphore(%arg9 : memref<!tpu.dma_semaphore, #tpu.memory_space<semaphore_mem>>)
    %dma_start3A_41 = arith.constant 2 : i32
    %dma_start3A_42 = arith.constant 0 : i32
    %dma_start3A_43 = arith.constant 200 : i32
    %dma_start3A_44 = arith.constant 0 : i32
    %dma_start3A_45 = tpu.memref_slice %arg6[%dma_start3A_42, %dma_start3A_43, %dma_start3A_44] : memref<2x800x32xf32, #tpu.memory_space<vmem>> -> memref<1x128x32xf32, #tpu.memory_space<vmem>>
    %dma_start3A_46 = tpu.memref_squeeze %dma_start3A_45 : memref<1x128x32xf32, #tpu.memory_space<vmem>> -> memref<128x32xf32, #tpu.memory_space<vmem>>
    %dma_start3A_47 = arith.constant 0 : i32
    %dma_start3A_48 = tpu.memref_slice %arg5[%dma_start3A_41, %dma_start3A_47] : memref<256x128xi32, #tpu.memory_space<vmem>> -> memref<1x128xi32, #tpu.memory_space<vmem>>
    %dma_start3A_49 = tpu.memref_squeeze %dma_start3A_48 : memref<1x128xi32, #tpu.memory_space<vmem>> -> memref<128xi32, #tpu.memory_space<vmem>>
    %dma_start3A_50 = arith.constant 0 : i32
    %dma_start3A_51 = arith.constant 0 : i32
    %dma_start3A_52 = tpu.memref_slice %arg3[%dma_start3A_50, %dma_start3A_51] : memref<1000000x32xf32, #tpu.memory_space<hbm>> -> memref<1000000x32xf32, #tpu.memory_space<hbm>>
    tpu.enqueue_indirect_dma source(%dma_start3A_52 : memref<1000000x32xf32, #tpu.memory_space<hbm>>) target(%dma_start3A_46 : memref<128x32xf32, #tpu.memory_space<vmem>>) offsets(%dma_start3A_49 : memref<128xi32, #tpu.memory_space<vmem>>) semaphore(%arg9 : memref<!tpu.dma_semaphore, #tpu.memory_space<semaphore_mem>>)
    %dma_start3A_53 = arith.constant 3 : i32
    %dma_start3A_54 = arith.constant 0 : i32
    %dma_start3A_55 = arith.constant 328 : i32
    %dma_start3A_56 = arith.constant 0 : i32
    %dma_start3A_57 = tpu.memref_slice %arg6[%dma_start3A_54, %dma_start3A_55, %dma_start3A_56] : memref<2x800x32xf32, #tpu.memory_space<vmem>> -> memref<1x72x32xf32, #tpu.memory_space<vmem>>
    %dma_start3A_58 = tpu.memref_squeeze %dma_start3A_57 : memref<1x72x32xf32, #tpu.memory_space<vmem>> -> memref<72x32xf32, #tpu.memory_space<vmem>>
    %dma_start3A_59 = arith.constant 0 : i32
    %dma_start3A_60 = tpu.memref_slice %arg5[%dma_start3A_53, %dma_start3A_59] : memref<256x128xi32, #tpu.memory_space<vmem>> -> memref<1x72xi32, #tpu.memory_space<vmem>>
    %dma_start3A_61 = tpu.memref_squeeze %dma_start3A_60 : memref<1x72xi32, #tpu.memory_space<vmem>> -> memref<72xi32, #tpu.memory_space<vmem>>
    %dma_start3A_62 = arith.constant 0 : i32
    %dma_start3A_63 = arith.constant 0 : i32
    %dma_start3A_64 = tpu.memref_slice %arg3[%dma_start3A_62, %dma_start3A_63] : memref<1000000x32xf32, #tpu.memory_space<hbm>> -> memref<1000000x32xf32, #tpu.memory_space<hbm>>
    tpu.enqueue_indirect_dma source(%dma_start3A_64 : memref<1000000x32xf32, #tpu.memory_space<hbm>>) target(%dma_start3A_58 : memref<72x32xf32, #tpu.memory_space<vmem>>) offsets(%dma_start3A_61 : memref<72xi32, #tpu.memory_space<vmem>>) semaphore(%arg9 : memref<!tpu.dma_semaphore, #tpu.memory_space<semaphore_mem>>)
    %dma_start3A_65 = arith.constant 4 : i32
    %dma_start3A_66 = arith.constant 0 : i32
    %dma_start3A_67 = arith.constant 400 : i32
    %dma_start3A_68 = arith.constant 0 : i32
    %dma_start3A_69 = tpu.memref_slice %arg6[%dma_start3A_66, %dma_start3A_67, %dma_start3A_68] : memref<2x800x32xf32, #tpu.memory_space<vmem>> -> memref<1x128x32xf32, #tpu.memory_space<vmem>>
    %dma_start3A_70 = tpu.memref_squeeze %dma_start3A_69 : memref<1x128x32xf32, #tpu.memory_space<vmem>> -> memref<128x32xf32, #tpu.memory_space<vmem>>
    %dma_start3A_71 = arith.constant 0 : i32
    %dma_start3A_72 = tpu.memref_slice %arg5[%dma_start3A_65, %dma_start3A_71] : memref<256x128xi32, #tpu.memory_space<vmem>> -> memref<1x128xi32, #tpu.memory_space<vmem>>
    %dma_start3A_73 = tpu.memref_squeeze %dma_start3A_72 : memref<1x128xi32, #tpu.memory_space<vmem>> -> memref<128xi32, #tpu.memory_space<vmem>>
    %dma_start3A_74 = arith.constant 0 : i32
    %dma_start3A_75 = arith.constant 0 : i32
    %dma_start3A_76 = tpu.memref_slice %arg3[%dma_start3A_74, %dma_start3A_75] : memref<1000000x32xf32, #tpu.memory_space<hbm>> -> memref<1000000x32xf32, #tpu.memory_space<hbm>>
    tpu.enqueue_indirect_dma source(%dma_start3A_76 : memref<1000000x32xf32, #tpu.memory_space<hbm>>) target(%dma_start3A_70 : memref<128x32xf32, #tpu.memory_space<vmem>>) offsets(%dma_start3A_73 : memref<128xi32, #tpu.memory_space<vmem>>) semaphore(%arg9 : memref<!tpu.dma_semaphore, #tpu.memory_space<semaphore_mem>>)
    %dma_start3A_77 = arith.constant 5 : i32
    %dma_start3A_78 = arith.constant 0 : i32
    %dma_start3A_79 = arith.constant 528 : i32
    %dma_start3A_80 = arith.constant 0 : i32
    %dma_start3A_81 = tpu.memref_slice %arg6[%dma_start3A_78, %dma_start3A_79, %dma_start3A_80] : memref<2x800x32xf32, #tpu.memory_space<vmem>> -> memref<1x72x32xf32, #tpu.memory_space<vmem>>
    %dma_start3A_82 = tpu.memref_squeeze %dma_start3A_81 : memref<1x72x32xf32, #tpu.memory_space<vmem>> -> memref<72x32xf32, #tpu.memory_space<vmem>>
    %dma_start3A_83 = arith.constant 0 : i32
    %dma_start3A_84 = tpu.memref_slice %arg5[%dma_start3A_77, %dma_start3A_83] : memref<256x128xi32, #tpu.memory_space<vmem>> -> memref<1x72xi32, #tpu.memory_space<vmem>>
    %dma_start3A_85 = tpu.memref_squeeze %dma_start3A_84 : memref<1x72xi32, #tpu.memory_space<vmem>> -> memref<72xi32, #tpu.memory_space<vmem>>
    %dma_start3A_86 = arith.constant 0 : i32
    %dma_start3A_87 = arith.constant 0 : i32
    %dma_start3A_88 = tpu.memref_slice %arg3[%dma_start3A_86, %dma_start3A_87] : memref<1000000x32xf32, #tpu.memory_space<hbm>> -> memref<1000000x32xf32, #tpu.memory_space<hbm>>
    tpu.enqueue_indirect_dma source(%dma_start3A_88 : memref<1000000x32xf32, #tpu.memory_space<hbm>>) target(%dma_start3A_82 : memref<72x32xf32, #tpu.memory_space<vmem>>) offsets(%dma_start3A_85 : memref<72xi32, #tpu.memory_space<vmem>>) semaphore(%arg9 : memref<!tpu.dma_semaphore, #tpu.memory_space<semaphore_mem>>)
    %dma_start3A_89 = arith.constant 6 : i32
    %dma_start3A_90 = arith.constant 0 : i32
    %dma_start3A_91 = arith.constant 600 : i32
    %dma_start3A_92 = arith.constant 0 : i32
    %dma_start3A_93 = tpu.memref_slice %arg6[%dma_start3A_90, %dma_start3A_91, %dma_start3A_92] : memref<2x800x32xf32, #tpu.memory_space<vmem>> -> memref<1x128x32xf32, #tpu.memory_space<vmem>>
    %dma_start3A_94 = tpu.memref_squeeze %dma_start3A_93 : memref<1x128x32xf32, #tpu.memory_space<vmem>> -> memref<128x32xf32, #tpu.memory_space<vmem>>
    %dma_start3A_95 = arith.constant 0 : i32
    %dma_start3A_96 = tpu.memref_slice %arg5[%dma_start3A_89, %dma_start3A_95] : memref<256x128xi32, #tpu.memory_space<vmem>> -> memref<1x128xi32, #tpu.memory_space<vmem>>
    %dma_start3A_97 = tpu.memref_squeeze %dma_start3A_96 : memref<1x128xi32, #tpu.memory_space<vmem>> -> memref<128xi32, #tpu.memory_space<vmem>>
    %dma_start3A_98 = arith.constant 0 : i32
    %dma_start3A_99 = arith.constant 0 : i32
    %dma_start3A_100 = tpu.memref_slice %arg3[%dma_start3A_98, %dma_start3A_99] : memref<1000000x32xf32, #tpu.memory_space<hbm>> -> memref<1000000x32xf32, #tpu.memory_space<hbm>>
    tpu.enqueue_indirect_dma source(%dma_start3A_100 : memref<1000000x32xf32, #tpu.memory_space<hbm>>) target(%dma_start3A_94 : memref<128x32xf32, #tpu.memory_space<vmem>>) offsets(%dma_start3A_97 : memref<128xi32, #tpu.memory_space<vmem>>) semaphore(%arg9 : memref<!tpu.dma_semaphore, #tpu.memory_space<semaphore_mem>>)
    %dma_start3A_101 = arith.constant 7 : i32
    %dma_start3A_102 = arith.constant 0 : i32
    %dma_start3A_103 = arith.constant 728 : i32
    %dma_start3A_104 = arith.constant 0 : i32
    %dma_start3A_105 = tpu.memref_slice %arg6[%dma_start3A_102, %dma_start3A_103, %dma_start3A_104] : memref<2x800x32xf32, #tpu.memory_space<vmem>> -> memref<1x72x32xf32, #tpu.memory_space<vmem>>
    %dma_start3A_106 = tpu.memref_squeeze %dma_start3A_105 : memref<1x72x32xf32, #tpu.memory_space<vmem>> -> memref<72x32xf32, #tpu.memory_space<vmem>>
    %dma_start3A_107 = arith.constant 0 : i32
    %dma_start3A_108 = tpu.memref_slice %arg5[%dma_start3A_101, %dma_start3A_107] : memref<256x128xi32, #tpu.memory_space<vmem>> -> memref<1x72xi32, #tpu.memory_space<vmem>>
    %dma_start3A_109 = tpu.memref_squeeze %dma_start3A_108 : memref<1x72xi32, #tpu.memory_space<vmem>> -> memref<72xi32, #tpu.memory_space<vmem>>
    %dma_start3A_110 = arith.constant 0 : i32
    %dma_start3A_111 = arith.constant 0 : i32
    %dma_start3A_112 = tpu.memref_slice %arg3[%dma_start3A_110, %dma_start3A_111] : memref<1000000x32xf32, #tpu.memory_space<hbm>> -> memref<1000000x32xf32, #tpu.memory_space<hbm>>
    tpu.enqueue_indirect_dma source(%dma_start3A_112 : memref<1000000x32xf32, #tpu.memory_space<hbm>>) target(%dma_start3A_106 : memref<72x32xf32, #tpu.memory_space<vmem>>) offsets(%dma_start3A_109 : memref<72xi32, #tpu.memory_space<vmem>>) semaphore(%arg9 : memref<!tpu.dma_semaphore, #tpu.memory_space<semaphore_mem>>)
    %dma_start3A_113 = arith.constant 8 : i32
    %dma_start3A_114 = arith.constant 1 : i32
    %dma_start3A_115 = arith.constant 0 : i32
    %dma_start3A_116 = arith.constant 0 : i32
    %dma_start3A_117 = tpu.memref_slice %arg6[%dma_start3A_114, %dma_start3A_115, %dma_start3A_116] : memref<2x800x32xf32, #tpu.memory_space<vmem>> -> memref<1x128x32xf32, #tpu.memory_space<vmem>>
    %dma_start3A_118 = tpu.memref_squeeze %dma_start3A_117 : memref<1x128x32xf32, #tpu.memory_space<vmem>> -> memref<128x32xf32, #tpu.memory_space<vmem>>
    %dma_start3A_119 = arith.constant 0 : i32
    %dma_start3A_120 = tpu.memref_slice %arg5[%dma_start3A_113, %dma_start3A_119] : memref<256x128xi32, #tpu.memory_space<vmem>> -> memref<1x128xi32, #tpu.memory_space<vmem>>
    %dma_start3A_121 = tpu.memref_squeeze %dma_start3A_120 : memref<1x128xi32, #tpu.memory_space<vmem>> -> memref<128xi32, #tpu.memory_space<vmem>>
    %dma_start3A_122 = arith.constant 0 : i32
    %dma_start3A_123 = arith.constant 0 : i32
    %dma_start3A_124 = tpu.memref_slice %arg3[%dma_start3A_122, %dma_start3A_123] : memref<1000000x32xf32, #tpu.memory_space<hbm>> -> memref<1000000x32xf32, #tpu.memory_space<hbm>>
    tpu.enqueue_indirect_dma source(%dma_start3A_124 : memref<1000000x32xf32, #tpu.memory_space<hbm>>) target(%dma_start3A_118 : memref<128x32xf32, #tpu.memory_space<vmem>>) offsets(%dma_start3A_121 : memref<128xi32, #tpu.memory_space<vmem>>) semaphore(%arg10 : memref<!tpu.dma_semaphore, #tpu.memory_space<semaphore_mem>>)
    %dma_start3A_125 = arith.constant 9 : i32
    %dma_start3A_126 = arith.constant 1 : i32
    %dma_start3A_127 = arith.constant 128 : i32
    %dma_start3A_128 = arith.constant 0 : i32
    %dma_start3A_129 = tpu.memref_slice %arg6[%dma_start3A_126, %dma_start3A_127, %dma_start3A_128] : memref<2x800x32xf32, #tpu.memory_space<vmem>> -> memref<1x72x32xf32, #tpu.memory_space<vmem>>
    %dma_start3A_130 = tpu.memref_squeeze %dma_start3A_129 : memref<1x72x32xf32, #tpu.memory_space<vmem>> -> memref<72x32xf32, #tpu.memory_space<vmem>>
    %dma_start3A_131 = arith.constant 0 : i32
    %dma_start3A_132 = tpu.memref_slice %arg5[%dma_start3A_125, %dma_start3A_131] : memref<256x128xi32, #tpu.memory_space<vmem>> -> memref<1x72xi32, #tpu.memory_space<vmem>>
    %dma_start3A_133 = tpu.memref_squeeze %dma_start3A_132 : memref<1x72xi32, #tpu.memory_space<vmem>> -> memref<72xi32, #tpu.memory_space<vmem>>
    %dma_start3A_134 = arith.constant 0 : i32
    %dma_start3A_135 = arith.constant 0 : i32
    %dma_start3A_136 = tpu.memref_slice %arg3[%dma_start3A_134, %dma_start3A_135] : memref<1000000x32xf32, #tpu.memory_space<hbm>> -> memref<1000000x32xf32, #tpu.memory_space<hbm>>
    tpu.enqueue_indirect_dma source(%dma_start3A_136 : memref<1000000x32xf32, #tpu.memory_space<hbm>>) target(%dma_start3A_130 : memref<72x32xf32, #tpu.memory_space<vmem>>) offsets(%dma_start3A_133 : memref<72xi32, #tpu.memory_space<vmem>>) semaphore(%arg10 : memref<!tpu.dma_semaphore, #tpu.memory_space<semaphore_mem>>)
    %dma_start3A_137 = arith.constant 10 : i32
    %dma_start3A_138 = arith.constant 1 : i32
    %dma_start3A_139 = arith.constant 200 : i32
    %dma_start3A_140 = arith.constant 0 : i32
    %dma_start3A_141 = tpu.memref_slice %arg6[%dma_start3A_138, %dma_start3A_139, %dma_start3A_140] : memref<2x800x32xf32, #tpu.memory_space<vmem>> -> memref<1x128x32xf32, #tpu.memory_space<vmem>>
    %dma_start3A_142 = tpu.memref_squeeze %dma_start3A_141 : memref<1x128x32xf32, #tpu.memory_space<vmem>> -> memref<128x32xf32, #tpu.memory_space<vmem>>
    %dma_start3A_143 = arith.constant 0 : i32
    %dma_start3A_144 = tpu.memref_slice %arg5[%dma_start3A_137, %dma_start3A_143] : memref<256x128xi32, #tpu.memory_space<vmem>> -> memref<1x128xi32, #tpu.memory_space<vmem>>
    %dma_start3A_145 = tpu.memref_squeeze %dma_start3A_144 : memref<1x128xi32, #tpu.memory_space<vmem>> -> memref<128xi32, #tpu.memory_space<vmem>>
    %dma_start3A_146 = arith.constant 0 : i32
    %dma_start3A_147 = arith.constant 0 : i32
    %dma_start3A_148 = tpu.memref_slice %arg3[%dma_start3A_146, %dma_start3A_147] : memref<1000000x32xf32, #tpu.memory_space<hbm>> -> memref<1000000x32xf32, #tpu.memory_space<hbm>>
    tpu.enqueue_indirect_dma source(%dma_start3A_148 : memref<1000000x32xf32, #tpu.memory_space<hbm>>) target(%dma_start3A_142 : memref<128x32xf32, #tpu.memory_space<vmem>>) offsets(%dma_start3A_145 : memref<128xi32, #tpu.memory_space<vmem>>) semaphore(%arg10 : memref<!tpu.dma_semaphore, #tpu.memory_space<semaphore_mem>>)
    %dma_start3A_149 = arith.constant 11 : i32
    %dma_start3A_150 = arith.constant 1 : i32
    %dma_start3A_151 = arith.constant 328 : i32
    %dma_start3A_152 = arith.constant 0 : i32
    %dma_start3A_153 = tpu.memref_slice %arg6[%dma_start3A_150, %dma_start3A_151, %dma_start3A_152] : memref<2x800x32xf32, #tpu.memory_space<vmem>> -> memref<1x72x32xf32, #tpu.memory_space<vmem>>
    %dma_start3A_154 = tpu.memref_squeeze %dma_start3A_153 : memref<1x72x32xf32, #tpu.memory_space<vmem>> -> memref<72x32xf32, #tpu.memory_space<vmem>>
    %dma_start3A_155 = arith.constant 0 : i32
    %dma_start3A_156 = tpu.memref_slice %arg5[%dma_start3A_149, %dma_start3A_155] : memref<256x128xi32, #tpu.memory_space<vmem>> -> memref<1x72xi32, #tpu.memory_space<vmem>>
    %dma_start3A_157 = tpu.memref_squeeze %dma_start3A_156 : memref<1x72xi32, #tpu.memory_space<vmem>> -> memref<72xi32, #tpu.memory_space<vmem>>
    %dma_start3A_158 = arith.constant 0 : i32
    %dma_start3A_159 = arith.constant 0 : i32
    %dma_start3A_160 = tpu.memref_slice %arg3[%dma_start3A_158, %dma_start3A_159] : memref<1000000x32xf32, #tpu.memory_space<hbm>> -> memref<1000000x32xf32, #tpu.memory_space<hbm>>
    tpu.enqueue_indirect_dma source(%dma_start3A_160 : memref<1000000x32xf32, #tpu.memory_space<hbm>>) target(%dma_start3A_154 : memref<72x32xf32, #tpu.memory_space<vmem>>) offsets(%dma_start3A_157 : memref<72xi32, #tpu.memory_space<vmem>>) semaphore(%arg10 : memref<!tpu.dma_semaphore, #tpu.memory_space<semaphore_mem>>)
    %dma_start3A_161 = arith.constant 12 : i32
    %dma_start3A_162 = arith.constant 1 : i32
    %dma_start3A_163 = arith.constant 400 : i32
    %dma_start3A_164 = arith.constant 0 : i32
    %dma_start3A_165 = tpu.memref_slice %arg6[%dma_start3A_162, %dma_start3A_163, %dma_start3A_164] : memref<2x800x32xf32, #tpu.memory_space<vmem>> -> memref<1x128x32xf32, #tpu.memory_space<vmem>>
    %dma_start3A_166 = tpu.memref_squeeze %dma_start3A_165 : memref<1x128x32xf32, #tpu.memory_space<vmem>> -> memref<128x32xf32, #tpu.memory_space<vmem>>
    %dma_start3A_167 = arith.constant 0 : i32
    %dma_start3A_168 = tpu.memref_slice %arg5[%dma_start3A_161, %dma_start3A_167] : memref<256x128xi32, #tpu.memory_space<vmem>> -> memref<1x128xi32, #tpu.memory_space<vmem>>
    %dma_start3A_169 = tpu.memref_squeeze %dma_start3A_168 : memref<1x128xi32, #tpu.memory_space<vmem>> -> memref<128xi32, #tpu.memory_space<vmem>>
    %dma_start3A_170 = arith.constant 0 : i32
    %dma_start3A_171 = arith.constant 0 : i32
    %dma_start3A_172 = tpu.memref_slice %arg3[%dma_start3A_170, %dma_start3A_171] : memref<1000000x32xf32, #tpu.memory_space<hbm>> -> memref<1000000x32xf32, #tpu.memory_space<hbm>>
    tpu.enqueue_indirect_dma source(%dma_start3A_172 : memref<1000000x32xf32, #tpu.memory_space<hbm>>) target(%dma_start3A_166 : memref<128x32xf32, #tpu.memory_space<vmem>>) offsets(%dma_start3A_169 : memref<128xi32, #tpu.memory_space<vmem>>) semaphore(%arg10 : memref<!tpu.dma_semaphore, #tpu.memory_space<semaphore_mem>>)
    %dma_start3A_173 = arith.constant 13 : i32
    %dma_start3A_174 = arith.constant 1 : i32
    %dma_start3A_175 = arith.constant 528 : i32
    %dma_start3A_176 = arith.constant 0 : i32
    %dma_start3A_177 = tpu.memref_slice %arg6[%dma_start3A_174, %dma_start3A_175, %dma_start3A_176] : memref<2x800x32xf32, #tpu.memory_space<vmem>> -> memref<1x72x32xf32, #tpu.memory_space<vmem>>
    %dma_start3A_178 = tpu.memref_squeeze %dma_start3A_177 : memref<1x72x32xf32, #tpu.memory_space<vmem>> -> memref<72x32xf32, #tpu.memory_space<vmem>>
    %dma_start3A_179 = arith.constant 0 : i32
    %dma_start3A_180 = tpu.memref_slice %arg5[%dma_start3A_173, %dma_start3A_179] : memref<256x128xi32, #tpu.memory_space<vmem>> -> memref<1x72xi32, #tpu.memory_space<vmem>>
    %dma_start3A_181 = tpu.memref_squeeze %dma_start3A_180 : memref<1x72xi32, #tpu.memory_space<vmem>> -> memref<72xi32, #tpu.memory_space<vmem>>
    %dma_start3A_182 = arith.constant 0 : i32
    %dma_start3A_183 = arith.constant 0 : i32
    %dma_start3A_184 = tpu.memref_slice %arg3[%dma_start3A_182, %dma_start3A_183] : memref<1000000x32xf32, #tpu.memory_space<hbm>> -> memref<1000000x32xf32, #tpu.memory_space<hbm>>
    tpu.enqueue_indirect_dma source(%dma_start3A_184 : memref<1000000x32xf32, #tpu.memory_space<hbm>>) target(%dma_start3A_178 : memref<72x32xf32, #tpu.memory_space<vmem>>) offsets(%dma_start3A_181 : memref<72xi32, #tpu.memory_space<vmem>>) semaphore(%arg10 : memref<!tpu.dma_semaphore, #tpu.memory_space<semaphore_mem>>)
    %dma_start3A_185 = arith.constant 14 : i32
    %dma_start3A_186 = arith.constant 1 : i32
    %dma_start3A_187 = arith.constant 600 : i32
    %dma_start3A_188 = arith.constant 0 : i32
    %dma_start3A_189 = tpu.memref_slice %arg6[%dma_start3A_186, %dma_start3A_187, %dma_start3A_188] : memref<2x800x32xf32, #tpu.memory_space<vmem>> -> memref<1x128x32xf32, #tpu.memory_space<vmem>>
    %dma_start3A_190 = tpu.memref_squeeze %dma_start3A_189 : memref<1x128x32xf32, #tpu.memory_space<vmem>> -> memref<128x32xf32, #tpu.memory_space<vmem>>
    %dma_start3A_191 = arith.constant 0 : i32
    %dma_start3A_192 = tpu.memref_slice %arg5[%dma_start3A_185, %dma_start3A_191] : memref<256x128xi32, #tpu.memory_space<vmem>> -> memref<1x128xi32, #tpu.memory_space<vmem>>
    %dma_start3A_193 = tpu.memref_squeeze %dma_start3A_192 : memref<1x128xi32, #tpu.memory_space<vmem>> -> memref<128xi32, #tpu.memory_space<vmem>>
    %dma_start3A_194 = arith.constant 0 : i32
    %dma_start3A_195 = arith.constant 0 : i32
    %dma_start3A_196 = tpu.memref_slice %arg3[%dma_start3A_194, %dma_start3A_195] : memref<1000000x32xf32, #tpu.memory_space<hbm>> -> memref<1000000x32xf32, #tpu.memory_space<hbm>>
    tpu.enqueue_indirect_dma source(%dma_start3A_196 : memref<1000000x32xf32, #tpu.memory_space<hbm>>) target(%dma_start3A_190 : memref<128x32xf32, #tpu.memory_space<vmem>>) offsets(%dma_start3A_193 : memref<128xi32, #tpu.memory_space<vmem>>) semaphore(%arg10 : memref<!tpu.dma_semaphore, #tpu.memory_space<semaphore_mem>>)
    %dma_start3A_197 = arith.constant 15 : i32
    %dma_start3A_198 = arith.constant 1 : i32
    %dma_start3A_199 = arith.constant 728 : i32
    %dma_start3A_200 = arith.constant 0 : i32
    %dma_start3A_201 = tpu.memref_slice %arg6[%dma_start3A_198, %dma_start3A_199, %dma_start3A_200] : memref<2x800x32xf32, #tpu.memory_space<vmem>> -> memref<1x72x32xf32, #tpu.memory_space<vmem>>
    %dma_start3A_202 = tpu.memref_squeeze %dma_start3A_201 : memref<1x72x32xf32, #tpu.memory_space<vmem>> -> memref<72x32xf32, #tpu.memory_space<vmem>>
    %dma_start3A_203 = arith.constant 0 : i32
    %dma_start3A_204 = tpu.memref_slice %arg5[%dma_start3A_197, %dma_start3A_203] : memref<256x128xi32, #tpu.memory_space<vmem>> -> memref<1x72xi32, #tpu.memory_space<vmem>>
    %dma_start3A_205 = tpu.memref_squeeze %dma_start3A_204 : memref<1x72xi32, #tpu.memory_space<vmem>> -> memref<72xi32, #tpu.memory_space<vmem>>
    %dma_start3A_206 = arith.constant 0 : i32
    %dma_start3A_207 = arith.constant 0 : i32
    %dma_start3A_208 = tpu.memref_slice %arg3[%dma_start3A_206, %dma_start3A_207] : memref<1000000x32xf32, #tpu.memory_space<hbm>> -> memref<1000000x32xf32, #tpu.memory_space<hbm>>
    tpu.enqueue_indirect_dma source(%dma_start3A_208 : memref<1000000x32xf32, #tpu.memory_space<hbm>>) target(%dma_start3A_202 : memref<72x32xf32, #tpu.memory_space<vmem>>) offsets(%dma_start3A_205 : memref<72xi32, #tpu.memory_space<vmem>>) semaphore(%arg10 : memref<!tpu.dma_semaphore, #tpu.memory_space<semaphore_mem>>)
    %scan3A = arith.constant 0 : i32
    %scan3A_209 = arith.constant 15 : i32
    %scan3A_210 = arith.addi %scan3A, %scan3A_209 : i32
    %scan3A_211 = arith.constant 1 : i32
    scf.for %scan3A_659 = %scan3A to %scan3A_210 step %scan3A_211  : i32 {
      %mul3A_660 = arith.constant 1 : i32
      %mul3A_661 = arith.muli %scan3A_659, %mul3A_660 : i32
      %add3A_662 = arith.constant 0 : i32
      %add3A_663 = arith.addi %add3A_662, %mul3A_661 : i32
      %mul3A_664 = arith.constant 2 : i32
      %mul3A_665 = arith.muli %add3A_663, %mul3A_664 : i32
      %add3A_666 = arith.constant 0 : i32
      %add3A_667 = arith.addi %mul3A_665, %add3A_666 : i32
      %mul3A_668 = arith.constant 4 : i32
      %mul3A_669 = arith.muli %add3A_667, %mul3A_668 : i32
      %add3A_670 = arith.constant 0 : i32
      %add3A_671 = arith.addi %mul3A_669, %add3A_670 : i32
      %mul3A_672 = arith.constant 2 : i32
      %mul3A_673 = arith.muli %mul3A_672, %add3A_671 : i32
      %mul3A_674 = arith.constant 2 : i32
      %mul3A_675 = arith.muli %mul3A_674, %add3A_671 : i32
      %add3A_676 = arith.constant 1 : i32
      %add3A_677 = arith.addi %mul3A_675, %add3A_676 : i32
      %mul3A_678 = arith.constant 4 : i32
      %mul3A_679 = arith.muli %add3A_667, %mul3A_678 : i32
      %add3A_680 = arith.constant 1 : i32
      %add3A_681 = arith.addi %mul3A_679, %add3A_680 : i32
      %mul3A_682 = arith.constant 2 : i32
      %mul3A_683 = arith.muli %mul3A_682, %add3A_681 : i32
      %mul3A_684 = arith.constant 2 : i32
      %mul3A_685 = arith.muli %mul3A_684, %add3A_681 : i32
      %add3A_686 = arith.constant 1 : i32
      %add3A_687 = arith.addi %mul3A_685, %add3A_686 : i32
      %mul3A_688 = arith.constant 4 : i32
      %mul3A_689 = arith.muli %add3A_667, %mul3A_688 : i32
      %add3A_690 = arith.constant 2 : i32
      %add3A_691 = arith.addi %mul3A_689, %add3A_690 : i32
      %mul3A_692 = arith.constant 2 : i32
      %mul3A_693 = arith.muli %mul3A_692, %add3A_691 : i32
      %mul3A_694 = arith.constant 2 : i32
      %mul3A_695 = arith.muli %mul3A_694, %add3A_691 : i32
      %add3A_696 = arith.constant 1 : i32
      %add3A_697 = arith.addi %mul3A_695, %add3A_696 : i32
      %mul3A_698 = arith.constant 4 : i32
      %mul3A_699 = arith.muli %add3A_667, %mul3A_698 : i32
      %add3A_700 = arith.constant 3 : i32
      %add3A_701 = arith.addi %mul3A_699, %add3A_700 : i32
      %mul3A_702 = arith.constant 2 : i32
      %mul3A_703 = arith.muli %mul3A_702, %add3A_701 : i32
      %mul3A_704 = arith.constant 2 : i32
      %mul3A_705 = arith.muli %mul3A_704, %add3A_701 : i32
      %add3A_706 = arith.constant 1 : i32
      %add3A_707 = arith.addi %mul3A_705, %add3A_706 : i32
      %dma_wait3A_708 = arith.constant 0 : i32
      %dma_wait3A_709 = arith.constant 0 : i32
      %dma_wait3A_710 = arith.constant 0 : i32
      %dma_wait3A_711 = tpu.memref_slice %arg6[%dma_wait3A_708, %dma_wait3A_709, %dma_wait3A_710] : memref<2x800x32xf32, #tpu.memory_space<vmem>> -> memref<1x128x32xf32, #tpu.memory_space<vmem>>
      %dma_wait3A_712 = tpu.memref_squeeze %dma_wait3A_711 : memref<1x128x32xf32, #tpu.memory_space<vmem>> -> memref<128x32xf32, #tpu.memory_space<vmem>>
      %dma_wait3A_713 = arith.constant 0 : i32
      %dma_wait3A_714 = tpu.memref_slice %arg5[%mul3A_673, %dma_wait3A_713] : memref<256x128xi32, #tpu.memory_space<vmem>> -> memref<1x128xi32, #tpu.memory_space<vmem>>
      %dma_wait3A_715 = tpu.memref_squeeze %dma_wait3A_714 : memref<1x128xi32, #tpu.memory_space<vmem>> -> memref<128xi32, #tpu.memory_space<vmem>>
      %dma_wait3A_716 = arith.constant 0 : i32
      %dma_wait3A_717 = arith.constant 0 : i32
      %dma_wait3A_718 = tpu.memref_slice %arg3[%dma_wait3A_716, %dma_wait3A_717] : memref<1000000x32xf32, #tpu.memory_space<hbm>> -> memref<1000000x32xf32, #tpu.memory_space<hbm>>
      tpu.wait_indirect_dma semaphore(%arg9 : memref<!tpu.dma_semaphore, #tpu.memory_space<semaphore_mem>>) src(%dma_wait3A_718 : memref<1000000x32xf32, #tpu.memory_space<hbm>>) dst(%dma_wait3A_712 : memref<128x32xf32, #tpu.memory_space<vmem>>)
      %dma_wait3A_719 = arith.constant 0 : i32
      %dma_wait3A_720 = arith.constant 128 : i32
      %dma_wait3A_721 = arith.constant 0 : i32
      %dma_wait3A_722 = tpu.memref_slice %arg6[%dma_wait3A_719, %dma_wait3A_720, %dma_wait3A_721] : memref<2x800x32xf32, #tpu.memory_space<vmem>> -> memref<1x72x32xf32, #tpu.memory_space<vmem>>
      %dma_wait3A_723 = tpu.memref_squeeze %dma_wait3A_722 : memref<1x72x32xf32, #tpu.memory_space<vmem>> -> memref<72x32xf32, #tpu.memory_space<vmem>>
      %dma_wait3A_724 = arith.constant 0 : i32
      %dma_wait3A_725 = tpu.memref_slice %arg5[%add3A_677, %dma_wait3A_724] : memref<256x128xi32, #tpu.memory_space<vmem>> -> memref<1x72xi32, #tpu.memory_space<vmem>>
      %dma_wait3A_726 = tpu.memref_squeeze %dma_wait3A_725 : memref<1x72xi32, #tpu.memory_space<vmem>> -> memref<72xi32, #tpu.memory_space<vmem>>
      %dma_wait3A_727 = arith.constant 0 : i32
      %dma_wait3A_728 = arith.constant 0 : i32
      %dma_wait3A_729 = tpu.memref_slice %arg3[%dma_wait3A_727, %dma_wait3A_728] : memref<1000000x32xf32, #tpu.memory_space<hbm>> -> memref<1000000x32xf32, #tpu.memory_space<hbm>>
      tpu.wait_indirect_dma semaphore(%arg9 : memref<!tpu.dma_semaphore, #tpu.memory_space<semaphore_mem>>) src(%dma_wait3A_729 : memref<1000000x32xf32, #tpu.memory_space<hbm>>) dst(%dma_wait3A_723 : memref<72x32xf32, #tpu.memory_space<vmem>>)
      %dma_wait3A_730 = arith.constant 0 : i32
      %dma_wait3A_731 = arith.constant 200 : i32
      %dma_wait3A_732 = arith.constant 0 : i32
      %dma_wait3A_733 = tpu.memref_slice %arg6[%dma_wait3A_730, %dma_wait3A_731, %dma_wait3A_732] : memref<2x800x32xf32, #tpu.memory_space<vmem>> -> memref<1x128x32xf32, #tpu.memory_space<vmem>>
      %dma_wait3A_734 = tpu.memref_squeeze %dma_wait3A_733 : memref<1x128x32xf32, #tpu.memory_space<vmem>> -> memref<128x32xf32, #tpu.memory_space<vmem>>
      %dma_wait3A_735 = arith.constant 0 : i32
      %dma_wait3A_736 = tpu.memref_slice %arg5[%mul3A_683, %dma_wait3A_735] : memref<256x128xi32, #tpu.memory_space<vmem>> -> memref<1x128xi32, #tpu.memory_space<vmem>>
      %dma_wait3A_737 = tpu.memref_squeeze %dma_wait3A_736 : memref<1x128xi32, #tpu.memory_space<vmem>> -> memref<128xi32, #tpu.memory_space<vmem>>
      %dma_wait3A_738 = arith.constant 0 : i32
      %dma_wait3A_739 = arith.constant 0 : i32
      %dma_wait3A_740 = tpu.memref_slice %arg3[%dma_wait3A_738, %dma_wait3A_739] : memref<1000000x32xf32, #tpu.memory_space<hbm>> -> memref<1000000x32xf32, #tpu.memory_space<hbm>>
      tpu.wait_indirect_dma semaphore(%arg9 : memref<!tpu.dma_semaphore, #tpu.memory_space<semaphore_mem>>) src(%dma_wait3A_740 : memref<1000000x32xf32, #tpu.memory_space<hbm>>) dst(%dma_wait3A_734 : memref<128x32xf32, #tpu.memory_space<vmem>>)
      %dma_wait3A_741 = arith.constant 0 : i32
      %dma_wait3A_742 = arith.constant 328 : i32
      %dma_wait3A_743 = arith.constant 0 : i32
      %dma_wait3A_744 = tpu.memref_slice %arg6[%dma_wait3A_741, %dma_wait3A_742, %dma_wait3A_743] : memref<2x800x32xf32, #tpu.memory_space<vmem>> -> memref<1x72x32xf32, #tpu.memory_space<vmem>>
      %dma_wait3A_745 = tpu.memref_squeeze %dma_wait3A_744 : memref<1x72x32xf32, #tpu.memory_space<vmem>> -> memref<72x32xf32, #tpu.memory_space<vmem>>
      %dma_wait3A_746 = arith.constant 0 : i32
      %dma_wait3A_747 = tpu.memref_slice %arg5[%add3A_687, %dma_wait3A_746] : memref<256x128xi32, #tpu.memory_space<vmem>> -> memref<1x72xi32, #tpu.memory_space<vmem>>
      %dma_wait3A_748 = tpu.memref_squeeze %dma_wait3A_747 : memref<1x72xi32, #tpu.memory_space<vmem>> -> memref<72xi32, #tpu.memory_space<vmem>>
      %dma_wait3A_749 = arith.constant 0 : i32
      %dma_wait3A_750 = arith.constant 0 : i32
      %dma_wait3A_751 = tpu.memref_slice %arg3[%dma_wait3A_749, %dma_wait3A_750] : memref<1000000x32xf32, #tpu.memory_space<hbm>> -> memref<1000000x32xf32, #tpu.memory_space<hbm>>
      tpu.wait_indirect_dma semaphore(%arg9 : memref<!tpu.dma_semaphore, #tpu.memory_space<semaphore_mem>>) src(%dma_wait3A_751 : memref<1000000x32xf32, #tpu.memory_space<hbm>>) dst(%dma_wait3A_745 : memref<72x32xf32, #tpu.memory_space<vmem>>)
      %dma_wait3A_752 = arith.constant 0 : i32
      %dma_wait3A_753 = arith.constant 400 : i32
      %dma_wait3A_754 = arith.constant 0 : i32
      %dma_wait3A_755 = tpu.memref_slice %arg6[%dma_wait3A_752, %dma_wait3A_753, %dma_wait3A_754] : memref<2x800x32xf32, #tpu.memory_space<vmem>> -> memref<1x128x32xf32, #tpu.memory_space<vmem>>
      %dma_wait3A_756 = tpu.memref_squeeze %dma_wait3A_755 : memref<1x128x32xf32, #tpu.memory_space<vmem>> -> memref<128x32xf32, #tpu.memory_space<vmem>>
      %dma_wait3A_757 = arith.constant 0 : i32
      %dma_wait3A_758 = tpu.memref_slice %arg5[%mul3A_693, %dma_wait3A_757] : memref<256x128xi32, #tpu.memory_space<vmem>> -> memref<1x128xi32, #tpu.memory_space<vmem>>
      %dma_wait3A_759 = tpu.memref_squeeze %dma_wait3A_758 : memref<1x128xi32, #tpu.memory_space<vmem>> -> memref<128xi32, #tpu.memory_space<vmem>>
      %dma_wait3A_760 = arith.constant 0 : i32
      %dma_wait3A_761 = arith.constant 0 : i32
      %dma_wait3A_762 = tpu.memref_slice %arg3[%dma_wait3A_760, %dma_wait3A_761] : memref<1000000x32xf32, #tpu.memory_space<hbm>> -> memref<1000000x32xf32, #tpu.memory_space<hbm>>
      tpu.wait_indirect_dma semaphore(%arg9 : memref<!tpu.dma_semaphore, #tpu.memory_space<semaphore_mem>>) src(%dma_wait3A_762 : memref<1000000x32xf32, #tpu.memory_space<hbm>>) dst(%dma_wait3A_756 : memref<128x32xf32, #tpu.memory_space<vmem>>)
      %dma_wait3A_763 = arith.constant 0 : i32
      %dma_wait3A_764 = arith.constant 528 : i32
      %dma_wait3A_765 = arith.constant 0 : i32
      %dma_wait3A_766 = tpu.memref_slice %arg6[%dma_wait3A_763, %dma_wait3A_764, %dma_wait3A_765] : memref<2x800x32xf32, #tpu.memory_space<vmem>> -> memref<1x72x32xf32, #tpu.memory_space<vmem>>
      %dma_wait3A_767 = tpu.memref_squeeze %dma_wait3A_766 : memref<1x72x32xf32, #tpu.memory_space<vmem>> -> memref<72x32xf32, #tpu.memory_space<vmem>>
      %dma_wait3A_768 = arith.constant 0 : i32
      %dma_wait3A_769 = tpu.memref_slice %arg5[%add3A_697, %dma_wait3A_768] : memref<256x128xi32, #tpu.memory_space<vmem>> -> memref<1x72xi32, #tpu.memory_space<vmem>>
      %dma_wait3A_770 = tpu.memref_squeeze %dma_wait3A_769 : memref<1x72xi32, #tpu.memory_space<vmem>> -> memref<72xi32, #tpu.memory_space<vmem>>
      %dma_wait3A_771 = arith.constant 0 : i32
      %dma_wait3A_772 = arith.constant 0 : i32
      %dma_wait3A_773 = tpu.memref_slice %arg3[%dma_wait3A_771, %dma_wait3A_772] : memref<1000000x32xf32, #tpu.memory_space<hbm>> -> memref<1000000x32xf32, #tpu.memory_space<hbm>>
      tpu.wait_indirect_dma semaphore(%arg9 : memref<!tpu.dma_semaphore, #tpu.memory_space<semaphore_mem>>) src(%dma_wait3A_773 : memref<1000000x32xf32, #tpu.memory_space<hbm>>) dst(%dma_wait3A_767 : memref<72x32xf32, #tpu.memory_space<vmem>>)
      %dma_wait3A_774 = arith.constant 0 : i32
      %dma_wait3A_775 = arith.constant 600 : i32
      %dma_wait3A_776 = arith.constant 0 : i32
      %dma_wait3A_777 = tpu.memref_slice %arg6[%dma_wait3A_774, %dma_wait3A_775, %dma_wait3A_776] : memref<2x800x32xf32, #tpu.memory_space<vmem>> -> memref<1x128x32xf32, #tpu.memory_space<vmem>>
      %dma_wait3A_778 = tpu.memref_squeeze %dma_wait3A_777 : memref<1x128x32xf32, #tpu.memory_space<vmem>> -> memref<128x32xf32, #tpu.memory_space<vmem>>
      %dma_wait3A_779 = arith.constant 0 : i32
      %dma_wait3A_780 = tpu.memref_slice %arg5[%mul3A_703, %dma_wait3A_779] : memref<256x128xi32, #tpu.memory_space<vmem>> -> memref<1x128xi32, #tpu.memory_space<vmem>>
      %dma_wait3A_781 = tpu.memref_squeeze %dma_wait3A_780 : memref<1x128xi32, #tpu.memory_space<vmem>> -> memref<128xi32, #tpu.memory_space<vmem>>
      %dma_wait3A_782 = arith.constant 0 : i32
      %dma_wait3A_783 = arith.constant 0 : i32
      %dma_wait3A_784 = tpu.memref_slice %arg3[%dma_wait3A_782, %dma_wait3A_783] : memref<1000000x32xf32, #tpu.memory_space<hbm>> -> memref<1000000x32xf32, #tpu.memory_space<hbm>>
      tpu.wait_indirect_dma semaphore(%arg9 : memref<!tpu.dma_semaphore, #tpu.memory_space<semaphore_mem>>) src(%dma_wait3A_784 : memref<1000000x32xf32, #tpu.memory_space<hbm>>) dst(%dma_wait3A_778 : memref<128x32xf32, #tpu.memory_space<vmem>>)
      %dma_wait3A_785 = arith.constant 0 : i32
      %dma_wait3A_786 = arith.constant 728 : i32
      %dma_wait3A_787 = arith.constant 0 : i32
      %dma_wait3A_788 = tpu.memref_slice %arg6[%dma_wait3A_785, %dma_wait3A_786, %dma_wait3A_787] : memref<2x800x32xf32, #tpu.memory_space<vmem>> -> memref<1x72x32xf32, #tpu.memory_space<vmem>>
      %dma_wait3A_789 = tpu.memref_squeeze %dma_wait3A_788 : memref<1x72x32xf32, #tpu.memory_space<vmem>> -> memref<72x32xf32, #tpu.memory_space<vmem>>
      %dma_wait3A_790 = arith.constant 0 : i32
      %dma_wait3A_791 = tpu.memref_slice %arg5[%add3A_707, %dma_wait3A_790] : memref<256x128xi32, #tpu.memory_space<vmem>> -> memref<1x72xi32, #tpu.memory_space<vmem>>
      %dma_wait3A_792 = tpu.memref_squeeze %dma_wait3A_791 : memref<1x72xi32, #tpu.memory_space<vmem>> -> memref<72xi32, #tpu.memory_space<vmem>>
      %dma_wait3A_793 = arith.constant 0 : i32
      %dma_wait3A_794 = arith.constant 0 : i32
      %dma_wait3A_795 = tpu.memref_slice %arg3[%dma_wait3A_793, %dma_wait3A_794] : memref<1000000x32xf32, #tpu.memory_space<hbm>> -> memref<1000000x32xf32, #tpu.memory_space<hbm>>
      tpu.wait_indirect_dma semaphore(%arg9 : memref<!tpu.dma_semaphore, #tpu.memory_space<semaphore_mem>>) src(%dma_wait3A_795 : memref<1000000x32xf32, #tpu.memory_space<hbm>>) dst(%dma_wait3A_789 : memref<72x32xf32, #tpu.memory_space<vmem>>)
      %mul3A_796 = arith.constant 4 : i32
      %mul3A_797 = arith.muli %add3A_667, %mul3A_796 : i32
      %broadcast_in_dim3A_798 = arith.constant 0.000000e+00 : f32
      %broadcast_in_dim3A_799 = vector.broadcast %broadcast_in_dim3A_798 : f32 to vector<16xf32>
      %scan3A_800 = arith.constant 0 : i32
      %scan3A_801 = arith.constant 50 : i32
      %scan3A_802 = arith.addi %scan3A_800, %scan3A_801 : i32
      %scan3A_803 = arith.constant 1 : i32
      %scan3A_804:8 = scf.for %scan3A_1464 = %scan3A_800 to %scan3A_802 step %scan3A_803 iter_args(%scan3A_1465 = %broadcast_in_dim3A_799, %scan3A_1466 = %broadcast_in_dim3A_799, %scan3A_1467 = %broadcast_in_dim3A_799, %scan3A_1468 = %broadcast_in_dim3A_799, %scan3A_1469 = %broadcast_in_dim3A_799, %scan3A_1470 = %broadcast_in_dim3A_799, %scan3A_1471 = %broadcast_in_dim3A_799, %scan3A_1472 = %broadcast_in_dim3A_799) -> (vector<16xf32>, vector<16xf32>, vector<16xf32>, vector<16xf32>, vector<16xf32>, vector<16xf32>, vector<16xf32>, vector<16xf32>)  : i32 {
        %mul3A_1473 = arith.constant 4 : i32
        %mul3A_1474 = arith.muli %scan3A_1464, %mul3A_1473 : i32
        %add3A_1475 = arith.constant 0 : i32
        %add3A_1476 = arith.addi %add3A_1475, %mul3A_1474 : i32
        %add3A_1477 = arith.constant 0 : i32
        %add3A_1478 = arith.addi %add3A_1476, %add3A_1477 : i32
        %get3A = arith.constant 0 : i32
        %get3A_1479 = arith.index_cast %get3A : i32 to index
        %get3A_1480 = arith.index_cast %add3A_1478 : i32 to index
        %get3A_1481 = arith.constant 0 : index
        %get3A_1482 = tpu.vector_load %arg6[%get3A_1479, %get3A_1480, %get3A_1481] {strides = array<i32>} : memref<2x800x32xf32, #tpu.memory_space<vmem>>, vector<1x1x16xf32>,
        %get3A_1483 = vector.shape_cast %get3A_1482 : vector<1x1x16xf32> to vector<16xf32>
        %add3A_1484 = arith.addf %scan3A_1465, %get3A_1483 : vector<16xf32>
        %add3A_1485 = arith.constant 0 : i32
        %add3A_1486 = arith.addi %add3A_1485, %mul3A_1474 : i32
        %add3A_1487 = arith.constant 0 : i32
        %add3A_1488 = arith.addi %add3A_1486, %add3A_1487 : i32
        %get3A_1489 = arith.constant 0 : i32
        %get3A_1490 = arith.index_cast %get3A_1489 : i32 to index
        %get3A_1491 = arith.index_cast %add3A_1488 : i32 to index
        %get3A_1492 = arith.constant 16 : index
        %get3A_1493 = tpu.vector_load %arg6[%get3A_1490, %get3A_1491, %get3A_1492] {strides = array<i32>} : memref<2x800x32xf32, #tpu.memory_space<vmem>>, vector<1x1x16xf32>,
        %get3A_1494 = vector.shape_cast %get3A_1493 : vector<1x1x16xf32> to vector<16xf32>
        %add3A_1495 = arith.addf %scan3A_1466, %get3A_1494 : vector<16xf32>
        %add3A_1496 = arith.constant 0 : i32
        %add3A_1497 = arith.addi %add3A_1496, %mul3A_1474 : i32
        %add3A_1498 = arith.constant 1 : i32
        %add3A_1499 = arith.addi %add3A_1497, %add3A_1498 : i32
        %get3A_1500 = arith.constant 0 : i32
        %get3A_1501 = arith.index_cast %get3A_1500 : i32 to index
        %get3A_1502 = arith.index_cast %add3A_1499 : i32 to index
        %get3A_1503 = arith.constant 0 : index
        %get3A_1504 = tpu.vector_load %arg6[%get3A_1501, %get3A_1502, %get3A_1503] {strides = array<i32>} : memref<2x800x32xf32, #tpu.memory_space<vmem>>, vector<1x1x16xf32>,
        %get3A_1505 = vector.shape_cast %get3A_1504 : vector<1x1x16xf32> to vector<16xf32>
        %add3A_1506 = arith.addf %scan3A_1467, %get3A_1505 : vector<16xf32>
        %add3A_1507 = arith.constant 0 : i32
        %add3A_1508 = arith.addi %add3A_1507, %mul3A_1474 : i32
        %add3A_1509 = arith.constant 1 : i32
        %add3A_1510 = arith.addi %add3A_1508, %add3A_1509 : i32
        %get3A_1511 = arith.constant 0 : i32
        %get3A_1512 = arith.index_cast %get3A_1511 : i32 to index
        %get3A_1513 = arith.index_cast %add3A_1510 : i32 to index
        %get3A_1514 = arith.constant 16 : index
        %get3A_1515 = tpu.vector_load %arg6[%get3A_1512, %get3A_1513, %get3A_1514] {strides = array<i32>} : memref<2x800x32xf32, #tpu.memory_space<vmem>>, vector<1x1x16xf32>,
        %get3A_1516 = vector.shape_cast %get3A_1515 : vector<1x1x16xf32> to vector<16xf32>
        %add3A_1517 = arith.addf %scan3A_1468, %get3A_1516 : vector<16xf32>
        %add3A_1518 = arith.constant 0 : i32
        %add3A_1519 = arith.addi %add3A_1518, %mul3A_1474 : i32
        %add3A_1520 = arith.constant 2 : i32
        %add3A_1521 = arith.addi %add3A_1519, %add3A_1520 : i32
        %get3A_1522 = arith.constant 0 : i32
        %get3A_1523 = arith.index_cast %get3A_1522 : i32 to index
        %get3A_1524 = arith.index_cast %add3A_1521 : i32 to index
        %get3A_1525 = arith.constant 0 : index
        %get3A_1526 = tpu.vector_load %arg6[%get3A_1523, %get3A_1524, %get3A_1525] {strides = array<i32>} : memref<2x800x32xf32, #tpu.memory_space<vmem>>, vector<1x1x16xf32>,
        %get3A_1527 = vector.shape_cast %get3A_1526 : vector<1x1x16xf32> to vector<16xf32>
        %add3A_1528 = arith.addf %scan3A_1469, %get3A_1527 : vector<16xf32>
        %add3A_1529 = arith.constant 0 : i32
        %add3A_1530 = arith.addi %add3A_1529, %mul3A_1474 : i32
        %add3A_1531 = arith.constant 2 : i32
        %add3A_1532 = arith.addi %add3A_1530, %add3A_1531 : i32
        %get3A_1533 = arith.constant 0 : i32
        %get3A_1534 = arith.index_cast %get3A_1533 : i32 to index
        %get3A_1535 = arith.index_cast %add3A_1532 : i32 to index
        %get3A_1536 = arith.constant 16 : index
        %get3A_1537 = tpu.vector_load %arg6[%get3A_1534, %get3A_1535, %get3A_1536] {strides = array<i32>} : memref<2x800x32xf32, #tpu.memory_space<vmem>>, vector<1x1x16xf32>,
        %get3A_1538 = vector.shape_cast %get3A_1537 : vector<1x1x16xf32> to vector<16xf32>
        %add3A_1539 = arith.addf %scan3A_1470, %get3A_1538 : vector<16xf32>
        %add3A_1540 = arith.constant 0 : i32
        %add3A_1541 = arith.addi %add3A_1540, %mul3A_1474 : i32
        %add3A_1542 = arith.constant 3 : i32
        %add3A_1543 = arith.addi %add3A_1541, %add3A_1542 : i32
        %get3A_1544 = arith.constant 0 : i32
        %get3A_1545 = arith.index_cast %get3A_1544 : i32 to index
        %get3A_1546 = arith.index_cast %add3A_1543 : i32 to index
        %get3A_1547 = arith.constant 0 : index
        %get3A_1548 = tpu.vector_load %arg6[%get3A_1545, %get3A_1546, %get3A_1547] {strides = array<i32>} : memref<2x800x32xf32, #tpu.memory_space<vmem>>, vector<1x1x16xf32>,
        %get3A_1549 = vector.shape_cast %get3A_1548 : vector<1x1x16xf32> to vector<16xf32>
        %add3A_1550 = arith.addf %scan3A_1471, %get3A_1549 : vector<16xf32>
        %add3A_1551 = arith.constant 0 : i32
        %add3A_1552 = arith.addi %add3A_1551, %mul3A_1474 : i32
        %add3A_1553 = arith.constant 3 : i32
        %add3A_1554 = arith.addi %add3A_1552, %add3A_1553 : i32
        %get3A_1555 = arith.constant 0 : i32
        %get3A_1556 = arith.index_cast %get3A_1555 : i32 to index
        %get3A_1557 = arith.index_cast %add3A_1554 : i32 to index
        %get3A_1558 = arith.constant 16 : index
        %get3A_1559 = tpu.vector_load %arg6[%get3A_1556, %get3A_1557, %get3A_1558] {strides = array<i32>} : memref<2x800x32xf32, #tpu.memory_space<vmem>>, vector<1x1x16xf32>,
        %get3A_1560 = vector.shape_cast %get3A_1559 : vector<1x1x16xf32> to vector<16xf32>
        %add3A_1561 = arith.addf %scan3A_1472, %get3A_1560 : vector<16xf32>
        scf.yield %add3A_1484, %add3A_1495, %add3A_1506, %add3A_1517, %add3A_1528, %add3A_1539, %add3A_1550, %add3A_1561 : vector<16xf32>, vector<16xf32>, vector<16xf32>, vector<16xf32>, vector<16xf32>, vector<16xf32>, vector<16xf32>, vector<16xf32>
      }
      %scan3A_805 = arith.constant 50 : i32
      %add3A_806 = arith.addf %scan3A_804#0, %scan3A_804#2 : vector<16xf32>
      %add3A_807 = arith.addf %scan3A_804#4, %scan3A_804#6 : vector<16xf32>
      %add3A_808 = arith.addf %add3A_806, %add3A_807 : vector<16xf32>
      %add3A_809 = arith.addf %scan3A_804#1, %scan3A_804#3 : vector<16xf32>
      %add3A_810 = arith.addf %scan3A_804#5, %scan3A_804#7 : vector<16xf32>
      %add3A_811 = arith.addf %add3A_809, %add3A_810 : vector<16xf32>
      %mul3A_812 = arith.constant 5.000000e-03 : f32
      %mul3A_813 = vector.broadcast %mul3A_812 : f32 to vector<16xf32>
      %mul3A_814 = arith.mulf %add3A_808, %mul3A_813 : vector<16xf32>
      %add3A_815 = arith.constant 0 : i32
      %add3A_816 = arith.addi %mul3A_797, %add3A_815 : i32
      %swap3A_817 = arith.index_cast %add3A_816 : i32 to index
      %swap3A_818 = arith.constant 0 : index
      %swap3A_819 = tpu.vector_load %arg7[%swap3A_817, %swap3A_818] {strides = array<i32>} : memref<128x32xf32, #tpu.memory_space<vmem>>, vector<1x16xf32>,
      %swap3A_820 = vector.shape_cast %swap3A_819 : vector<1x16xf32> to vector<16xf32>
      %swap3A_821 = vector.shape_cast %mul3A_814 : vector<16xf32> to vector<1x16xf32>
      tpu.vector_store %arg7[%swap3A_817, %swap3A_818], %swap3A_821 {strides = array<i32>} : memref<128x32xf32, #tpu.memory_space<vmem>>, vector<1x16xf32>,
      %mul3A_822 = arith.constant 5.000000e-03 : f32
      %mul3A_823 = vector.broadcast %mul3A_822 : f32 to vector<16xf32>
      %mul3A_824 = arith.mulf %add3A_811, %mul3A_823 : vector<16xf32>
      %add3A_825 = arith.constant 0 : i32
      %add3A_826 = arith.addi %mul3A_797, %add3A_825 : i32
      %swap3A_827 = arith.index_cast %add3A_826 : i32 to index
      %swap3A_828 = arith.constant 16 : index
      %swap3A_829 = tpu.vector_load %arg7[%swap3A_827, %swap3A_828] {strides = array<i32>} : memref<128x32xf32, #tpu.memory_space<vmem>>, vector<1x16xf32>,
      %swap3A_830 = vector.shape_cast %swap3A_829 : vector<1x16xf32> to vector<16xf32>
      %swap3A_831 = vector.shape_cast %mul3A_824 : vector<16xf32> to vector<1x16xf32>
      tpu.vector_store %arg7[%swap3A_827, %swap3A_828], %swap3A_831 {strides = array<i32>} : memref<128x32xf32, #tpu.memory_space<vmem>>, vector<1x16xf32>,
      %broadcast_in_dim3A_832 = arith.constant 0.000000e+00 : f32
      %broadcast_in_dim3A_833 = vector.broadcast %broadcast_in_dim3A_832 : f32 to vector<16xf32>
      %scan3A_834 = arith.constant 0 : i32
      %scan3A_835 = arith.constant 50 : i32
      %scan3A_836 = arith.addi %scan3A_834, %scan3A_835 : i32
      %scan3A_837 = arith.constant 1 : i32
      %scan3A_838:8 = scf.for %scan3A_1464 = %scan3A_834 to %scan3A_836 step %scan3A_837 iter_args(%scan3A_1465 = %broadcast_in_dim3A_833, %scan3A_1466 = %broadcast_in_dim3A_833, %scan3A_1467 = %broadcast_in_dim3A_833, %scan3A_1468 = %broadcast_in_dim3A_833, %scan3A_1469 = %broadcast_in_dim3A_833, %scan3A_1470 = %broadcast_in_dim3A_833, %scan3A_1471 = %broadcast_in_dim3A_833, %scan3A_1472 = %broadcast_in_dim3A_833) -> (vector<16xf32>, vector<16xf32>, vector<16xf32>, vector<16xf32>, vector<16xf32>, vector<16xf32>, vector<16xf32>, vector<16xf32>)  : i32 {
        %mul3A_1473 = arith.constant 4 : i32
        %mul3A_1474 = arith.muli %scan3A_1464, %mul3A_1473 : i32
        %add3A_1475 = arith.constant 200 : i32
        %add3A_1476 = arith.addi %add3A_1475, %mul3A_1474 : i32
        %add3A_1477 = arith.constant 0 : i32
        %add3A_1478 = arith.addi %add3A_1476, %add3A_1477 : i32
        %get3A = arith.constant 0 : i32
        %get3A_1479 = arith.index_cast %get3A : i32 to index
        %get3A_1480 = arith.index_cast %add3A_1478 : i32 to index
        %get3A_1481 = arith.constant 0 : index
        %get3A_1482 = tpu.vector_load %arg6[%get3A_1479, %get3A_1480, %get3A_1481] {strides = array<i32>} : memref<2x800x32xf32, #tpu.memory_space<vmem>>, vector<1x1x16xf32>,
        %get3A_1483 = vector.shape_cast %get3A_1482 : vector<1x1x16xf32> to vector<16xf32>
        %add3A_1484 = arith.addf %scan3A_1465, %get3A_1483 : vector<16xf32>
        %add3A_1485 = arith.constant 200 : i32
        %add3A_1486 = arith.addi %add3A_1485, %mul3A_1474 : i32
        %add3A_1487 = arith.constant 0 : i32
        %add3A_1488 = arith.addi %add3A_1486, %add3A_1487 : i32
        %get3A_1489 = arith.constant 0 : i32
        %get3A_1490 = arith.index_cast %get3A_1489 : i32 to index
        %get3A_1491 = arith.index_cast %add3A_1488 : i32 to index
        %get3A_1492 = arith.constant 16 : index
        %get3A_1493 = tpu.vector_load %arg6[%get3A_1490, %get3A_1491, %get3A_1492] {strides = array<i32>} : memref<2x800x32xf32, #tpu.memory_space<vmem>>, vector<1x1x16xf32>,
        %get3A_1494 = vector.shape_cast %get3A_1493 : vector<1x1x16xf32> to vector<16xf32>
        %add3A_1495 = arith.addf %scan3A_1466, %get3A_1494 : vector<16xf32>
        %add3A_1496 = arith.constant 200 : i32
        %add3A_1497 = arith.addi %add3A_1496, %mul3A_1474 : i32
        %add3A_1498 = arith.constant 1 : i32
        %add3A_1499 = arith.addi %add3A_1497, %add3A_1498 : i32
        %get3A_1500 = arith.constant 0 : i32
        %get3A_1501 = arith.index_cast %get3A_1500 : i32 to index
        %get3A_1502 = arith.index_cast %add3A_1499 : i32 to index
        %get3A_1503 = arith.constant 0 : index
        %get3A_1504 = tpu.vector_load %arg6[%get3A_1501, %get3A_1502, %get3A_1503] {strides = array<i32>} : memref<2x800x32xf32, #tpu.memory_space<vmem>>, vector<1x1x16xf32>,
        %get3A_1505 = vector.shape_cast %get3A_1504 : vector<1x1x16xf32> to vector<16xf32>
        %add3A_1506 = arith.addf %scan3A_1467, %get3A_1505 : vector<16xf32>
        %add3A_1507 = arith.constant 200 : i32
        %add3A_1508 = arith.addi %add3A_1507, %mul3A_1474 : i32
        %add3A_1509 = arith.constant 1 : i32
        %add3A_1510 = arith.addi %add3A_1508, %add3A_1509 : i32
        %get3A_1511 = arith.constant 0 : i32
        %get3A_1512 = arith.index_cast %get3A_1511 : i32 to index
        %get3A_1513 = arith.index_cast %add3A_1510 : i32 to index
        %get3A_1514 = arith.constant 16 : index
        %get3A_1515 = tpu.vector_load %arg6[%get3A_1512, %get3A_1513, %get3A_1514] {strides = array<i32>} : memref<2x800x32xf32, #tpu.memory_space<vmem>>, vector<1x1x16xf32>,
        %get3A_1516 = vector.shape_cast %get3A_1515 : vector<1x1x16xf32> to vector<16xf32>
        %add3A_1517 = arith.addf %scan3A_1468, %get3A_1516 : vector<16xf32>
        %add3A_1518 = arith.constant 200 : i32
        %add3A_1519 = arith.addi %add3A_1518, %mul3A_1474 : i32
        %add3A_1520 = arith.constant 2 : i32
        %add3A_1521 = arith.addi %add3A_1519, %add3A_1520 : i32
        %get3A_1522 = arith.constant 0 : i32
        %get3A_1523 = arith.index_cast %get3A_1522 : i32 to index
        %get3A_1524 = arith.index_cast %add3A_1521 : i32 to index
        %get3A_1525 = arith.constant 0 : index
        %get3A_1526 = tpu.vector_load %arg6[%get3A_1523, %get3A_1524, %get3A_1525] {strides = array<i32>} : memref<2x800x32xf32, #tpu.memory_space<vmem>>, vector<1x1x16xf32>,
        %get3A_1527 = vector.shape_cast %get3A_1526 : vector<1x1x16xf32> to vector<16xf32>
        %add3A_1528 = arith.addf %scan3A_1469, %get3A_1527 : vector<16xf32>
        %add3A_1529 = arith.constant 200 : i32
        %add3A_1530 = arith.addi %add3A_1529, %mul3A_1474 : i32
        %add3A_1531 = arith.constant 2 : i32
        %add3A_1532 = arith.addi %add3A_1530, %add3A_1531 : i32
        %get3A_1533 = arith.constant 0 : i32
        %get3A_1534 = arith.index_cast %get3A_1533 : i32 to index
        %get3A_1535 = arith.index_cast %add3A_1532 : i32 to index
        %get3A_1536 = arith.constant 16 : index
        %get3A_1537 = tpu.vector_load %arg6[%get3A_1534, %get3A_1535, %get3A_1536] {strides = array<i32>} : memref<2x800x32xf32, #tpu.memory_space<vmem>>, vector<1x1x16xf32>,
        %get3A_1538 = vector.shape_cast %get3A_1537 : vector<1x1x16xf32> to vector<16xf32>
        %add3A_1539 = arith.addf %scan3A_1470, %get3A_1538 : vector<16xf32>
        %add3A_1540 = arith.constant 200 : i32
        %add3A_1541 = arith.addi %add3A_1540, %mul3A_1474 : i32
        %add3A_1542 = arith.constant 3 : i32
        %add3A_1543 = arith.addi %add3A_1541, %add3A_1542 : i32
        %get3A_1544 = arith.constant 0 : i32
        %get3A_1545 = arith.index_cast %get3A_1544 : i32 to index
        %get3A_1546 = arith.index_cast %add3A_1543 : i32 to index
        %get3A_1547 = arith.constant 0 : index
        %get3A_1548 = tpu.vector_load %arg6[%get3A_1545, %get3A_1546, %get3A_1547] {strides = array<i32>} : memref<2x800x32xf32, #tpu.memory_space<vmem>>, vector<1x1x16xf32>,
        %get3A_1549 = vector.shape_cast %get3A_1548 : vector<1x1x16xf32> to vector<16xf32>
        %add3A_1550 = arith.addf %scan3A_1471, %get3A_1549 : vector<16xf32>
        %add3A_1551 = arith.constant 200 : i32
        %add3A_1552 = arith.addi %add3A_1551, %mul3A_1474 : i32
        %add3A_1553 = arith.constant 3 : i32
        %add3A_1554 = arith.addi %add3A_1552, %add3A_1553 : i32
        %get3A_1555 = arith.constant 0 : i32
        %get3A_1556 = arith.index_cast %get3A_1555 : i32 to index
        %get3A_1557 = arith.index_cast %add3A_1554 : i32 to index
        %get3A_1558 = arith.constant 16 : index
        %get3A_1559 = tpu.vector_load %arg6[%get3A_1556, %get3A_1557, %get3A_1558] {strides = array<i32>} : memref<2x800x32xf32, #tpu.memory_space<vmem>>, vector<1x1x16xf32>,
        %get3A_1560 = vector.shape_cast %get3A_1559 : vector<1x1x16xf32> to vector<16xf32>
        %add3A_1561 = arith.addf %scan3A_1472, %get3A_1560 : vector<16xf32>
        scf.yield %add3A_1484, %add3A_1495, %add3A_1506, %add3A_1517, %add3A_1528, %add3A_1539, %add3A_1550, %add3A_1561 : vector<16xf32>, vector<16xf32>, vector<16xf32>, vector<16xf32>, vector<16xf32>, vector<16xf32>, vector<16xf32>, vector<16xf32>
      }
      %scan3A_839 = arith.constant 50 : i32
      %add3A_840 = arith.addf %scan3A_838#0, %scan3A_838#2 : vector<16xf32>
      %add3A_841 = arith.addf %scan3A_838#4, %scan3A_838#6 : vector<16xf32>
      %add3A_842 = arith.addf %add3A_840, %add3A_841 : vector<16xf32>
      %add3A_843 = arith.addf %scan3A_838#1, %scan3A_838#3 : vector<16xf32>
      %add3A_844 = arith.addf %scan3A_838#5, %scan3A_838#7 : vector<16xf32>
      %add3A_845 = arith.addf %add3A_843, %add3A_844 : vector<16xf32>
      %mul3A_846 = arith.constant 5.000000e-03 : f32
      %mul3A_847 = vector.broadcast %mul3A_846 : f32 to vector<16xf32>
      %mul3A_848 = arith.mulf %add3A_842, %mul3A_847 : vector<16xf32>
      %add3A_849 = arith.constant 1 : i32
      %add3A_850 = arith.addi %mul3A_797, %add3A_849 : i32
      %swap3A_851 = arith.index_cast %add3A_850 : i32 to index
      %swap3A_852 = arith.constant 0 : index
      %swap3A_853 = tpu.vector_load %arg7[%swap3A_851, %swap3A_852] {strides = array<i32>} : memref<128x32xf32, #tpu.memory_space<vmem>>, vector<1x16xf32>,
      %swap3A_854 = vector.shape_cast %swap3A_853 : vector<1x16xf32> to vector<16xf32>
      %swap3A_855 = vector.shape_cast %mul3A_848 : vector<16xf32> to vector<1x16xf32>
      tpu.vector_store %arg7[%swap3A_851, %swap3A_852], %swap3A_855 {strides = array<i32>} : memref<128x32xf32, #tpu.memory_space<vmem>>, vector<1x16xf32>,
      %mul3A_856 = arith.constant 5.000000e-03 : f32
      %mul3A_857 = vector.broadcast %mul3A_856 : f32 to vector<16xf32>
      %mul3A_858 = arith.mulf %add3A_845, %mul3A_857 : vector<16xf32>
      %add3A_859 = arith.constant 1 : i32
      %add3A_860 = arith.addi %mul3A_797, %add3A_859 : i32
      %swap3A_861 = arith.index_cast %add3A_860 : i32 to index
      %swap3A_862 = arith.constant 16 : index
      %swap3A_863 = tpu.vector_load %arg7[%swap3A_861, %swap3A_862] {strides = array<i32>} : memref<128x32xf32, #tpu.memory_space<vmem>>, vector<1x16xf32>,
      %swap3A_864 = vector.shape_cast %swap3A_863 : vector<1x16xf32> to vector<16xf32>
      %swap3A_865 = vector.shape_cast %mul3A_858 : vector<16xf32> to vector<1x16xf32>
      tpu.vector_store %arg7[%swap3A_861, %swap3A_862], %swap3A_865 {strides = array<i32>} : memref<128x32xf32, #tpu.memory_space<vmem>>, vector<1x16xf32>,
      %broadcast_in_dim3A_866 = arith.constant 0.000000e+00 : f32
      %broadcast_in_dim3A_867 = vector.broadcast %broadcast_in_dim3A_866 : f32 to vector<16xf32>
      %scan3A_868 = arith.constant 0 : i32
      %scan3A_869 = arith.constant 50 : i32
      %scan3A_870 = arith.addi %scan3A_868, %scan3A_869 : i32
      %scan3A_871 = arith.constant 1 : i32
      %scan3A_872:8 = scf.for %scan3A_1464 = %scan3A_868 to %scan3A_870 step %scan3A_871 iter_args(%scan3A_1465 = %broadcast_in_dim3A_867, %scan3A_1466 = %broadcast_in_dim3A_867, %scan3A_1467 = %broadcast_in_dim3A_867, %scan3A_1468 = %broadcast_in_dim3A_867, %scan3A_1469 = %broadcast_in_dim3A_867, %scan3A_1470 = %broadcast_in_dim3A_867, %scan3A_1471 = %broadcast_in_dim3A_867, %scan3A_1472 = %broadcast_in_dim3A_867) -> (vector<16xf32>, vector<16xf32>, vector<16xf32>, vector<16xf32>, vector<16xf32>, vector<16xf32>, vector<16xf32>, vector<16xf32>)  : i32 {
        %mul3A_1473 = arith.constant 4 : i32
        %mul3A_1474 = arith.muli %scan3A_1464, %mul3A_1473 : i32
        %add3A_1475 = arith.constant 400 : i32
        %add3A_1476 = arith.addi %add3A_1475, %mul3A_1474 : i32
        %add3A_1477 = arith.constant 0 : i32
        %add3A_1478 = arith.addi %add3A_1476, %add3A_1477 : i32
        %get3A = arith.constant 0 : i32
        %get3A_1479 = arith.index_cast %get3A : i32 to index
        %get3A_1480 = arith.index_cast %add3A_1478 : i32 to index
        %get3A_1481 = arith.constant 0 : index
        %get3A_1482 = tpu.vector_load %arg6[%get3A_1479, %get3A_1480, %get3A_1481] {strides = array<i32>} : memref<2x800x32xf32, #tpu.memory_space<vmem>>, vector<1x1x16xf32>,
        %get3A_1483 = vector.shape_cast %get3A_1482 : vector<1x1x16xf32> to vector<16xf32>
        %add3A_1484 = arith.addf %scan3A_1465, %get3A_1483 : vector<16xf32>
        %add3A_1485 = arith.constant 400 : i32
        %add3A_1486 = arith.addi %add3A_1485, %mul3A_1474 : i32
        %add3A_1487 = arith.constant 0 : i32
        %add3A_1488 = arith.addi %add3A_1486, %add3A_1487 : i32
        %get3A_1489 = arith.constant 0 : i32
        %get3A_1490 = arith.index_cast %get3A_1489 : i32 to index
        %get3A_1491 = arith.index_cast %add3A_1488 : i32 to index
        %get3A_1492 = arith.constant 16 : index
        %get3A_1493 = tpu.vector_load %arg6[%get3A_1490, %get3A_1491, %get3A_1492] {strides = array<i32>} : memref<2x800x32xf32, #tpu.memory_space<vmem>>, vector<1x1x16xf32>,
        %get3A_1494 = vector.shape_cast %get3A_1493 : vector<1x1x16xf32> to vector<16xf32>
        %add3A_1495 = arith.addf %scan3A_1466, %get3A_1494 : vector<16xf32>
        %add3A_1496 = arith.constant 400 : i32
        %add3A_1497 = arith.addi %add3A_1496, %mul3A_1474 : i32
        %add3A_1498 = arith.constant 1 : i32
        %add3A_1499 = arith.addi %add3A_1497, %add3A_1498 : i32
        %get3A_1500 = arith.constant 0 : i32
        %get3A_1501 = arith.index_cast %get3A_1500 : i32 to index
        %get3A_1502 = arith.index_cast %add3A_1499 : i32 to index
        %get3A_1503 = arith.constant 0 : index
        %get3A_1504 = tpu.vector_load %arg6[%get3A_1501, %get3A_1502, %get3A_1503] {strides = array<i32>} : memref<2x800x32xf32, #tpu.memory_space<vmem>>, vector<1x1x16xf32>,
        %get3A_1505 = vector.shape_cast %get3A_1504 : vector<1x1x16xf32> to vector<16xf32>
        %add3A_1506 = arith.addf %scan3A_1467, %get3A_1505 : vector<16xf32>
        %add3A_1507 = arith.constant 400 : i32
        %add3A_1508 = arith.addi %add3A_1507, %mul3A_1474 : i32
        %add3A_1509 = arith.constant 1 : i32
        %add3A_1510 = arith.addi %add3A_1508, %add3A_1509 : i32
        %get3A_1511 = arith.constant 0 : i32
        %get3A_1512 = arith.index_cast %get3A_1511 : i32 to index
        %get3A_1513 = arith.index_cast %add3A_1510 : i32 to index
        %get3A_1514 = arith.constant 16 : index
        %get3A_1515 = tpu.vector_load %arg6[%get3A_1512, %get3A_1513, %get3A_1514] {strides = array<i32>} : memref<2x800x32xf32, #tpu.memory_space<vmem>>, vector<1x1x16xf32>,
        %get3A_1516 = vector.shape_cast %get3A_1515 : vector<1x1x16xf32> to vector<16xf32>
        %add3A_1517 = arith.addf %scan3A_1468, %get3A_1516 : vector<16xf32>
        %add3A_1518 = arith.constant 400 : i32
        %add3A_1519 = arith.addi %add3A_1518, %mul3A_1474 : i32
        %add3A_1520 = arith.constant 2 : i32
        %add3A_1521 = arith.addi %add3A_1519, %add3A_1520 : i32
        %get3A_1522 = arith.constant 0 : i32
        %get3A_1523 = arith.index_cast %get3A_1522 : i32 to index
        %get3A_1524 = arith.index_cast %add3A_1521 : i32 to index
        %get3A_1525 = arith.constant 0 : index
        %get3A_1526 = tpu.vector_load %arg6[%get3A_1523, %get3A_1524, %get3A_1525] {strides = array<i32>} : memref<2x800x32xf32, #tpu.memory_space<vmem>>, vector<1x1x16xf32>,
        %get3A_1527 = vector.shape_cast %get3A_1526 : vector<1x1x16xf32> to vector<16xf32>
        %add3A_1528 = arith.addf %scan3A_1469, %get3A_1527 : vector<16xf32>
        %add3A_1529 = arith.constant 400 : i32
        %add3A_1530 = arith.addi %add3A_1529, %mul3A_1474 : i32
        %add3A_1531 = arith.constant 2 : i32
        %add3A_1532 = arith.addi %add3A_1530, %add3A_1531 : i32
        %get3A_1533 = arith.constant 0 : i32
        %get3A_1534 = arith.index_cast %get3A_1533 : i32 to index
        %get3A_1535 = arith.index_cast %add3A_1532 : i32 to index
        %get3A_1536 = arith.constant 16 : index
        %get3A_1537 = tpu.vector_load %arg6[%get3A_1534, %get3A_1535, %get3A_1536] {strides = array<i32>} : memref<2x800x32xf32, #tpu.memory_space<vmem>>, vector<1x1x16xf32>,
        %get3A_1538 = vector.shape_cast %get3A_1537 : vector<1x1x16xf32> to vector<16xf32>
        %add3A_1539 = arith.addf %scan3A_1470, %get3A_1538 : vector<16xf32>
        %add3A_1540 = arith.constant 400 : i32
        %add3A_1541 = arith.addi %add3A_1540, %mul3A_1474 : i32
        %add3A_1542 = arith.constant 3 : i32
        %add3A_1543 = arith.addi %add3A_1541, %add3A_1542 : i32
        %get3A_1544 = arith.constant 0 : i32
        %get3A_1545 = arith.index_cast %get3A_1544 : i32 to index
        %get3A_1546 = arith.index_cast %add3A_1543 : i32 to index
        %get3A_1547 = arith.constant 0 : index
        %get3A_1548 = tpu.vector_load %arg6[%get3A_1545, %get3A_1546, %get3A_1547] {strides = array<i32>} : memref<2x800x32xf32, #tpu.memory_space<vmem>>, vector<1x1x16xf32>,
        %get3A_1549 = vector.shape_cast %get3A_1548 : vector<1x1x16xf32> to vector<16xf32>
        %add3A_1550 = arith.addf %scan3A_1471, %get3A_1549 : vector<16xf32>
        %add3A_1551 = arith.constant 400 : i32
        %add3A_1552 = arith.addi %add3A_1551, %mul3A_1474 : i32
        %add3A_1553 = arith.constant 3 : i32
        %add3A_1554 = arith.addi %add3A_1552, %add3A_1553 : i32
        %get3A_1555 = arith.constant 0 : i32
        %get3A_1556 = arith.index_cast %get3A_1555 : i32 to index
        %get3A_1557 = arith.index_cast %add3A_1554 : i32 to index
        %get3A_1558 = arith.constant 16 : index
        %get3A_1559 = tpu.vector_load %arg6[%get3A_1556, %get3A_1557, %get3A_1558] {strides = array<i32>} : memref<2x800x32xf32, #tpu.memory_space<vmem>>, vector<1x1x16xf32>,
        %get3A_1560 = vector.shape_cast %get3A_1559 : vector<1x1x16xf32> to vector<16xf32>
        %add3A_1561 = arith.addf %scan3A_1472, %get3A_1560 : vector<16xf32>
        scf.yield %add3A_1484, %add3A_1495, %add3A_1506, %add3A_1517, %add3A_1528, %add3A_1539, %add3A_1550, %add3A_1561 : vector<16xf32>, vector<16xf32>, vector<16xf32>, vector<16xf32>, vector<16xf32>, vector<16xf32>, vector<16xf32>, vector<16xf32>
      }
      %scan3A_873 = arith.constant 50 : i32
      %add3A_874 = arith.addf %scan3A_872#0, %scan3A_872#2 : vector<16xf32>
      %add3A_875 = arith.addf %scan3A_872#4, %scan3A_872#6 : vector<16xf32>
      %add3A_876 = arith.addf %add3A_874, %add3A_875 : vector<16xf32>
      %add3A_877 = arith.addf %scan3A_872#1, %scan3A_872#3 : vector<16xf32>
      %add3A_878 = arith.addf %scan3A_872#5, %scan3A_872#7 : vector<16xf32>
      %add3A_879 = arith.addf %add3A_877, %add3A_878 : vector<16xf32>
      %mul3A_880 = arith.constant 5.000000e-03 : f32
      %mul3A_881 = vector.broadcast %mul3A_880 : f32 to vector<16xf32>
      %mul3A_882 = arith.mulf %add3A_876, %mul3A_881 : vector<16xf32>
      %add3A_883 = arith.constant 2 : i32
      %add3A_884 = arith.addi %mul3A_797, %add3A_883 : i32
      %swap3A_885 = arith.index_cast %add3A_884 : i32 to index
      %swap3A_886 = arith.constant 0 : index
      %swap3A_887 = tpu.vector_load %arg7[%swap3A_885, %swap3A_886] {strides = array<i32>} : memref<128x32xf32, #tpu.memory_space<vmem>>, vector<1x16xf32>,
      %swap3A_888 = vector.shape_cast %swap3A_887 : vector<1x16xf32> to vector<16xf32>
      %swap3A_889 = vector.shape_cast %mul3A_882 : vector<16xf32> to vector<1x16xf32>
      tpu.vector_store %arg7[%swap3A_885, %swap3A_886], %swap3A_889 {strides = array<i32>} : memref<128x32xf32, #tpu.memory_space<vmem>>, vector<1x16xf32>,
      %mul3A_890 = arith.constant 5.000000e-03 : f32
      %mul3A_891 = vector.broadcast %mul3A_890 : f32 to vector<16xf32>
      %mul3A_892 = arith.mulf %add3A_879, %mul3A_891 : vector<16xf32>
      %add3A_893 = arith.constant 2 : i32
      %add3A_894 = arith.addi %mul3A_797, %add3A_893 : i32
      %swap3A_895 = arith.index_cast %add3A_894 : i32 to index
      %swap3A_896 = arith.constant 16 : index
      %swap3A_897 = tpu.vector_load %arg7[%swap3A_895, %swap3A_896] {strides = array<i32>} : memref<128x32xf32, #tpu.memory_space<vmem>>, vector<1x16xf32>,
      %swap3A_898 = vector.shape_cast %swap3A_897 : vector<1x16xf32> to vector<16xf32>
      %swap3A_899 = vector.shape_cast %mul3A_892 : vector<16xf32> to vector<1x16xf32>
      tpu.vector_store %arg7[%swap3A_895, %swap3A_896], %swap3A_899 {strides = array<i32>} : memref<128x32xf32, #tpu.memory_space<vmem>>, vector<1x16xf32>,
      %broadcast_in_dim3A_900 = arith.constant 0.000000e+00 : f32
      %broadcast_in_dim3A_901 = vector.broadcast %broadcast_in_dim3A_900 : f32 to vector<16xf32>
      %scan3A_902 = arith.constant 0 : i32
      %scan3A_903 = arith.constant 50 : i32
      %scan3A_904 = arith.addi %scan3A_902, %scan3A_903 : i32
      %scan3A_905 = arith.constant 1 : i32
      %scan3A_906:8 = scf.for %scan3A_1464 = %scan3A_902 to %scan3A_904 step %scan3A_905 iter_args(%scan3A_1465 = %broadcast_in_dim3A_901, %scan3A_1466 = %broadcast_in_dim3A_901, %scan3A_1467 = %broadcast_in_dim3A_901, %scan3A_1468 = %broadcast_in_dim3A_901, %scan3A_1469 = %broadcast_in_dim3A_901, %scan3A_1470 = %broadcast_in_dim3A_901, %scan3A_1471 = %broadcast_in_dim3A_901, %scan3A_1472 = %broadcast_in_dim3A_901) -> (vector<16xf32>, vector<16xf32>, vector<16xf32>, vector<16xf32>, vector<16xf32>, vector<16xf32>, vector<16xf32>, vector<16xf32>)  : i32 {
        %mul3A_1473 = arith.constant 4 : i32
        %mul3A_1474 = arith.muli %scan3A_1464, %mul3A_1473 : i32
        %add3A_1475 = arith.constant 600 : i32
        %add3A_1476 = arith.addi %add3A_1475, %mul3A_1474 : i32
        %add3A_1477 = arith.constant 0 : i32
        %add3A_1478 = arith.addi %add3A_1476, %add3A_1477 : i32
        %get3A = arith.constant 0 : i32
        %get3A_1479 = arith.index_cast %get3A : i32 to index
        %get3A_1480 = arith.index_cast %add3A_1478 : i32 to index
        %get3A_1481 = arith.constant 0 : index
        %get3A_1482 = tpu.vector_load %arg6[%get3A_1479, %get3A_1480, %get3A_1481] {strides = array<i32>} : memref<2x800x32xf32, #tpu.memory_space<vmem>>, vector<1x1x16xf32>,
        %get3A_1483 = vector.shape_cast %get3A_1482 : vector<1x1x16xf32> to vector<16xf32>
        %add3A_1484 = arith.addf %scan3A_1465, %get3A_1483 : vector<16xf32>
        %add3A_1485 = arith.constant 600 : i32
        %add3A_1486 = arith.addi %add3A_1485, %mul3A_1474 : i32
        %add3A_1487 = arith.constant 0 : i32
        %add3A_1488 = arith.addi %add3A_1486, %add3A_1487 : i32
        %get3A_1489 = arith.constant 0 : i32
        %get3A_1490 = arith.index_cast %get3A_1489 : i32 to index
        %get3A_1491 = arith.index_cast %add3A_1488 : i32 to index
        %get3A_1492 = arith.constant 16 : index
        %get3A_1493 = tpu.vector_load %arg6[%get3A_1490, %get3A_1491, %get3A_1492] {strides = array<i32>} : memref<2x800x32xf32, #tpu.memory_space<vmem>>, vector<1x1x16xf32>,
        %get3A_1494 = vector.shape_cast %get3A_1493 : vector<1x1x16xf32> to vector<16xf32>
        %add3A_1495 = arith.addf %scan3A_1466, %get3A_1494 : vector<16xf32>
        %add3A_1496 = arith.constant 600 : i32
        %add3A_1497 = arith.addi %add3A_1496, %mul3A_1474 : i32
        %add3A_1498 = arith.constant 1 : i32
        %add3A_1499 = arith.addi %add3A_1497, %add3A_1498 : i32
        %get3A_1500 = arith.constant 0 : i32
        %get3A_1501 = arith.index_cast %get3A_1500 : i32 to index
        %get3A_1502 = arith.index_cast %add3A_1499 : i32 to index
        %get3A_1503 = arith.constant 0 : index
        %get3A_1504 = tpu.vector_load %arg6[%get3A_1501, %get3A_1502, %get3A_1503] {strides = array<i32>} : memref<2x800x32xf32, #tpu.memory_space<vmem>>, vector<1x1x16xf32>,
        %get3A_1505 = vector.shape_cast %get3A_1504 : vector<1x1x16xf32> to vector<16xf32>
        %add3A_1506 = arith.addf %scan3A_1467, %get3A_1505 : vector<16xf32>
        %add3A_1507 = arith.constant 600 : i32
        %add3A_1508 = arith.addi %add3A_1507, %mul3A_1474 : i32
        %add3A_1509 = arith.constant 1 : i32
        %add3A_1510 = arith.addi %add3A_1508, %add3A_1509 : i32
        %get3A_1511 = arith.constant 0 : i32
        %get3A_1512 = arith.index_cast %get3A_1511 : i32 to index
        %get3A_1513 = arith.index_cast %add3A_1510 : i32 to index
        %get3A_1514 = arith.constant 16 : index
        %get3A_1515 = tpu.vector_load %arg6[%get3A_1512, %get3A_1513, %get3A_1514] {strides = array<i32>} : memref<2x800x32xf32, #tpu.memory_space<vmem>>, vector<1x1x16xf32>,
        %get3A_1516 = vector.shape_cast %get3A_1515 : vector<1x1x16xf32> to vector<16xf32>
        %add3A_1517 = arith.addf %scan3A_1468, %get3A_1516 : vector<16xf32>
        %add3A_1518 = arith.constant 600 : i32
        %add3A_1519 = arith.addi %add3A_1518, %mul3A_1474 : i32
        %add3A_1520 = arith.constant 2 : i32
        %add3A_1521 = arith.addi %add3A_1519, %add3A_1520 : i32
        %get3A_1522 = arith.constant 0 : i32
        %get3A_1523 = arith.index_cast %get3A_1522 : i32 to index
        %get3A_1524 = arith.index_cast %add3A_1521 : i32 to index
        %get3A_1525 = arith.constant 0 : index
        %get3A_1526 = tpu.vector_load %arg6[%get3A_1523, %get3A_1524, %get3A_1525] {strides = array<i32>} : memref<2x800x32xf32, #tpu.memory_space<vmem>>, vector<1x1x16xf32>,
        %get3A_1527 = vector.shape_cast %get3A_1526 : vector<1x1x16xf32> to vector<16xf32>
        %add3A_1528 = arith.addf %scan3A_1469, %get3A_1527 : vector<16xf32>
        %add3A_1529 = arith.constant 600 : i32
        %add3A_1530 = arith.addi %add3A_1529, %mul3A_1474 : i32
        %add3A_1531 = arith.constant 2 : i32
        %add3A_1532 = arith.addi %add3A_1530, %add3A_1531 : i32
        %get3A_1533 = arith.constant 0 : i32
        %get3A_1534 = arith.index_cast %get3A_1533 : i32 to index
        %get3A_1535 = arith.index_cast %add3A_1532 : i32 to index
        %get3A_1536 = arith.constant 16 : index
        %get3A_1537 = tpu.vector_load %arg6[%get3A_1534, %get3A_1535, %get3A_1536] {strides = array<i32>} : memref<2x800x32xf32, #tpu.memory_space<vmem>>, vector<1x1x16xf32>,
        %get3A_1538 = vector.shape_cast %get3A_1537 : vector<1x1x16xf32> to vector<16xf32>
        %add3A_1539 = arith.addf %scan3A_1470, %get3A_1538 : vector<16xf32>
        %add3A_1540 = arith.constant 600 : i32
        %add3A_1541 = arith.addi %add3A_1540, %mul3A_1474 : i32
        %add3A_1542 = arith.constant 3 : i32
        %add3A_1543 = arith.addi %add3A_1541, %add3A_1542 : i32
        %get3A_1544 = arith.constant 0 : i32
        %get3A_1545 = arith.index_cast %get3A_1544 : i32 to index
        %get3A_1546 = arith.index_cast %add3A_1543 : i32 to index
        %get3A_1547 = arith.constant 0 : index
        %get3A_1548 = tpu.vector_load %arg6[%get3A_1545, %get3A_1546, %get3A_1547] {strides = array<i32>} : memref<2x800x32xf32, #tpu.memory_space<vmem>>, vector<1x1x16xf32>,
        %get3A_1549 = vector.shape_cast %get3A_1548 : vector<1x1x16xf32> to vector<16xf32>
        %add3A_1550 = arith.addf %scan3A_1471, %get3A_1549 : vector<16xf32>
        %add3A_1551 = arith.constant 600 : i32
        %add3A_1552 = arith.addi %add3A_1551, %mul3A_1474 : i32
        %add3A_1553 = arith.constant 3 : i32
        %add3A_1554 = arith.addi %add3A_1552, %add3A_1553 : i32
        %get3A_1555 = arith.constant 0 : i32
        %get3A_1556 = arith.index_cast %get3A_1555 : i32 to index
        %get3A_1557 = arith.index_cast %add3A_1554 : i32 to index
        %get3A_1558 = arith.constant 16 : index
        %get3A_1559 = tpu.vector_load %arg6[%get3A_1556, %get3A_1557, %get3A_1558] {strides = array<i32>} : memref<2x800x32xf32, #tpu.memory_space<vmem>>, vector<1x1x16xf32>,
        %get3A_1560 = vector.shape_cast %get3A_1559 : vector<1x1x16xf32> to vector<16xf32>
        %add3A_1561 = arith.addf %scan3A_1472, %get3A_1560 : vector<16xf32>
        scf.yield %add3A_1484, %add3A_1495, %add3A_1506, %add3A_1517, %add3A_1528, %add3A_1539, %add3A_1550, %add3A_1561 : vector<16xf32>, vector<16xf32>, vector<16xf32>, vector<16xf32>, vector<16xf32>, vector<16xf32>, vector<16xf32>, vector<16xf32>
      }
      %scan3A_907 = arith.constant 50 : i32
      %add3A_908 = arith.addf %scan3A_906#0, %scan3A_906#2 : vector<16xf32>
      %add3A_909 = arith.addf %scan3A_906#4, %scan3A_906#6 : vector<16xf32>
      %add3A_910 = arith.addf %add3A_908, %add3A_909 : vector<16xf32>
      %add3A_911 = arith.addf %scan3A_906#1, %scan3A_906#3 : vector<16xf32>
      %add3A_912 = arith.addf %scan3A_906#5, %scan3A_906#7 : vector<16xf32>
      %add3A_913 = arith.addf %add3A_911, %add3A_912 : vector<16xf32>
      %mul3A_914 = arith.constant 5.000000e-03 : f32
      %mul3A_915 = vector.broadcast %mul3A_914 : f32 to vector<16xf32>
      %mul3A_916 = arith.mulf %add3A_910, %mul3A_915 : vector<16xf32>
      %add3A_917 = arith.constant 3 : i32
      %add3A_918 = arith.addi %mul3A_797, %add3A_917 : i32
      %swap3A_919 = arith.index_cast %add3A_918 : i32 to index
      %swap3A_920 = arith.constant 0 : index
      %swap3A_921 = tpu.vector_load %arg7[%swap3A_919, %swap3A_920] {strides = array<i32>} : memref<128x32xf32, #tpu.memory_space<vmem>>, vector<1x16xf32>,
      %swap3A_922 = vector.shape_cast %swap3A_921 : vector<1x16xf32> to vector<16xf32>
      %swap3A_923 = vector.shape_cast %mul3A_916 : vector<16xf32> to vector<1x16xf32>
      tpu.vector_store %arg7[%swap3A_919, %swap3A_920], %swap3A_923 {strides = array<i32>} : memref<128x32xf32, #tpu.memory_space<vmem>>, vector<1x16xf32>,
      %mul3A_924 = arith.constant 5.000000e-03 : f32
      %mul3A_925 = vector.broadcast %mul3A_924 : f32 to vector<16xf32>
      %mul3A_926 = arith.mulf %add3A_913, %mul3A_925 : vector<16xf32>
      %add3A_927 = arith.constant 3 : i32
      %add3A_928 = arith.addi %mul3A_797, %add3A_927 : i32
      %swap3A_929 = arith.index_cast %add3A_928 : i32 to index
      %swap3A_930 = arith.constant 16 : index
      %swap3A_931 = tpu.vector_load %arg7[%swap3A_929, %swap3A_930] {strides = array<i32>} : memref<128x32xf32, #tpu.memory_space<vmem>>, vector<1x16xf32>,
      %swap3A_932 = vector.shape_cast %swap3A_931 : vector<1x16xf32> to vector<16xf32>
      %swap3A_933 = vector.shape_cast %mul3A_926 : vector<16xf32> to vector<1x16xf32>
      tpu.vector_store %arg7[%swap3A_929, %swap3A_930], %swap3A_933 {strides = array<i32>} : memref<128x32xf32, #tpu.memory_space<vmem>>, vector<1x16xf32>,
      %add3A_934 = arith.constant 2 : i32
      %add3A_935 = arith.addi %add3A_667, %add3A_934 : i32
      %mul3A_936 = arith.constant 4 : i32
      %mul3A_937 = arith.muli %add3A_935, %mul3A_936 : i32
      %add3A_938 = arith.constant 0 : i32
      %add3A_939 = arith.addi %mul3A_937, %add3A_938 : i32
      %mul3A_940 = arith.constant 2 : i32
      %mul3A_941 = arith.muli %mul3A_940, %add3A_939 : i32
      %mul3A_942 = arith.constant 2 : i32
      %mul3A_943 = arith.muli %mul3A_942, %add3A_939 : i32
      %add3A_944 = arith.constant 1 : i32
      %add3A_945 = arith.addi %mul3A_943, %add3A_944 : i32
      %mul3A_946 = arith.constant 4 : i32
      %mul3A_947 = arith.muli %add3A_935, %mul3A_946 : i32
      %add3A_948 = arith.constant 1 : i32
      %add3A_949 = arith.addi %mul3A_947, %add3A_948 : i32
      %mul3A_950 = arith.constant 2 : i32
      %mul3A_951 = arith.muli %mul3A_950, %add3A_949 : i32
      %mul3A_952 = arith.constant 2 : i32
      %mul3A_953 = arith.muli %mul3A_952, %add3A_949 : i32
      %add3A_954 = arith.constant 1 : i32
      %add3A_955 = arith.addi %mul3A_953, %add3A_954 : i32
      %mul3A_956 = arith.constant 4 : i32
      %mul3A_957 = arith.muli %add3A_935, %mul3A_956 : i32
      %add3A_958 = arith.constant 2 : i32
      %add3A_959 = arith.addi %mul3A_957, %add3A_958 : i32
      %mul3A_960 = arith.constant 2 : i32
      %mul3A_961 = arith.muli %mul3A_960, %add3A_959 : i32
      %mul3A_962 = arith.constant 2 : i32
      %mul3A_963 = arith.muli %mul3A_962, %add3A_959 : i32
      %add3A_964 = arith.constant 1 : i32
      %add3A_965 = arith.addi %mul3A_963, %add3A_964 : i32
      %mul3A_966 = arith.constant 4 : i32
      %mul3A_967 = arith.muli %add3A_935, %mul3A_966 : i32
      %add3A_968 = arith.constant 3 : i32
      %add3A_969 = arith.addi %mul3A_967, %add3A_968 : i32
      %mul3A_970 = arith.constant 2 : i32
      %mul3A_971 = arith.muli %mul3A_970, %add3A_969 : i32
      %mul3A_972 = arith.constant 2 : i32
      %mul3A_973 = arith.muli %mul3A_972, %add3A_969 : i32
      %add3A_974 = arith.constant 1 : i32
      %add3A_975 = arith.addi %mul3A_973, %add3A_974 : i32
      %dma_start3A_976 = arith.constant 0 : i32
      %dma_start3A_977 = arith.constant 0 : i32
      %dma_start3A_978 = arith.constant 0 : i32
      %dma_start3A_979 = tpu.memref_slice %arg6[%dma_start3A_976, %dma_start3A_977, %dma_start3A_978] : memref<2x800x32xf32, #tpu.memory_space<vmem>> -> memref<1x128x32xf32, #tpu.memory_space<vmem>>
      %dma_start3A_980 = tpu.memref_squeeze %dma_start3A_979 : memref<1x128x32xf32, #tpu.memory_space<vmem>> -> memref<128x32xf32, #tpu.memory_space<vmem>>
      %dma_start3A_981 = arith.constant 0 : i32
      %dma_start3A_982 = tpu.memref_slice %arg5[%mul3A_941, %dma_start3A_981] : memref<256x128xi32, #tpu.memory_space<vmem>> -> memref<1x128xi32, #tpu.memory_space<vmem>>
      %dma_start3A_983 = tpu.memref_squeeze %dma_start3A_982 : memref<1x128xi32, #tpu.memory_space<vmem>> -> memref<128xi32, #tpu.memory_space<vmem>>
      %dma_start3A_984 = arith.constant 0 : i32
      %dma_start3A_985 = arith.constant 0 : i32
      %dma_start3A_986 = tpu.memref_slice %arg3[%dma_start3A_984, %dma_start3A_985] : memref<1000000x32xf32, #tpu.memory_space<hbm>> -> memref<1000000x32xf32, #tpu.memory_space<hbm>>
      tpu.enqueue_indirect_dma source(%dma_start3A_986 : memref<1000000x32xf32, #tpu.memory_space<hbm>>) target(%dma_start3A_980 : memref<128x32xf32, #tpu.memory_space<vmem>>) offsets(%dma_start3A_983 : memref<128xi32, #tpu.memory_space<vmem>>) semaphore(%arg9 : memref<!tpu.dma_semaphore, #tpu.memory_space<semaphore_mem>>)
      %dma_start3A_987 = arith.constant 0 : i32
      %dma_start3A_988 = arith.constant 128 : i32
      %dma_start3A_989 = arith.constant 0 : i32
      %dma_start3A_990 = tpu.memref_slice %arg6[%dma_start3A_987, %dma_start3A_988, %dma_start3A_989] : memref<2x800x32xf32, #tpu.memory_space<vmem>> -> memref<1x72x32xf32, #tpu.memory_space<vmem>>
      %dma_start3A_991 = tpu.memref_squeeze %dma_start3A_990 : memref<1x72x32xf32, #tpu.memory_space<vmem>> -> memref<72x32xf32, #tpu.memory_space<vmem>>
      %dma_start3A_992 = arith.constant 0 : i32
      %dma_start3A_993 = tpu.memref_slice %arg5[%add3A_945, %dma_start3A_992] : memref<256x128xi32, #tpu.memory_space<vmem>> -> memref<1x72xi32, #tpu.memory_space<vmem>>
      %dma_start3A_994 = tpu.memref_squeeze %dma_start3A_993 : memref<1x72xi32, #tpu.memory_space<vmem>> -> memref<72xi32, #tpu.memory_space<vmem>>
      %dma_start3A_995 = arith.constant 0 : i32
      %dma_start3A_996 = arith.constant 0 : i32
      %dma_start3A_997 = tpu.memref_slice %arg3[%dma_start3A_995, %dma_start3A_996] : memref<1000000x32xf32, #tpu.memory_space<hbm>> -> memref<1000000x32xf32, #tpu.memory_space<hbm>>
      tpu.enqueue_indirect_dma source(%dma_start3A_997 : memref<1000000x32xf32, #tpu.memory_space<hbm>>) target(%dma_start3A_991 : memref<72x32xf32, #tpu.memory_space<vmem>>) offsets(%dma_start3A_994 : memref<72xi32, #tpu.memory_space<vmem>>) semaphore(%arg9 : memref<!tpu.dma_semaphore, #tpu.memory_space<semaphore_mem>>)
      %dma_start3A_998 = arith.constant 0 : i32
      %dma_start3A_999 = arith.constant 200 : i32
      %dma_start3A_1000 = arith.constant 0 : i32
      %dma_start3A_1001 = tpu.memref_slice %arg6[%dma_start3A_998, %dma_start3A_999, %dma_start3A_1000] : memref<2x800x32xf32, #tpu.memory_space<vmem>> -> memref<1x128x32xf32, #tpu.memory_space<vmem>>
      %dma_start3A_1002 = tpu.memref_squeeze %dma_start3A_1001 : memref<1x128x32xf32, #tpu.memory_space<vmem>> -> memref<128x32xf32, #tpu.memory_space<vmem>>
      %dma_start3A_1003 = arith.constant 0 : i32
      %dma_start3A_1004 = tpu.memref_slice %arg5[%mul3A_951, %dma_start3A_1003] : memref<256x128xi32, #tpu.memory_space<vmem>> -> memref<1x128xi32, #tpu.memory_space<vmem>>
      %dma_start3A_1005 = tpu.memref_squeeze %dma_start3A_1004 : memref<1x128xi32, #tpu.memory_space<vmem>> -> memref<128xi32, #tpu.memory_space<vmem>>
      %dma_start3A_1006 = arith.constant 0 : i32
      %dma_start3A_1007 = arith.constant 0 : i32
      %dma_start3A_1008 = tpu.memref_slice %arg3[%dma_start3A_1006, %dma_start3A_1007] : memref<1000000x32xf32, #tpu.memory_space<hbm>> -> memref<1000000x32xf32, #tpu.memory_space<hbm>>
      tpu.enqueue_indirect_dma source(%dma_start3A_1008 : memref<1000000x32xf32, #tpu.memory_space<hbm>>) target(%dma_start3A_1002 : memref<128x32xf32, #tpu.memory_space<vmem>>) offsets(%dma_start3A_1005 : memref<128xi32, #tpu.memory_space<vmem>>) semaphore(%arg9 : memref<!tpu.dma_semaphore, #tpu.memory_space<semaphore_mem>>)
      %dma_start3A_1009 = arith.constant 0 : i32
      %dma_start3A_1010 = arith.constant 328 : i32
      %dma_start3A_1011 = arith.constant 0 : i32
      %dma_start3A_1012 = tpu.memref_slice %arg6[%dma_start3A_1009, %dma_start3A_1010, %dma_start3A_1011] : memref<2x800x32xf32, #tpu.memory_space<vmem>> -> memref<1x72x32xf32, #tpu.memory_space<vmem>>
      %dma_start3A_1013 = tpu.memref_squeeze %dma_start3A_1012 : memref<1x72x32xf32, #tpu.memory_space<vmem>> -> memref<72x32xf32, #tpu.memory_space<vmem>>
      %dma_start3A_1014 = arith.constant 0 : i32
      %dma_start3A_1015 = tpu.memref_slice %arg5[%add3A_955, %dma_start3A_1014] : memref<256x128xi32, #tpu.memory_space<vmem>> -> memref<1x72xi32, #tpu.memory_space<vmem>>
      %dma_start3A_1016 = tpu.memref_squeeze %dma_start3A_1015 : memref<1x72xi32, #tpu.memory_space<vmem>> -> memref<72xi32, #tpu.memory_space<vmem>>
      %dma_start3A_1017 = arith.constant 0 : i32
      %dma_start3A_1018 = arith.constant 0 : i32
      %dma_start3A_1019 = tpu.memref_slice %arg3[%dma_start3A_1017, %dma_start3A_1018] : memref<1000000x32xf32, #tpu.memory_space<hbm>> -> memref<1000000x32xf32, #tpu.memory_space<hbm>>
      tpu.enqueue_indirect_dma source(%dma_start3A_1019 : memref<1000000x32xf32, #tpu.memory_space<hbm>>) target(%dma_start3A_1013 : memref<72x32xf32, #tpu.memory_space<vmem>>) offsets(%dma_start3A_1016 : memref<72xi32, #tpu.memory_space<vmem>>) semaphore(%arg9 : memref<!tpu.dma_semaphore, #tpu.memory_space<semaphore_mem>>)
      %dma_start3A_1020 = arith.constant 0 : i32
      %dma_start3A_1021 = arith.constant 400 : i32
      %dma_start3A_1022 = arith.constant 0 : i32
      %dma_start3A_1023 = tpu.memref_slice %arg6[%dma_start3A_1020, %dma_start3A_1021, %dma_start3A_1022] : memref<2x800x32xf32, #tpu.memory_space<vmem>> -> memref<1x128x32xf32, #tpu.memory_space<vmem>>
      %dma_start3A_1024 = tpu.memref_squeeze %dma_start3A_1023 : memref<1x128x32xf32, #tpu.memory_space<vmem>> -> memref<128x32xf32, #tpu.memory_space<vmem>>
      %dma_start3A_1025 = arith.constant 0 : i32
      %dma_start3A_1026 = tpu.memref_slice %arg5[%mul3A_961, %dma_start3A_1025] : memref<256x128xi32, #tpu.memory_space<vmem>> -> memref<1x128xi32, #tpu.memory_space<vmem>>
      %dma_start3A_1027 = tpu.memref_squeeze %dma_start3A_1026 : memref<1x128xi32, #tpu.memory_space<vmem>> -> memref<128xi32, #tpu.memory_space<vmem>>
      %dma_start3A_1028 = arith.constant 0 : i32
      %dma_start3A_1029 = arith.constant 0 : i32
      %dma_start3A_1030 = tpu.memref_slice %arg3[%dma_start3A_1028, %dma_start3A_1029] : memref<1000000x32xf32, #tpu.memory_space<hbm>> -> memref<1000000x32xf32, #tpu.memory_space<hbm>>
      tpu.enqueue_indirect_dma source(%dma_start3A_1030 : memref<1000000x32xf32, #tpu.memory_space<hbm>>) target(%dma_start3A_1024 : memref<128x32xf32, #tpu.memory_space<vmem>>) offsets(%dma_start3A_1027 : memref<128xi32, #tpu.memory_space<vmem>>) semaphore(%arg9 : memref<!tpu.dma_semaphore, #tpu.memory_space<semaphore_mem>>)
      %dma_start3A_1031 = arith.constant 0 : i32
      %dma_start3A_1032 = arith.constant 528 : i32
      %dma_start3A_1033 = arith.constant 0 : i32
      %dma_start3A_1034 = tpu.memref_slice %arg6[%dma_start3A_1031, %dma_start3A_1032, %dma_start3A_1033] : memref<2x800x32xf32, #tpu.memory_space<vmem>> -> memref<1x72x32xf32, #tpu.memory_space<vmem>>
      %dma_start3A_1035 = tpu.memref_squeeze %dma_start3A_1034 : memref<1x72x32xf32, #tpu.memory_space<vmem>> -> memref<72x32xf32, #tpu.memory_space<vmem>>
      %dma_start3A_1036 = arith.constant 0 : i32
      %dma_start3A_1037 = tpu.memref_slice %arg5[%add3A_965, %dma_start3A_1036] : memref<256x128xi32, #tpu.memory_space<vmem>> -> memref<1x72xi32, #tpu.memory_space<vmem>>
      %dma_start3A_1038 = tpu.memref_squeeze %dma_start3A_1037 : memref<1x72xi32, #tpu.memory_space<vmem>> -> memref<72xi32, #tpu.memory_space<vmem>>
      %dma_start3A_1039 = arith.constant 0 : i32
      %dma_start3A_1040 = arith.constant 0 : i32
      %dma_start3A_1041 = tpu.memref_slice %arg3[%dma_start3A_1039, %dma_start3A_1040] : memref<1000000x32xf32, #tpu.memory_space<hbm>> -> memref<1000000x32xf32, #tpu.memory_space<hbm>>
      tpu.enqueue_indirect_dma source(%dma_start3A_1041 : memref<1000000x32xf32, #tpu.memory_space<hbm>>) target(%dma_start3A_1035 : memref<72x32xf32, #tpu.memory_space<vmem>>) offsets(%dma_start3A_1038 : memref<72xi32, #tpu.memory_space<vmem>>) semaphore(%arg9 : memref<!tpu.dma_semaphore, #tpu.memory_space<semaphore_mem>>)
      %dma_start3A_1042 = arith.constant 0 : i32
      %dma_start3A_1043 = arith.constant 600 : i32
      %dma_start3A_1044 = arith.constant 0 : i32
      %dma_start3A_1045 = tpu.memref_slice %arg6[%dma_start3A_1042, %dma_start3A_1043, %dma_start3A_1044] : memref<2x800x32xf32, #tpu.memory_space<vmem>> -> memref<1x128x32xf32, #tpu.memory_space<vmem>>
      %dma_start3A_1046 = tpu.memref_squeeze %dma_start3A_1045 : memref<1x128x32xf32, #tpu.memory_space<vmem>> -> memref<128x32xf32, #tpu.memory_space<vmem>>
      %dma_start3A_1047 = arith.constant 0 : i32
      %dma_start3A_1048 = tpu.memref_slice %arg5[%mul3A_971, %dma_start3A_1047] : memref<256x128xi32, #tpu.memory_space<vmem>> -> memref<1x128xi32, #tpu.memory_space<vmem>>
      %dma_start3A_1049 = tpu.memref_squeeze %dma_start3A_1048 : memref<1x128xi32, #tpu.memory_space<vmem>> -> memref<128xi32, #tpu.memory_space<vmem>>
      %dma_start3A_1050 = arith.constant 0 : i32
      %dma_start3A_1051 = arith.constant 0 : i32
      %dma_start3A_1052 = tpu.memref_slice %arg3[%dma_start3A_1050, %dma_start3A_1051] : memref<1000000x32xf32, #tpu.memory_space<hbm>> -> memref<1000000x32xf32, #tpu.memory_space<hbm>>
      tpu.enqueue_indirect_dma source(%dma_start3A_1052 : memref<1000000x32xf32, #tpu.memory_space<hbm>>) target(%dma_start3A_1046 : memref<128x32xf32, #tpu.memory_space<vmem>>) offsets(%dma_start3A_1049 : memref<128xi32, #tpu.memory_space<vmem>>) semaphore(%arg9 : memref<!tpu.dma_semaphore, #tpu.memory_space<semaphore_mem>>)
      %dma_start3A_1053 = arith.constant 0 : i32
      %dma_start3A_1054 = arith.constant 728 : i32
      %dma_start3A_1055 = arith.constant 0 : i32
      %dma_start3A_1056 = tpu.memref_slice %arg6[%dma_start3A_1053, %dma_start3A_1054, %dma_start3A_1055] : memref<2x800x32xf32, #tpu.memory_space<vmem>> -> memref<1x72x32xf32, #tpu.memory_space<vmem>>
      %dma_start3A_1057 = tpu.memref_squeeze %dma_start3A_1056 : memref<1x72x32xf32, #tpu.memory_space<vmem>> -> memref<72x32xf32, #tpu.memory_space<vmem>>
      %dma_start3A_1058 = arith.constant 0 : i32
      %dma_start3A_1059 = tpu.memref_slice %arg5[%add3A_975, %dma_start3A_1058] : memref<256x128xi32, #tpu.memory_space<vmem>> -> memref<1x72xi32, #tpu.memory_space<vmem>>
      %dma_start3A_1060 = tpu.memref_squeeze %dma_start3A_1059 : memref<1x72xi32, #tpu.memory_space<vmem>> -> memref<72xi32, #tpu.memory_space<vmem>>
      %dma_start3A_1061 = arith.constant 0 : i32
      %dma_start3A_1062 = arith.constant 0 : i32
      %dma_start3A_1063 = tpu.memref_slice %arg3[%dma_start3A_1061, %dma_start3A_1062] : memref<1000000x32xf32, #tpu.memory_space<hbm>> -> memref<1000000x32xf32, #tpu.memory_space<hbm>>
      tpu.enqueue_indirect_dma source(%dma_start3A_1063 : memref<1000000x32xf32, #tpu.memory_space<hbm>>) target(%dma_start3A_1057 : memref<72x32xf32, #tpu.memory_space<vmem>>) offsets(%dma_start3A_1060 : memref<72xi32, #tpu.memory_space<vmem>>) semaphore(%arg9 : memref<!tpu.dma_semaphore, #tpu.memory_space<semaphore_mem>>)
      %mul3A_1064 = arith.constant 2 : i32
      %mul3A_1065 = arith.muli %add3A_663, %mul3A_1064 : i32
      %add3A_1066 = arith.constant 1 : i32
      %add3A_1067 = arith.addi %mul3A_1065, %add3A_1066 : i32
      %mul3A_1068 = arith.constant 4 : i32
      %mul3A_1069 = arith.muli %add3A_1067, %mul3A_1068 : i32
      %add3A_1070 = arith.constant 0 : i32
      %add3A_1071 = arith.addi %mul3A_1069, %add3A_1070 : i32
      %mul3A_1072 = arith.constant 2 : i32
      %mul3A_1073 = arith.muli %mul3A_1072, %add3A_1071 : i32
      %mul3A_1074 = arith.constant 2 : i32
      %mul3A_1075 = arith.muli %mul3A_1074, %add3A_1071 : i32
      %add3A_1076 = arith.constant 1 : i32
      %add3A_1077 = arith.addi %mul3A_1075, %add3A_1076 : i32
      %mul3A_1078 = arith.constant 4 : i32
      %mul3A_1079 = arith.muli %add3A_1067, %mul3A_1078 : i32
      %add3A_1080 = arith.constant 1 : i32
      %add3A_1081 = arith.addi %mul3A_1079, %add3A_1080 : i32
      %mul3A_1082 = arith.constant 2 : i32
      %mul3A_1083 = arith.muli %mul3A_1082, %add3A_1081 : i32
      %mul3A_1084 = arith.constant 2 : i32
      %mul3A_1085 = arith.muli %mul3A_1084, %add3A_1081 : i32
      %add3A_1086 = arith.constant 1 : i32
      %add3A_1087 = arith.addi %mul3A_1085, %add3A_1086 : i32
      %mul3A_1088 = arith.constant 4 : i32
      %mul3A_1089 = arith.muli %add3A_1067, %mul3A_1088 : i32
      %add3A_1090 = arith.constant 2 : i32
      %add3A_1091 = arith.addi %mul3A_1089, %add3A_1090 : i32
      %mul3A_1092 = arith.constant 2 : i32
      %mul3A_1093 = arith.muli %mul3A_1092, %add3A_1091 : i32
      %mul3A_1094 = arith.constant 2 : i32
      %mul3A_1095 = arith.muli %mul3A_1094, %add3A_1091 : i32
      %add3A_1096 = arith.constant 1 : i32
      %add3A_1097 = arith.addi %mul3A_1095, %add3A_1096 : i32
      %mul3A_1098 = arith.constant 4 : i32
      %mul3A_1099 = arith.muli %add3A_1067, %mul3A_1098 : i32
      %add3A_1100 = arith.constant 3 : i32
      %add3A_1101 = arith.addi %mul3A_1099, %add3A_1100 : i32
      %mul3A_1102 = arith.constant 2 : i32
      %mul3A_1103 = arith.muli %mul3A_1102, %add3A_1101 : i32
      %mul3A_1104 = arith.constant 2 : i32
      %mul3A_1105 = arith.muli %mul3A_1104, %add3A_1101 : i32
      %add3A_1106 = arith.constant 1 : i32
      %add3A_1107 = arith.addi %mul3A_1105, %add3A_1106 : i32
      %dma_wait3A_1108 = arith.constant 1 : i32
      %dma_wait3A_1109 = arith.constant 0 : i32
      %dma_wait3A_1110 = arith.constant 0 : i32
      %dma_wait3A_1111 = tpu.memref_slice %arg6[%dma_wait3A_1108, %dma_wait3A_1109, %dma_wait3A_1110] : memref<2x800x32xf32, #tpu.memory_space<vmem>> -> memref<1x128x32xf32, #tpu.memory_space<vmem>>
      %dma_wait3A_1112 = tpu.memref_squeeze %dma_wait3A_1111 : memref<1x128x32xf32, #tpu.memory_space<vmem>> -> memref<128x32xf32, #tpu.memory_space<vmem>>
      %dma_wait3A_1113 = arith.constant 0 : i32
      %dma_wait3A_1114 = tpu.memref_slice %arg5[%mul3A_1073, %dma_wait3A_1113] : memref<256x128xi32, #tpu.memory_space<vmem>> -> memref<1x128xi32, #tpu.memory_space<vmem>>
      %dma_wait3A_1115 = tpu.memref_squeeze %dma_wait3A_1114 : memref<1x128xi32, #tpu.memory_space<vmem>> -> memref<128xi32, #tpu.memory_space<vmem>>
      %dma_wait3A_1116 = arith.constant 0 : i32
      %dma_wait3A_1117 = arith.constant 0 : i32
      %dma_wait3A_1118 = tpu.memref_slice %arg3[%dma_wait3A_1116, %dma_wait3A_1117] : memref<1000000x32xf32, #tpu.memory_space<hbm>> -> memref<1000000x32xf32, #tpu.memory_space<hbm>>
      tpu.wait_indirect_dma semaphore(%arg10 : memref<!tpu.dma_semaphore, #tpu.memory_space<semaphore_mem>>) src(%dma_wait3A_1118 : memref<1000000x32xf32, #tpu.memory_space<hbm>>) dst(%dma_wait3A_1112 : memref<128x32xf32, #tpu.memory_space<vmem>>)
      %dma_wait3A_1119 = arith.constant 1 : i32
      %dma_wait3A_1120 = arith.constant 128 : i32
      %dma_wait3A_1121 = arith.constant 0 : i32
      %dma_wait3A_1122 = tpu.memref_slice %arg6[%dma_wait3A_1119, %dma_wait3A_1120, %dma_wait3A_1121] : memref<2x800x32xf32, #tpu.memory_space<vmem>> -> memref<1x72x32xf32, #tpu.memory_space<vmem>>
      %dma_wait3A_1123 = tpu.memref_squeeze %dma_wait3A_1122 : memref<1x72x32xf32, #tpu.memory_space<vmem>> -> memref<72x32xf32, #tpu.memory_space<vmem>>
      %dma_wait3A_1124 = arith.constant 0 : i32
      %dma_wait3A_1125 = tpu.memref_slice %arg5[%add3A_1077, %dma_wait3A_1124] : memref<256x128xi32, #tpu.memory_space<vmem>> -> memref<1x72xi32, #tpu.memory_space<vmem>>
      %dma_wait3A_1126 = tpu.memref_squeeze %dma_wait3A_1125 : memref<1x72xi32, #tpu.memory_space<vmem>> -> memref<72xi32, #tpu.memory_space<vmem>>
      %dma_wait3A_1127 = arith.constant 0 : i32
      %dma_wait3A_1128 = arith.constant 0 : i32
      %dma_wait3A_1129 = tpu.memref_slice %arg3[%dma_wait3A_1127, %dma_wait3A_1128] : memref<1000000x32xf32, #tpu.memory_space<hbm>> -> memref<1000000x32xf32, #tpu.memory_space<hbm>>
      tpu.wait_indirect_dma semaphore(%arg10 : memref<!tpu.dma_semaphore, #tpu.memory_space<semaphore_mem>>) src(%dma_wait3A_1129 : memref<1000000x32xf32, #tpu.memory_space<hbm>>) dst(%dma_wait3A_1123 : memref<72x32xf32, #tpu.memory_space<vmem>>)
      %dma_wait3A_1130 = arith.constant 1 : i32
      %dma_wait3A_1131 = arith.constant 200 : i32
      %dma_wait3A_1132 = arith.constant 0 : i32
      %dma_wait3A_1133 = tpu.memref_slice %arg6[%dma_wait3A_1130, %dma_wait3A_1131, %dma_wait3A_1132] : memref<2x800x32xf32, #tpu.memory_space<vmem>> -> memref<1x128x32xf32, #tpu.memory_space<vmem>>
      %dma_wait3A_1134 = tpu.memref_squeeze %dma_wait3A_1133 : memref<1x128x32xf32, #tpu.memory_space<vmem>> -> memref<128x32xf32, #tpu.memory_space<vmem>>
      %dma_wait3A_1135 = arith.constant 0 : i32
      %dma_wait3A_1136 = tpu.memref_slice %arg5[%mul3A_1083, %dma_wait3A_1135] : memref<256x128xi32, #tpu.memory_space<vmem>> -> memref<1x128xi32, #tpu.memory_space<vmem>>
      %dma_wait3A_1137 = tpu.memref_squeeze %dma_wait3A_1136 : memref<1x128xi32, #tpu.memory_space<vmem>> -> memref<128xi32, #tpu.memory_space<vmem>>
      %dma_wait3A_1138 = arith.constant 0 : i32
      %dma_wait3A_1139 = arith.constant 0 : i32
      %dma_wait3A_1140 = tpu.memref_slice %arg3[%dma_wait3A_1138, %dma_wait3A_1139] : memref<1000000x32xf32, #tpu.memory_space<hbm>> -> memref<1000000x32xf32, #tpu.memory_space<hbm>>
      tpu.wait_indirect_dma semaphore(%arg10 : memref<!tpu.dma_semaphore, #tpu.memory_space<semaphore_mem>>) src(%dma_wait3A_1140 : memref<1000000x32xf32, #tpu.memory_space<hbm>>) dst(%dma_wait3A_1134 : memref<128x32xf32, #tpu.memory_space<vmem>>)
      %dma_wait3A_1141 = arith.constant 1 : i32
      %dma_wait3A_1142 = arith.constant 328 : i32
      %dma_wait3A_1143 = arith.constant 0 : i32
      %dma_wait3A_1144 = tpu.memref_slice %arg6[%dma_wait3A_1141, %dma_wait3A_1142, %dma_wait3A_1143] : memref<2x800x32xf32, #tpu.memory_space<vmem>> -> memref<1x72x32xf32, #tpu.memory_space<vmem>>
      %dma_wait3A_1145 = tpu.memref_squeeze %dma_wait3A_1144 : memref<1x72x32xf32, #tpu.memory_space<vmem>> -> memref<72x32xf32, #tpu.memory_space<vmem>>
      %dma_wait3A_1146 = arith.constant 0 : i32
      %dma_wait3A_1147 = tpu.memref_slice %arg5[%add3A_1087, %dma_wait3A_1146] : memref<256x128xi32, #tpu.memory_space<vmem>> -> memref<1x72xi32, #tpu.memory_space<vmem>>
      %dma_wait3A_1148 = tpu.memref_squeeze %dma_wait3A_1147 : memref<1x72xi32, #tpu.memory_space<vmem>> -> memref<72xi32, #tpu.memory_space<vmem>>
      %dma_wait3A_1149 = arith.constant 0 : i32
      %dma_wait3A_1150 = arith.constant 0 : i32
      %dma_wait3A_1151 = tpu.memref_slice %arg3[%dma_wait3A_1149, %dma_wait3A_1150] : memref<1000000x32xf32, #tpu.memory_space<hbm>> -> memref<1000000x32xf32, #tpu.memory_space<hbm>>
      tpu.wait_indirect_dma semaphore(%arg10 : memref<!tpu.dma_semaphore, #tpu.memory_space<semaphore_mem>>) src(%dma_wait3A_1151 : memref<1000000x32xf32, #tpu.memory_space<hbm>>) dst(%dma_wait3A_1145 : memref<72x32xf32, #tpu.memory_space<vmem>>)
      %dma_wait3A_1152 = arith.constant 1 : i32
      %dma_wait3A_1153 = arith.constant 400 : i32
      %dma_wait3A_1154 = arith.constant 0 : i32
      %dma_wait3A_1155 = tpu.memref_slice %arg6[%dma_wait3A_1152, %dma_wait3A_1153, %dma_wait3A_1154] : memref<2x800x32xf32, #tpu.memory_space<vmem>> -> memref<1x128x32xf32, #tpu.memory_space<vmem>>
      %dma_wait3A_1156 = tpu.memref_squeeze %dma_wait3A_1155 : memref<1x128x32xf32, #tpu.memory_space<vmem>> -> memref<128x32xf32, #tpu.memory_space<vmem>>
      %dma_wait3A_1157 = arith.constant 0 : i32
      %dma_wait3A_1158 = tpu.memref_slice %arg5[%mul3A_1093, %dma_wait3A_1157] : memref<256x128xi32, #tpu.memory_space<vmem>> -> memref<1x128xi32, #tpu.memory_space<vmem>>
      %dma_wait3A_1159 = tpu.memref_squeeze %dma_wait3A_1158 : memref<1x128xi32, #tpu.memory_space<vmem>> -> memref<128xi32, #tpu.memory_space<vmem>>
      %dma_wait3A_1160 = arith.constant 0 : i32
      %dma_wait3A_1161 = arith.constant 0 : i32
      %dma_wait3A_1162 = tpu.memref_slice %arg3[%dma_wait3A_1160, %dma_wait3A_1161] : memref<1000000x32xf32, #tpu.memory_space<hbm>> -> memref<1000000x32xf32, #tpu.memory_space<hbm>>
      tpu.wait_indirect_dma semaphore(%arg10 : memref<!tpu.dma_semaphore, #tpu.memory_space<semaphore_mem>>) src(%dma_wait3A_1162 : memref<1000000x32xf32, #tpu.memory_space<hbm>>) dst(%dma_wait3A_1156 : memref<128x32xf32, #tpu.memory_space<vmem>>)
      %dma_wait3A_1163 = arith.constant 1 : i32
      %dma_wait3A_1164 = arith.constant 528 : i32
      %dma_wait3A_1165 = arith.constant 0 : i32
      %dma_wait3A_1166 = tpu.memref_slice %arg6[%dma_wait3A_1163, %dma_wait3A_1164, %dma_wait3A_1165] : memref<2x800x32xf32, #tpu.memory_space<vmem>> -> memref<1x72x32xf32, #tpu.memory_space<vmem>>
      %dma_wait3A_1167 = tpu.memref_squeeze %dma_wait3A_1166 : memref<1x72x32xf32, #tpu.memory_space<vmem>> -> memref<72x32xf32, #tpu.memory_space<vmem>>
      %dma_wait3A_1168 = arith.constant 0 : i32
      %dma_wait3A_1169 = tpu.memref_slice %arg5[%add3A_1097, %dma_wait3A_1168] : memref<256x128xi32, #tpu.memory_space<vmem>> -> memref<1x72xi32, #tpu.memory_space<vmem>>
      %dma_wait3A_1170 = tpu.memref_squeeze %dma_wait3A_1169 : memref<1x72xi32, #tpu.memory_space<vmem>> -> memref<72xi32, #tpu.memory_space<vmem>>
      %dma_wait3A_1171 = arith.constant 0 : i32
      %dma_wait3A_1172 = arith.constant 0 : i32
      %dma_wait3A_1173 = tpu.memref_slice %arg3[%dma_wait3A_1171, %dma_wait3A_1172] : memref<1000000x32xf32, #tpu.memory_space<hbm>> -> memref<1000000x32xf32, #tpu.memory_space<hbm>>
      tpu.wait_indirect_dma semaphore(%arg10 : memref<!tpu.dma_semaphore, #tpu.memory_space<semaphore_mem>>) src(%dma_wait3A_1173 : memref<1000000x32xf32, #tpu.memory_space<hbm>>) dst(%dma_wait3A_1167 : memref<72x32xf32, #tpu.memory_space<vmem>>)
      %dma_wait3A_1174 = arith.constant 1 : i32
      %dma_wait3A_1175 = arith.constant 600 : i32
      %dma_wait3A_1176 = arith.constant 0 : i32
      %dma_wait3A_1177 = tpu.memref_slice %arg6[%dma_wait3A_1174, %dma_wait3A_1175, %dma_wait3A_1176] : memref<2x800x32xf32, #tpu.memory_space<vmem>> -> memref<1x128x32xf32, #tpu.memory_space<vmem>>
      %dma_wait3A_1178 = tpu.memref_squeeze %dma_wait3A_1177 : memref<1x128x32xf32, #tpu.memory_space<vmem>> -> memref<128x32xf32, #tpu.memory_space<vmem>>
      %dma_wait3A_1179 = arith.constant 0 : i32
      %dma_wait3A_1180 = tpu.memref_slice %arg5[%mul3A_1103, %dma_wait3A_1179] : memref<256x128xi32, #tpu.memory_space<vmem>> -> memref<1x128xi32, #tpu.memory_space<vmem>>
      %dma_wait3A_1181 = tpu.memref_squeeze %dma_wait3A_1180 : memref<1x128xi32, #tpu.memory_space<vmem>> -> memref<128xi32, #tpu.memory_space<vmem>>
      %dma_wait3A_1182 = arith.constant 0 : i32
      %dma_wait3A_1183 = arith.constant 0 : i32
      %dma_wait3A_1184 = tpu.memref_slice %arg3[%dma_wait3A_1182, %dma_wait3A_1183] : memref<1000000x32xf32, #tpu.memory_space<hbm>> -> memref<1000000x32xf32, #tpu.memory_space<hbm>>
      tpu.wait_indirect_dma semaphore(%arg10 : memref<!tpu.dma_semaphore, #tpu.memory_space<semaphore_mem>>) src(%dma_wait3A_1184 : memref<1000000x32xf32, #tpu.memory_space<hbm>>) dst(%dma_wait3A_1178 : memref<128x32xf32, #tpu.memory_space<vmem>>)
      %dma_wait3A_1185 = arith.constant 1 : i32
      %dma_wait3A_1186 = arith.constant 728 : i32
      %dma_wait3A_1187 = arith.constant 0 : i32
      %dma_wait3A_1188 = tpu.memref_slice %arg6[%dma_wait3A_1185, %dma_wait3A_1186, %dma_wait3A_1187] : memref<2x800x32xf32, #tpu.memory_space<vmem>> -> memref<1x72x32xf32, #tpu.memory_space<vmem>>
      %dma_wait3A_1189 = tpu.memref_squeeze %dma_wait3A_1188 : memref<1x72x32xf32, #tpu.memory_space<vmem>> -> memref<72x32xf32, #tpu.memory_space<vmem>>
      %dma_wait3A_1190 = arith.constant 0 : i32
      %dma_wait3A_1191 = tpu.memref_slice %arg5[%add3A_1107, %dma_wait3A_1190] : memref<256x128xi32, #tpu.memory_space<vmem>> -> memref<1x72xi32, #tpu.memory_space<vmem>>
      %dma_wait3A_1192 = tpu.memref_squeeze %dma_wait3A_1191 : memref<1x72xi32, #tpu.memory_space<vmem>> -> memref<72xi32, #tpu.memory_space<vmem>>
      %dma_wait3A_1193 = arith.constant 0 : i32
      %dma_wait3A_1194 = arith.constant 0 : i32
      %dma_wait3A_1195 = tpu.memref_slice %arg3[%dma_wait3A_1193, %dma_wait3A_1194] : memref<1000000x32xf32, #tpu.memory_space<hbm>> -> memref<1000000x32xf32, #tpu.memory_space<hbm>>
      tpu.wait_indirect_dma semaphore(%arg10 : memref<!tpu.dma_semaphore, #tpu.memory_space<semaphore_mem>>) src(%dma_wait3A_1195 : memref<1000000x32xf32, #tpu.memory_space<hbm>>) dst(%dma_wait3A_1189 : memref<72x32xf32, #tpu.memory_space<vmem>>)
      %mul3A_1196 = arith.constant 4 : i32
      %mul3A_1197 = arith.muli %add3A_1067, %mul3A_1196 : i32
      %broadcast_in_dim3A_1198 = arith.constant 0.000000e+00 : f32
      %broadcast_in_dim3A_1199 = vector.broadcast %broadcast_in_dim3A_1198 : f32 to vector<16xf32>
      %scan3A_1200 = arith.constant 0 : i32
      %scan3A_1201 = arith.constant 50 : i32
      %scan3A_1202 = arith.addi %scan3A_1200, %scan3A_1201 : i32
      %scan3A_1203 = arith.constant 1 : i32
      %scan3A_1204:8 = scf.for %scan3A_1464 = %scan3A_1200 to %scan3A_1202 step %scan3A_1203 iter_args(%scan3A_1465 = %broadcast_in_dim3A_1199, %scan3A_1466 = %broadcast_in_dim3A_1199, %scan3A_1467 = %broadcast_in_dim3A_1199, %scan3A_1468 = %broadcast_in_dim3A_1199, %scan3A_1469 = %broadcast_in_dim3A_1199, %scan3A_1470 = %broadcast_in_dim3A_1199, %scan3A_1471 = %broadcast_in_dim3A_1199, %scan3A_1472 = %broadcast_in_dim3A_1199) -> (vector<16xf32>, vector<16xf32>, vector<16xf32>, vector<16xf32>, vector<16xf32>, vector<16xf32>, vector<16xf32>, vector<16xf32>)  : i32 {
        %mul3A_1473 = arith.constant 4 : i32
        %mul3A_1474 = arith.muli %scan3A_1464, %mul3A_1473 : i32
        %add3A_1475 = arith.constant 0 : i32
        %add3A_1476 = arith.addi %add3A_1475, %mul3A_1474 : i32
        %add3A_1477 = arith.constant 0 : i32
        %add3A_1478 = arith.addi %add3A_1476, %add3A_1477 : i32
        %get3A = arith.constant 1 : i32
        %get3A_1479 = arith.index_cast %get3A : i32 to index
        %get3A_1480 = arith.index_cast %add3A_1478 : i32 to index
        %get3A_1481 = arith.constant 0 : index
        %get3A_1482 = tpu.vector_load %arg6[%get3A_1479, %get3A_1480, %get3A_1481] {strides = array<i32>} : memref<2x800x32xf32, #tpu.memory_space<vmem>>, vector<1x1x16xf32>,
        %get3A_1483 = vector.shape_cast %get3A_1482 : vector<1x1x16xf32> to vector<16xf32>
        %add3A_1484 = arith.addf %scan3A_1465, %get3A_1483 : vector<16xf32>
        %add3A_1485 = arith.constant 0 : i32
        %add3A_1486 = arith.addi %add3A_1485, %mul3A_1474 : i32
        %add3A_1487 = arith.constant 0 : i32
        %add3A_1488 = arith.addi %add3A_1486, %add3A_1487 : i32
        %get3A_1489 = arith.constant 1 : i32
        %get3A_1490 = arith.index_cast %get3A_1489 : i32 to index
        %get3A_1491 = arith.index_cast %add3A_1488 : i32 to index
        %get3A_1492 = arith.constant 16 : index
        %get3A_1493 = tpu.vector_load %arg6[%get3A_1490, %get3A_1491, %get3A_1492] {strides = array<i32>} : memref<2x800x32xf32, #tpu.memory_space<vmem>>, vector<1x1x16xf32>,
        %get3A_1494 = vector.shape_cast %get3A_1493 : vector<1x1x16xf32> to vector<16xf32>
        %add3A_1495 = arith.addf %scan3A_1466, %get3A_1494 : vector<16xf32>
        %add3A_1496 = arith.constant 0 : i32
        %add3A_1497 = arith.addi %add3A_1496, %mul3A_1474 : i32
        %add3A_1498 = arith.constant 1 : i32
        %add3A_1499 = arith.addi %add3A_1497, %add3A_1498 : i32
        %get3A_1500 = arith.constant 1 : i32
        %get3A_1501 = arith.index_cast %get3A_1500 : i32 to index
        %get3A_1502 = arith.index_cast %add3A_1499 : i32 to index
        %get3A_1503 = arith.constant 0 : index
        %get3A_1504 = tpu.vector_load %arg6[%get3A_1501, %get3A_1502, %get3A_1503] {strides = array<i32>} : memref<2x800x32xf32, #tpu.memory_space<vmem>>, vector<1x1x16xf32>,
        %get3A_1505 = vector.shape_cast %get3A_1504 : vector<1x1x16xf32> to vector<16xf32>
        %add3A_1506 = arith.addf %scan3A_1467, %get3A_1505 : vector<16xf32>
        %add3A_1507 = arith.constant 0 : i32
        %add3A_1508 = arith.addi %add3A_1507, %mul3A_1474 : i32
        %add3A_1509 = arith.constant 1 : i32
        %add3A_1510 = arith.addi %add3A_1508, %add3A_1509 : i32
        %get3A_1511 = arith.constant 1 : i32
        %get3A_1512 = arith.index_cast %get3A_1511 : i32 to index
        %get3A_1513 = arith.index_cast %add3A_1510 : i32 to index
        %get3A_1514 = arith.constant 16 : index
        %get3A_1515 = tpu.vector_load %arg6[%get3A_1512, %get3A_1513, %get3A_1514] {strides = array<i32>} : memref<2x800x32xf32, #tpu.memory_space<vmem>>, vector<1x1x16xf32>,
        %get3A_1516 = vector.shape_cast %get3A_1515 : vector<1x1x16xf32> to vector<16xf32>
        %add3A_1517 = arith.addf %scan3A_1468, %get3A_1516 : vector<16xf32>
        %add3A_1518 = arith.constant 0 : i32
        %add3A_1519 = arith.addi %add3A_1518, %mul3A_1474 : i32
        %add3A_1520 = arith.constant 2 : i32
        %add3A_1521 = arith.addi %add3A_1519, %add3A_1520 : i32
        %get3A_1522 = arith.constant 1 : i32
        %get3A_1523 = arith.index_cast %get3A_1522 : i32 to index
        %get3A_1524 = arith.index_cast %add3A_1521 : i32 to index
        %get3A_1525 = arith.constant 0 : index
        %get3A_1526 = tpu.vector_load %arg6[%get3A_1523, %get3A_1524, %get3A_1525] {strides = array<i32>} : memref<2x800x32xf32, #tpu.memory_space<vmem>>, vector<1x1x16xf32>,
        %get3A_1527 = vector.shape_cast %get3A_1526 : vector<1x1x16xf32> to vector<16xf32>
        %add3A_1528 = arith.addf %scan3A_1469, %get3A_1527 : vector<16xf32>
        %add3A_1529 = arith.constant 0 : i32
        %add3A_1530 = arith.addi %add3A_1529, %mul3A_1474 : i32
        %add3A_1531 = arith.constant 2 : i32
        %add3A_1532 = arith.addi %add3A_1530, %add3A_1531 : i32
        %get3A_1533 = arith.constant 1 : i32
        %get3A_1534 = arith.index_cast %get3A_1533 : i32 to index
        %get3A_1535 = arith.index_cast %add3A_1532 : i32 to index
        %get3A_1536 = arith.constant 16 : index
        %get3A_1537 = tpu.vector_load %arg6[%get3A_1534, %get3A_1535, %get3A_1536] {strides = array<i32>} : memref<2x800x32xf32, #tpu.memory_space<vmem>>, vector<1x1x16xf32>,
        %get3A_1538 = vector.shape_cast %get3A_1537 : vector<1x1x16xf32> to vector<16xf32>
        %add3A_1539 = arith.addf %scan3A_1470, %get3A_1538 : vector<16xf32>
        %add3A_1540 = arith.constant 0 : i32
        %add3A_1541 = arith.addi %add3A_1540, %mul3A_1474 : i32
        %add3A_1542 = arith.constant 3 : i32
        %add3A_1543 = arith.addi %add3A_1541, %add3A_1542 : i32
        %get3A_1544 = arith.constant 1 : i32
        %get3A_1545 = arith.index_cast %get3A_1544 : i32 to index
        %get3A_1546 = arith.index_cast %add3A_1543 : i32 to index
        %get3A_1547 = arith.constant 0 : index
        %get3A_1548 = tpu.vector_load %arg6[%get3A_1545, %get3A_1546, %get3A_1547] {strides = array<i32>} : memref<2x800x32xf32, #tpu.memory_space<vmem>>, vector<1x1x16xf32>,
        %get3A_1549 = vector.shape_cast %get3A_1548 : vector<1x1x16xf32> to vector<16xf32>
        %add3A_1550 = arith.addf %scan3A_1471, %get3A_1549 : vector<16xf32>
        %add3A_1551 = arith.constant 0 : i32
        %add3A_1552 = arith.addi %add3A_1551, %mul3A_1474 : i32
        %add3A_1553 = arith.constant 3 : i32
        %add3A_1554 = arith.addi %add3A_1552, %add3A_1553 : i32
        %get3A_1555 = arith.constant 1 : i32
        %get3A_1556 = arith.index_cast %get3A_1555 : i32 to index
        %get3A_1557 = arith.index_cast %add3A_1554 : i32 to index
        %get3A_1558 = arith.constant 16 : index
        %get3A_1559 = tpu.vector_load %arg6[%get3A_1556, %get3A_1557, %get3A_1558] {strides = array<i32>} : memref<2x800x32xf32, #tpu.memory_space<vmem>>, vector<1x1x16xf32>,
        %get3A_1560 = vector.shape_cast %get3A_1559 : vector<1x1x16xf32> to vector<16xf32>
        %add3A_1561 = arith.addf %scan3A_1472, %get3A_1560 : vector<16xf32>
        scf.yield %add3A_1484, %add3A_1495, %add3A_1506, %add3A_1517, %add3A_1528, %add3A_1539, %add3A_1550, %add3A_1561 : vector<16xf32>, vector<16xf32>, vector<16xf32>, vector<16xf32>, vector<16xf32>, vector<16xf32>, vector<16xf32>, vector<16xf32>
      }
      %scan3A_1205 = arith.constant 50 : i32
      %add3A_1206 = arith.addf %scan3A_1204#0, %scan3A_1204#2 : vector<16xf32>
      %add3A_1207 = arith.addf %scan3A_1204#4, %scan3A_1204#6 : vector<16xf32>
      %add3A_1208 = arith.addf %add3A_1206, %add3A_1207 : vector<16xf32>
      %add3A_1209 = arith.addf %scan3A_1204#1, %scan3A_1204#3 : vector<16xf32>
      %add3A_1210 = arith.addf %scan3A_1204#5, %scan3A_1204#7 : vector<16xf32>
      %add3A_1211 = arith.addf %add3A_1209, %add3A_1210 : vector<16xf32>
      %mul3A_1212 = arith.constant 5.000000e-03 : f32
      %mul3A_1213 = vector.broadcast %mul3A_1212 : f32 to vector<16xf32>
      %mul3A_1214 = arith.mulf %add3A_1208, %mul3A_1213 : vector<16xf32>
      %add3A_1215 = arith.constant 0 : i32
      %add3A_1216 = arith.addi %mul3A_1197, %add3A_1215 : i32
      %swap3A_1217 = arith.index_cast %add3A_1216 : i32 to index
      %swap3A_1218 = arith.constant 0 : index
      %swap3A_1219 = tpu.vector_load %arg7[%swap3A_1217, %swap3A_1218] {strides = array<i32>} : memref<128x32xf32, #tpu.memory_space<vmem>>, vector<1x16xf32>,
      %swap3A_1220 = vector.shape_cast %swap3A_1219 : vector<1x16xf32> to vector<16xf32>
      %swap3A_1221 = vector.shape_cast %mul3A_1214 : vector<16xf32> to vector<1x16xf32>
      tpu.vector_store %arg7[%swap3A_1217, %swap3A_1218], %swap3A_1221 {strides = array<i32>} : memref<128x32xf32, #tpu.memory_space<vmem>>, vector<1x16xf32>,
      %mul3A_1222 = arith.constant 5.000000e-03 : f32
      %mul3A_1223 = vector.broadcast %mul3A_1222 : f32 to vector<16xf32>
      %mul3A_1224 = arith.mulf %add3A_1211, %mul3A_1223 : vector<16xf32>
      %add3A_1225 = arith.constant 0 : i32
      %add3A_1226 = arith.addi %mul3A_1197, %add3A_1225 : i32
      %swap3A_1227 = arith.index_cast %add3A_1226 : i32 to index
      %swap3A_1228 = arith.constant 16 : index
      %swap3A_1229 = tpu.vector_load %arg7[%swap3A_1227, %swap3A_1228] {strides = array<i32>} : memref<128x32xf32, #tpu.memory_space<vmem>>, vector<1x16xf32>,
      %swap3A_1230 = vector.shape_cast %swap3A_1229 : vector<1x16xf32> to vector<16xf32>
      %swap3A_1231 = vector.shape_cast %mul3A_1224 : vector<16xf32> to vector<1x16xf32>
      tpu.vector_store %arg7[%swap3A_1227, %swap3A_1228], %swap3A_1231 {strides = array<i32>} : memref<128x32xf32, #tpu.memory_space<vmem>>, vector<1x16xf32>,
      %broadcast_in_dim3A_1232 = arith.constant 0.000000e+00 : f32
      %broadcast_in_dim3A_1233 = vector.broadcast %broadcast_in_dim3A_1232 : f32 to vector<16xf32>
      %scan3A_1234 = arith.constant 0 : i32
      %scan3A_1235 = arith.constant 50 : i32
      %scan3A_1236 = arith.addi %scan3A_1234, %scan3A_1235 : i32
      %scan3A_1237 = arith.constant 1 : i32
      %scan3A_1238:8 = scf.for %scan3A_1464 = %scan3A_1234 to %scan3A_1236 step %scan3A_1237 iter_args(%scan3A_1465 = %broadcast_in_dim3A_1233, %scan3A_1466 = %broadcast_in_dim3A_1233, %scan3A_1467 = %broadcast_in_dim3A_1233, %scan3A_1468 = %broadcast_in_dim3A_1233, %scan3A_1469 = %broadcast_in_dim3A_1233, %scan3A_1470 = %broadcast_in_dim3A_1233, %scan3A_1471 = %broadcast_in_dim3A_1233, %scan3A_1472 = %broadcast_in_dim3A_1233) -> (vector<16xf32>, vector<16xf32>, vector<16xf32>, vector<16xf32>, vector<16xf32>, vector<16xf32>, vector<16xf32>, vector<16xf32>)  : i32 {
        %mul3A_1473 = arith.constant 4 : i32
        %mul3A_1474 = arith.muli %scan3A_1464, %mul3A_1473 : i32
        %add3A_1475 = arith.constant 200 : i32
        %add3A_1476 = arith.addi %add3A_1475, %mul3A_1474 : i32
        %add3A_1477 = arith.constant 0 : i32
        %add3A_1478 = arith.addi %add3A_1476, %add3A_1477 : i32
        %get3A = arith.constant 1 : i32
        %get3A_1479 = arith.index_cast %get3A : i32 to index
        %get3A_1480 = arith.index_cast %add3A_1478 : i32 to index
        %get3A_1481 = arith.constant 0 : index
        %get3A_1482 = tpu.vector_load %arg6[%get3A_1479, %get3A_1480, %get3A_1481] {strides = array<i32>} : memref<2x800x32xf32, #tpu.memory_space<vmem>>, vector<1x1x16xf32>,
        %get3A_1483 = vector.shape_cast %get3A_1482 : vector<1x1x16xf32> to vector<16xf32>
        %add3A_1484 = arith.addf %scan3A_1465, %get3A_1483 : vector<16xf32>
        %add3A_1485 = arith.constant 200 : i32
        %add3A_1486 = arith.addi %add3A_1485, %mul3A_1474 : i32
        %add3A_1487 = arith.constant 0 : i32
        %add3A_1488 = arith.addi %add3A_1486, %add3A_1487 : i32
        %get3A_1489 = arith.constant 1 : i32
        %get3A_1490 = arith.index_cast %get3A_1489 : i32 to index
        %get3A_1491 = arith.index_cast %add3A_1488 : i32 to index
        %get3A_1492 = arith.constant 16 : index
        %get3A_1493 = tpu.vector_load %arg6[%get3A_1490, %get3A_1491, %get3A_1492] {strides = array<i32>} : memref<2x800x32xf32, #tpu.memory_space<vmem>>, vector<1x1x16xf32>,
        %get3A_1494 = vector.shape_cast %get3A_1493 : vector<1x1x16xf32> to vector<16xf32>
        %add3A_1495 = arith.addf %scan3A_1466, %get3A_1494 : vector<16xf32>
        %add3A_1496 = arith.constant 200 : i32
        %add3A_1497 = arith.addi %add3A_1496, %mul3A_1474 : i32
        %add3A_1498 = arith.constant 1 : i32
        %add3A_1499 = arith.addi %add3A_1497, %add3A_1498 : i32
        %get3A_1500 = arith.constant 1 : i32
        %get3A_1501 = arith.index_cast %get3A_1500 : i32 to index
        %get3A_1502 = arith.index_cast %add3A_1499 : i32 to index
        %get3A_1503 = arith.constant 0 : index
        %get3A_1504 = tpu.vector_load %arg6[%get3A_1501, %get3A_1502, %get3A_1503] {strides = array<i32>} : memref<2x800x32xf32, #tpu.memory_space<vmem>>, vector<1x1x16xf32>,
        %get3A_1505 = vector.shape_cast %get3A_1504 : vector<1x1x16xf32> to vector<16xf32>
        %add3A_1506 = arith.addf %scan3A_1467, %get3A_1505 : vector<16xf32>
        %add3A_1507 = arith.constant 200 : i32
        %add3A_1508 = arith.addi %add3A_1507, %mul3A_1474 : i32
        %add3A_1509 = arith.constant 1 : i32
        %add3A_1510 = arith.addi %add3A_1508, %add3A_1509 : i32
        %get3A_1511 = arith.constant 1 : i32
        %get3A_1512 = arith.index_cast %get3A_1511 : i32 to index
        %get3A_1513 = arith.index_cast %add3A_1510 : i32 to index
        %get3A_1514 = arith.constant 16 : index
        %get3A_1515 = tpu.vector_load %arg6[%get3A_1512, %get3A_1513, %get3A_1514] {strides = array<i32>} : memref<2x800x32xf32, #tpu.memory_space<vmem>>, vector<1x1x16xf32>,
        %get3A_1516 = vector.shape_cast %get3A_1515 : vector<1x1x16xf32> to vector<16xf32>
        %add3A_1517 = arith.addf %scan3A_1468, %get3A_1516 : vector<16xf32>
        %add3A_1518 = arith.constant 200 : i32
        %add3A_1519 = arith.addi %add3A_1518, %mul3A_1474 : i32
        %add3A_1520 = arith.constant 2 : i32
        %add3A_1521 = arith.addi %add3A_1519, %add3A_1520 : i32
        %get3A_1522 = arith.constant 1 : i32
        %get3A_1523 = arith.index_cast %get3A_1522 : i32 to index
        %get3A_1524 = arith.index_cast %add3A_1521 : i32 to index
        %get3A_1525 = arith.constant 0 : index
        %get3A_1526 = tpu.vector_load %arg6[%get3A_1523, %get3A_1524, %get3A_1525] {strides = array<i32>} : memref<2x800x32xf32, #tpu.memory_space<vmem>>, vector<1x1x16xf32>,
        %get3A_1527 = vector.shape_cast %get3A_1526 : vector<1x1x16xf32> to vector<16xf32>
        %add3A_1528 = arith.addf %scan3A_1469, %get3A_1527 : vector<16xf32>
        %add3A_1529 = arith.constant 200 : i32
        %add3A_1530 = arith.addi %add3A_1529, %mul3A_1474 : i32
        %add3A_1531 = arith.constant 2 : i32
        %add3A_1532 = arith.addi %add3A_1530, %add3A_1531 : i32
        %get3A_1533 = arith.constant 1 : i32
        %get3A_1534 = arith.index_cast %get3A_1533 : i32 to index
        %get3A_1535 = arith.index_cast %add3A_1532 : i32 to index
        %get3A_1536 = arith.constant 16 : index
        %get3A_1537 = tpu.vector_load %arg6[%get3A_1534, %get3A_1535, %get3A_1536] {strides = array<i32>} : memref<2x800x32xf32, #tpu.memory_space<vmem>>, vector<1x1x16xf32>,
        %get3A_1538 = vector.shape_cast %get3A_1537 : vector<1x1x16xf32> to vector<16xf32>
        %add3A_1539 = arith.addf %scan3A_1470, %get3A_1538 : vector<16xf32>
        %add3A_1540 = arith.constant 200 : i32
        %add3A_1541 = arith.addi %add3A_1540, %mul3A_1474 : i32
        %add3A_1542 = arith.constant 3 : i32
        %add3A_1543 = arith.addi %add3A_1541, %add3A_1542 : i32
        %get3A_1544 = arith.constant 1 : i32
        %get3A_1545 = arith.index_cast %get3A_1544 : i32 to index
        %get3A_1546 = arith.index_cast %add3A_1543 : i32 to index
        %get3A_1547 = arith.constant 0 : index
        %get3A_1548 = tpu.vector_load %arg6[%get3A_1545, %get3A_1546, %get3A_1547] {strides = array<i32>} : memref<2x800x32xf32, #tpu.memory_space<vmem>>, vector<1x1x16xf32>,
        %get3A_1549 = vector.shape_cast %get3A_1548 : vector<1x1x16xf32> to vector<16xf32>
        %add3A_1550 = arith.addf %scan3A_1471, %get3A_1549 : vector<16xf32>
        %add3A_1551 = arith.constant 200 : i32
        %add3A_1552 = arith.addi %add3A_1551, %mul3A_1474 : i32
        %add3A_1553 = arith.constant 3 : i32
        %add3A_1554 = arith.addi %add3A_1552, %add3A_1553 : i32
        %get3A_1555 = arith.constant 1 : i32
        %get3A_1556 = arith.index_cast %get3A_1555 : i32 to index
        %get3A_1557 = arith.index_cast %add3A_1554 : i32 to index
        %get3A_1558 = arith.constant 16 : index
        %get3A_1559 = tpu.vector_load %arg6[%get3A_1556, %get3A_1557, %get3A_1558] {strides = array<i32>} : memref<2x800x32xf32, #tpu.memory_space<vmem>>, vector<1x1x16xf32>,
        %get3A_1560 = vector.shape_cast %get3A_1559 : vector<1x1x16xf32> to vector<16xf32>
        %add3A_1561 = arith.addf %scan3A_1472, %get3A_1560 : vector<16xf32>
        scf.yield %add3A_1484, %add3A_1495, %add3A_1506, %add3A_1517, %add3A_1528, %add3A_1539, %add3A_1550, %add3A_1561 : vector<16xf32>, vector<16xf32>, vector<16xf32>, vector<16xf32>, vector<16xf32>, vector<16xf32>, vector<16xf32>, vector<16xf32>
      }
      %scan3A_1239 = arith.constant 50 : i32
      %add3A_1240 = arith.addf %scan3A_1238#0, %scan3A_1238#2 : vector<16xf32>
      %add3A_1241 = arith.addf %scan3A_1238#4, %scan3A_1238#6 : vector<16xf32>
      %add3A_1242 = arith.addf %add3A_1240, %add3A_1241 : vector<16xf32>
      %add3A_1243 = arith.addf %scan3A_1238#1, %scan3A_1238#3 : vector<16xf32>
      %add3A_1244 = arith.addf %scan3A_1238#5, %scan3A_1238#7 : vector<16xf32>
      %add3A_1245 = arith.addf %add3A_1243, %add3A_1244 : vector<16xf32>
      %mul3A_1246 = arith.constant 5.000000e-03 : f32
      %mul3A_1247 = vector.broadcast %mul3A_1246 : f32 to vector<16xf32>
      %mul3A_1248 = arith.mulf %add3A_1242, %mul3A_1247 : vector<16xf32>
      %add3A_1249 = arith.constant 1 : i32
      %add3A_1250 = arith.addi %mul3A_1197, %add3A_1249 : i32
      %swap3A_1251 = arith.index_cast %add3A_1250 : i32 to index
      %swap3A_1252 = arith.constant 0 : index
      %swap3A_1253 = tpu.vector_load %arg7[%swap3A_1251, %swap3A_1252] {strides = array<i32>} : memref<128x32xf32, #tpu.memory_space<vmem>>, vector<1x16xf32>,
      %swap3A_1254 = vector.shape_cast %swap3A_1253 : vector<1x16xf32> to vector<16xf32>
      %swap3A_1255 = vector.shape_cast %mul3A_1248 : vector<16xf32> to vector<1x16xf32>
      tpu.vector_store %arg7[%swap3A_1251, %swap3A_1252], %swap3A_1255 {strides = array<i32>} : memref<128x32xf32, #tpu.memory_space<vmem>>, vector<1x16xf32>,
      %mul3A_1256 = arith.constant 5.000000e-03 : f32
      %mul3A_1257 = vector.broadcast %mul3A_1256 : f32 to vector<16xf32>
      %mul3A_1258 = arith.mulf %add3A_1245, %mul3A_1257 : vector<16xf32>
      %add3A_1259 = arith.constant 1 : i32
      %add3A_1260 = arith.addi %mul3A_1197, %add3A_1259 : i32
      %swap3A_1261 = arith.index_cast %add3A_1260 : i32 to index
      %swap3A_1262 = arith.constant 16 : index
      %swap3A_1263 = tpu.vector_load %arg7[%swap3A_1261, %swap3A_1262] {strides = array<i32>} : memref<128x32xf32, #tpu.memory_space<vmem>>, vector<1x16xf32>,
      %swap3A_1264 = vector.shape_cast %swap3A_1263 : vector<1x16xf32> to vector<16xf32>
      %swap3A_1265 = vector.shape_cast %mul3A_1258 : vector<16xf32> to vector<1x16xf32>
      tpu.vector_store %arg7[%swap3A_1261, %swap3A_1262], %swap3A_1265 {strides = array<i32>} : memref<128x32xf32, #tpu.memory_space<vmem>>, vector<1x16xf32>,
      %broadcast_in_dim3A_1266 = arith.constant 0.000000e+00 : f32
      %broadcast_in_dim3A_1267 = vector.broadcast %broadcast_in_dim3A_1266 : f32 to vector<16xf32>
      %scan3A_1268 = arith.constant 0 : i32
      %scan3A_1269 = arith.constant 50 : i32
      %scan3A_1270 = arith.addi %scan3A_1268, %scan3A_1269 : i32
      %scan3A_1271 = arith.constant 1 : i32
      %scan3A_1272:8 = scf.for %scan3A_1464 = %scan3A_1268 to %scan3A_1270 step %scan3A_1271 iter_args(%scan3A_1465 = %broadcast_in_dim3A_1267, %scan3A_1466 = %broadcast_in_dim3A_1267, %scan3A_1467 = %broadcast_in_dim3A_1267, %scan3A_1468 = %broadcast_in_dim3A_1267, %scan3A_1469 = %broadcast_in_dim3A_1267, %scan3A_1470 = %broadcast_in_dim3A_1267, %scan3A_1471 = %broadcast_in_dim3A_1267, %scan3A_1472 = %broadcast_in_dim3A_1267) -> (vector<16xf32>, vector<16xf32>, vector<16xf32>, vector<16xf32>, vector<16xf32>, vector<16xf32>, vector<16xf32>, vector<16xf32>)  : i32 {
        %mul3A_1473 = arith.constant 4 : i32
        %mul3A_1474 = arith.muli %scan3A_1464, %mul3A_1473 : i32
        %add3A_1475 = arith.constant 400 : i32
        %add3A_1476 = arith.addi %add3A_1475, %mul3A_1474 : i32
        %add3A_1477 = arith.constant 0 : i32
        %add3A_1478 = arith.addi %add3A_1476, %add3A_1477 : i32
        %get3A = arith.constant 1 : i32
        %get3A_1479 = arith.index_cast %get3A : i32 to index
        %get3A_1480 = arith.index_cast %add3A_1478 : i32 to index
        %get3A_1481 = arith.constant 0 : index
        %get3A_1482 = tpu.vector_load %arg6[%get3A_1479, %get3A_1480, %get3A_1481] {strides = array<i32>} : memref<2x800x32xf32, #tpu.memory_space<vmem>>, vector<1x1x16xf32>,
        %get3A_1483 = vector.shape_cast %get3A_1482 : vector<1x1x16xf32> to vector<16xf32>
        %add3A_1484 = arith.addf %scan3A_1465, %get3A_1483 : vector<16xf32>
        %add3A_1485 = arith.constant 400 : i32
        %add3A_1486 = arith.addi %add3A_1485, %mul3A_1474 : i32
        %add3A_1487 = arith.constant 0 : i32
        %add3A_1488 = arith.addi %add3A_1486, %add3A_1487 : i32
        %get3A_1489 = arith.constant 1 : i32
        %get3A_1490 = arith.index_cast %get3A_1489 : i32 to index
        %get3A_1491 = arith.index_cast %add3A_1488 : i32 to index
        %get3A_1492 = arith.constant 16 : index
        %get3A_1493 = tpu.vector_load %arg6[%get3A_1490, %get3A_1491, %get3A_1492] {strides = array<i32>} : memref<2x800x32xf32, #tpu.memory_space<vmem>>, vector<1x1x16xf32>,
        %get3A_1494 = vector.shape_cast %get3A_1493 : vector<1x1x16xf32> to vector<16xf32>
        %add3A_1495 = arith.addf %scan3A_1466, %get3A_1494 : vector<16xf32>
        %add3A_1496 = arith.constant 400 : i32
        %add3A_1497 = arith.addi %add3A_1496, %mul3A_1474 : i32
        %add3A_1498 = arith.constant 1 : i32
        %add3A_1499 = arith.addi %add3A_1497, %add3A_1498 : i32
        %get3A_1500 = arith.constant 1 : i32
        %get3A_1501 = arith.index_cast %get3A_1500 : i32 to index
        %get3A_1502 = arith.index_cast %add3A_1499 : i32 to index
        %get3A_1503 = arith.constant 0 : index
        %get3A_1504 = tpu.vector_load %arg6[%get3A_1501, %get3A_1502, %get3A_1503] {strides = array<i32>} : memref<2x800x32xf32, #tpu.memory_space<vmem>>, vector<1x1x16xf32>,
        %get3A_1505 = vector.shape_cast %get3A_1504 : vector<1x1x16xf32> to vector<16xf32>
        %add3A_1506 = arith.addf %scan3A_1467, %get3A_1505 : vector<16xf32>
        %add3A_1507 = arith.constant 400 : i32
        %add3A_1508 = arith.addi %add3A_1507, %mul3A_1474 : i32
        %add3A_1509 = arith.constant 1 : i32
        %add3A_1510 = arith.addi %add3A_1508, %add3A_1509 : i32
        %get3A_1511 = arith.constant 1 : i32
        %get3A_1512 = arith.index_cast %get3A_1511 : i32 to index
        %get3A_1513 = arith.index_cast %add3A_1510 : i32 to index
        %get3A_1514 = arith.constant 16 : index
        %get3A_1515 = tpu.vector_load %arg6[%get3A_1512, %get3A_1513, %get3A_1514] {strides = array<i32>} : memref<2x800x32xf32, #tpu.memory_space<vmem>>, vector<1x1x16xf32>,
        %get3A_1516 = vector.shape_cast %get3A_1515 : vector<1x1x16xf32> to vector<16xf32>
        %add3A_1517 = arith.addf %scan3A_1468, %get3A_1516 : vector<16xf32>
        %add3A_1518 = arith.constant 400 : i32
        %add3A_1519 = arith.addi %add3A_1518, %mul3A_1474 : i32
        %add3A_1520 = arith.constant 2 : i32
        %add3A_1521 = arith.addi %add3A_1519, %add3A_1520 : i32
        %get3A_1522 = arith.constant 1 : i32
        %get3A_1523 = arith.index_cast %get3A_1522 : i32 to index
        %get3A_1524 = arith.index_cast %add3A_1521 : i32 to index
        %get3A_1525 = arith.constant 0 : index
        %get3A_1526 = tpu.vector_load %arg6[%get3A_1523, %get3A_1524, %get3A_1525] {strides = array<i32>} : memref<2x800x32xf32, #tpu.memory_space<vmem>>, vector<1x1x16xf32>,
        %get3A_1527 = vector.shape_cast %get3A_1526 : vector<1x1x16xf32> to vector<16xf32>
        %add3A_1528 = arith.addf %scan3A_1469, %get3A_1527 : vector<16xf32>
        %add3A_1529 = arith.constant 400 : i32
        %add3A_1530 = arith.addi %add3A_1529, %mul3A_1474 : i32
        %add3A_1531 = arith.constant 2 : i32
        %add3A_1532 = arith.addi %add3A_1530, %add3A_1531 : i32
        %get3A_1533 = arith.constant 1 : i32
        %get3A_1534 = arith.index_cast %get3A_1533 : i32 to index
        %get3A_1535 = arith.index_cast %add3A_1532 : i32 to index
        %get3A_1536 = arith.constant 16 : index
        %get3A_1537 = tpu.vector_load %arg6[%get3A_1534, %get3A_1535, %get3A_1536] {strides = array<i32>} : memref<2x800x32xf32, #tpu.memory_space<vmem>>, vector<1x1x16xf32>,
        %get3A_1538 = vector.shape_cast %get3A_1537 : vector<1x1x16xf32> to vector<16xf32>
        %add3A_1539 = arith.addf %scan3A_1470, %get3A_1538 : vector<16xf32>
        %add3A_1540 = arith.constant 400 : i32
        %add3A_1541 = arith.addi %add3A_1540, %mul3A_1474 : i32
        %add3A_1542 = arith.constant 3 : i32
        %add3A_1543 = arith.addi %add3A_1541, %add3A_1542 : i32
        %get3A_1544 = arith.constant 1 : i32
        %get3A_1545 = arith.index_cast %get3A_1544 : i32 to index
        %get3A_1546 = arith.index_cast %add3A_1543 : i32 to index
        %get3A_1547 = arith.constant 0 : index
        %get3A_1548 = tpu.vector_load %arg6[%get3A_1545, %get3A_1546, %get3A_1547] {strides = array<i32>} : memref<2x800x32xf32, #tpu.memory_space<vmem>>, vector<1x1x16xf32>,
        %get3A_1549 = vector.shape_cast %get3A_1548 : vector<1x1x16xf32> to vector<16xf32>
        %add3A_1550 = arith.addf %scan3A_1471, %get3A_1549 : vector<16xf32>
        %add3A_1551 = arith.constant 400 : i32
        %add3A_1552 = arith.addi %add3A_1551, %mul3A_1474 : i32
        %add3A_1553 = arith.constant 3 : i32
        %add3A_1554 = arith.addi %add3A_1552, %add3A_1553 : i32
        %get3A_1555 = arith.constant 1 : i32
        %get3A_1556 = arith.index_cast %get3A_1555 : i32 to index
        %get3A_1557 = arith.index_cast %add3A_1554 : i32 to index
        %get3A_1558 = arith.constant 16 : index
        %get3A_1559 = tpu.vector_load %arg6[%get3A_1556, %get3A_1557, %get3A_1558] {strides = array<i32>} : memref<2x800x32xf32, #tpu.memory_space<vmem>>, vector<1x1x16xf32>,
        %get3A_1560 = vector.shape_cast %get3A_1559 : vector<1x1x16xf32> to vector<16xf32>
        %add3A_1561 = arith.addf %scan3A_1472, %get3A_1560 : vector<16xf32>
        scf.yield %add3A_1484, %add3A_1495, %add3A_1506, %add3A_1517, %add3A_1528, %add3A_1539, %add3A_1550, %add3A_1561 : vector<16xf32>, vector<16xf32>, vector<16xf32>, vector<16xf32>, vector<16xf32>, vector<16xf32>, vector<16xf32>, vector<16xf32>
      }
      %scan3A_1273 = arith.constant 50 : i32
      %add3A_1274 = arith.addf %scan3A_1272#0, %scan3A_1272#2 : vector<16xf32>
      %add3A_1275 = arith.addf %scan3A_1272#4, %scan3A_1272#6 : vector<16xf32>
      %add3A_1276 = arith.addf %add3A_1274, %add3A_1275 : vector<16xf32>
      %add3A_1277 = arith.addf %scan3A_1272#1, %scan3A_1272#3 : vector<16xf32>
      %add3A_1278 = arith.addf %scan3A_1272#5, %scan3A_1272#7 : vector<16xf32>
      %add3A_1279 = arith.addf %add3A_1277, %add3A_1278 : vector<16xf32>
      %mul3A_1280 = arith.constant 5.000000e-03 : f32
      %mul3A_1281 = vector.broadcast %mul3A_1280 : f32 to vector<16xf32>
      %mul3A_1282 = arith.mulf %add3A_1276, %mul3A_1281 : vector<16xf32>
      %add3A_1283 = arith.constant 2 : i32
      %add3A_1284 = arith.addi %mul3A_1197, %add3A_1283 : i32
      %swap3A_1285 = arith.index_cast %add3A_1284 : i32 to index
      %swap3A_1286 = arith.constant 0 : index
      %swap3A_1287 = tpu.vector_load %arg7[%swap3A_1285, %swap3A_1286] {strides = array<i32>} : memref<128x32xf32, #tpu.memory_space<vmem>>, vector<1x16xf32>,
      %swap3A_1288 = vector.shape_cast %swap3A_1287 : vector<1x16xf32> to vector<16xf32>
      %swap3A_1289 = vector.shape_cast %mul3A_1282 : vector<16xf32> to vector<1x16xf32>
      tpu.vector_store %arg7[%swap3A_1285, %swap3A_1286], %swap3A_1289 {strides = array<i32>} : memref<128x32xf32, #tpu.memory_space<vmem>>, vector<1x16xf32>,
      %mul3A_1290 = arith.constant 5.000000e-03 : f32
      %mul3A_1291 = vector.broadcast %mul3A_1290 : f32 to vector<16xf32>
      %mul3A_1292 = arith.mulf %add3A_1279, %mul3A_1291 : vector<16xf32>
      %add3A_1293 = arith.constant 2 : i32
      %add3A_1294 = arith.addi %mul3A_1197, %add3A_1293 : i32
      %swap3A_1295 = arith.index_cast %add3A_1294 : i32 to index
      %swap3A_1296 = arith.constant 16 : index
      %swap3A_1297 = tpu.vector_load %arg7[%swap3A_1295, %swap3A_1296] {strides = array<i32>} : memref<128x32xf32, #tpu.memory_space<vmem>>, vector<1x16xf32>,
      %swap3A_1298 = vector.shape_cast %swap3A_1297 : vector<1x16xf32> to vector<16xf32>
      %swap3A_1299 = vector.shape_cast %mul3A_1292 : vector<16xf32> to vector<1x16xf32>
      tpu.vector_store %arg7[%swap3A_1295, %swap3A_1296], %swap3A_1299 {strides = array<i32>} : memref<128x32xf32, #tpu.memory_space<vmem>>, vector<1x16xf32>,
      %broadcast_in_dim3A_1300 = arith.constant 0.000000e+00 : f32
      %broadcast_in_dim3A_1301 = vector.broadcast %broadcast_in_dim3A_1300 : f32 to vector<16xf32>
      %scan3A_1302 = arith.constant 0 : i32
      %scan3A_1303 = arith.constant 50 : i32
      %scan3A_1304 = arith.addi %scan3A_1302, %scan3A_1303 : i32
      %scan3A_1305 = arith.constant 1 : i32
      %scan3A_1306:8 = scf.for %scan3A_1464 = %scan3A_1302 to %scan3A_1304 step %scan3A_1305 iter_args(%scan3A_1465 = %broadcast_in_dim3A_1301, %scan3A_1466 = %broadcast_in_dim3A_1301, %scan3A_1467 = %broadcast_in_dim3A_1301, %scan3A_1468 = %broadcast_in_dim3A_1301, %scan3A_1469 = %broadcast_in_dim3A_1301, %scan3A_1470 = %broadcast_in_dim3A_1301, %scan3A_1471 = %broadcast_in_dim3A_1301, %scan3A_1472 = %broadcast_in_dim3A_1301) -> (vector<16xf32>, vector<16xf32>, vector<16xf32>, vector<16xf32>, vector<16xf32>, vector<16xf32>, vector<16xf32>, vector<16xf32>)  : i32 {
        %mul3A_1473 = arith.constant 4 : i32
        %mul3A_1474 = arith.muli %scan3A_1464, %mul3A_1473 : i32
        %add3A_1475 = arith.constant 600 : i32
        %add3A_1476 = arith.addi %add3A_1475, %mul3A_1474 : i32
        %add3A_1477 = arith.constant 0 : i32
        %add3A_1478 = arith.addi %add3A_1476, %add3A_1477 : i32
        %get3A = arith.constant 1 : i32
        %get3A_1479 = arith.index_cast %get3A : i32 to index
        %get3A_1480 = arith.index_cast %add3A_1478 : i32 to index
        %get3A_1481 = arith.constant 0 : index
        %get3A_1482 = tpu.vector_load %arg6[%get3A_1479, %get3A_1480, %get3A_1481] {strides = array<i32>} : memref<2x800x32xf32, #tpu.memory_space<vmem>>, vector<1x1x16xf32>,
        %get3A_1483 = vector.shape_cast %get3A_1482 : vector<1x1x16xf32> to vector<16xf32>
        %add3A_1484 = arith.addf %scan3A_1465, %get3A_1483 : vector<16xf32>
        %add3A_1485 = arith.constant 600 : i32
        %add3A_1486 = arith.addi %add3A_1485, %mul3A_1474 : i32
        %add3A_1487 = arith.constant 0 : i32
        %add3A_1488 = arith.addi %add3A_1486, %add3A_1487 : i32
        %get3A_1489 = arith.constant 1 : i32
        %get3A_1490 = arith.index_cast %get3A_1489 : i32 to index
        %get3A_1491 = arith.index_cast %add3A_1488 : i32 to index
        %get3A_1492 = arith.constant 16 : index
        %get3A_1493 = tpu.vector_load %arg6[%get3A_1490, %get3A_1491, %get3A_1492] {strides = array<i32>} : memref<2x800x32xf32, #tpu.memory_space<vmem>>, vector<1x1x16xf32>,
        %get3A_1494 = vector.shape_cast %get3A_1493 : vector<1x1x16xf32> to vector<16xf32>
        %add3A_1495 = arith.addf %scan3A_1466, %get3A_1494 : vector<16xf32>
        %add3A_1496 = arith.constant 600 : i32
        %add3A_1497 = arith.addi %add3A_1496, %mul3A_1474 : i32
        %add3A_1498 = arith.constant 1 : i32
        %add3A_1499 = arith.addi %add3A_1497, %add3A_1498 : i32
        %get3A_1500 = arith.constant 1 : i32
        %get3A_1501 = arith.index_cast %get3A_1500 : i32 to index
        %get3A_1502 = arith.index_cast %add3A_1499 : i32 to index
        %get3A_1503 = arith.constant 0 : index
        %get3A_1504 = tpu.vector_load %arg6[%get3A_1501, %get3A_1502, %get3A_1503] {strides = array<i32>} : memref<2x800x32xf32, #tpu.memory_space<vmem>>, vector<1x1x16xf32>,
        %get3A_1505 = vector.shape_cast %get3A_1504 : vector<1x1x16xf32> to vector<16xf32>
        %add3A_1506 = arith.addf %scan3A_1467, %get3A_1505 : vector<16xf32>
        %add3A_1507 = arith.constant 600 : i32
        %add3A_1508 = arith.addi %add3A_1507, %mul3A_1474 : i32
        %add3A_1509 = arith.constant 1 : i32
        %add3A_1510 = arith.addi %add3A_1508, %add3A_1509 : i32
        %get3A_1511 = arith.constant 1 : i32
        %get3A_1512 = arith.index_cast %get3A_1511 : i32 to index
        %get3A_1513 = arith.index_cast %add3A_1510 : i32 to index
        %get3A_1514 = arith.constant 16 : index
        %get3A_1515 = tpu.vector_load %arg6[%get3A_1512, %get3A_1513, %get3A_1514] {strides = array<i32>} : memref<2x800x32xf32, #tpu.memory_space<vmem>>, vector<1x1x16xf32>,
        %get3A_1516 = vector.shape_cast %get3A_1515 : vector<1x1x16xf32> to vector<16xf32>
        %add3A_1517 = arith.addf %scan3A_1468, %get3A_1516 : vector<16xf32>
        %add3A_1518 = arith.constant 600 : i32
        %add3A_1519 = arith.addi %add3A_1518, %mul3A_1474 : i32
        %add3A_1520 = arith.constant 2 : i32
        %add3A_1521 = arith.addi %add3A_1519, %add3A_1520 : i32
        %get3A_1522 = arith.constant 1 : i32
        %get3A_1523 = arith.index_cast %get3A_1522 : i32 to index
        %get3A_1524 = arith.index_cast %add3A_1521 : i32 to index
        %get3A_1525 = arith.constant 0 : index
        %get3A_1526 = tpu.vector_load %arg6[%get3A_1523, %get3A_1524, %get3A_1525] {strides = array<i32>} : memref<2x800x32xf32, #tpu.memory_space<vmem>>, vector<1x1x16xf32>,
        %get3A_1527 = vector.shape_cast %get3A_1526 : vector<1x1x16xf32> to vector<16xf32>
        %add3A_1528 = arith.addf %scan3A_1469, %get3A_1527 : vector<16xf32>
        %add3A_1529 = arith.constant 600 : i32
        %add3A_1530 = arith.addi %add3A_1529, %mul3A_1474 : i32
        %add3A_1531 = arith.constant 2 : i32
        %add3A_1532 = arith.addi %add3A_1530, %add3A_1531 : i32
        %get3A_1533 = arith.constant 1 : i32
        %get3A_1534 = arith.index_cast %get3A_1533 : i32 to index
        %get3A_1535 = arith.index_cast %add3A_1532 : i32 to index
        %get3A_1536 = arith.constant 16 : index
        %get3A_1537 = tpu.vector_load %arg6[%get3A_1534, %get3A_1535, %get3A_1536] {strides = array<i32>} : memref<2x800x32xf32, #tpu.memory_space<vmem>>, vector<1x1x16xf32>,
        %get3A_1538 = vector.shape_cast %get3A_1537 : vector<1x1x16xf32> to vector<16xf32>
        %add3A_1539 = arith.addf %scan3A_1470, %get3A_1538 : vector<16xf32>
        %add3A_1540 = arith.constant 600 : i32
        %add3A_1541 = arith.addi %add3A_1540, %mul3A_1474 : i32
        %add3A_1542 = arith.constant 3 : i32
        %add3A_1543 = arith.addi %add3A_1541, %add3A_1542 : i32
        %get3A_1544 = arith.constant 1 : i32
        %get3A_1545 = arith.index_cast %get3A_1544 : i32 to index
        %get3A_1546 = arith.index_cast %add3A_1543 : i32 to index
        %get3A_1547 = arith.constant 0 : index
        %get3A_1548 = tpu.vector_load %arg6[%get3A_1545, %get3A_1546, %get3A_1547] {strides = array<i32>} : memref<2x800x32xf32, #tpu.memory_space<vmem>>, vector<1x1x16xf32>,
        %get3A_1549 = vector.shape_cast %get3A_1548 : vector<1x1x16xf32> to vector<16xf32>
        %add3A_1550 = arith.addf %scan3A_1471, %get3A_1549 : vector<16xf32>
        %add3A_1551 = arith.constant 600 : i32
        %add3A_1552 = arith.addi %add3A_1551, %mul3A_1474 : i32
        %add3A_1553 = arith.constant 3 : i32
        %add3A_1554 = arith.addi %add3A_1552, %add3A_1553 : i32
        %get3A_1555 = arith.constant 1 : i32
        %get3A_1556 = arith.index_cast %get3A_1555 : i32 to index
        %get3A_1557 = arith.index_cast %add3A_1554 : i32 to index
        %get3A_1558 = arith.constant 16 : index
        %get3A_1559 = tpu.vector_load %arg6[%get3A_1556, %get3A_1557, %get3A_1558] {strides = array<i32>} : memref<2x800x32xf32, #tpu.memory_space<vmem>>, vector<1x1x16xf32>,
        %get3A_1560 = vector.shape_cast %get3A_1559 : vector<1x1x16xf32> to vector<16xf32>
        %add3A_1561 = arith.addf %scan3A_1472, %get3A_1560 : vector<16xf32>
        scf.yield %add3A_1484, %add3A_1495, %add3A_1506, %add3A_1517, %add3A_1528, %add3A_1539, %add3A_1550, %add3A_1561 : vector<16xf32>, vector<16xf32>, vector<16xf32>, vector<16xf32>, vector<16xf32>, vector<16xf32>, vector<16xf32>, vector<16xf32>
      }
      %scan3A_1307 = arith.constant 50 : i32
      %add3A_1308 = arith.addf %scan3A_1306#0, %scan3A_1306#2 : vector<16xf32>
      %add3A_1309 = arith.addf %scan3A_1306#4, %scan3A_1306#6 : vector<16xf32>
      %add3A_1310 = arith.addf %add3A_1308, %add3A_1309 : vector<16xf32>
      %add3A_1311 = arith.addf %scan3A_1306#1, %scan3A_1306#3 : vector<16xf32>
      %add3A_1312 = arith.addf %scan3A_1306#5, %scan3A_1306#7 : vector<16xf32>
      %add3A_1313 = arith.addf %add3A_1311, %add3A_1312 : vector<16xf32>
      %mul3A_1314 = arith.constant 5.000000e-03 : f32
      %mul3A_1315 = vector.broadcast %mul3A_1314 : f32 to vector<16xf32>
      %mul3A_1316 = arith.mulf %add3A_1310, %mul3A_1315 : vector<16xf32>
      %add3A_1317 = arith.constant 3 : i32
      %add3A_1318 = arith.addi %mul3A_1197, %add3A_1317 : i32
      %swap3A_1319 = arith.index_cast %add3A_1318 : i32 to index
      %swap3A_1320 = arith.constant 0 : index
      %swap3A_1321 = tpu.vector_load %arg7[%swap3A_1319, %swap3A_1320] {strides = array<i32>} : memref<128x32xf32, #tpu.memory_space<vmem>>, vector<1x16xf32>,
      %swap3A_1322 = vector.shape_cast %swap3A_1321 : vector<1x16xf32> to vector<16xf32>
      %swap3A_1323 = vector.shape_cast %mul3A_1316 : vector<16xf32> to vector<1x16xf32>
      tpu.vector_store %arg7[%swap3A_1319, %swap3A_1320], %swap3A_1323 {strides = array<i32>} : memref<128x32xf32, #tpu.memory_space<vmem>>, vector<1x16xf32>,
      %mul3A_1324 = arith.constant 5.000000e-03 : f32
      %mul3A_1325 = vector.broadcast %mul3A_1324 : f32 to vector<16xf32>
      %mul3A_1326 = arith.mulf %add3A_1313, %mul3A_1325 : vector<16xf32>
      %add3A_1327 = arith.constant 3 : i32
      %add3A_1328 = arith.addi %mul3A_1197, %add3A_1327 : i32
      %swap3A_1329 = arith.index_cast %add3A_1328 : i32 to index
      %swap3A_1330 = arith.constant 16 : index
      %swap3A_1331 = tpu.vector_load %arg7[%swap3A_1329, %swap3A_1330] {strides = array<i32>} : memref<128x32xf32, #tpu.memory_space<vmem>>, vector<1x16xf32>,
      %swap3A_1332 = vector.shape_cast %swap3A_1331 : vector<1x16xf32> to vector<16xf32>
      %swap3A_1333 = vector.shape_cast %mul3A_1326 : vector<16xf32> to vector<1x16xf32>
      tpu.vector_store %arg7[%swap3A_1329, %swap3A_1330], %swap3A_1333 {strides = array<i32>} : memref<128x32xf32, #tpu.memory_space<vmem>>, vector<1x16xf32>,
      %add3A_1334 = arith.constant 2 : i32
      %add3A_1335 = arith.addi %add3A_1067, %add3A_1334 : i32
      %mul3A_1336 = arith.constant 4 : i32
      %mul3A_1337 = arith.muli %add3A_1335, %mul3A_1336 : i32
      %add3A_1338 = arith.constant 0 : i32
      %add3A_1339 = arith.addi %mul3A_1337, %add3A_1338 : i32
      %mul3A_1340 = arith.constant 2 : i32
      %mul3A_1341 = arith.muli %mul3A_1340, %add3A_1339 : i32
      %mul3A_1342 = arith.constant 2 : i32
      %mul3A_1343 = arith.muli %mul3A_1342, %add3A_1339 : i32
      %add3A_1344 = arith.constant 1 : i32
      %add3A_1345 = arith.addi %mul3A_1343, %add3A_1344 : i32
      %mul3A_1346 = arith.constant 4 : i32
      %mul3A_1347 = arith.muli %add3A_1335, %mul3A_1346 : i32
      %add3A_1348 = arith.constant 1 : i32
      %add3A_1349 = arith.addi %mul3A_1347, %add3A_1348 : i32
      %mul3A_1350 = arith.constant 2 : i32
      %mul3A_1351 = arith.muli %mul3A_1350, %add3A_1349 : i32
      %mul3A_1352 = arith.constant 2 : i32
      %mul3A_1353 = arith.muli %mul3A_1352, %add3A_1349 : i32
      %add3A_1354 = arith.constant 1 : i32
      %add3A_1355 = arith.addi %mul3A_1353, %add3A_1354 : i32
      %mul3A_1356 = arith.constant 4 : i32
      %mul3A_1357 = arith.muli %add3A_1335, %mul3A_1356 : i32
      %add3A_1358 = arith.constant 2 : i32
      %add3A_1359 = arith.addi %mul3A_1357, %add3A_1358 : i32
      %mul3A_1360 = arith.constant 2 : i32
      %mul3A_1361 = arith.muli %mul3A_1360, %add3A_1359 : i32
      %mul3A_1362 = arith.constant 2 : i32
      %mul3A_1363 = arith.muli %mul3A_1362, %add3A_1359 : i32
      %add3A_1364 = arith.constant 1 : i32
      %add3A_1365 = arith.addi %mul3A_1363, %add3A_1364 : i32
      %mul3A_1366 = arith.constant 4 : i32
      %mul3A_1367 = arith.muli %add3A_1335, %mul3A_1366 : i32
      %add3A_1368 = arith.constant 3 : i32
      %add3A_1369 = arith.addi %mul3A_1367, %add3A_1368 : i32
      %mul3A_1370 = arith.constant 2 : i32
      %mul3A_1371 = arith.muli %mul3A_1370, %add3A_1369 : i32
      %mul3A_1372 = arith.constant 2 : i32
      %mul3A_1373 = arith.muli %mul3A_1372, %add3A_1369 : i32
      %add3A_1374 = arith.constant 1 : i32
      %add3A_1375 = arith.addi %mul3A_1373, %add3A_1374 : i32
      %dma_start3A_1376 = arith.constant 1 : i32
      %dma_start3A_1377 = arith.constant 0 : i32
      %dma_start3A_1378 = arith.constant 0 : i32
      %dma_start3A_1379 = tpu.memref_slice %arg6[%dma_start3A_1376, %dma_start3A_1377, %dma_start3A_1378] : memref<2x800x32xf32, #tpu.memory_space<vmem>> -> memref<1x128x32xf32, #tpu.memory_space<vmem>>
      %dma_start3A_1380 = tpu.memref_squeeze %dma_start3A_1379 : memref<1x128x32xf32, #tpu.memory_space<vmem>> -> memref<128x32xf32, #tpu.memory_space<vmem>>
      %dma_start3A_1381 = arith.constant 0 : i32
      %dma_start3A_1382 = tpu.memref_slice %arg5[%mul3A_1341, %dma_start3A_1381] : memref<256x128xi32, #tpu.memory_space<vmem>> -> memref<1x128xi32, #tpu.memory_space<vmem>>
      %dma_start3A_1383 = tpu.memref_squeeze %dma_start3A_1382 : memref<1x128xi32, #tpu.memory_space<vmem>> -> memref<128xi32, #tpu.memory_space<vmem>>
      %dma_start3A_1384 = arith.constant 0 : i32
      %dma_start3A_1385 = arith.constant 0 : i32
      %dma_start3A_1386 = tpu.memref_slice %arg3[%dma_start3A_1384, %dma_start3A_1385] : memref<1000000x32xf32, #tpu.memory_space<hbm>> -> memref<1000000x32xf32, #tpu.memory_space<hbm>>
      tpu.enqueue_indirect_dma source(%dma_start3A_1386 : memref<1000000x32xf32, #tpu.memory_space<hbm>>) target(%dma_start3A_1380 : memref<128x32xf32, #tpu.memory_space<vmem>>) offsets(%dma_start3A_1383 : memref<128xi32, #tpu.memory_space<vmem>>) semaphore(%arg10 : memref<!tpu.dma_semaphore, #tpu.memory_space<semaphore_mem>>)
      %dma_start3A_1387 = arith.constant 1 : i32
      %dma_start3A_1388 = arith.constant 128 : i32
      %dma_start3A_1389 = arith.constant 0 : i32
      %dma_start3A_1390 = tpu.memref_slice %arg6[%dma_start3A_1387, %dma_start3A_1388, %dma_start3A_1389] : memref<2x800x32xf32, #tpu.memory_space<vmem>> -> memref<1x72x32xf32, #tpu.memory_space<vmem>>
      %dma_start3A_1391 = tpu.memref_squeeze %dma_start3A_1390 : memref<1x72x32xf32, #tpu.memory_space<vmem>> -> memref<72x32xf32, #tpu.memory_space<vmem>>
      %dma_start3A_1392 = arith.constant 0 : i32
      %dma_start3A_1393 = tpu.memref_slice %arg5[%add3A_1345, %dma_start3A_1392] : memref<256x128xi32, #tpu.memory_space<vmem>> -> memref<1x72xi32, #tpu.memory_space<vmem>>
      %dma_start3A_1394 = tpu.memref_squeeze %dma_start3A_1393 : memref<1x72xi32, #tpu.memory_space<vmem>> -> memref<72xi32, #tpu.memory_space<vmem>>
      %dma_start3A_1395 = arith.constant 0 : i32
      %dma_start3A_1396 = arith.constant 0 : i32
      %dma_start3A_1397 = tpu.memref_slice %arg3[%dma_start3A_1395, %dma_start3A_1396] : memref<1000000x32xf32, #tpu.memory_space<hbm>> -> memref<1000000x32xf32, #tpu.memory_space<hbm>>
      tpu.enqueue_indirect_dma source(%dma_start3A_1397 : memref<1000000x32xf32, #tpu.memory_space<hbm>>) target(%dma_start3A_1391 : memref<72x32xf32, #tpu.memory_space<vmem>>) offsets(%dma_start3A_1394 : memref<72xi32, #tpu.memory_space<vmem>>) semaphore(%arg10 : memref<!tpu.dma_semaphore, #tpu.memory_space<semaphore_mem>>)
      %dma_start3A_1398 = arith.constant 1 : i32
      %dma_start3A_1399 = arith.constant 200 : i32
      %dma_start3A_1400 = arith.constant 0 : i32
      %dma_start3A_1401 = tpu.memref_slice %arg6[%dma_start3A_1398, %dma_start3A_1399, %dma_start3A_1400] : memref<2x800x32xf32, #tpu.memory_space<vmem>> -> memref<1x128x32xf32, #tpu.memory_space<vmem>>
      %dma_start3A_1402 = tpu.memref_squeeze %dma_start3A_1401 : memref<1x128x32xf32, #tpu.memory_space<vmem>> -> memref<128x32xf32, #tpu.memory_space<vmem>>
      %dma_start3A_1403 = arith.constant 0 : i32
      %dma_start3A_1404 = tpu.memref_slice %arg5[%mul3A_1351, %dma_start3A_1403] : memref<256x128xi32, #tpu.memory_space<vmem>> -> memref<1x128xi32, #tpu.memory_space<vmem>>
      %dma_start3A_1405 = tpu.memref_squeeze %dma_start3A_1404 : memref<1x128xi32, #tpu.memory_space<vmem>> -> memref<128xi32, #tpu.memory_space<vmem>>
      %dma_start3A_1406 = arith.constant 0 : i32
      %dma_start3A_1407 = arith.constant 0 : i32
      %dma_start3A_1408 = tpu.memref_slice %arg3[%dma_start3A_1406, %dma_start3A_1407] : memref<1000000x32xf32, #tpu.memory_space<hbm>> -> memref<1000000x32xf32, #tpu.memory_space<hbm>>
      tpu.enqueue_indirect_dma source(%dma_start3A_1408 : memref<1000000x32xf32, #tpu.memory_space<hbm>>) target(%dma_start3A_1402 : memref<128x32xf32, #tpu.memory_space<vmem>>) offsets(%dma_start3A_1405 : memref<128xi32, #tpu.memory_space<vmem>>) semaphore(%arg10 : memref<!tpu.dma_semaphore, #tpu.memory_space<semaphore_mem>>)
      %dma_start3A_1409 = arith.constant 1 : i32
      %dma_start3A_1410 = arith.constant 328 : i32
      %dma_start3A_1411 = arith.constant 0 : i32
      %dma_start3A_1412 = tpu.memref_slice %arg6[%dma_start3A_1409, %dma_start3A_1410, %dma_start3A_1411] : memref<2x800x32xf32, #tpu.memory_space<vmem>> -> memref<1x72x32xf32, #tpu.memory_space<vmem>>
      %dma_start3A_1413 = tpu.memref_squeeze %dma_start3A_1412 : memref<1x72x32xf32, #tpu.memory_space<vmem>> -> memref<72x32xf32, #tpu.memory_space<vmem>>
      %dma_start3A_1414 = arith.constant 0 : i32
      %dma_start3A_1415 = tpu.memref_slice %arg5[%add3A_1355, %dma_start3A_1414] : memref<256x128xi32, #tpu.memory_space<vmem>> -> memref<1x72xi32, #tpu.memory_space<vmem>>
      %dma_start3A_1416 = tpu.memref_squeeze %dma_start3A_1415 : memref<1x72xi32, #tpu.memory_space<vmem>> -> memref<72xi32, #tpu.memory_space<vmem>>
      %dma_start3A_1417 = arith.constant 0 : i32
      %dma_start3A_1418 = arith.constant 0 : i32
      %dma_start3A_1419 = tpu.memref_slice %arg3[%dma_start3A_1417, %dma_start3A_1418] : memref<1000000x32xf32, #tpu.memory_space<hbm>> -> memref<1000000x32xf32, #tpu.memory_space<hbm>>
      tpu.enqueue_indirect_dma source(%dma_start3A_1419 : memref<1000000x32xf32, #tpu.memory_space<hbm>>) target(%dma_start3A_1413 : memref<72x32xf32, #tpu.memory_space<vmem>>) offsets(%dma_start3A_1416 : memref<72xi32, #tpu.memory_space<vmem>>) semaphore(%arg10 : memref<!tpu.dma_semaphore, #tpu.memory_space<semaphore_mem>>)
      %dma_start3A_1420 = arith.constant 1 : i32
      %dma_start3A_1421 = arith.constant 400 : i32
      %dma_start3A_1422 = arith.constant 0 : i32
      %dma_start3A_1423 = tpu.memref_slice %arg6[%dma_start3A_1420, %dma_start3A_1421, %dma_start3A_1422] : memref<2x800x32xf32, #tpu.memory_space<vmem>> -> memref<1x128x32xf32, #tpu.memory_space<vmem>>
      %dma_start3A_1424 = tpu.memref_squeeze %dma_start3A_1423 : memref<1x128x32xf32, #tpu.memory_space<vmem>> -> memref<128x32xf32, #tpu.memory_space<vmem>>
      %dma_start3A_1425 = arith.constant 0 : i32
      %dma_start3A_1426 = tpu.memref_slice %arg5[%mul3A_1361, %dma_start3A_1425] : memref<256x128xi32, #tpu.memory_space<vmem>> -> memref<1x128xi32, #tpu.memory_space<vmem>>
      %dma_start3A_1427 = tpu.memref_squeeze %dma_start3A_1426 : memref<1x128xi32, #tpu.memory_space<vmem>> -> memref<128xi32, #tpu.memory_space<vmem>>
      %dma_start3A_1428 = arith.constant 0 : i32
      %dma_start3A_1429 = arith.constant 0 : i32
      %dma_start3A_1430 = tpu.memref_slice %arg3[%dma_start3A_1428, %dma_start3A_1429] : memref<1000000x32xf32, #tpu.memory_space<hbm>> -> memref<1000000x32xf32, #tpu.memory_space<hbm>>
      tpu.enqueue_indirect_dma source(%dma_start3A_1430 : memref<1000000x32xf32, #tpu.memory_space<hbm>>) target(%dma_start3A_1424 : memref<128x32xf32, #tpu.memory_space<vmem>>) offsets(%dma_start3A_1427 : memref<128xi32, #tpu.memory_space<vmem>>) semaphore(%arg10 : memref<!tpu.dma_semaphore, #tpu.memory_space<semaphore_mem>>)
      %dma_start3A_1431 = arith.constant 1 : i32
      %dma_start3A_1432 = arith.constant 528 : i32
      %dma_start3A_1433 = arith.constant 0 : i32
      %dma_start3A_1434 = tpu.memref_slice %arg6[%dma_start3A_1431, %dma_start3A_1432, %dma_start3A_1433] : memref<2x800x32xf32, #tpu.memory_space<vmem>> -> memref<1x72x32xf32, #tpu.memory_space<vmem>>
      %dma_start3A_1435 = tpu.memref_squeeze %dma_start3A_1434 : memref<1x72x32xf32, #tpu.memory_space<vmem>> -> memref<72x32xf32, #tpu.memory_space<vmem>>
      %dma_start3A_1436 = arith.constant 0 : i32
      %dma_start3A_1437 = tpu.memref_slice %arg5[%add3A_1365, %dma_start3A_1436] : memref<256x128xi32, #tpu.memory_space<vmem>> -> memref<1x72xi32, #tpu.memory_space<vmem>>
      %dma_start3A_1438 = tpu.memref_squeeze %dma_start3A_1437 : memref<1x72xi32, #tpu.memory_space<vmem>> -> memref<72xi32, #tpu.memory_space<vmem>>
      %dma_start3A_1439 = arith.constant 0 : i32
      %dma_start3A_1440 = arith.constant 0 : i32
      %dma_start3A_1441 = tpu.memref_slice %arg3[%dma_start3A_1439, %dma_start3A_1440] : memref<1000000x32xf32, #tpu.memory_space<hbm>> -> memref<1000000x32xf32, #tpu.memory_space<hbm>>
      tpu.enqueue_indirect_dma source(%dma_start3A_1441 : memref<1000000x32xf32, #tpu.memory_space<hbm>>) target(%dma_start3A_1435 : memref<72x32xf32, #tpu.memory_space<vmem>>) offsets(%dma_start3A_1438 : memref<72xi32, #tpu.memory_space<vmem>>) semaphore(%arg10 : memref<!tpu.dma_semaphore, #tpu.memory_space<semaphore_mem>>)
      %dma_start3A_1442 = arith.constant 1 : i32
      %dma_start3A_1443 = arith.constant 600 : i32
      %dma_start3A_1444 = arith.constant 0 : i32
      %dma_start3A_1445 = tpu.memref_slice %arg6[%dma_start3A_1442, %dma_start3A_1443, %dma_start3A_1444] : memref<2x800x32xf32, #tpu.memory_space<vmem>> -> memref<1x128x32xf32, #tpu.memory_space<vmem>>
      %dma_start3A_1446 = tpu.memref_squeeze %dma_start3A_1445 : memref<1x128x32xf32, #tpu.memory_space<vmem>> -> memref<128x32xf32, #tpu.memory_space<vmem>>
      %dma_start3A_1447 = arith.constant 0 : i32
      %dma_start3A_1448 = tpu.memref_slice %arg5[%mul3A_1371, %dma_start3A_1447] : memref<256x128xi32, #tpu.memory_space<vmem>> -> memref<1x128xi32, #tpu.memory_space<vmem>>
      %dma_start3A_1449 = tpu.memref_squeeze %dma_start3A_1448 : memref<1x128xi32, #tpu.memory_space<vmem>> -> memref<128xi32, #tpu.memory_space<vmem>>
      %dma_start3A_1450 = arith.constant 0 : i32
      %dma_start3A_1451 = arith.constant 0 : i32
      %dma_start3A_1452 = tpu.memref_slice %arg3[%dma_start3A_1450, %dma_start3A_1451] : memref<1000000x32xf32, #tpu.memory_space<hbm>> -> memref<1000000x32xf32, #tpu.memory_space<hbm>>
      tpu.enqueue_indirect_dma source(%dma_start3A_1452 : memref<1000000x32xf32, #tpu.memory_space<hbm>>) target(%dma_start3A_1446 : memref<128x32xf32, #tpu.memory_space<vmem>>) offsets(%dma_start3A_1449 : memref<128xi32, #tpu.memory_space<vmem>>) semaphore(%arg10 : memref<!tpu.dma_semaphore, #tpu.memory_space<semaphore_mem>>)
      %dma_start3A_1453 = arith.constant 1 : i32
      %dma_start3A_1454 = arith.constant 728 : i32
      %dma_start3A_1455 = arith.constant 0 : i32
      %dma_start3A_1456 = tpu.memref_slice %arg6[%dma_start3A_1453, %dma_start3A_1454, %dma_start3A_1455] : memref<2x800x32xf32, #tpu.memory_space<vmem>> -> memref<1x72x32xf32, #tpu.memory_space<vmem>>
      %dma_start3A_1457 = tpu.memref_squeeze %dma_start3A_1456 : memref<1x72x32xf32, #tpu.memory_space<vmem>> -> memref<72x32xf32, #tpu.memory_space<vmem>>
      %dma_start3A_1458 = arith.constant 0 : i32
      %dma_start3A_1459 = tpu.memref_slice %arg5[%add3A_1375, %dma_start3A_1458] : memref<256x128xi32, #tpu.memory_space<vmem>> -> memref<1x72xi32, #tpu.memory_space<vmem>>
      %dma_start3A_1460 = tpu.memref_squeeze %dma_start3A_1459 : memref<1x72xi32, #tpu.memory_space<vmem>> -> memref<72xi32, #tpu.memory_space<vmem>>
      %dma_start3A_1461 = arith.constant 0 : i32
      %dma_start3A_1462 = arith.constant 0 : i32
      %dma_start3A_1463 = tpu.memref_slice %arg3[%dma_start3A_1461, %dma_start3A_1462] : memref<1000000x32xf32, #tpu.memory_space<hbm>> -> memref<1000000x32xf32, #tpu.memory_space<hbm>>
      tpu.enqueue_indirect_dma source(%dma_start3A_1463 : memref<1000000x32xf32, #tpu.memory_space<hbm>>) target(%dma_start3A_1457 : memref<72x32xf32, #tpu.memory_space<vmem>>) offsets(%dma_start3A_1460 : memref<72xi32, #tpu.memory_space<vmem>>) semaphore(%arg10 : memref<!tpu.dma_semaphore, #tpu.memory_space<semaphore_mem>>)
    }
    %scan3A_212 = arith.constant 15 : i32
    %dma_wait3A_213 = arith.constant 240 : i32
    %dma_wait3A_214 = arith.constant 0 : i32
    %dma_wait3A_215 = arith.constant 0 : i32
    %dma_wait3A_216 = arith.constant 0 : i32
    %dma_wait3A_217 = tpu.memref_slice %arg6[%dma_wait3A_214, %dma_wait3A_215, %dma_wait3A_216] : memref<2x800x32xf32, #tpu.memory_space<vmem>> -> memref<1x128x32xf32, #tpu.memory_space<vmem>>
    %dma_wait3A_218 = tpu.memref_squeeze %dma_wait3A_217 : memref<1x128x32xf32, #tpu.memory_space<vmem>> -> memref<128x32xf32, #tpu.memory_space<vmem>>
    %dma_wait3A_219 = arith.constant 0 : i32
    %dma_wait3A_220 = tpu.memref_slice %arg5[%dma_wait3A_213, %dma_wait3A_219] : memref<256x128xi32, #tpu.memory_space<vmem>> -> memref<1x128xi32, #tpu.memory_space<vmem>>
    %dma_wait3A_221 = tpu.memref_squeeze %dma_wait3A_220 : memref<1x128xi32, #tpu.memory_space<vmem>> -> memref<128xi32, #tpu.memory_space<vmem>>
    %dma_wait3A_222 = arith.constant 0 : i32
    %dma_wait3A_223 = arith.constant 0 : i32
    %dma_wait3A_224 = tpu.memref_slice %arg3[%dma_wait3A_222, %dma_wait3A_223] : memref<1000000x32xf32, #tpu.memory_space<hbm>> -> memref<1000000x32xf32, #tpu.memory_space<hbm>>
    tpu.wait_indirect_dma semaphore(%arg9 : memref<!tpu.dma_semaphore, #tpu.memory_space<semaphore_mem>>) src(%dma_wait3A_224 : memref<1000000x32xf32, #tpu.memory_space<hbm>>) dst(%dma_wait3A_218 : memref<128x32xf32, #tpu.memory_space<vmem>>)
    %dma_wait3A_225 = arith.constant 241 : i32
    %dma_wait3A_226 = arith.constant 0 : i32
    %dma_wait3A_227 = arith.constant 128 : i32
    %dma_wait3A_228 = arith.constant 0 : i32
    %dma_wait3A_229 = tpu.memref_slice %arg6[%dma_wait3A_226, %dma_wait3A_227, %dma_wait3A_228] : memref<2x800x32xf32, #tpu.memory_space<vmem>> -> memref<1x72x32xf32, #tpu.memory_space<vmem>>
    %dma_wait3A_230 = tpu.memref_squeeze %dma_wait3A_229 : memref<1x72x32xf32, #tpu.memory_space<vmem>> -> memref<72x32xf32, #tpu.memory_space<vmem>>
    %dma_wait3A_231 = arith.constant 0 : i32
    %dma_wait3A_232 = tpu.memref_slice %arg5[%dma_wait3A_225, %dma_wait3A_231] : memref<256x128xi32, #tpu.memory_space<vmem>> -> memref<1x72xi32, #tpu.memory_space<vmem>>
    %dma_wait3A_233 = tpu.memref_squeeze %dma_wait3A_232 : memref<1x72xi32, #tpu.memory_space<vmem>> -> memref<72xi32, #tpu.memory_space<vmem>>
    %dma_wait3A_234 = arith.constant 0 : i32
    %dma_wait3A_235 = arith.constant 0 : i32
    %dma_wait3A_236 = tpu.memref_slice %arg3[%dma_wait3A_234, %dma_wait3A_235] : memref<1000000x32xf32, #tpu.memory_space<hbm>> -> memref<1000000x32xf32, #tpu.memory_space<hbm>>
    tpu.wait_indirect_dma semaphore(%arg9 : memref<!tpu.dma_semaphore, #tpu.memory_space<semaphore_mem>>) src(%dma_wait3A_236 : memref<1000000x32xf32, #tpu.memory_space<hbm>>) dst(%dma_wait3A_230 : memref<72x32xf32, #tpu.memory_space<vmem>>)
    %dma_wait3A_237 = arith.constant 242 : i32
    %dma_wait3A_238 = arith.constant 0 : i32
    %dma_wait3A_239 = arith.constant 200 : i32
    %dma_wait3A_240 = arith.constant 0 : i32
    %dma_wait3A_241 = tpu.memref_slice %arg6[%dma_wait3A_238, %dma_wait3A_239, %dma_wait3A_240] : memref<2x800x32xf32, #tpu.memory_space<vmem>> -> memref<1x128x32xf32, #tpu.memory_space<vmem>>
    %dma_wait3A_242 = tpu.memref_squeeze %dma_wait3A_241 : memref<1x128x32xf32, #tpu.memory_space<vmem>> -> memref<128x32xf32, #tpu.memory_space<vmem>>
    %dma_wait3A_243 = arith.constant 0 : i32
    %dma_wait3A_244 = tpu.memref_slice %arg5[%dma_wait3A_237, %dma_wait3A_243] : memref<256x128xi32, #tpu.memory_space<vmem>> -> memref<1x128xi32, #tpu.memory_space<vmem>>
    %dma_wait3A_245 = tpu.memref_squeeze %dma_wait3A_244 : memref<1x128xi32, #tpu.memory_space<vmem>> -> memref<128xi32, #tpu.memory_space<vmem>>
    %dma_wait3A_246 = arith.constant 0 : i32
    %dma_wait3A_247 = arith.constant 0 : i32
    %dma_wait3A_248 = tpu.memref_slice %arg3[%dma_wait3A_246, %dma_wait3A_247] : memref<1000000x32xf32, #tpu.memory_space<hbm>> -> memref<1000000x32xf32, #tpu.memory_space<hbm>>
    tpu.wait_indirect_dma semaphore(%arg9 : memref<!tpu.dma_semaphore, #tpu.memory_space<semaphore_mem>>) src(%dma_wait3A_248 : memref<1000000x32xf32, #tpu.memory_space<hbm>>) dst(%dma_wait3A_242 : memref<128x32xf32, #tpu.memory_space<vmem>>)
    %dma_wait3A_249 = arith.constant 243 : i32
    %dma_wait3A_250 = arith.constant 0 : i32
    %dma_wait3A_251 = arith.constant 328 : i32
    %dma_wait3A_252 = arith.constant 0 : i32
    %dma_wait3A_253 = tpu.memref_slice %arg6[%dma_wait3A_250, %dma_wait3A_251, %dma_wait3A_252] : memref<2x800x32xf32, #tpu.memory_space<vmem>> -> memref<1x72x32xf32, #tpu.memory_space<vmem>>
    %dma_wait3A_254 = tpu.memref_squeeze %dma_wait3A_253 : memref<1x72x32xf32, #tpu.memory_space<vmem>> -> memref<72x32xf32, #tpu.memory_space<vmem>>
    %dma_wait3A_255 = arith.constant 0 : i32
    %dma_wait3A_256 = tpu.memref_slice %arg5[%dma_wait3A_249, %dma_wait3A_255] : memref<256x128xi32, #tpu.memory_space<vmem>> -> memref<1x72xi32, #tpu.memory_space<vmem>>
    %dma_wait3A_257 = tpu.memref_squeeze %dma_wait3A_256 : memref<1x72xi32, #tpu.memory_space<vmem>> -> memref<72xi32, #tpu.memory_space<vmem>>
    %dma_wait3A_258 = arith.constant 0 : i32
    %dma_wait3A_259 = arith.constant 0 : i32
    %dma_wait3A_260 = tpu.memref_slice %arg3[%dma_wait3A_258, %dma_wait3A_259] : memref<1000000x32xf32, #tpu.memory_space<hbm>> -> memref<1000000x32xf32, #tpu.memory_space<hbm>>
    tpu.wait_indirect_dma semaphore(%arg9 : memref<!tpu.dma_semaphore, #tpu.memory_space<semaphore_mem>>) src(%dma_wait3A_260 : memref<1000000x32xf32, #tpu.memory_space<hbm>>) dst(%dma_wait3A_254 : memref<72x32xf32, #tpu.memory_space<vmem>>)
    %dma_wait3A_261 = arith.constant 244 : i32
    %dma_wait3A_262 = arith.constant 0 : i32
    %dma_wait3A_263 = arith.constant 400 : i32
    %dma_wait3A_264 = arith.constant 0 : i32
    %dma_wait3A_265 = tpu.memref_slice %arg6[%dma_wait3A_262, %dma_wait3A_263, %dma_wait3A_264] : memref<2x800x32xf32, #tpu.memory_space<vmem>> -> memref<1x128x32xf32, #tpu.memory_space<vmem>>
    %dma_wait3A_266 = tpu.memref_squeeze %dma_wait3A_265 : memref<1x128x32xf32, #tpu.memory_space<vmem>> -> memref<128x32xf32, #tpu.memory_space<vmem>>
    %dma_wait3A_267 = arith.constant 0 : i32
    %dma_wait3A_268 = tpu.memref_slice %arg5[%dma_wait3A_261, %dma_wait3A_267] : memref<256x128xi32, #tpu.memory_space<vmem>> -> memref<1x128xi32, #tpu.memory_space<vmem>>
    %dma_wait3A_269 = tpu.memref_squeeze %dma_wait3A_268 : memref<1x128xi32, #tpu.memory_space<vmem>> -> memref<128xi32, #tpu.memory_space<vmem>>
    %dma_wait3A_270 = arith.constant 0 : i32
    %dma_wait3A_271 = arith.constant 0 : i32
    %dma_wait3A_272 = tpu.memref_slice %arg3[%dma_wait3A_270, %dma_wait3A_271] : memref<1000000x32xf32, #tpu.memory_space<hbm>> -> memref<1000000x32xf32, #tpu.memory_space<hbm>>
    tpu.wait_indirect_dma semaphore(%arg9 : memref<!tpu.dma_semaphore, #tpu.memory_space<semaphore_mem>>) src(%dma_wait3A_272 : memref<1000000x32xf32, #tpu.memory_space<hbm>>) dst(%dma_wait3A_266 : memref<128x32xf32, #tpu.memory_space<vmem>>)
    %dma_wait3A_273 = arith.constant 245 : i32
    %dma_wait3A_274 = arith.constant 0 : i32
    %dma_wait3A_275 = arith.constant 528 : i32
    %dma_wait3A_276 = arith.constant 0 : i32
    %dma_wait3A_277 = tpu.memref_slice %arg6[%dma_wait3A_274, %dma_wait3A_275, %dma_wait3A_276] : memref<2x800x32xf32, #tpu.memory_space<vmem>> -> memref<1x72x32xf32, #tpu.memory_space<vmem>>
    %dma_wait3A_278 = tpu.memref_squeeze %dma_wait3A_277 : memref<1x72x32xf32, #tpu.memory_space<vmem>> -> memref<72x32xf32, #tpu.memory_space<vmem>>
    %dma_wait3A_279 = arith.constant 0 : i32
    %dma_wait3A_280 = tpu.memref_slice %arg5[%dma_wait3A_273, %dma_wait3A_279] : memref<256x128xi32, #tpu.memory_space<vmem>> -> memref<1x72xi32, #tpu.memory_space<vmem>>
    %dma_wait3A_281 = tpu.memref_squeeze %dma_wait3A_280 : memref<1x72xi32, #tpu.memory_space<vmem>> -> memref<72xi32, #tpu.memory_space<vmem>>
    %dma_wait3A_282 = arith.constant 0 : i32
    %dma_wait3A_283 = arith.constant 0 : i32
    %dma_wait3A_284 = tpu.memref_slice %arg3[%dma_wait3A_282, %dma_wait3A_283] : memref<1000000x32xf32, #tpu.memory_space<hbm>> -> memref<1000000x32xf32, #tpu.memory_space<hbm>>
    tpu.wait_indirect_dma semaphore(%arg9 : memref<!tpu.dma_semaphore, #tpu.memory_space<semaphore_mem>>) src(%dma_wait3A_284 : memref<1000000x32xf32, #tpu.memory_space<hbm>>) dst(%dma_wait3A_278 : memref<72x32xf32, #tpu.memory_space<vmem>>)
    %dma_wait3A_285 = arith.constant 246 : i32
    %dma_wait3A_286 = arith.constant 0 : i32
    %dma_wait3A_287 = arith.constant 600 : i32
    %dma_wait3A_288 = arith.constant 0 : i32
    %dma_wait3A_289 = tpu.memref_slice %arg6[%dma_wait3A_286, %dma_wait3A_287, %dma_wait3A_288] : memref<2x800x32xf32, #tpu.memory_space<vmem>> -> memref<1x128x32xf32, #tpu.memory_space<vmem>>
    %dma_wait3A_290 = tpu.memref_squeeze %dma_wait3A_289 : memref<1x128x32xf32, #tpu.memory_space<vmem>> -> memref<128x32xf32, #tpu.memory_space<vmem>>
    %dma_wait3A_291 = arith.constant 0 : i32
    %dma_wait3A_292 = tpu.memref_slice %arg5[%dma_wait3A_285, %dma_wait3A_291] : memref<256x128xi32, #tpu.memory_space<vmem>> -> memref<1x128xi32, #tpu.memory_space<vmem>>
    %dma_wait3A_293 = tpu.memref_squeeze %dma_wait3A_292 : memref<1x128xi32, #tpu.memory_space<vmem>> -> memref<128xi32, #tpu.memory_space<vmem>>
    %dma_wait3A_294 = arith.constant 0 : i32
    %dma_wait3A_295 = arith.constant 0 : i32
    %dma_wait3A_296 = tpu.memref_slice %arg3[%dma_wait3A_294, %dma_wait3A_295] : memref<1000000x32xf32, #tpu.memory_space<hbm>> -> memref<1000000x32xf32, #tpu.memory_space<hbm>>
    tpu.wait_indirect_dma semaphore(%arg9 : memref<!tpu.dma_semaphore, #tpu.memory_space<semaphore_mem>>) src(%dma_wait3A_296 : memref<1000000x32xf32, #tpu.memory_space<hbm>>) dst(%dma_wait3A_290 : memref<128x32xf32, #tpu.memory_space<vmem>>)
    %dma_wait3A_297 = arith.constant 247 : i32
    %dma_wait3A_298 = arith.constant 0 : i32
    %dma_wait3A_299 = arith.constant 728 : i32
    %dma_wait3A_300 = arith.constant 0 : i32
    %dma_wait3A_301 = tpu.memref_slice %arg6[%dma_wait3A_298, %dma_wait3A_299, %dma_wait3A_300] : memref<2x800x32xf32, #tpu.memory_space<vmem>> -> memref<1x72x32xf32, #tpu.memory_space<vmem>>
    %dma_wait3A_302 = tpu.memref_squeeze %dma_wait3A_301 : memref<1x72x32xf32, #tpu.memory_space<vmem>> -> memref<72x32xf32, #tpu.memory_space<vmem>>
    %dma_wait3A_303 = arith.constant 0 : i32
    %dma_wait3A_304 = tpu.memref_slice %arg5[%dma_wait3A_297, %dma_wait3A_303] : memref<256x128xi32, #tpu.memory_space<vmem>> -> memref<1x72xi32, #tpu.memory_space<vmem>>
    %dma_wait3A_305 = tpu.memref_squeeze %dma_wait3A_304 : memref<1x72xi32, #tpu.memory_space<vmem>> -> memref<72xi32, #tpu.memory_space<vmem>>
    %dma_wait3A_306 = arith.constant 0 : i32
    %dma_wait3A_307 = arith.constant 0 : i32
    %dma_wait3A_308 = tpu.memref_slice %arg3[%dma_wait3A_306, %dma_wait3A_307] : memref<1000000x32xf32, #tpu.memory_space<hbm>> -> memref<1000000x32xf32, #tpu.memory_space<hbm>>
    tpu.wait_indirect_dma semaphore(%arg9 : memref<!tpu.dma_semaphore, #tpu.memory_space<semaphore_mem>>) src(%dma_wait3A_308 : memref<1000000x32xf32, #tpu.memory_space<hbm>>) dst(%dma_wait3A_302 : memref<72x32xf32, #tpu.memory_space<vmem>>)
    %broadcast_in_dim3A = arith.constant 0.000000e+00 : f32
    %broadcast_in_dim3A_309 = vector.broadcast %broadcast_in_dim3A : f32 to vector<16xf32>
    %scan3A_310 = arith.constant 0 : i32
    %scan3A_311 = arith.constant 50 : i32
    %scan3A_312 = arith.addi %scan3A_310, %scan3A_311 : i32
    %scan3A_313 = arith.constant 1 : i32
    %scan3A_314:8 = scf.for %scan3A_659 = %scan3A_310 to %scan3A_312 step %scan3A_313 iter_args(%scan3A_660 = %broadcast_in_dim3A_309, %scan3A_661 = %broadcast_in_dim3A_309, %scan3A_662 = %broadcast_in_dim3A_309, %scan3A_663 = %broadcast_in_dim3A_309, %scan3A_664 = %broadcast_in_dim3A_309, %scan3A_665 = %broadcast_in_dim3A_309, %scan3A_666 = %broadcast_in_dim3A_309, %scan3A_667 = %broadcast_in_dim3A_309) -> (vector<16xf32>, vector<16xf32>, vector<16xf32>, vector<16xf32>, vector<16xf32>, vector<16xf32>, vector<16xf32>, vector<16xf32>)  : i32 {
      %mul3A_668 = arith.constant 4 : i32
      %mul3A_669 = arith.muli %scan3A_659, %mul3A_668 : i32
      %add3A_670 = arith.constant 0 : i32
      %add3A_671 = arith.addi %add3A_670, %mul3A_669 : i32
      %add3A_672 = arith.constant 0 : i32
      %add3A_673 = arith.addi %add3A_671, %add3A_672 : i32
      %get3A = arith.constant 0 : i32
      %get3A_674 = arith.index_cast %get3A : i32 to index
      %get3A_675 = arith.index_cast %add3A_673 : i32 to index
      %get3A_676 = arith.constant 0 : index
      %get3A_677 = tpu.vector_load %arg6[%get3A_674, %get3A_675, %get3A_676] {strides = array<i32>} : memref<2x800x32xf32, #tpu.memory_space<vmem>>, vector<1x1x16xf32>,
      %get3A_678 = vector.shape_cast %get3A_677 : vector<1x1x16xf32> to vector<16xf32>
      %add3A_679 = arith.addf %scan3A_660, %get3A_678 : vector<16xf32>
      %add3A_680 = arith.constant 0 : i32
      %add3A_681 = arith.addi %add3A_680, %mul3A_669 : i32
      %add3A_682 = arith.constant 0 : i32
      %add3A_683 = arith.addi %add3A_681, %add3A_682 : i32
      %get3A_684 = arith.constant 0 : i32
      %get3A_685 = arith.index_cast %get3A_684 : i32 to index
      %get3A_686 = arith.index_cast %add3A_683 : i32 to index
      %get3A_687 = arith.constant 16 : index
      %get3A_688 = tpu.vector_load %arg6[%get3A_685, %get3A_686, %get3A_687] {strides = array<i32>} : memref<2x800x32xf32, #tpu.memory_space<vmem>>, vector<1x1x16xf32>,
      %get3A_689 = vector.shape_cast %get3A_688 : vector<1x1x16xf32> to vector<16xf32>
      %add3A_690 = arith.addf %scan3A_661, %get3A_689 : vector<16xf32>
      %add3A_691 = arith.constant 0 : i32
      %add3A_692 = arith.addi %add3A_691, %mul3A_669 : i32
      %add3A_693 = arith.constant 1 : i32
      %add3A_694 = arith.addi %add3A_692, %add3A_693 : i32
      %get3A_695 = arith.constant 0 : i32
      %get3A_696 = arith.index_cast %get3A_695 : i32 to index
      %get3A_697 = arith.index_cast %add3A_694 : i32 to index
      %get3A_698 = arith.constant 0 : index
      %get3A_699 = tpu.vector_load %arg6[%get3A_696, %get3A_697, %get3A_698] {strides = array<i32>} : memref<2x800x32xf32, #tpu.memory_space<vmem>>, vector<1x1x16xf32>,
      %get3A_700 = vector.shape_cast %get3A_699 : vector<1x1x16xf32> to vector<16xf32>
      %add3A_701 = arith.addf %scan3A_662, %get3A_700 : vector<16xf32>
      %add3A_702 = arith.constant 0 : i32
      %add3A_703 = arith.addi %add3A_702, %mul3A_669 : i32
      %add3A_704 = arith.constant 1 : i32
      %add3A_705 = arith.addi %add3A_703, %add3A_704 : i32
      %get3A_706 = arith.constant 0 : i32
      %get3A_707 = arith.index_cast %get3A_706 : i32 to index
      %get3A_708 = arith.index_cast %add3A_705 : i32 to index
      %get3A_709 = arith.constant 16 : index
      %get3A_710 = tpu.vector_load %arg6[%get3A_707, %get3A_708, %get3A_709] {strides = array<i32>} : memref<2x800x32xf32, #tpu.memory_space<vmem>>, vector<1x1x16xf32>,
      %get3A_711 = vector.shape_cast %get3A_710 : vector<1x1x16xf32> to vector<16xf32>
      %add3A_712 = arith.addf %scan3A_663, %get3A_711 : vector<16xf32>
      %add3A_713 = arith.constant 0 : i32
      %add3A_714 = arith.addi %add3A_713, %mul3A_669 : i32
      %add3A_715 = arith.constant 2 : i32
      %add3A_716 = arith.addi %add3A_714, %add3A_715 : i32
      %get3A_717 = arith.constant 0 : i32
      %get3A_718 = arith.index_cast %get3A_717 : i32 to index
      %get3A_719 = arith.index_cast %add3A_716 : i32 to index
      %get3A_720 = arith.constant 0 : index
      %get3A_721 = tpu.vector_load %arg6[%get3A_718, %get3A_719, %get3A_720] {strides = array<i32>} : memref<2x800x32xf32, #tpu.memory_space<vmem>>, vector<1x1x16xf32>,
      %get3A_722 = vector.shape_cast %get3A_721 : vector<1x1x16xf32> to vector<16xf32>
      %add3A_723 = arith.addf %scan3A_664, %get3A_722 : vector<16xf32>
      %add3A_724 = arith.constant 0 : i32
      %add3A_725 = arith.addi %add3A_724, %mul3A_669 : i32
      %add3A_726 = arith.constant 2 : i32
      %add3A_727 = arith.addi %add3A_725, %add3A_726 : i32
      %get3A_728 = arith.constant 0 : i32
      %get3A_729 = arith.index_cast %get3A_728 : i32 to index
      %get3A_730 = arith.index_cast %add3A_727 : i32 to index
      %get3A_731 = arith.constant 16 : index
      %get3A_732 = tpu.vector_load %arg6[%get3A_729, %get3A_730, %get3A_731] {strides = array<i32>} : memref<2x800x32xf32, #tpu.memory_space<vmem>>, vector<1x1x16xf32>,
      %get3A_733 = vector.shape_cast %get3A_732 : vector<1x1x16xf32> to vector<16xf32>
      %add3A_734 = arith.addf %scan3A_665, %get3A_733 : vector<16xf32>
      %add3A_735 = arith.constant 0 : i32
      %add3A_736 = arith.addi %add3A_735, %mul3A_669 : i32
      %add3A_737 = arith.constant 3 : i32
      %add3A_738 = arith.addi %add3A_736, %add3A_737 : i32
      %get3A_739 = arith.constant 0 : i32
      %get3A_740 = arith.index_cast %get3A_739 : i32 to index
      %get3A_741 = arith.index_cast %add3A_738 : i32 to index
      %get3A_742 = arith.constant 0 : index
      %get3A_743 = tpu.vector_load %arg6[%get3A_740, %get3A_741, %get3A_742] {strides = array<i32>} : memref<2x800x32xf32, #tpu.memory_space<vmem>>, vector<1x1x16xf32>,
      %get3A_744 = vector.shape_cast %get3A_743 : vector<1x1x16xf32> to vector<16xf32>
      %add3A_745 = arith.addf %scan3A_666, %get3A_744 : vector<16xf32>
      %add3A_746 = arith.constant 0 : i32
      %add3A_747 = arith.addi %add3A_746, %mul3A_669 : i32
      %add3A_748 = arith.constant 3 : i32
      %add3A_749 = arith.addi %add3A_747, %add3A_748 : i32
      %get3A_750 = arith.constant 0 : i32
      %get3A_751 = arith.index_cast %get3A_750 : i32 to index
      %get3A_752 = arith.index_cast %add3A_749 : i32 to index
      %get3A_753 = arith.constant 16 : index
      %get3A_754 = tpu.vector_load %arg6[%get3A_751, %get3A_752, %get3A_753] {strides = array<i32>} : memref<2x800x32xf32, #tpu.memory_space<vmem>>, vector<1x1x16xf32>,
      %get3A_755 = vector.shape_cast %get3A_754 : vector<1x1x16xf32> to vector<16xf32>
      %add3A_756 = arith.addf %scan3A_667, %get3A_755 : vector<16xf32>
      scf.yield %add3A_679, %add3A_690, %add3A_701, %add3A_712, %add3A_723, %add3A_734, %add3A_745, %add3A_756 : vector<16xf32>, vector<16xf32>, vector<16xf32>, vector<16xf32>, vector<16xf32>, vector<16xf32>, vector<16xf32>, vector<16xf32>
    }
    %scan3A_315 = arith.constant 50 : i32
    %add3A_316 = arith.addf %scan3A_314#0, %scan3A_314#2 : vector<16xf32>
    %add3A_317 = arith.addf %scan3A_314#4, %scan3A_314#6 : vector<16xf32>
    %add3A_318 = arith.addf %add3A_316, %add3A_317 : vector<16xf32>
    %add3A_319 = arith.addf %scan3A_314#1, %scan3A_314#3 : vector<16xf32>
    %add3A_320 = arith.addf %scan3A_314#5, %scan3A_314#7 : vector<16xf32>
    %add3A_321 = arith.addf %add3A_319, %add3A_320 : vector<16xf32>
    %mul3A_322 = arith.constant 5.000000e-03 : f32
    %mul3A_323 = vector.broadcast %mul3A_322 : f32 to vector<16xf32>
    %mul3A_324 = arith.mulf %add3A_318, %mul3A_323 : vector<16xf32>
    %swap3A = arith.constant 120 : i32
    %swap3A_325 = arith.index_cast %swap3A : i32 to index
    %swap3A_326 = arith.constant 0 : index
    %swap3A_327 = tpu.vector_load %arg7[%swap3A_325, %swap3A_326] {strides = array<i32>} : memref<128x32xf32, #tpu.memory_space<vmem>>, vector<1x16xf32>,
    %swap3A_328 = vector.shape_cast %swap3A_327 : vector<1x16xf32> to vector<16xf32>
    %swap3A_329 = vector.shape_cast %mul3A_324 : vector<16xf32> to vector<1x16xf32>
    tpu.vector_store %arg7[%swap3A_325, %swap3A_326], %swap3A_329 {strides = array<i32>} : memref<128x32xf32, #tpu.memory_space<vmem>>, vector<1x16xf32>,
    %mul3A_330 = arith.constant 5.000000e-03 : f32
    %mul3A_331 = vector.broadcast %mul3A_330 : f32 to vector<16xf32>
    %mul3A_332 = arith.mulf %add3A_321, %mul3A_331 : vector<16xf32>
    %swap3A_333 = arith.constant 120 : i32
    %swap3A_334 = arith.index_cast %swap3A_333 : i32 to index
    %swap3A_335 = arith.constant 16 : index
    %swap3A_336 = tpu.vector_load %arg7[%swap3A_334, %swap3A_335] {strides = array<i32>} : memref<128x32xf32, #tpu.memory_space<vmem>>, vector<1x16xf32>,
    %swap3A_337 = vector.shape_cast %swap3A_336 : vector<1x16xf32> to vector<16xf32>
    %swap3A_338 = vector.shape_cast %mul3A_332 : vector<16xf32> to vector<1x16xf32>
    tpu.vector_store %arg7[%swap3A_334, %swap3A_335], %swap3A_338 {strides = array<i32>} : memref<128x32xf32, #tpu.memory_space<vmem>>, vector<1x16xf32>,
    %broadcast_in_dim3A_339 = arith.constant 0.000000e+00 : f32
    %broadcast_in_dim3A_340 = vector.broadcast %broadcast_in_dim3A_339 : f32 to vector<16xf32>
    %scan3A_341 = arith.constant 0 : i32
    %scan3A_342 = arith.constant 50 : i32
    %scan3A_343 = arith.addi %scan3A_341, %scan3A_342 : i32
    %scan3A_344 = arith.constant 1 : i32
    %scan3A_345:8 = scf.for %scan3A_659 = %scan3A_341 to %scan3A_343 step %scan3A_344 iter_args(%scan3A_660 = %broadcast_in_dim3A_340, %scan3A_661 = %broadcast_in_dim3A_340, %scan3A_662 = %broadcast_in_dim3A_340, %scan3A_663 = %broadcast_in_dim3A_340, %scan3A_664 = %broadcast_in_dim3A_340, %scan3A_665 = %broadcast_in_dim3A_340, %scan3A_666 = %broadcast_in_dim3A_340, %scan3A_667 = %broadcast_in_dim3A_340) -> (vector<16xf32>, vector<16xf32>, vector<16xf32>, vector<16xf32>, vector<16xf32>, vector<16xf32>, vector<16xf32>, vector<16xf32>)  : i32 {
      %mul3A_668 = arith.constant 4 : i32
      %mul3A_669 = arith.muli %scan3A_659, %mul3A_668 : i32
      %add3A_670 = arith.constant 200 : i32
      %add3A_671 = arith.addi %add3A_670, %mul3A_669 : i32
      %add3A_672 = arith.constant 0 : i32
      %add3A_673 = arith.addi %add3A_671, %add3A_672 : i32
      %get3A = arith.constant 0 : i32
      %get3A_674 = arith.index_cast %get3A : i32 to index
      %get3A_675 = arith.index_cast %add3A_673 : i32 to index
      %get3A_676 = arith.constant 0 : index
      %get3A_677 = tpu.vector_load %arg6[%get3A_674, %get3A_675, %get3A_676] {strides = array<i32>} : memref<2x800x32xf32, #tpu.memory_space<vmem>>, vector<1x1x16xf32>,
      %get3A_678 = vector.shape_cast %get3A_677 : vector<1x1x16xf32> to vector<16xf32>
      %add3A_679 = arith.addf %scan3A_660, %get3A_678 : vector<16xf32>
      %add3A_680 = arith.constant 200 : i32
      %add3A_681 = arith.addi %add3A_680, %mul3A_669 : i32
      %add3A_682 = arith.constant 0 : i32
      %add3A_683 = arith.addi %add3A_681, %add3A_682 : i32
      %get3A_684 = arith.constant 0 : i32
      %get3A_685 = arith.index_cast %get3A_684 : i32 to index
      %get3A_686 = arith.index_cast %add3A_683 : i32 to index
      %get3A_687 = arith.constant 16 : index
      %get3A_688 = tpu.vector_load %arg6[%get3A_685, %get3A_686, %get3A_687] {strides = array<i32>} : memref<2x800x32xf32, #tpu.memory_space<vmem>>, vector<1x1x16xf32>,
      %get3A_689 = vector.shape_cast %get3A_688 : vector<1x1x16xf32> to vector<16xf32>
      %add3A_690 = arith.addf %scan3A_661, %get3A_689 : vector<16xf32>
      %add3A_691 = arith.constant 200 : i32
      %add3A_692 = arith.addi %add3A_691, %mul3A_669 : i32
      %add3A_693 = arith.constant 1 : i32
      %add3A_694 = arith.addi %add3A_692, %add3A_693 : i32
      %get3A_695 = arith.constant 0 : i32
      %get3A_696 = arith.index_cast %get3A_695 : i32 to index
      %get3A_697 = arith.index_cast %add3A_694 : i32 to index
      %get3A_698 = arith.constant 0 : index
      %get3A_699 = tpu.vector_load %arg6[%get3A_696, %get3A_697, %get3A_698] {strides = array<i32>} : memref<2x800x32xf32, #tpu.memory_space<vmem>>, vector<1x1x16xf32>,
      %get3A_700 = vector.shape_cast %get3A_699 : vector<1x1x16xf32> to vector<16xf32>
      %add3A_701 = arith.addf %scan3A_662, %get3A_700 : vector<16xf32>
      %add3A_702 = arith.constant 200 : i32
      %add3A_703 = arith.addi %add3A_702, %mul3A_669 : i32
      %add3A_704 = arith.constant 1 : i32
      %add3A_705 = arith.addi %add3A_703, %add3A_704 : i32
      %get3A_706 = arith.constant 0 : i32
      %get3A_707 = arith.index_cast %get3A_706 : i32 to index
      %get3A_708 = arith.index_cast %add3A_705 : i32 to index
      %get3A_709 = arith.constant 16 : index
      %get3A_710 = tpu.vector_load %arg6[%get3A_707, %get3A_708, %get3A_709] {strides = array<i32>} : memref<2x800x32xf32, #tpu.memory_space<vmem>>, vector<1x1x16xf32>,
      %get3A_711 = vector.shape_cast %get3A_710 : vector<1x1x16xf32> to vector<16xf32>
      %add3A_712 = arith.addf %scan3A_663, %get3A_711 : vector<16xf32>
      %add3A_713 = arith.constant 200 : i32
      %add3A_714 = arith.addi %add3A_713, %mul3A_669 : i32
      %add3A_715 = arith.constant 2 : i32
      %add3A_716 = arith.addi %add3A_714, %add3A_715 : i32
      %get3A_717 = arith.constant 0 : i32
      %get3A_718 = arith.index_cast %get3A_717 : i32 to index
      %get3A_719 = arith.index_cast %add3A_716 : i32 to index
      %get3A_720 = arith.constant 0 : index
      %get3A_721 = tpu.vector_load %arg6[%get3A_718, %get3A_719, %get3A_720] {strides = array<i32>} : memref<2x800x32xf32, #tpu.memory_space<vmem>>, vector<1x1x16xf32>,
      %get3A_722 = vector.shape_cast %get3A_721 : vector<1x1x16xf32> to vector<16xf32>
      %add3A_723 = arith.addf %scan3A_664, %get3A_722 : vector<16xf32>
      %add3A_724 = arith.constant 200 : i32
      %add3A_725 = arith.addi %add3A_724, %mul3A_669 : i32
      %add3A_726 = arith.constant 2 : i32
      %add3A_727 = arith.addi %add3A_725, %add3A_726 : i32
      %get3A_728 = arith.constant 0 : i32
      %get3A_729 = arith.index_cast %get3A_728 : i32 to index
      %get3A_730 = arith.index_cast %add3A_727 : i32 to index
      %get3A_731 = arith.constant 16 : index
      %get3A_732 = tpu.vector_load %arg6[%get3A_729, %get3A_730, %get3A_731] {strides = array<i32>} : memref<2x800x32xf32, #tpu.memory_space<vmem>>, vector<1x1x16xf32>,
      %get3A_733 = vector.shape_cast %get3A_732 : vector<1x1x16xf32> to vector<16xf32>
      %add3A_734 = arith.addf %scan3A_665, %get3A_733 : vector<16xf32>
      %add3A_735 = arith.constant 200 : i32
      %add3A_736 = arith.addi %add3A_735, %mul3A_669 : i32
      %add3A_737 = arith.constant 3 : i32
      %add3A_738 = arith.addi %add3A_736, %add3A_737 : i32
      %get3A_739 = arith.constant 0 : i32
      %get3A_740 = arith.index_cast %get3A_739 : i32 to index
      %get3A_741 = arith.index_cast %add3A_738 : i32 to index
      %get3A_742 = arith.constant 0 : index
      %get3A_743 = tpu.vector_load %arg6[%get3A_740, %get3A_741, %get3A_742] {strides = array<i32>} : memref<2x800x32xf32, #tpu.memory_space<vmem>>, vector<1x1x16xf32>,
      %get3A_744 = vector.shape_cast %get3A_743 : vector<1x1x16xf32> to vector<16xf32>
      %add3A_745 = arith.addf %scan3A_666, %get3A_744 : vector<16xf32>
      %add3A_746 = arith.constant 200 : i32
      %add3A_747 = arith.addi %add3A_746, %mul3A_669 : i32
      %add3A_748 = arith.constant 3 : i32
      %add3A_749 = arith.addi %add3A_747, %add3A_748 : i32
      %get3A_750 = arith.constant 0 : i32
      %get3A_751 = arith.index_cast %get3A_750 : i32 to index
      %get3A_752 = arith.index_cast %add3A_749 : i32 to index
      %get3A_753 = arith.constant 16 : index
      %get3A_754 = tpu.vector_load %arg6[%get3A_751, %get3A_752, %get3A_753] {strides = array<i32>} : memref<2x800x32xf32, #tpu.memory_space<vmem>>, vector<1x1x16xf32>,
      %get3A_755 = vector.shape_cast %get3A_754 : vector<1x1x16xf32> to vector<16xf32>
      %add3A_756 = arith.addf %scan3A_667, %get3A_755 : vector<16xf32>
      scf.yield %add3A_679, %add3A_690, %add3A_701, %add3A_712, %add3A_723, %add3A_734, %add3A_745, %add3A_756 : vector<16xf32>, vector<16xf32>, vector<16xf32>, vector<16xf32>, vector<16xf32>, vector<16xf32>, vector<16xf32>, vector<16xf32>
    }
    %scan3A_346 = arith.constant 50 : i32
    %add3A_347 = arith.addf %scan3A_345#0, %scan3A_345#2 : vector<16xf32>
    %add3A_348 = arith.addf %scan3A_345#4, %scan3A_345#6 : vector<16xf32>
    %add3A_349 = arith.addf %add3A_347, %add3A_348 : vector<16xf32>
    %add3A_350 = arith.addf %scan3A_345#1, %scan3A_345#3 : vector<16xf32>
    %add3A_351 = arith.addf %scan3A_345#5, %scan3A_345#7 : vector<16xf32>
    %add3A_352 = arith.addf %add3A_350, %add3A_351 : vector<16xf32>
    %mul3A_353 = arith.constant 5.000000e-03 : f32
    %mul3A_354 = vector.broadcast %mul3A_353 : f32 to vector<16xf32>
    %mul3A_355 = arith.mulf %add3A_349, %mul3A_354 : vector<16xf32>
    %swap3A_356 = arith.constant 121 : i32
    %swap3A_357 = arith.index_cast %swap3A_356 : i32 to index
    %swap3A_358 = arith.constant 0 : index
    %swap3A_359 = tpu.vector_load %arg7[%swap3A_357, %swap3A_358] {strides = array<i32>} : memref<128x32xf32, #tpu.memory_space<vmem>>, vector<1x16xf32>,
    %swap3A_360 = vector.shape_cast %swap3A_359 : vector<1x16xf32> to vector<16xf32>
    %swap3A_361 = vector.shape_cast %mul3A_355 : vector<16xf32> to vector<1x16xf32>
    tpu.vector_store %arg7[%swap3A_357, %swap3A_358], %swap3A_361 {strides = array<i32>} : memref<128x32xf32, #tpu.memory_space<vmem>>, vector<1x16xf32>,
    %mul3A_362 = arith.constant 5.000000e-03 : f32
    %mul3A_363 = vector.broadcast %mul3A_362 : f32 to vector<16xf32>
    %mul3A_364 = arith.mulf %add3A_352, %mul3A_363 : vector<16xf32>
    %swap3A_365 = arith.constant 121 : i32
    %swap3A_366 = arith.index_cast %swap3A_365 : i32 to index
    %swap3A_367 = arith.constant 16 : index
    %swap3A_368 = tpu.vector_load %arg7[%swap3A_366, %swap3A_367] {strides = array<i32>} : memref<128x32xf32, #tpu.memory_space<vmem>>, vector<1x16xf32>,
    %swap3A_369 = vector.shape_cast %swap3A_368 : vector<1x16xf32> to vector<16xf32>
    %swap3A_370 = vector.shape_cast %mul3A_364 : vector<16xf32> to vector<1x16xf32>
    tpu.vector_store %arg7[%swap3A_366, %swap3A_367], %swap3A_370 {strides = array<i32>} : memref<128x32xf32, #tpu.memory_space<vmem>>, vector<1x16xf32>,
    %broadcast_in_dim3A_371 = arith.constant 0.000000e+00 : f32
    %broadcast_in_dim3A_372 = vector.broadcast %broadcast_in_dim3A_371 : f32 to vector<16xf32>
    %scan3A_373 = arith.constant 0 : i32
    %scan3A_374 = arith.constant 50 : i32
    %scan3A_375 = arith.addi %scan3A_373, %scan3A_374 : i32
    %scan3A_376 = arith.constant 1 : i32
    %scan3A_377:8 = scf.for %scan3A_659 = %scan3A_373 to %scan3A_375 step %scan3A_376 iter_args(%scan3A_660 = %broadcast_in_dim3A_372, %scan3A_661 = %broadcast_in_dim3A_372, %scan3A_662 = %broadcast_in_dim3A_372, %scan3A_663 = %broadcast_in_dim3A_372, %scan3A_664 = %broadcast_in_dim3A_372, %scan3A_665 = %broadcast_in_dim3A_372, %scan3A_666 = %broadcast_in_dim3A_372, %scan3A_667 = %broadcast_in_dim3A_372) -> (vector<16xf32>, vector<16xf32>, vector<16xf32>, vector<16xf32>, vector<16xf32>, vector<16xf32>, vector<16xf32>, vector<16xf32>)  : i32 {
      %mul3A_668 = arith.constant 4 : i32
      %mul3A_669 = arith.muli %scan3A_659, %mul3A_668 : i32
      %add3A_670 = arith.constant 400 : i32
      %add3A_671 = arith.addi %add3A_670, %mul3A_669 : i32
      %add3A_672 = arith.constant 0 : i32
      %add3A_673 = arith.addi %add3A_671, %add3A_672 : i32
      %get3A = arith.constant 0 : i32
      %get3A_674 = arith.index_cast %get3A : i32 to index
      %get3A_675 = arith.index_cast %add3A_673 : i32 to index
      %get3A_676 = arith.constant 0 : index
      %get3A_677 = tpu.vector_load %arg6[%get3A_674, %get3A_675, %get3A_676] {strides = array<i32>} : memref<2x800x32xf32, #tpu.memory_space<vmem>>, vector<1x1x16xf32>,
      %get3A_678 = vector.shape_cast %get3A_677 : vector<1x1x16xf32> to vector<16xf32>
      %add3A_679 = arith.addf %scan3A_660, %get3A_678 : vector<16xf32>
      %add3A_680 = arith.constant 400 : i32
      %add3A_681 = arith.addi %add3A_680, %mul3A_669 : i32
      %add3A_682 = arith.constant 0 : i32
      %add3A_683 = arith.addi %add3A_681, %add3A_682 : i32
      %get3A_684 = arith.constant 0 : i32
      %get3A_685 = arith.index_cast %get3A_684 : i32 to index
      %get3A_686 = arith.index_cast %add3A_683 : i32 to index
      %get3A_687 = arith.constant 16 : index
      %get3A_688 = tpu.vector_load %arg6[%get3A_685, %get3A_686, %get3A_687] {strides = array<i32>} : memref<2x800x32xf32, #tpu.memory_space<vmem>>, vector<1x1x16xf32>,
      %get3A_689 = vector.shape_cast %get3A_688 : vector<1x1x16xf32> to vector<16xf32>
      %add3A_690 = arith.addf %scan3A_661, %get3A_689 : vector<16xf32>
      %add3A_691 = arith.constant 400 : i32
      %add3A_692 = arith.addi %add3A_691, %mul3A_669 : i32
      %add3A_693 = arith.constant 1 : i32
      %add3A_694 = arith.addi %add3A_692, %add3A_693 : i32
      %get3A_695 = arith.constant 0 : i32
      %get3A_696 = arith.index_cast %get3A_695 : i32 to index
      %get3A_697 = arith.index_cast %add3A_694 : i32 to index
      %get3A_698 = arith.constant 0 : index
      %get3A_699 = tpu.vector_load %arg6[%get3A_696, %get3A_697, %get3A_698] {strides = array<i32>} : memref<2x800x32xf32, #tpu.memory_space<vmem>>, vector<1x1x16xf32>,
      %get3A_700 = vector.shape_cast %get3A_699 : vector<1x1x16xf32> to vector<16xf32>
      %add3A_701 = arith.addf %scan3A_662, %get3A_700 : vector<16xf32>
      %add3A_702 = arith.constant 400 : i32
      %add3A_703 = arith.addi %add3A_702, %mul3A_669 : i32
      %add3A_704 = arith.constant 1 : i32
      %add3A_705 = arith.addi %add3A_703, %add3A_704 : i32
      %get3A_706 = arith.constant 0 : i32
      %get3A_707 = arith.index_cast %get3A_706 : i32 to index
      %get3A_708 = arith.index_cast %add3A_705 : i32 to index
      %get3A_709 = arith.constant 16 : index
      %get3A_710 = tpu.vector_load %arg6[%get3A_707, %get3A_708, %get3A_709] {strides = array<i32>} : memref<2x800x32xf32, #tpu.memory_space<vmem>>, vector<1x1x16xf32>,
      %get3A_711 = vector.shape_cast %get3A_710 : vector<1x1x16xf32> to vector<16xf32>
      %add3A_712 = arith.addf %scan3A_663, %get3A_711 : vector<16xf32>
      %add3A_713 = arith.constant 400 : i32
      %add3A_714 = arith.addi %add3A_713, %mul3A_669 : i32
      %add3A_715 = arith.constant 2 : i32
      %add3A_716 = arith.addi %add3A_714, %add3A_715 : i32
      %get3A_717 = arith.constant 0 : i32
      %get3A_718 = arith.index_cast %get3A_717 : i32 to index
      %get3A_719 = arith.index_cast %add3A_716 : i32 to index
      %get3A_720 = arith.constant 0 : index
      %get3A_721 = tpu.vector_load %arg6[%get3A_718, %get3A_719, %get3A_720] {strides = array<i32>} : memref<2x800x32xf32, #tpu.memory_space<vmem>>, vector<1x1x16xf32>,
      %get3A_722 = vector.shape_cast %get3A_721 : vector<1x1x16xf32> to vector<16xf32>
      %add3A_723 = arith.addf %scan3A_664, %get3A_722 : vector<16xf32>
      %add3A_724 = arith.constant 400 : i32
      %add3A_725 = arith.addi %add3A_724, %mul3A_669 : i32
      %add3A_726 = arith.constant 2 : i32
      %add3A_727 = arith.addi %add3A_725, %add3A_726 : i32
      %get3A_728 = arith.constant 0 : i32
      %get3A_729 = arith.index_cast %get3A_728 : i32 to index
      %get3A_730 = arith.index_cast %add3A_727 : i32 to index
      %get3A_731 = arith.constant 16 : index
      %get3A_732 = tpu.vector_load %arg6[%get3A_729, %get3A_730, %get3A_731] {strides = array<i32>} : memref<2x800x32xf32, #tpu.memory_space<vmem>>, vector<1x1x16xf32>,
      %get3A_733 = vector.shape_cast %get3A_732 : vector<1x1x16xf32> to vector<16xf32>
      %add3A_734 = arith.addf %scan3A_665, %get3A_733 : vector<16xf32>
      %add3A_735 = arith.constant 400 : i32
      %add3A_736 = arith.addi %add3A_735, %mul3A_669 : i32
      %add3A_737 = arith.constant 3 : i32
      %add3A_738 = arith.addi %add3A_736, %add3A_737 : i32
      %get3A_739 = arith.constant 0 : i32
      %get3A_740 = arith.index_cast %get3A_739 : i32 to index
      %get3A_741 = arith.index_cast %add3A_738 : i32 to index
      %get3A_742 = arith.constant 0 : index
      %get3A_743 = tpu.vector_load %arg6[%get3A_740, %get3A_741, %get3A_742] {strides = array<i32>} : memref<2x800x32xf32, #tpu.memory_space<vmem>>, vector<1x1x16xf32>,
      %get3A_744 = vector.shape_cast %get3A_743 : vector<1x1x16xf32> to vector<16xf32>
      %add3A_745 = arith.addf %scan3A_666, %get3A_744 : vector<16xf32>
      %add3A_746 = arith.constant 400 : i32
      %add3A_747 = arith.addi %add3A_746, %mul3A_669 : i32
      %add3A_748 = arith.constant 3 : i32
      %add3A_749 = arith.addi %add3A_747, %add3A_748 : i32
      %get3A_750 = arith.constant 0 : i32
      %get3A_751 = arith.index_cast %get3A_750 : i32 to index
      %get3A_752 = arith.index_cast %add3A_749 : i32 to index
      %get3A_753 = arith.constant 16 : index
      %get3A_754 = tpu.vector_load %arg6[%get3A_751, %get3A_752, %get3A_753] {strides = array<i32>} : memref<2x800x32xf32, #tpu.memory_space<vmem>>, vector<1x1x16xf32>,
      %get3A_755 = vector.shape_cast %get3A_754 : vector<1x1x16xf32> to vector<16xf32>
      %add3A_756 = arith.addf %scan3A_667, %get3A_755 : vector<16xf32>
      scf.yield %add3A_679, %add3A_690, %add3A_701, %add3A_712, %add3A_723, %add3A_734, %add3A_745, %add3A_756 : vector<16xf32>, vector<16xf32>, vector<16xf32>, vector<16xf32>, vector<16xf32>, vector<16xf32>, vector<16xf32>, vector<16xf32>
    }
    %scan3A_378 = arith.constant 50 : i32
    %add3A_379 = arith.addf %scan3A_377#0, %scan3A_377#2 : vector<16xf32>
    %add3A_380 = arith.addf %scan3A_377#4, %scan3A_377#6 : vector<16xf32>
    %add3A_381 = arith.addf %add3A_379, %add3A_380 : vector<16xf32>
    %add3A_382 = arith.addf %scan3A_377#1, %scan3A_377#3 : vector<16xf32>
    %add3A_383 = arith.addf %scan3A_377#5, %scan3A_377#7 : vector<16xf32>
    %add3A_384 = arith.addf %add3A_382, %add3A_383 : vector<16xf32>
    %mul3A_385 = arith.constant 5.000000e-03 : f32
    %mul3A_386 = vector.broadcast %mul3A_385 : f32 to vector<16xf32>
    %mul3A_387 = arith.mulf %add3A_381, %mul3A_386 : vector<16xf32>
    %swap3A_388 = arith.constant 122 : i32
    %swap3A_389 = arith.index_cast %swap3A_388 : i32 to index
    %swap3A_390 = arith.constant 0 : index
    %swap3A_391 = tpu.vector_load %arg7[%swap3A_389, %swap3A_390] {strides = array<i32>} : memref<128x32xf32, #tpu.memory_space<vmem>>, vector<1x16xf32>,
    %swap3A_392 = vector.shape_cast %swap3A_391 : vector<1x16xf32> to vector<16xf32>
    %swap3A_393 = vector.shape_cast %mul3A_387 : vector<16xf32> to vector<1x16xf32>
    tpu.vector_store %arg7[%swap3A_389, %swap3A_390], %swap3A_393 {strides = array<i32>} : memref<128x32xf32, #tpu.memory_space<vmem>>, vector<1x16xf32>,
    %mul3A_394 = arith.constant 5.000000e-03 : f32
    %mul3A_395 = vector.broadcast %mul3A_394 : f32 to vector<16xf32>
    %mul3A_396 = arith.mulf %add3A_384, %mul3A_395 : vector<16xf32>
    %swap3A_397 = arith.constant 122 : i32
    %swap3A_398 = arith.index_cast %swap3A_397 : i32 to index
    %swap3A_399 = arith.constant 16 : index
    %swap3A_400 = tpu.vector_load %arg7[%swap3A_398, %swap3A_399] {strides = array<i32>} : memref<128x32xf32, #tpu.memory_space<vmem>>, vector<1x16xf32>,
    %swap3A_401 = vector.shape_cast %swap3A_400 : vector<1x16xf32> to vector<16xf32>
    %swap3A_402 = vector.shape_cast %mul3A_396 : vector<16xf32> to vector<1x16xf32>
    tpu.vector_store %arg7[%swap3A_398, %swap3A_399], %swap3A_402 {strides = array<i32>} : memref<128x32xf32, #tpu.memory_space<vmem>>, vector<1x16xf32>,
    %broadcast_in_dim3A_403 = arith.constant 0.000000e+00 : f32
    %broadcast_in_dim3A_404 = vector.broadcast %broadcast_in_dim3A_403 : f32 to vector<16xf32>
    %scan3A_405 = arith.constant 0 : i32
    %scan3A_406 = arith.constant 50 : i32
    %scan3A_407 = arith.addi %scan3A_405, %scan3A_406 : i32
    %scan3A_408 = arith.constant 1 : i32
    %scan3A_409:8 = scf.for %scan3A_659 = %scan3A_405 to %scan3A_407 step %scan3A_408 iter_args(%scan3A_660 = %broadcast_in_dim3A_404, %scan3A_661 = %broadcast_in_dim3A_404, %scan3A_662 = %broadcast_in_dim3A_404, %scan3A_663 = %broadcast_in_dim3A_404, %scan3A_664 = %broadcast_in_dim3A_404, %scan3A_665 = %broadcast_in_dim3A_404, %scan3A_666 = %broadcast_in_dim3A_404, %scan3A_667 = %broadcast_in_dim3A_404) -> (vector<16xf32>, vector<16xf32>, vector<16xf32>, vector<16xf32>, vector<16xf32>, vector<16xf32>, vector<16xf32>, vector<16xf32>)  : i32 {
      %mul3A_668 = arith.constant 4 : i32
      %mul3A_669 = arith.muli %scan3A_659, %mul3A_668 : i32
      %add3A_670 = arith.constant 600 : i32
      %add3A_671 = arith.addi %add3A_670, %mul3A_669 : i32
      %add3A_672 = arith.constant 0 : i32
      %add3A_673 = arith.addi %add3A_671, %add3A_672 : i32
      %get3A = arith.constant 0 : i32
      %get3A_674 = arith.index_cast %get3A : i32 to index
      %get3A_675 = arith.index_cast %add3A_673 : i32 to index
      %get3A_676 = arith.constant 0 : index
      %get3A_677 = tpu.vector_load %arg6[%get3A_674, %get3A_675, %get3A_676] {strides = array<i32>} : memref<2x800x32xf32, #tpu.memory_space<vmem>>, vector<1x1x16xf32>,
      %get3A_678 = vector.shape_cast %get3A_677 : vector<1x1x16xf32> to vector<16xf32>
      %add3A_679 = arith.addf %scan3A_660, %get3A_678 : vector<16xf32>
      %add3A_680 = arith.constant 600 : i32
      %add3A_681 = arith.addi %add3A_680, %mul3A_669 : i32
      %add3A_682 = arith.constant 0 : i32
      %add3A_683 = arith.addi %add3A_681, %add3A_682 : i32
      %get3A_684 = arith.constant 0 : i32
      %get3A_685 = arith.index_cast %get3A_684 : i32 to index
      %get3A_686 = arith.index_cast %add3A_683 : i32 to index
      %get3A_687 = arith.constant 16 : index
      %get3A_688 = tpu.vector_load %arg6[%get3A_685, %get3A_686, %get3A_687] {strides = array<i32>} : memref<2x800x32xf32, #tpu.memory_space<vmem>>, vector<1x1x16xf32>,
      %get3A_689 = vector.shape_cast %get3A_688 : vector<1x1x16xf32> to vector<16xf32>
      %add3A_690 = arith.addf %scan3A_661, %get3A_689 : vector<16xf32>
      %add3A_691 = arith.constant 600 : i32
      %add3A_692 = arith.addi %add3A_691, %mul3A_669 : i32
      %add3A_693 = arith.constant 1 : i32
      %add3A_694 = arith.addi %add3A_692, %add3A_693 : i32
      %get3A_695 = arith.constant 0 : i32
      %get3A_696 = arith.index_cast %get3A_695 : i32 to index
      %get3A_697 = arith.index_cast %add3A_694 : i32 to index
      %get3A_698 = arith.constant 0 : index
      %get3A_699 = tpu.vector_load %arg6[%get3A_696, %get3A_697, %get3A_698] {strides = array<i32>} : memref<2x800x32xf32, #tpu.memory_space<vmem>>, vector<1x1x16xf32>,
      %get3A_700 = vector.shape_cast %get3A_699 : vector<1x1x16xf32> to vector<16xf32>
      %add3A_701 = arith.addf %scan3A_662, %get3A_700 : vector<16xf32>
      %add3A_702 = arith.constant 600 : i32
      %add3A_703 = arith.addi %add3A_702, %mul3A_669 : i32
      %add3A_704 = arith.constant 1 : i32
      %add3A_705 = arith.addi %add3A_703, %add3A_704 : i32
      %get3A_706 = arith.constant 0 : i32
      %get3A_707 = arith.index_cast %get3A_706 : i32 to index
      %get3A_708 = arith.index_cast %add3A_705 : i32 to index
      %get3A_709 = arith.constant 16 : index
      %get3A_710 = tpu.vector_load %arg6[%get3A_707, %get3A_708, %get3A_709] {strides = array<i32>} : memref<2x800x32xf32, #tpu.memory_space<vmem>>, vector<1x1x16xf32>,
      %get3A_711 = vector.shape_cast %get3A_710 : vector<1x1x16xf32> to vector<16xf32>
      %add3A_712 = arith.addf %scan3A_663, %get3A_711 : vector<16xf32>
      %add3A_713 = arith.constant 600 : i32
      %add3A_714 = arith.addi %add3A_713, %mul3A_669 : i32
      %add3A_715 = arith.constant 2 : i32
      %add3A_716 = arith.addi %add3A_714, %add3A_715 : i32
      %get3A_717 = arith.constant 0 : i32
      %get3A_718 = arith.index_cast %get3A_717 : i32 to index
      %get3A_719 = arith.index_cast %add3A_716 : i32 to index
      %get3A_720 = arith.constant 0 : index
      %get3A_721 = tpu.vector_load %arg6[%get3A_718, %get3A_719, %get3A_720] {strides = array<i32>} : memref<2x800x32xf32, #tpu.memory_space<vmem>>, vector<1x1x16xf32>,
      %get3A_722 = vector.shape_cast %get3A_721 : vector<1x1x16xf32> to vector<16xf32>
      %add3A_723 = arith.addf %scan3A_664, %get3A_722 : vector<16xf32>
      %add3A_724 = arith.constant 600 : i32
      %add3A_725 = arith.addi %add3A_724, %mul3A_669 : i32
      %add3A_726 = arith.constant 2 : i32
      %add3A_727 = arith.addi %add3A_725, %add3A_726 : i32
      %get3A_728 = arith.constant 0 : i32
      %get3A_729 = arith.index_cast %get3A_728 : i32 to index
      %get3A_730 = arith.index_cast %add3A_727 : i32 to index
      %get3A_731 = arith.constant 16 : index
      %get3A_732 = tpu.vector_load %arg6[%get3A_729, %get3A_730, %get3A_731] {strides = array<i32>} : memref<2x800x32xf32, #tpu.memory_space<vmem>>, vector<1x1x16xf32>,
      %get3A_733 = vector.shape_cast %get3A_732 : vector<1x1x16xf32> to vector<16xf32>
      %add3A_734 = arith.addf %scan3A_665, %get3A_733 : vector<16xf32>
      %add3A_735 = arith.constant 600 : i32
      %add3A_736 = arith.addi %add3A_735, %mul3A_669 : i32
      %add3A_737 = arith.constant 3 : i32
      %add3A_738 = arith.addi %add3A_736, %add3A_737 : i32
      %get3A_739 = arith.constant 0 : i32
      %get3A_740 = arith.index_cast %get3A_739 : i32 to index
      %get3A_741 = arith.index_cast %add3A_738 : i32 to index
      %get3A_742 = arith.constant 0 : index
      %get3A_743 = tpu.vector_load %arg6[%get3A_740, %get3A_741, %get3A_742] {strides = array<i32>} : memref<2x800x32xf32, #tpu.memory_space<vmem>>, vector<1x1x16xf32>,
      %get3A_744 = vector.shape_cast %get3A_743 : vector<1x1x16xf32> to vector<16xf32>
      %add3A_745 = arith.addf %scan3A_666, %get3A_744 : vector<16xf32>
      %add3A_746 = arith.constant 600 : i32
      %add3A_747 = arith.addi %add3A_746, %mul3A_669 : i32
      %add3A_748 = arith.constant 3 : i32
      %add3A_749 = arith.addi %add3A_747, %add3A_748 : i32
      %get3A_750 = arith.constant 0 : i32
      %get3A_751 = arith.index_cast %get3A_750 : i32 to index
      %get3A_752 = arith.index_cast %add3A_749 : i32 to index
      %get3A_753 = arith.constant 16 : index
      %get3A_754 = tpu.vector_load %arg6[%get3A_751, %get3A_752, %get3A_753] {strides = array<i32>} : memref<2x800x32xf32, #tpu.memory_space<vmem>>, vector<1x1x16xf32>,
      %get3A_755 = vector.shape_cast %get3A_754 : vector<1x1x16xf32> to vector<16xf32>
      %add3A_756 = arith.addf %scan3A_667, %get3A_755 : vector<16xf32>
      scf.yield %add3A_679, %add3A_690, %add3A_701, %add3A_712, %add3A_723, %add3A_734, %add3A_745, %add3A_756 : vector<16xf32>, vector<16xf32>, vector<16xf32>, vector<16xf32>, vector<16xf32>, vector<16xf32>, vector<16xf32>, vector<16xf32>
    }
    %scan3A_410 = arith.constant 50 : i32
    %add3A_411 = arith.addf %scan3A_409#0, %scan3A_409#2 : vector<16xf32>
    %add3A_412 = arith.addf %scan3A_409#4, %scan3A_409#6 : vector<16xf32>
    %add3A_413 = arith.addf %add3A_411, %add3A_412 : vector<16xf32>
    %add3A_414 = arith.addf %scan3A_409#1, %scan3A_409#3 : vector<16xf32>
    %add3A_415 = arith.addf %scan3A_409#5, %scan3A_409#7 : vector<16xf32>
    %add3A_416 = arith.addf %add3A_414, %add3A_415 : vector<16xf32>
    %mul3A_417 = arith.constant 5.000000e-03 : f32
    %mul3A_418 = vector.broadcast %mul3A_417 : f32 to vector<16xf32>
    %mul3A_419 = arith.mulf %add3A_413, %mul3A_418 : vector<16xf32>
    %swap3A_420 = arith.constant 123 : i32
    %swap3A_421 = arith.index_cast %swap3A_420 : i32 to index
    %swap3A_422 = arith.constant 0 : index
    %swap3A_423 = tpu.vector_load %arg7[%swap3A_421, %swap3A_422] {strides = array<i32>} : memref<128x32xf32, #tpu.memory_space<vmem>>, vector<1x16xf32>,
    %swap3A_424 = vector.shape_cast %swap3A_423 : vector<1x16xf32> to vector<16xf32>
    %swap3A_425 = vector.shape_cast %mul3A_419 : vector<16xf32> to vector<1x16xf32>
    tpu.vector_store %arg7[%swap3A_421, %swap3A_422], %swap3A_425 {strides = array<i32>} : memref<128x32xf32, #tpu.memory_space<vmem>>, vector<1x16xf32>,
    %mul3A_426 = arith.constant 5.000000e-03 : f32
    %mul3A_427 = vector.broadcast %mul3A_426 : f32 to vector<16xf32>
    %mul3A_428 = arith.mulf %add3A_416, %mul3A_427 : vector<16xf32>
    %swap3A_429 = arith.constant 123 : i32
    %swap3A_430 = arith.index_cast %swap3A_429 : i32 to index
    %swap3A_431 = arith.constant 16 : index
    %swap3A_432 = tpu.vector_load %arg7[%swap3A_430, %swap3A_431] {strides = array<i32>} : memref<128x32xf32, #tpu.memory_space<vmem>>, vector<1x16xf32>,
    %swap3A_433 = vector.shape_cast %swap3A_432 : vector<1x16xf32> to vector<16xf32>
    %swap3A_434 = vector.shape_cast %mul3A_428 : vector<16xf32> to vector<1x16xf32>
    tpu.vector_store %arg7[%swap3A_430, %swap3A_431], %swap3A_434 {strides = array<i32>} : memref<128x32xf32, #tpu.memory_space<vmem>>, vector<1x16xf32>,
    %dma_wait3A_435 = arith.constant 248 : i32
    %dma_wait3A_436 = arith.constant 1 : i32
    %dma_wait3A_437 = arith.constant 0 : i32
    %dma_wait3A_438 = arith.constant 0 : i32
    %dma_wait3A_439 = tpu.memref_slice %arg6[%dma_wait3A_436, %dma_wait3A_437, %dma_wait3A_438] : memref<2x800x32xf32, #tpu.memory_space<vmem>> -> memref<1x128x32xf32, #tpu.memory_space<vmem>>
    %dma_wait3A_440 = tpu.memref_squeeze %dma_wait3A_439 : memref<1x128x32xf32, #tpu.memory_space<vmem>> -> memref<128x32xf32, #tpu.memory_space<vmem>>
    %dma_wait3A_441 = arith.constant 0 : i32
    %dma_wait3A_442 = tpu.memref_slice %arg5[%dma_wait3A_435, %dma_wait3A_441] : memref<256x128xi32, #tpu.memory_space<vmem>> -> memref<1x128xi32, #tpu.memory_space<vmem>>
    %dma_wait3A_443 = tpu.memref_squeeze %dma_wait3A_442 : memref<1x128xi32, #tpu.memory_space<vmem>> -> memref<128xi32, #tpu.memory_space<vmem>>
    %dma_wait3A_444 = arith.constant 0 : i32
    %dma_wait3A_445 = arith.constant 0 : i32
    %dma_wait3A_446 = tpu.memref_slice %arg3[%dma_wait3A_444, %dma_wait3A_445] : memref<1000000x32xf32, #tpu.memory_space<hbm>> -> memref<1000000x32xf32, #tpu.memory_space<hbm>>
    tpu.wait_indirect_dma semaphore(%arg10 : memref<!tpu.dma_semaphore, #tpu.memory_space<semaphore_mem>>) src(%dma_wait3A_446 : memref<1000000x32xf32, #tpu.memory_space<hbm>>) dst(%dma_wait3A_440 : memref<128x32xf32, #tpu.memory_space<vmem>>)
    %dma_wait3A_447 = arith.constant 249 : i32
    %dma_wait3A_448 = arith.constant 1 : i32
    %dma_wait3A_449 = arith.constant 128 : i32
    %dma_wait3A_450 = arith.constant 0 : i32
    %dma_wait3A_451 = tpu.memref_slice %arg6[%dma_wait3A_448, %dma_wait3A_449, %dma_wait3A_450] : memref<2x800x32xf32, #tpu.memory_space<vmem>> -> memref<1x72x32xf32, #tpu.memory_space<vmem>>
    %dma_wait3A_452 = tpu.memref_squeeze %dma_wait3A_451 : memref<1x72x32xf32, #tpu.memory_space<vmem>> -> memref<72x32xf32, #tpu.memory_space<vmem>>
    %dma_wait3A_453 = arith.constant 0 : i32
    %dma_wait3A_454 = tpu.memref_slice %arg5[%dma_wait3A_447, %dma_wait3A_453] : memref<256x128xi32, #tpu.memory_space<vmem>> -> memref<1x72xi32, #tpu.memory_space<vmem>>
    %dma_wait3A_455 = tpu.memref_squeeze %dma_wait3A_454 : memref<1x72xi32, #tpu.memory_space<vmem>> -> memref<72xi32, #tpu.memory_space<vmem>>
    %dma_wait3A_456 = arith.constant 0 : i32
    %dma_wait3A_457 = arith.constant 0 : i32
    %dma_wait3A_458 = tpu.memref_slice %arg3[%dma_wait3A_456, %dma_wait3A_457] : memref<1000000x32xf32, #tpu.memory_space<hbm>> -> memref<1000000x32xf32, #tpu.memory_space<hbm>>
    tpu.wait_indirect_dma semaphore(%arg10 : memref<!tpu.dma_semaphore, #tpu.memory_space<semaphore_mem>>) src(%dma_wait3A_458 : memref<1000000x32xf32, #tpu.memory_space<hbm>>) dst(%dma_wait3A_452 : memref<72x32xf32, #tpu.memory_space<vmem>>)
    %dma_wait3A_459 = arith.constant 250 : i32
    %dma_wait3A_460 = arith.constant 1 : i32
    %dma_wait3A_461 = arith.constant 200 : i32
    %dma_wait3A_462 = arith.constant 0 : i32
    %dma_wait3A_463 = tpu.memref_slice %arg6[%dma_wait3A_460, %dma_wait3A_461, %dma_wait3A_462] : memref<2x800x32xf32, #tpu.memory_space<vmem>> -> memref<1x128x32xf32, #tpu.memory_space<vmem>>
    %dma_wait3A_464 = tpu.memref_squeeze %dma_wait3A_463 : memref<1x128x32xf32, #tpu.memory_space<vmem>> -> memref<128x32xf32, #tpu.memory_space<vmem>>
    %dma_wait3A_465 = arith.constant 0 : i32
    %dma_wait3A_466 = tpu.memref_slice %arg5[%dma_wait3A_459, %dma_wait3A_465] : memref<256x128xi32, #tpu.memory_space<vmem>> -> memref<1x128xi32, #tpu.memory_space<vmem>>
    %dma_wait3A_467 = tpu.memref_squeeze %dma_wait3A_466 : memref<1x128xi32, #tpu.memory_space<vmem>> -> memref<128xi32, #tpu.memory_space<vmem>>
    %dma_wait3A_468 = arith.constant 0 : i32
    %dma_wait3A_469 = arith.constant 0 : i32
    %dma_wait3A_470 = tpu.memref_slice %arg3[%dma_wait3A_468, %dma_wait3A_469] : memref<1000000x32xf32, #tpu.memory_space<hbm>> -> memref<1000000x32xf32, #tpu.memory_space<hbm>>
    tpu.wait_indirect_dma semaphore(%arg10 : memref<!tpu.dma_semaphore, #tpu.memory_space<semaphore_mem>>) src(%dma_wait3A_470 : memref<1000000x32xf32, #tpu.memory_space<hbm>>) dst(%dma_wait3A_464 : memref<128x32xf32, #tpu.memory_space<vmem>>)
    %dma_wait3A_471 = arith.constant 251 : i32
    %dma_wait3A_472 = arith.constant 1 : i32
    %dma_wait3A_473 = arith.constant 328 : i32
    %dma_wait3A_474 = arith.constant 0 : i32
    %dma_wait3A_475 = tpu.memref_slice %arg6[%dma_wait3A_472, %dma_wait3A_473, %dma_wait3A_474] : memref<2x800x32xf32, #tpu.memory_space<vmem>> -> memref<1x72x32xf32, #tpu.memory_space<vmem>>
    %dma_wait3A_476 = tpu.memref_squeeze %dma_wait3A_475 : memref<1x72x32xf32, #tpu.memory_space<vmem>> -> memref<72x32xf32, #tpu.memory_space<vmem>>
    %dma_wait3A_477 = arith.constant 0 : i32
    %dma_wait3A_478 = tpu.memref_slice %arg5[%dma_wait3A_471, %dma_wait3A_477] : memref<256x128xi32, #tpu.memory_space<vmem>> -> memref<1x72xi32, #tpu.memory_space<vmem>>
    %dma_wait3A_479 = tpu.memref_squeeze %dma_wait3A_478 : memref<1x72xi32, #tpu.memory_space<vmem>> -> memref<72xi32, #tpu.memory_space<vmem>>
    %dma_wait3A_480 = arith.constant 0 : i32
    %dma_wait3A_481 = arith.constant 0 : i32
    %dma_wait3A_482 = tpu.memref_slice %arg3[%dma_wait3A_480, %dma_wait3A_481] : memref<1000000x32xf32, #tpu.memory_space<hbm>> -> memref<1000000x32xf32, #tpu.memory_space<hbm>>
    tpu.wait_indirect_dma semaphore(%arg10 : memref<!tpu.dma_semaphore, #tpu.memory_space<semaphore_mem>>) src(%dma_wait3A_482 : memref<1000000x32xf32, #tpu.memory_space<hbm>>) dst(%dma_wait3A_476 : memref<72x32xf32, #tpu.memory_space<vmem>>)
    %dma_wait3A_483 = arith.constant 252 : i32
    %dma_wait3A_484 = arith.constant 1 : i32
    %dma_wait3A_485 = arith.constant 400 : i32
    %dma_wait3A_486 = arith.constant 0 : i32
    %dma_wait3A_487 = tpu.memref_slice %arg6[%dma_wait3A_484, %dma_wait3A_485, %dma_wait3A_486] : memref<2x800x32xf32, #tpu.memory_space<vmem>> -> memref<1x128x32xf32, #tpu.memory_space<vmem>>
    %dma_wait3A_488 = tpu.memref_squeeze %dma_wait3A_487 : memref<1x128x32xf32, #tpu.memory_space<vmem>> -> memref<128x32xf32, #tpu.memory_space<vmem>>
    %dma_wait3A_489 = arith.constant 0 : i32
    %dma_wait3A_490 = tpu.memref_slice %arg5[%dma_wait3A_483, %dma_wait3A_489] : memref<256x128xi32, #tpu.memory_space<vmem>> -> memref<1x128xi32, #tpu.memory_space<vmem>>
    %dma_wait3A_491 = tpu.memref_squeeze %dma_wait3A_490 : memref<1x128xi32, #tpu.memory_space<vmem>> -> memref<128xi32, #tpu.memory_space<vmem>>
    %dma_wait3A_492 = arith.constant 0 : i32
    %dma_wait3A_493 = arith.constant 0 : i32
    %dma_wait3A_494 = tpu.memref_slice %arg3[%dma_wait3A_492, %dma_wait3A_493] : memref<1000000x32xf32, #tpu.memory_space<hbm>> -> memref<1000000x32xf32, #tpu.memory_space<hbm>>
    tpu.wait_indirect_dma semaphore(%arg10 : memref<!tpu.dma_semaphore, #tpu.memory_space<semaphore_mem>>) src(%dma_wait3A_494 : memref<1000000x32xf32, #tpu.memory_space<hbm>>) dst(%dma_wait3A_488 : memref<128x32xf32, #tpu.memory_space<vmem>>)
    %dma_wait3A_495 = arith.constant 253 : i32
    %dma_wait3A_496 = arith.constant 1 : i32
    %dma_wait3A_497 = arith.constant 528 : i32
    %dma_wait3A_498 = arith.constant 0 : i32
    %dma_wait3A_499 = tpu.memref_slice %arg6[%dma_wait3A_496, %dma_wait3A_497, %dma_wait3A_498] : memref<2x800x32xf32, #tpu.memory_space<vmem>> -> memref<1x72x32xf32, #tpu.memory_space<vmem>>
    %dma_wait3A_500 = tpu.memref_squeeze %dma_wait3A_499 : memref<1x72x32xf32, #tpu.memory_space<vmem>> -> memref<72x32xf32, #tpu.memory_space<vmem>>
    %dma_wait3A_501 = arith.constant 0 : i32
    %dma_wait3A_502 = tpu.memref_slice %arg5[%dma_wait3A_495, %dma_wait3A_501] : memref<256x128xi32, #tpu.memory_space<vmem>> -> memref<1x72xi32, #tpu.memory_space<vmem>>
    %dma_wait3A_503 = tpu.memref_squeeze %dma_wait3A_502 : memref<1x72xi32, #tpu.memory_space<vmem>> -> memref<72xi32, #tpu.memory_space<vmem>>
    %dma_wait3A_504 = arith.constant 0 : i32
    %dma_wait3A_505 = arith.constant 0 : i32
    %dma_wait3A_506 = tpu.memref_slice %arg3[%dma_wait3A_504, %dma_wait3A_505] : memref<1000000x32xf32, #tpu.memory_space<hbm>> -> memref<1000000x32xf32, #tpu.memory_space<hbm>>
    tpu.wait_indirect_dma semaphore(%arg10 : memref<!tpu.dma_semaphore, #tpu.memory_space<semaphore_mem>>) src(%dma_wait3A_506 : memref<1000000x32xf32, #tpu.memory_space<hbm>>) dst(%dma_wait3A_500 : memref<72x32xf32, #tpu.memory_space<vmem>>)
    %dma_wait3A_507 = arith.constant 254 : i32
    %dma_wait3A_508 = arith.constant 1 : i32
    %dma_wait3A_509 = arith.constant 600 : i32
    %dma_wait3A_510 = arith.constant 0 : i32
    %dma_wait3A_511 = tpu.memref_slice %arg6[%dma_wait3A_508, %dma_wait3A_509, %dma_wait3A_510] : memref<2x800x32xf32, #tpu.memory_space<vmem>> -> memref<1x128x32xf32, #tpu.memory_space<vmem>>
    %dma_wait3A_512 = tpu.memref_squeeze %dma_wait3A_511 : memref<1x128x32xf32, #tpu.memory_space<vmem>> -> memref<128x32xf32, #tpu.memory_space<vmem>>
    %dma_wait3A_513 = arith.constant 0 : i32
    %dma_wait3A_514 = tpu.memref_slice %arg5[%dma_wait3A_507, %dma_wait3A_513] : memref<256x128xi32, #tpu.memory_space<vmem>> -> memref<1x128xi32, #tpu.memory_space<vmem>>
    %dma_wait3A_515 = tpu.memref_squeeze %dma_wait3A_514 : memref<1x128xi32, #tpu.memory_space<vmem>> -> memref<128xi32, #tpu.memory_space<vmem>>
    %dma_wait3A_516 = arith.constant 0 : i32
    %dma_wait3A_517 = arith.constant 0 : i32
    %dma_wait3A_518 = tpu.memref_slice %arg3[%dma_wait3A_516, %dma_wait3A_517] : memref<1000000x32xf32, #tpu.memory_space<hbm>> -> memref<1000000x32xf32, #tpu.memory_space<hbm>>
    tpu.wait_indirect_dma semaphore(%arg10 : memref<!tpu.dma_semaphore, #tpu.memory_space<semaphore_mem>>) src(%dma_wait3A_518 : memref<1000000x32xf32, #tpu.memory_space<hbm>>) dst(%dma_wait3A_512 : memref<128x32xf32, #tpu.memory_space<vmem>>)
    %dma_wait3A_519 = arith.constant 255 : i32
    %dma_wait3A_520 = arith.constant 1 : i32
    %dma_wait3A_521 = arith.constant 728 : i32
    %dma_wait3A_522 = arith.constant 0 : i32
    %dma_wait3A_523 = tpu.memref_slice %arg6[%dma_wait3A_520, %dma_wait3A_521, %dma_wait3A_522] : memref<2x800x32xf32, #tpu.memory_space<vmem>> -> memref<1x72x32xf32, #tpu.memory_space<vmem>>
    %dma_wait3A_524 = tpu.memref_squeeze %dma_wait3A_523 : memref<1x72x32xf32, #tpu.memory_space<vmem>> -> memref<72x32xf32, #tpu.memory_space<vmem>>
    %dma_wait3A_525 = arith.constant 0 : i32
    %dma_wait3A_526 = tpu.memref_slice %arg5[%dma_wait3A_519, %dma_wait3A_525] : memref<256x128xi32, #tpu.memory_space<vmem>> -> memref<1x72xi32, #tpu.memory_space<vmem>>
    %dma_wait3A_527 = tpu.memref_squeeze %dma_wait3A_526 : memref<1x72xi32, #tpu.memory_space<vmem>> -> memref<72xi32, #tpu.memory_space<vmem>>
    %dma_wait3A_528 = arith.constant 0 : i32
    %dma_wait3A_529 = arith.constant 0 : i32
    %dma_wait3A_530 = tpu.memref_slice %arg3[%dma_wait3A_528, %dma_wait3A_529] : memref<1000000x32xf32, #tpu.memory_space<hbm>> -> memref<1000000x32xf32, #tpu.memory_space<hbm>>
    tpu.wait_indirect_dma semaphore(%arg10 : memref<!tpu.dma_semaphore, #tpu.memory_space<semaphore_mem>>) src(%dma_wait3A_530 : memref<1000000x32xf32, #tpu.memory_space<hbm>>) dst(%dma_wait3A_524 : memref<72x32xf32, #tpu.memory_space<vmem>>)
    %broadcast_in_dim3A_531 = arith.constant 0.000000e+00 : f32
    %broadcast_in_dim3A_532 = vector.broadcast %broadcast_in_dim3A_531 : f32 to vector<16xf32>
    %scan3A_533 = arith.constant 0 : i32
    %scan3A_534 = arith.constant 50 : i32
    %scan3A_535 = arith.addi %scan3A_533, %scan3A_534 : i32
    %scan3A_536 = arith.constant 1 : i32
    %scan3A_537:8 = scf.for %scan3A_659 = %scan3A_533 to %scan3A_535 step %scan3A_536 iter_args(%scan3A_660 = %broadcast_in_dim3A_532, %scan3A_661 = %broadcast_in_dim3A_532, %scan3A_662 = %broadcast_in_dim3A_532, %scan3A_663 = %broadcast_in_dim3A_532, %scan3A_664 = %broadcast_in_dim3A_532, %scan3A_665 = %broadcast_in_dim3A_532, %scan3A_666 = %broadcast_in_dim3A_532, %scan3A_667 = %broadcast_in_dim3A_532) -> (vector<16xf32>, vector<16xf32>, vector<16xf32>, vector<16xf32>, vector<16xf32>, vector<16xf32>, vector<16xf32>, vector<16xf32>)  : i32 {
      %mul3A_668 = arith.constant 4 : i32
      %mul3A_669 = arith.muli %scan3A_659, %mul3A_668 : i32
      %add3A_670 = arith.constant 0 : i32
      %add3A_671 = arith.addi %add3A_670, %mul3A_669 : i32
      %add3A_672 = arith.constant 0 : i32
      %add3A_673 = arith.addi %add3A_671, %add3A_672 : i32
      %get3A = arith.constant 1 : i32
      %get3A_674 = arith.index_cast %get3A : i32 to index
      %get3A_675 = arith.index_cast %add3A_673 : i32 to index
      %get3A_676 = arith.constant 0 : index
      %get3A_677 = tpu.vector_load %arg6[%get3A_674, %get3A_675, %get3A_676] {strides = array<i32>} : memref<2x800x32xf32, #tpu.memory_space<vmem>>, vector<1x1x16xf32>,
      %get3A_678 = vector.shape_cast %get3A_677 : vector<1x1x16xf32> to vector<16xf32>
      %add3A_679 = arith.addf %scan3A_660, %get3A_678 : vector<16xf32>
      %add3A_680 = arith.constant 0 : i32
      %add3A_681 = arith.addi %add3A_680, %mul3A_669 : i32
      %add3A_682 = arith.constant 0 : i32
      %add3A_683 = arith.addi %add3A_681, %add3A_682 : i32
      %get3A_684 = arith.constant 1 : i32
      %get3A_685 = arith.index_cast %get3A_684 : i32 to index
      %get3A_686 = arith.index_cast %add3A_683 : i32 to index
      %get3A_687 = arith.constant 16 : index
      %get3A_688 = tpu.vector_load %arg6[%get3A_685, %get3A_686, %get3A_687] {strides = array<i32>} : memref<2x800x32xf32, #tpu.memory_space<vmem>>, vector<1x1x16xf32>,
      %get3A_689 = vector.shape_cast %get3A_688 : vector<1x1x16xf32> to vector<16xf32>
      %add3A_690 = arith.addf %scan3A_661, %get3A_689 : vector<16xf32>
      %add3A_691 = arith.constant 0 : i32
      %add3A_692 = arith.addi %add3A_691, %mul3A_669 : i32
      %add3A_693 = arith.constant 1 : i32
      %add3A_694 = arith.addi %add3A_692, %add3A_693 : i32
      %get3A_695 = arith.constant 1 : i32
      %get3A_696 = arith.index_cast %get3A_695 : i32 to index
      %get3A_697 = arith.index_cast %add3A_694 : i32 to index
      %get3A_698 = arith.constant 0 : index
      %get3A_699 = tpu.vector_load %arg6[%get3A_696, %get3A_697, %get3A_698] {strides = array<i32>} : memref<2x800x32xf32, #tpu.memory_space<vmem>>, vector<1x1x16xf32>,
      %get3A_700 = vector.shape_cast %get3A_699 : vector<1x1x16xf32> to vector<16xf32>
      %add3A_701 = arith.addf %scan3A_662, %get3A_700 : vector<16xf32>
      %add3A_702 = arith.constant 0 : i32
      %add3A_703 = arith.addi %add3A_702, %mul3A_669 : i32
      %add3A_704 = arith.constant 1 : i32
      %add3A_705 = arith.addi %add3A_703, %add3A_704 : i32
      %get3A_706 = arith.constant 1 : i32
      %get3A_707 = arith.index_cast %get3A_706 : i32 to index
      %get3A_708 = arith.index_cast %add3A_705 : i32 to index
      %get3A_709 = arith.constant 16 : index
      %get3A_710 = tpu.vector_load %arg6[%get3A_707, %get3A_708, %get3A_709] {strides = array<i32>} : memref<2x800x32xf32, #tpu.memory_space<vmem>>, vector<1x1x16xf32>,
      %get3A_711 = vector.shape_cast %get3A_710 : vector<1x1x16xf32> to vector<16xf32>
      %add3A_712 = arith.addf %scan3A_663, %get3A_711 : vector<16xf32>
      %add3A_713 = arith.constant 0 : i32
      %add3A_714 = arith.addi %add3A_713, %mul3A_669 : i32
      %add3A_715 = arith.constant 2 : i32
      %add3A_716 = arith.addi %add3A_714, %add3A_715 : i32
      %get3A_717 = arith.constant 1 : i32
      %get3A_718 = arith.index_cast %get3A_717 : i32 to index
      %get3A_719 = arith.index_cast %add3A_716 : i32 to index
      %get3A_720 = arith.constant 0 : index
      %get3A_721 = tpu.vector_load %arg6[%get3A_718, %get3A_719, %get3A_720] {strides = array<i32>} : memref<2x800x32xf32, #tpu.memory_space<vmem>>, vector<1x1x16xf32>,
      %get3A_722 = vector.shape_cast %get3A_721 : vector<1x1x16xf32> to vector<16xf32>
      %add3A_723 = arith.addf %scan3A_664, %get3A_722 : vector<16xf32>
      %add3A_724 = arith.constant 0 : i32
      %add3A_725 = arith.addi %add3A_724, %mul3A_669 : i32
      %add3A_726 = arith.constant 2 : i32
      %add3A_727 = arith.addi %add3A_725, %add3A_726 : i32
      %get3A_728 = arith.constant 1 : i32
      %get3A_729 = arith.index_cast %get3A_728 : i32 to index
      %get3A_730 = arith.index_cast %add3A_727 : i32 to index
      %get3A_731 = arith.constant 16 : index
      %get3A_732 = tpu.vector_load %arg6[%get3A_729, %get3A_730, %get3A_731] {strides = array<i32>} : memref<2x800x32xf32, #tpu.memory_space<vmem>>, vector<1x1x16xf32>,
      %get3A_733 = vector.shape_cast %get3A_732 : vector<1x1x16xf32> to vector<16xf32>
      %add3A_734 = arith.addf %scan3A_665, %get3A_733 : vector<16xf32>
      %add3A_735 = arith.constant 0 : i32
      %add3A_736 = arith.addi %add3A_735, %mul3A_669 : i32
      %add3A_737 = arith.constant 3 : i32
      %add3A_738 = arith.addi %add3A_736, %add3A_737 : i32
      %get3A_739 = arith.constant 1 : i32
      %get3A_740 = arith.index_cast %get3A_739 : i32 to index
      %get3A_741 = arith.index_cast %add3A_738 : i32 to index
      %get3A_742 = arith.constant 0 : index
      %get3A_743 = tpu.vector_load %arg6[%get3A_740, %get3A_741, %get3A_742] {strides = array<i32>} : memref<2x800x32xf32, #tpu.memory_space<vmem>>, vector<1x1x16xf32>,
      %get3A_744 = vector.shape_cast %get3A_743 : vector<1x1x16xf32> to vector<16xf32>
      %add3A_745 = arith.addf %scan3A_666, %get3A_744 : vector<16xf32>
      %add3A_746 = arith.constant 0 : i32
      %add3A_747 = arith.addi %add3A_746, %mul3A_669 : i32
      %add3A_748 = arith.constant 3 : i32
      %add3A_749 = arith.addi %add3A_747, %add3A_748 : i32
      %get3A_750 = arith.constant 1 : i32
      %get3A_751 = arith.index_cast %get3A_750 : i32 to index
      %get3A_752 = arith.index_cast %add3A_749 : i32 to index
      %get3A_753 = arith.constant 16 : index
      %get3A_754 = tpu.vector_load %arg6[%get3A_751, %get3A_752, %get3A_753] {strides = array<i32>} : memref<2x800x32xf32, #tpu.memory_space<vmem>>, vector<1x1x16xf32>,
      %get3A_755 = vector.shape_cast %get3A_754 : vector<1x1x16xf32> to vector<16xf32>
      %add3A_756 = arith.addf %scan3A_667, %get3A_755 : vector<16xf32>
      scf.yield %add3A_679, %add3A_690, %add3A_701, %add3A_712, %add3A_723, %add3A_734, %add3A_745, %add3A_756 : vector<16xf32>, vector<16xf32>, vector<16xf32>, vector<16xf32>, vector<16xf32>, vector<16xf32>, vector<16xf32>, vector<16xf32>
    }
    %scan3A_538 = arith.constant 50 : i32
    %add3A_539 = arith.addf %scan3A_537#0, %scan3A_537#2 : vector<16xf32>
    %add3A_540 = arith.addf %scan3A_537#4, %scan3A_537#6 : vector<16xf32>
    %add3A_541 = arith.addf %add3A_539, %add3A_540 : vector<16xf32>
    %add3A_542 = arith.addf %scan3A_537#1, %scan3A_537#3 : vector<16xf32>
    %add3A_543 = arith.addf %scan3A_537#5, %scan3A_537#7 : vector<16xf32>
    %add3A_544 = arith.addf %add3A_542, %add3A_543 : vector<16xf32>
    %mul3A_545 = arith.constant 5.000000e-03 : f32
    %mul3A_546 = vector.broadcast %mul3A_545 : f32 to vector<16xf32>
    %mul3A_547 = arith.mulf %add3A_541, %mul3A_546 : vector<16xf32>
    %swap3A_548 = arith.constant 124 : i32
    %swap3A_549 = arith.index_cast %swap3A_548 : i32 to index
    %swap3A_550 = arith.constant 0 : index
    %swap3A_551 = tpu.vector_load %arg7[%swap3A_549, %swap3A_550] {strides = array<i32>} : memref<128x32xf32, #tpu.memory_space<vmem>>, vector<1x16xf32>,
    %swap3A_552 = vector.shape_cast %swap3A_551 : vector<1x16xf32> to vector<16xf32>
    %swap3A_553 = vector.shape_cast %mul3A_547 : vector<16xf32> to vector<1x16xf32>
    tpu.vector_store %arg7[%swap3A_549, %swap3A_550], %swap3A_553 {strides = array<i32>} : memref<128x32xf32, #tpu.memory_space<vmem>>, vector<1x16xf32>,
    %mul3A_554 = arith.constant 5.000000e-03 : f32
    %mul3A_555 = vector.broadcast %mul3A_554 : f32 to vector<16xf32>
    %mul3A_556 = arith.mulf %add3A_544, %mul3A_555 : vector<16xf32>
    %swap3A_557 = arith.constant 124 : i32
    %swap3A_558 = arith.index_cast %swap3A_557 : i32 to index
    %swap3A_559 = arith.constant 16 : index
    %swap3A_560 = tpu.vector_load %arg7[%swap3A_558, %swap3A_559] {strides = array<i32>} : memref<128x32xf32, #tpu.memory_space<vmem>>, vector<1x16xf32>,
    %swap3A_561 = vector.shape_cast %swap3A_560 : vector<1x16xf32> to vector<16xf32>
    %swap3A_562 = vector.shape_cast %mul3A_556 : vector<16xf32> to vector<1x16xf32>
    tpu.vector_store %arg7[%swap3A_558, %swap3A_559], %swap3A_562 {strides = array<i32>} : memref<128x32xf32, #tpu.memory_space<vmem>>, vector<1x16xf32>,
    %broadcast_in_dim3A_563 = arith.constant 0.000000e+00 : f32
    %broadcast_in_dim3A_564 = vector.broadcast %broadcast_in_dim3A_563 : f32 to vector<16xf32>
    %scan3A_565 = arith.constant 0 : i32
    %scan3A_566 = arith.constant 50 : i32
    %scan3A_567 = arith.addi %scan3A_565, %scan3A_566 : i32
    %scan3A_568 = arith.constant 1 : i32
    %scan3A_569:8 = scf.for %scan3A_659 = %scan3A_565 to %scan3A_567 step %scan3A_568 iter_args(%scan3A_660 = %broadcast_in_dim3A_564, %scan3A_661 = %broadcast_in_dim3A_564, %scan3A_662 = %broadcast_in_dim3A_564, %scan3A_663 = %broadcast_in_dim3A_564, %scan3A_664 = %broadcast_in_dim3A_564, %scan3A_665 = %broadcast_in_dim3A_564, %scan3A_666 = %broadcast_in_dim3A_564, %scan3A_667 = %broadcast_in_dim3A_564) -> (vector<16xf32>, vector<16xf32>, vector<16xf32>, vector<16xf32>, vector<16xf32>, vector<16xf32>, vector<16xf32>, vector<16xf32>)  : i32 {
      %mul3A_668 = arith.constant 4 : i32
      %mul3A_669 = arith.muli %scan3A_659, %mul3A_668 : i32
      %add3A_670 = arith.constant 200 : i32
      %add3A_671 = arith.addi %add3A_670, %mul3A_669 : i32
      %add3A_672 = arith.constant 0 : i32
      %add3A_673 = arith.addi %add3A_671, %add3A_672 : i32
      %get3A = arith.constant 1 : i32
      %get3A_674 = arith.index_cast %get3A : i32 to index
      %get3A_675 = arith.index_cast %add3A_673 : i32 to index
      %get3A_676 = arith.constant 0 : index
      %get3A_677 = tpu.vector_load %arg6[%get3A_674, %get3A_675, %get3A_676] {strides = array<i32>} : memref<2x800x32xf32, #tpu.memory_space<vmem>>, vector<1x1x16xf32>,
      %get3A_678 = vector.shape_cast %get3A_677 : vector<1x1x16xf32> to vector<16xf32>
      %add3A_679 = arith.addf %scan3A_660, %get3A_678 : vector<16xf32>
      %add3A_680 = arith.constant 200 : i32
      %add3A_681 = arith.addi %add3A_680, %mul3A_669 : i32
      %add3A_682 = arith.constant 0 : i32
      %add3A_683 = arith.addi %add3A_681, %add3A_682 : i32
      %get3A_684 = arith.constant 1 : i32
      %get3A_685 = arith.index_cast %get3A_684 : i32 to index
      %get3A_686 = arith.index_cast %add3A_683 : i32 to index
      %get3A_687 = arith.constant 16 : index
      %get3A_688 = tpu.vector_load %arg6[%get3A_685, %get3A_686, %get3A_687] {strides = array<i32>} : memref<2x800x32xf32, #tpu.memory_space<vmem>>, vector<1x1x16xf32>,
      %get3A_689 = vector.shape_cast %get3A_688 : vector<1x1x16xf32> to vector<16xf32>
      %add3A_690 = arith.addf %scan3A_661, %get3A_689 : vector<16xf32>
      %add3A_691 = arith.constant 200 : i32
      %add3A_692 = arith.addi %add3A_691, %mul3A_669 : i32
      %add3A_693 = arith.constant 1 : i32
      %add3A_694 = arith.addi %add3A_692, %add3A_693 : i32
      %get3A_695 = arith.constant 1 : i32
      %get3A_696 = arith.index_cast %get3A_695 : i32 to index
      %get3A_697 = arith.index_cast %add3A_694 : i32 to index
      %get3A_698 = arith.constant 0 : index
      %get3A_699 = tpu.vector_load %arg6[%get3A_696, %get3A_697, %get3A_698] {strides = array<i32>} : memref<2x800x32xf32, #tpu.memory_space<vmem>>, vector<1x1x16xf32>,
      %get3A_700 = vector.shape_cast %get3A_699 : vector<1x1x16xf32> to vector<16xf32>
      %add3A_701 = arith.addf %scan3A_662, %get3A_700 : vector<16xf32>
      %add3A_702 = arith.constant 200 : i32
      %add3A_703 = arith.addi %add3A_702, %mul3A_669 : i32
      %add3A_704 = arith.constant 1 : i32
      %add3A_705 = arith.addi %add3A_703, %add3A_704 : i32
      %get3A_706 = arith.constant 1 : i32
      %get3A_707 = arith.index_cast %get3A_706 : i32 to index
      %get3A_708 = arith.index_cast %add3A_705 : i32 to index
      %get3A_709 = arith.constant 16 : index
      %get3A_710 = tpu.vector_load %arg6[%get3A_707, %get3A_708, %get3A_709] {strides = array<i32>} : memref<2x800x32xf32, #tpu.memory_space<vmem>>, vector<1x1x16xf32>,
      %get3A_711 = vector.shape_cast %get3A_710 : vector<1x1x16xf32> to vector<16xf32>
      %add3A_712 = arith.addf %scan3A_663, %get3A_711 : vector<16xf32>
      %add3A_713 = arith.constant 200 : i32
      %add3A_714 = arith.addi %add3A_713, %mul3A_669 : i32
      %add3A_715 = arith.constant 2 : i32
      %add3A_716 = arith.addi %add3A_714, %add3A_715 : i32
      %get3A_717 = arith.constant 1 : i32
      %get3A_718 = arith.index_cast %get3A_717 : i32 to index
      %get3A_719 = arith.index_cast %add3A_716 : i32 to index
      %get3A_720 = arith.constant 0 : index
      %get3A_721 = tpu.vector_load %arg6[%get3A_718, %get3A_719, %get3A_720] {strides = array<i32>} : memref<2x800x32xf32, #tpu.memory_space<vmem>>, vector<1x1x16xf32>,
      %get3A_722 = vector.shape_cast %get3A_721 : vector<1x1x16xf32> to vector<16xf32>
      %add3A_723 = arith.addf %scan3A_664, %get3A_722 : vector<16xf32>
      %add3A_724 = arith.constant 200 : i32
      %add3A_725 = arith.addi %add3A_724, %mul3A_669 : i32
      %add3A_726 = arith.constant 2 : i32
      %add3A_727 = arith.addi %add3A_725, %add3A_726 : i32
      %get3A_728 = arith.constant 1 : i32
      %get3A_729 = arith.index_cast %get3A_728 : i32 to index
      %get3A_730 = arith.index_cast %add3A_727 : i32 to index
      %get3A_731 = arith.constant 16 : index
      %get3A_732 = tpu.vector_load %arg6[%get3A_729, %get3A_730, %get3A_731] {strides = array<i32>} : memref<2x800x32xf32, #tpu.memory_space<vmem>>, vector<1x1x16xf32>,
      %get3A_733 = vector.shape_cast %get3A_732 : vector<1x1x16xf32> to vector<16xf32>
      %add3A_734 = arith.addf %scan3A_665, %get3A_733 : vector<16xf32>
      %add3A_735 = arith.constant 200 : i32
      %add3A_736 = arith.addi %add3A_735, %mul3A_669 : i32
      %add3A_737 = arith.constant 3 : i32
      %add3A_738 = arith.addi %add3A_736, %add3A_737 : i32
      %get3A_739 = arith.constant 1 : i32
      %get3A_740 = arith.index_cast %get3A_739 : i32 to index
      %get3A_741 = arith.index_cast %add3A_738 : i32 to index
      %get3A_742 = arith.constant 0 : index
      %get3A_743 = tpu.vector_load %arg6[%get3A_740, %get3A_741, %get3A_742] {strides = array<i32>} : memref<2x800x32xf32, #tpu.memory_space<vmem>>, vector<1x1x16xf32>,
      %get3A_744 = vector.shape_cast %get3A_743 : vector<1x1x16xf32> to vector<16xf32>
      %add3A_745 = arith.addf %scan3A_666, %get3A_744 : vector<16xf32>
      %add3A_746 = arith.constant 200 : i32
      %add3A_747 = arith.addi %add3A_746, %mul3A_669 : i32
      %add3A_748 = arith.constant 3 : i32
      %add3A_749 = arith.addi %add3A_747, %add3A_748 : i32
      %get3A_750 = arith.constant 1 : i32
      %get3A_751 = arith.index_cast %get3A_750 : i32 to index
      %get3A_752 = arith.index_cast %add3A_749 : i32 to index
      %get3A_753 = arith.constant 16 : index
      %get3A_754 = tpu.vector_load %arg6[%get3A_751, %get3A_752, %get3A_753] {strides = array<i32>} : memref<2x800x32xf32, #tpu.memory_space<vmem>>, vector<1x1x16xf32>,
      %get3A_755 = vector.shape_cast %get3A_754 : vector<1x1x16xf32> to vector<16xf32>
      %add3A_756 = arith.addf %scan3A_667, %get3A_755 : vector<16xf32>
      scf.yield %add3A_679, %add3A_690, %add3A_701, %add3A_712, %add3A_723, %add3A_734, %add3A_745, %add3A_756 : vector<16xf32>, vector<16xf32>, vector<16xf32>, vector<16xf32>, vector<16xf32>, vector<16xf32>, vector<16xf32>, vector<16xf32>
    }
    %scan3A_570 = arith.constant 50 : i32
    %add3A_571 = arith.addf %scan3A_569#0, %scan3A_569#2 : vector<16xf32>
    %add3A_572 = arith.addf %scan3A_569#4, %scan3A_569#6 : vector<16xf32>
    %add3A_573 = arith.addf %add3A_571, %add3A_572 : vector<16xf32>
    %add3A_574 = arith.addf %scan3A_569#1, %scan3A_569#3 : vector<16xf32>
    %add3A_575 = arith.addf %scan3A_569#5, %scan3A_569#7 : vector<16xf32>
    %add3A_576 = arith.addf %add3A_574, %add3A_575 : vector<16xf32>
    %mul3A_577 = arith.constant 5.000000e-03 : f32
    %mul3A_578 = vector.broadcast %mul3A_577 : f32 to vector<16xf32>
    %mul3A_579 = arith.mulf %add3A_573, %mul3A_578 : vector<16xf32>
    %swap3A_580 = arith.constant 125 : i32
    %swap3A_581 = arith.index_cast %swap3A_580 : i32 to index
    %swap3A_582 = arith.constant 0 : index
    %swap3A_583 = tpu.vector_load %arg7[%swap3A_581, %swap3A_582] {strides = array<i32>} : memref<128x32xf32, #tpu.memory_space<vmem>>, vector<1x16xf32>,
    %swap3A_584 = vector.shape_cast %swap3A_583 : vector<1x16xf32> to vector<16xf32>
    %swap3A_585 = vector.shape_cast %mul3A_579 : vector<16xf32> to vector<1x16xf32>
    tpu.vector_store %arg7[%swap3A_581, %swap3A_582], %swap3A_585 {strides = array<i32>} : memref<128x32xf32, #tpu.memory_space<vmem>>, vector<1x16xf32>,
    %mul3A_586 = arith.constant 5.000000e-03 : f32
    %mul3A_587 = vector.broadcast %mul3A_586 : f32 to vector<16xf32>
    %mul3A_588 = arith.mulf %add3A_576, %mul3A_587 : vector<16xf32>
    %swap3A_589 = arith.constant 125 : i32
    %swap3A_590 = arith.index_cast %swap3A_589 : i32 to index
    %swap3A_591 = arith.constant 16 : index
    %swap3A_592 = tpu.vector_load %arg7[%swap3A_590, %swap3A_591] {strides = array<i32>} : memref<128x32xf32, #tpu.memory_space<vmem>>, vector<1x16xf32>,
    %swap3A_593 = vector.shape_cast %swap3A_592 : vector<1x16xf32> to vector<16xf32>
    %swap3A_594 = vector.shape_cast %mul3A_588 : vector<16xf32> to vector<1x16xf32>
    tpu.vector_store %arg7[%swap3A_590, %swap3A_591], %swap3A_594 {strides = array<i32>} : memref<128x32xf32, #tpu.memory_space<vmem>>, vector<1x16xf32>,
    %broadcast_in_dim3A_595 = arith.constant 0.000000e+00 : f32
    %broadcast_in_dim3A_596 = vector.broadcast %broadcast_in_dim3A_595 : f32 to vector<16xf32>
    %scan3A_597 = arith.constant 0 : i32
    %scan3A_598 = arith.constant 50 : i32
    %scan3A_599 = arith.addi %scan3A_597, %scan3A_598 : i32
    %scan3A_600 = arith.constant 1 : i32
    %scan3A_601:8 = scf.for %scan3A_659 = %scan3A_597 to %scan3A_599 step %scan3A_600 iter_args(%scan3A_660 = %broadcast_in_dim3A_596, %scan3A_661 = %broadcast_in_dim3A_596, %scan3A_662 = %broadcast_in_dim3A_596, %scan3A_663 = %broadcast_in_dim3A_596, %scan3A_664 = %broadcast_in_dim3A_596, %scan3A_665 = %broadcast_in_dim3A_596, %scan3A_666 = %broadcast_in_dim3A_596, %scan3A_667 = %broadcast_in_dim3A_596) -> (vector<16xf32>, vector<16xf32>, vector<16xf32>, vector<16xf32>, vector<16xf32>, vector<16xf32>, vector<16xf32>, vector<16xf32>)  : i32 {
      %mul3A_668 = arith.constant 4 : i32
      %mul3A_669 = arith.muli %scan3A_659, %mul3A_668 : i32
      %add3A_670 = arith.constant 400 : i32
      %add3A_671 = arith.addi %add3A_670, %mul3A_669 : i32
      %add3A_672 = arith.constant 0 : i32
      %add3A_673 = arith.addi %add3A_671, %add3A_672 : i32
      %get3A = arith.constant 1 : i32
      %get3A_674 = arith.index_cast %get3A : i32 to index
      %get3A_675 = arith.index_cast %add3A_673 : i32 to index
      %get3A_676 = arith.constant 0 : index
      %get3A_677 = tpu.vector_load %arg6[%get3A_674, %get3A_675, %get3A_676] {strides = array<i32>} : memref<2x800x32xf32, #tpu.memory_space<vmem>>, vector<1x1x16xf32>,
      %get3A_678 = vector.shape_cast %get3A_677 : vector<1x1x16xf32> to vector<16xf32>
      %add3A_679 = arith.addf %scan3A_660, %get3A_678 : vector<16xf32>
      %add3A_680 = arith.constant 400 : i32
      %add3A_681 = arith.addi %add3A_680, %mul3A_669 : i32
      %add3A_682 = arith.constant 0 : i32
      %add3A_683 = arith.addi %add3A_681, %add3A_682 : i32
      %get3A_684 = arith.constant 1 : i32
      %get3A_685 = arith.index_cast %get3A_684 : i32 to index
      %get3A_686 = arith.index_cast %add3A_683 : i32 to index
      %get3A_687 = arith.constant 16 : index
      %get3A_688 = tpu.vector_load %arg6[%get3A_685, %get3A_686, %get3A_687] {strides = array<i32>} : memref<2x800x32xf32, #tpu.memory_space<vmem>>, vector<1x1x16xf32>,
      %get3A_689 = vector.shape_cast %get3A_688 : vector<1x1x16xf32> to vector<16xf32>
      %add3A_690 = arith.addf %scan3A_661, %get3A_689 : vector<16xf32>
      %add3A_691 = arith.constant 400 : i32
      %add3A_692 = arith.addi %add3A_691, %mul3A_669 : i32
      %add3A_693 = arith.constant 1 : i32
      %add3A_694 = arith.addi %add3A_692, %add3A_693 : i32
      %get3A_695 = arith.constant 1 : i32
      %get3A_696 = arith.index_cast %get3A_695 : i32 to index
      %get3A_697 = arith.index_cast %add3A_694 : i32 to index
      %get3A_698 = arith.constant 0 : index
      %get3A_699 = tpu.vector_load %arg6[%get3A_696, %get3A_697, %get3A_698] {strides = array<i32>} : memref<2x800x32xf32, #tpu.memory_space<vmem>>, vector<1x1x16xf32>,
      %get3A_700 = vector.shape_cast %get3A_699 : vector<1x1x16xf32> to vector<16xf32>
      %add3A_701 = arith.addf %scan3A_662, %get3A_700 : vector<16xf32>
      %add3A_702 = arith.constant 400 : i32
      %add3A_703 = arith.addi %add3A_702, %mul3A_669 : i32
      %add3A_704 = arith.constant 1 : i32
      %add3A_705 = arith.addi %add3A_703, %add3A_704 : i32
      %get3A_706 = arith.constant 1 : i32
      %get3A_707 = arith.index_cast %get3A_706 : i32 to index
      %get3A_708 = arith.index_cast %add3A_705 : i32 to index
      %get3A_709 = arith.constant 16 : index
      %get3A_710 = tpu.vector_load %arg6[%get3A_707, %get3A_708, %get3A_709] {strides = array<i32>} : memref<2x800x32xf32, #tpu.memory_space<vmem>>, vector<1x1x16xf32>,
      %get3A_711 = vector.shape_cast %get3A_710 : vector<1x1x16xf32> to vector<16xf32>
      %add3A_712 = arith.addf %scan3A_663, %get3A_711 : vector<16xf32>
      %add3A_713 = arith.constant 400 : i32
      %add3A_714 = arith.addi %add3A_713, %mul3A_669 : i32
      %add3A_715 = arith.constant 2 : i32
      %add3A_716 = arith.addi %add3A_714, %add3A_715 : i32
      %get3A_717 = arith.constant 1 : i32
      %get3A_718 = arith.index_cast %get3A_717 : i32 to index
      %get3A_719 = arith.index_cast %add3A_716 : i32 to index
      %get3A_720 = arith.constant 0 : index
      %get3A_721 = tpu.vector_load %arg6[%get3A_718, %get3A_719, %get3A_720] {strides = array<i32>} : memref<2x800x32xf32, #tpu.memory_space<vmem>>, vector<1x1x16xf32>,
      %get3A_722 = vector.shape_cast %get3A_721 : vector<1x1x16xf32> to vector<16xf32>
      %add3A_723 = arith.addf %scan3A_664, %get3A_722 : vector<16xf32>
      %add3A_724 = arith.constant 400 : i32
      %add3A_725 = arith.addi %add3A_724, %mul3A_669 : i32
      %add3A_726 = arith.constant 2 : i32
      %add3A_727 = arith.addi %add3A_725, %add3A_726 : i32
      %get3A_728 = arith.constant 1 : i32
      %get3A_729 = arith.index_cast %get3A_728 : i32 to index
      %get3A_730 = arith.index_cast %add3A_727 : i32 to index
      %get3A_731 = arith.constant 16 : index
      %get3A_732 = tpu.vector_load %arg6[%get3A_729, %get3A_730, %get3A_731] {strides = array<i32>} : memref<2x800x32xf32, #tpu.memory_space<vmem>>, vector<1x1x16xf32>,
      %get3A_733 = vector.shape_cast %get3A_732 : vector<1x1x16xf32> to vector<16xf32>
      %add3A_734 = arith.addf %scan3A_665, %get3A_733 : vector<16xf32>
      %add3A_735 = arith.constant 400 : i32
      %add3A_736 = arith.addi %add3A_735, %mul3A_669 : i32
      %add3A_737 = arith.constant 3 : i32
      %add3A_738 = arith.addi %add3A_736, %add3A_737 : i32
      %get3A_739 = arith.constant 1 : i32
      %get3A_740 = arith.index_cast %get3A_739 : i32 to index
      %get3A_741 = arith.index_cast %add3A_738 : i32 to index
      %get3A_742 = arith.constant 0 : index
      %get3A_743 = tpu.vector_load %arg6[%get3A_740, %get3A_741, %get3A_742] {strides = array<i32>} : memref<2x800x32xf32, #tpu.memory_space<vmem>>, vector<1x1x16xf32>,
      %get3A_744 = vector.shape_cast %get3A_743 : vector<1x1x16xf32> to vector<16xf32>
      %add3A_745 = arith.addf %scan3A_666, %get3A_744 : vector<16xf32>
      %add3A_746 = arith.constant 400 : i32
      %add3A_747 = arith.addi %add3A_746, %mul3A_669 : i32
      %add3A_748 = arith.constant 3 : i32
      %add3A_749 = arith.addi %add3A_747, %add3A_748 : i32
      %get3A_750 = arith.constant 1 : i32
      %get3A_751 = arith.index_cast %get3A_750 : i32 to index
      %get3A_752 = arith.index_cast %add3A_749 : i32 to index
      %get3A_753 = arith.constant 16 : index
      %get3A_754 = tpu.vector_load %arg6[%get3A_751, %get3A_752, %get3A_753] {strides = array<i32>} : memref<2x800x32xf32, #tpu.memory_space<vmem>>, vector<1x1x16xf32>,
      %get3A_755 = vector.shape_cast %get3A_754 : vector<1x1x16xf32> to vector<16xf32>
      %add3A_756 = arith.addf %scan3A_667, %get3A_755 : vector<16xf32>
      scf.yield %add3A_679, %add3A_690, %add3A_701, %add3A_712, %add3A_723, %add3A_734, %add3A_745, %add3A_756 : vector<16xf32>, vector<16xf32>, vector<16xf32>, vector<16xf32>, vector<16xf32>, vector<16xf32>, vector<16xf32>, vector<16xf32>
    }
    %scan3A_602 = arith.constant 50 : i32
    %add3A_603 = arith.addf %scan3A_601#0, %scan3A_601#2 : vector<16xf32>
    %add3A_604 = arith.addf %scan3A_601#4, %scan3A_601#6 : vector<16xf32>
    %add3A_605 = arith.addf %add3A_603, %add3A_604 : vector<16xf32>
    %add3A_606 = arith.addf %scan3A_601#1, %scan3A_601#3 : vector<16xf32>
    %add3A_607 = arith.addf %scan3A_601#5, %scan3A_601#7 : vector<16xf32>
    %add3A_608 = arith.addf %add3A_606, %add3A_607 : vector<16xf32>
    %mul3A_609 = arith.constant 5.000000e-03 : f32
    %mul3A_610 = vector.broadcast %mul3A_609 : f32 to vector<16xf32>
    %mul3A_611 = arith.mulf %add3A_605, %mul3A_610 : vector<16xf32>
    %swap3A_612 = arith.constant 126 : i32
    %swap3A_613 = arith.index_cast %swap3A_612 : i32 to index
    %swap3A_614 = arith.constant 0 : index
    %swap3A_615 = tpu.vector_load %arg7[%swap3A_613, %swap3A_614] {strides = array<i32>} : memref<128x32xf32, #tpu.memory_space<vmem>>, vector<1x16xf32>,
    %swap3A_616 = vector.shape_cast %swap3A_615 : vector<1x16xf32> to vector<16xf32>
    %swap3A_617 = vector.shape_cast %mul3A_611 : vector<16xf32> to vector<1x16xf32>
    tpu.vector_store %arg7[%swap3A_613, %swap3A_614], %swap3A_617 {strides = array<i32>} : memref<128x32xf32, #tpu.memory_space<vmem>>, vector<1x16xf32>,
    %mul3A_618 = arith.constant 5.000000e-03 : f32
    %mul3A_619 = vector.broadcast %mul3A_618 : f32 to vector<16xf32>
    %mul3A_620 = arith.mulf %add3A_608, %mul3A_619 : vector<16xf32>
    %swap3A_621 = arith.constant 126 : i32
    %swap3A_622 = arith.index_cast %swap3A_621 : i32 to index
    %swap3A_623 = arith.constant 16 : index
    %swap3A_624 = tpu.vector_load %arg7[%swap3A_622, %swap3A_623] {strides = array<i32>} : memref<128x32xf32, #tpu.memory_space<vmem>>, vector<1x16xf32>,
    %swap3A_625 = vector.shape_cast %swap3A_624 : vector<1x16xf32> to vector<16xf32>
    %swap3A_626 = vector.shape_cast %mul3A_620 : vector<16xf32> to vector<1x16xf32>
    tpu.vector_store %arg7[%swap3A_622, %swap3A_623], %swap3A_626 {strides = array<i32>} : memref<128x32xf32, #tpu.memory_space<vmem>>, vector<1x16xf32>,
    %broadcast_in_dim3A_627 = arith.constant 0.000000e+00 : f32
    %broadcast_in_dim3A_628 = vector.broadcast %broadcast_in_dim3A_627 : f32 to vector<16xf32>
    %scan3A_629 = arith.constant 0 : i32
    %scan3A_630 = arith.constant 50 : i32
    %scan3A_631 = arith.addi %scan3A_629, %scan3A_630 : i32
    %scan3A_632 = arith.constant 1 : i32
    %scan3A_633:8 = scf.for %scan3A_659 = %scan3A_629 to %scan3A_631 step %scan3A_632 iter_args(%scan3A_660 = %broadcast_in_dim3A_628, %scan3A_661 = %broadcast_in_dim3A_628, %scan3A_662 = %broadcast_in_dim3A_628, %scan3A_663 = %broadcast_in_dim3A_628, %scan3A_664 = %broadcast_in_dim3A_628, %scan3A_665 = %broadcast_in_dim3A_628, %scan3A_666 = %broadcast_in_dim3A_628, %scan3A_667 = %broadcast_in_dim3A_628) -> (vector<16xf32>, vector<16xf32>, vector<16xf32>, vector<16xf32>, vector<16xf32>, vector<16xf32>, vector<16xf32>, vector<16xf32>)  : i32 {
      %mul3A_668 = arith.constant 4 : i32
      %mul3A_669 = arith.muli %scan3A_659, %mul3A_668 : i32
      %add3A_670 = arith.constant 600 : i32
      %add3A_671 = arith.addi %add3A_670, %mul3A_669 : i32
      %add3A_672 = arith.constant 0 : i32
      %add3A_673 = arith.addi %add3A_671, %add3A_672 : i32
      %get3A = arith.constant 1 : i32
      %get3A_674 = arith.index_cast %get3A : i32 to index
      %get3A_675 = arith.index_cast %add3A_673 : i32 to index
      %get3A_676 = arith.constant 0 : index
      %get3A_677 = tpu.vector_load %arg6[%get3A_674, %get3A_675, %get3A_676] {strides = array<i32>} : memref<2x800x32xf32, #tpu.memory_space<vmem>>, vector<1x1x16xf32>,
      %get3A_678 = vector.shape_cast %get3A_677 : vector<1x1x16xf32> to vector<16xf32>
      %add3A_679 = arith.addf %scan3A_660, %get3A_678 : vector<16xf32>
      %add3A_680 = arith.constant 600 : i32
      %add3A_681 = arith.addi %add3A_680, %mul3A_669 : i32
      %add3A_682 = arith.constant 0 : i32
      %add3A_683 = arith.addi %add3A_681, %add3A_682 : i32
      %get3A_684 = arith.constant 1 : i32
      %get3A_685 = arith.index_cast %get3A_684 : i32 to index
      %get3A_686 = arith.index_cast %add3A_683 : i32 to index
      %get3A_687 = arith.constant 16 : index
      %get3A_688 = tpu.vector_load %arg6[%get3A_685, %get3A_686, %get3A_687] {strides = array<i32>} : memref<2x800x32xf32, #tpu.memory_space<vmem>>, vector<1x1x16xf32>,
      %get3A_689 = vector.shape_cast %get3A_688 : vector<1x1x16xf32> to vector<16xf32>
      %add3A_690 = arith.addf %scan3A_661, %get3A_689 : vector<16xf32>
      %add3A_691 = arith.constant 600 : i32
      %add3A_692 = arith.addi %add3A_691, %mul3A_669 : i32
      %add3A_693 = arith.constant 1 : i32
      %add3A_694 = arith.addi %add3A_692, %add3A_693 : i32
      %get3A_695 = arith.constant 1 : i32
      %get3A_696 = arith.index_cast %get3A_695 : i32 to index
      %get3A_697 = arith.index_cast %add3A_694 : i32 to index
      %get3A_698 = arith.constant 0 : index
      %get3A_699 = tpu.vector_load %arg6[%get3A_696, %get3A_697, %get3A_698] {strides = array<i32>} : memref<2x800x32xf32, #tpu.memory_space<vmem>>, vector<1x1x16xf32>,
      %get3A_700 = vector.shape_cast %get3A_699 : vector<1x1x16xf32> to vector<16xf32>
      %add3A_701 = arith.addf %scan3A_662, %get3A_700 : vector<16xf32>
      %add3A_702 = arith.constant 600 : i32
      %add3A_703 = arith.addi %add3A_702, %mul3A_669 : i32
      %add3A_704 = arith.constant 1 : i32
      %add3A_705 = arith.addi %add3A_703, %add3A_704 : i32
      %get3A_706 = arith.constant 1 : i32
      %get3A_707 = arith.index_cast %get3A_706 : i32 to index
      %get3A_708 = arith.index_cast %add3A_705 : i32 to index
      %get3A_709 = arith.constant 16 : index
      %get3A_710 = tpu.vector_load %arg6[%get3A_707, %get3A_708, %get3A_709] {strides = array<i32>} : memref<2x800x32xf32, #tpu.memory_space<vmem>>, vector<1x1x16xf32>,
      %get3A_711 = vector.shape_cast %get3A_710 : vector<1x1x16xf32> to vector<16xf32>
      %add3A_712 = arith.addf %scan3A_663, %get3A_711 : vector<16xf32>
      %add3A_713 = arith.constant 600 : i32
      %add3A_714 = arith.addi %add3A_713, %mul3A_669 : i32
      %add3A_715 = arith.constant 2 : i32
      %add3A_716 = arith.addi %add3A_714, %add3A_715 : i32
      %get3A_717 = arith.constant 1 : i32
      %get3A_718 = arith.index_cast %get3A_717 : i32 to index
      %get3A_719 = arith.index_cast %add3A_716 : i32 to index
      %get3A_720 = arith.constant 0 : index
      %get3A_721 = tpu.vector_load %arg6[%get3A_718, %get3A_719, %get3A_720] {strides = array<i32>} : memref<2x800x32xf32, #tpu.memory_space<vmem>>, vector<1x1x16xf32>,
      %get3A_722 = vector.shape_cast %get3A_721 : vector<1x1x16xf32> to vector<16xf32>
      %add3A_723 = arith.addf %scan3A_664, %get3A_722 : vector<16xf32>
      %add3A_724 = arith.constant 600 : i32
      %add3A_725 = arith.addi %add3A_724, %mul3A_669 : i32
      %add3A_726 = arith.constant 2 : i32
      %add3A_727 = arith.addi %add3A_725, %add3A_726 : i32
      %get3A_728 = arith.constant 1 : i32
      %get3A_729 = arith.index_cast %get3A_728 : i32 to index
      %get3A_730 = arith.index_cast %add3A_727 : i32 to index
      %get3A_731 = arith.constant 16 : index
      %get3A_732 = tpu.vector_load %arg6[%get3A_729, %get3A_730, %get3A_731] {strides = array<i32>} : memref<2x800x32xf32, #tpu.memory_space<vmem>>, vector<1x1x16xf32>,
      %get3A_733 = vector.shape_cast %get3A_732 : vector<1x1x16xf32> to vector<16xf32>
      %add3A_734 = arith.addf %scan3A_665, %get3A_733 : vector<16xf32>
      %add3A_735 = arith.constant 600 : i32
      %add3A_736 = arith.addi %add3A_735, %mul3A_669 : i32
      %add3A_737 = arith.constant 3 : i32
      %add3A_738 = arith.addi %add3A_736, %add3A_737 : i32
      %get3A_739 = arith.constant 1 : i32
      %get3A_740 = arith.index_cast %get3A_739 : i32 to index
      %get3A_741 = arith.index_cast %add3A_738 : i32 to index
      %get3A_742 = arith.constant 0 : index
      %get3A_743 = tpu.vector_load %arg6[%get3A_740, %get3A_741, %get3A_742] {strides = array<i32>} : memref<2x800x32xf32, #tpu.memory_space<vmem>>, vector<1x1x16xf32>,
      %get3A_744 = vector.shape_cast %get3A_743 : vector<1x1x16xf32> to vector<16xf32>
      %add3A_745 = arith.addf %scan3A_666, %get3A_744 : vector<16xf32>
      %add3A_746 = arith.constant 600 : i32
      %add3A_747 = arith.addi %add3A_746, %mul3A_669 : i32
      %add3A_748 = arith.constant 3 : i32
      %add3A_749 = arith.addi %add3A_747, %add3A_748 : i32
      %get3A_750 = arith.constant 1 : i32
      %get3A_751 = arith.index_cast %get3A_750 : i32 to index
      %get3A_752 = arith.index_cast %add3A_749 : i32 to index
      %get3A_753 = arith.constant 16 : index
      %get3A_754 = tpu.vector_load %arg6[%get3A_751, %get3A_752, %get3A_753] {strides = array<i32>} : memref<2x800x32xf32, #tpu.memory_space<vmem>>, vector<1x1x16xf32>,
      %get3A_755 = vector.shape_cast %get3A_754 : vector<1x1x16xf32> to vector<16xf32>
      %add3A_756 = arith.addf %scan3A_667, %get3A_755 : vector<16xf32>
      scf.yield %add3A_679, %add3A_690, %add3A_701, %add3A_712, %add3A_723, %add3A_734, %add3A_745, %add3A_756 : vector<16xf32>, vector<16xf32>, vector<16xf32>, vector<16xf32>, vector<16xf32>, vector<16xf32>, vector<16xf32>, vector<16xf32>
    }
    %scan3A_634 = arith.constant 50 : i32
    %add3A_635 = arith.addf %scan3A_633#0, %scan3A_633#2 : vector<16xf32>
    %add3A_636 = arith.addf %scan3A_633#4, %scan3A_633#6 : vector<16xf32>
    %add3A_637 = arith.addf %add3A_635, %add3A_636 : vector<16xf32>
    %add3A_638 = arith.addf %scan3A_633#1, %scan3A_633#3 : vector<16xf32>
    %add3A_639 = arith.addf %scan3A_633#5, %scan3A_633#7 : vector<16xf32>
    %add3A_640 = arith.addf %add3A_638, %add3A_639 : vector<16xf32>
    %mul3A_641 = arith.constant 5.000000e-03 : f32
    %mul3A_642 = vector.broadcast %mul3A_641 : f32 to vector<16xf32>
    %mul3A_643 = arith.mulf %add3A_637, %mul3A_642 : vector<16xf32>
    %swap3A_644 = arith.constant 127 : i32
    %swap3A_645 = arith.index_cast %swap3A_644 : i32 to index
    %swap3A_646 = arith.constant 0 : index
    %swap3A_647 = tpu.vector_load %arg7[%swap3A_645, %swap3A_646] {strides = array<i32>} : memref<128x32xf32, #tpu.memory_space<vmem>>, vector<1x16xf32>,
    %swap3A_648 = vector.shape_cast %swap3A_647 : vector<1x16xf32> to vector<16xf32>
    %swap3A_649 = vector.shape_cast %mul3A_643 : vector<16xf32> to vector<1x16xf32>
    tpu.vector_store %arg7[%swap3A_645, %swap3A_646], %swap3A_649 {strides = array<i32>} : memref<128x32xf32, #tpu.memory_space<vmem>>, vector<1x16xf32>,
    %mul3A_650 = arith.constant 5.000000e-03 : f32
    %mul3A_651 = vector.broadcast %mul3A_650 : f32 to vector<16xf32>
    %mul3A_652 = arith.mulf %add3A_640, %mul3A_651 : vector<16xf32>
    %swap3A_653 = arith.constant 127 : i32
    %swap3A_654 = arith.index_cast %swap3A_653 : i32 to index
    %swap3A_655 = arith.constant 16 : index
    %swap3A_656 = tpu.vector_load %arg7[%swap3A_654, %swap3A_655] {strides = array<i32>} : memref<128x32xf32, #tpu.memory_space<vmem>>, vector<1x16xf32>,
    %swap3A_657 = vector.shape_cast %swap3A_656 : vector<1x16xf32> to vector<16xf32>
    %swap3A_658 = vector.shape_cast %mul3A_652 : vector<16xf32> to vector<1x16xf32>
    tpu.vector_store %arg7[%swap3A_654, %swap3A_655], %swap3A_658 {strides = array<i32>} : memref<128x32xf32, #tpu.memory_space<vmem>>, vector<1x16xf32>,
    "tpu.region"() ({
      %run_scoped3A = tpu.sem_alloc : memref<!tpu.dma_semaphore, #tpu.memory_space<semaphore_mem>>
      %dma_start3A_659 = arith.constant 0 : i32
      %dma_start3A_660 = tpu.memref_slice %arg4[%mul3A_2, %dma_start3A_659] : memref<4096x32xf32, #tpu.memory_space<hbm>> -> memref<128x32xf32, #tpu.memory_space<hbm>>
      %dma_start3A_661 = arith.constant 0 : i32
      %dma_start3A_662 = tpu.memref_slice %arg4[%mul3A_2, %dma_start3A_661] : memref<4096x32xf32, #tpu.memory_space<hbm>> -> memref<128x32xf32, #tpu.memory_space<hbm>>
      tpu.enqueue_dma source(%arg7 : memref<128x32xf32, #tpu.memory_space<vmem>>) target(%dma_start3A_662 : memref<128x32xf32, #tpu.memory_space<hbm>>) target_semaphore(%run_scoped3A : memref<!tpu.dma_semaphore, #tpu.memory_space<semaphore_mem>>)
      %dma_wait3A_663 = arith.constant 0 : i32
      %dma_wait3A_664 = tpu.memref_slice %arg4[%mul3A_2, %dma_wait3A_663] : memref<4096x32xf32, #tpu.memory_space<hbm>> -> memref<128x32xf32, #tpu.memory_space<hbm>>
      %dma_wait3A_665 = arith.constant 0 : i32
      %dma_wait3A_666 = tpu.memref_slice %arg4[%mul3A_2, %dma_wait3A_665] : memref<4096x32xf32, #tpu.memory_space<hbm>> -> memref<128x32xf32, #tpu.memory_space<hbm>>
      tpu.wait_dma2 semaphore(%run_scoped3A : memref<!tpu.dma_semaphore, #tpu.memory_space<semaphore_mem>>) src(%arg7 : memref<128x32xf32, #tpu.memory_space<vmem>>) dst(%dma_wait3A_666 : memref<128x32xf32, #tpu.memory_space<hbm>>)
      tpu.yield
    }) : () -> ()
    return
  }
}

module attributes {stable_mosaic.version = 14 : i64} {
  func.func @body(%arg0: memref<4096x32xf32, #tpu.memory_space<vmem>>, %arg1: memref<32x64xf32, #tpu.memory_space<vmem>>, %arg2: memref<1x64xf32, #tpu.memory_space<vmem>>, %arg3: memref<4096x64xf32, #tpu.memory_space<vmem>>) attributes {dimension_semantics = [], scalar_prefetch = 0 : i64, scratch_operands = 0 : i64, tpu.core_type = #tpu.core_type<tc>} {
    %get3A = arith.constant 0 : index
    %get3A_0 = arith.constant 0 : index
    %get3A_1 = vector.load %arg0[%get3A, %get3A_0] : memref<4096x32xf32, #tpu.memory_space<vmem>>, vector<4096x32xf32>
    %get3A_2 = arith.constant 0 : index
    %get3A_3 = arith.constant 0 : index
    %get3A_4 = vector.load %arg1[%get3A_2, %get3A_3] : memref<32x64xf32, #tpu.memory_space<vmem>>, vector<32x64xf32>
    %dot_general3A = arith.constant dense<0.000000e+00> : vector<4096x64xf32>
    %dot_general3A_5 = tpu.matmul %get3A_1, %get3A_4, %dot_general3A {dimension_numbers = #tpu.dot_dimension_numbers<[1], [0], [0], [1], [0, 0, 1, 1], [], []>, transpose_lhs_hint = false} : vector<4096x32xf32>, vector<32x64xf32>, vector<4096x64xf32> -> vector<4096x64xf32>
    %get3A_6 = arith.constant 0 : index
    %get3A_7 = arith.constant 0 : index
    %get3A_8 = vector.load %arg2[%get3A_6, %get3A_7] : memref<1x64xf32, #tpu.memory_space<vmem>>, vector<1x64xf32>
    %add3A = vector.broadcast %get3A_8 : vector<1x64xf32> to vector<4096x64xf32>
    %add3A_9 = arith.addf %dot_general3A_5, %add3A : vector<4096x64xf32>
    %reduce_max3A = arith.constant dense<0xFF800000> : vector<4096xf32>
    %reduce_max3A_10 = vector.multi_reduction <maximumf>, %add3A_9, %reduce_max3A [1] : vector<4096x64xf32> to vector<4096xf32>
    %broadcast_in_dim3A = vector.shape_cast %reduce_max3A_10 : vector<4096xf32> to vector<4096x1xf32>
    %sub3A = vector.broadcast %broadcast_in_dim3A : vector<4096x1xf32> to vector<4096x64xf32>
    %sub3A_11 = arith.subf %add3A_9, %sub3A : vector<4096x64xf32>
    %exp3A = math.exp %sub3A_11 : vector<4096x64xf32>
    %reduce_sum3A = arith.constant dense<0.000000e+00> : vector<4096xf32>
    %reduce_sum3A_12 = vector.multi_reduction <add>, %exp3A, %reduce_sum3A [1] : vector<4096x64xf32> to vector<4096xf32>
    %broadcast_in_dim3A_13 = vector.shape_cast %reduce_sum3A_12 : vector<4096xf32> to vector<4096x1xf32>
    %div3A = vector.broadcast %broadcast_in_dim3A_13 : vector<4096x1xf32> to vector<4096x64xf32>
    %div3A_14 = arith.divf %exp3A, %div3A : vector<4096x64xf32>
    %swap3A = arith.constant 0 : index
    %swap3A_15 = arith.constant 0 : index
    %swap3A_16 = vector.load %arg3[%swap3A, %swap3A_15] : memref<4096x64xf32, #tpu.memory_space<vmem>>, vector<4096x64xf32>
    tpu.vector_store %arg3[%swap3A, %swap3A_15], %div3A_14 {strides = array<i32>} : memref<4096x64xf32, #tpu.memory_space<vmem>>, vector<4096x64xf32>,
    return
  }
}

</mosaic_0001>

<sc_bundles>
// kernel: kernel.4.cloned.1.call-start
scs
__scs_entry_jumppad:
0x0: {  	(pc) =	sbr.rel $0x88, $3  }
0x1: {  	(tag) =	ssettag $0x0;
	lr =	simm.s32 $0x1  }
0x2: {  	[smem:$0x3F9D] =	sst lr;
	_ =	strace $0xD0000000  }
0x3: {  	_ = 	snop  }
0x4: {  	_ = 	snop  }
0x5: {  	_ = 	snop  }
0x6: {  	_ = 	snop  }
0x7: {  	_ = 	snop  }
__scs_overlays_trampoline_lowered:
0x8: {  	[smem:$0x3FAC] =	sst s0  }
0x9: {  	[smem:$0x3FAD] =	sst s1  }
0xa: {  	[smem:$0x3FAE] =	sst s2  }
0xb: {  	[smem:$0x3FAF] =	sst s3  }
0xc: {  	[smem:$0x3FB0] =	sst s4  }
0xd: {  	[smem:$0x3FB1] =	sst s5  }
0xe: {  	[smem:$0x3FB2] =	sst s6  }
0xf: {  	[smem:$0x3FB3] =	sst s7  }
0x10: {  	[smem:$0x3FB4] =	sst s8  }
0x11: {  	[smem:$0x3FB5] =	sst s9;
	s0 =	simm.s32 @!p0 $0x0  }
0x12: {  	s1 =	sld [smem:$0x3F9B];
	s0 =	simm.s32 @p0 $0x1  }
0x13: {  	[smem:$0x3FB6] =	sst s0;
	s0 =	simm.s32 @!p1 $0x0  }
0x14: {  	s2 =	sld [smem:$0x3F9A];
	s0 =	simm.s32 @p1 $0x1  }
0x15: {  	[smem:$0x3FB7] =	sst s0;
	s0 =	simm.s32 @!p2 $0x0  }
0x16: {  	s3 =	sld [smem:$0x3FDB];
	s0 =	simm.s32 @p2 $0x1  }
0x17: {  	s4 =	simm.s32 $0x1BF5;
	[smem:$0x3FB9] =	sst s0  }
0x18: {  	s0 =	sld [smem:$0x3F9C];
	_ =	swait.ge [sflag:s4], $0x0  }
0x19: {  	s7 =	sld [smem:$0x3F9D]  }
0x1a: {  	s8 =	sadd.s32 $0xFFFFE003, lr  }
0x1b: {  	s9 =	sadd.s32 $0xFFFFFEF7, lr;
	s5 =	simm.s32 $0xFFFFFFFF;
	p2 =	slt.u32 s8, $0xFFFFF086  }
0x1c: {  	p1 =	slt.u32 s9, $0xF7A;
	s5 =	simm.s32 @!p2 $0x0  }
0x1d: {  	s5 =	simm.s32 @p1 $0x1;
	p0 =	seq.s32 s7, s2  }
0x1e: {  	s7 =	smul.u32 @!p0 $0xF7A, s2;
	p2 =	seq.s32 @!p0 s5, $0x0  }
0x1f: {  	s9 =	smul.u32 $0xF7A, s1;
	s8 =	simm.s32 @!p0 $0x1BF5;
	p2 =	por !p2, p0  }
0x20: {  	[sflag:s8] =	ssyncset.s32 @!p0 $0xFFFFF086;
	s6 =	sadd.s32 @!p0 s3, s7;
	s7 =	simm.s32 @!p0 $0x108  }
0x21: {  	s3 =	sadd.s32 s3, s9;
	s6 =	sadd.s32 @!p0 $0x88, s6;
	s7 =	simm.s32 @p2 $0x1082  }
0x22: {  	[simem:s7], [sflag:s8] =	dma.local @!p0 [hbm:s6], $0xF7A  }
0x23: {  	s9 =	sor.u32 $0xD0000000, s2;
	s6 =	simm.s32 $0x108;
	_ =	swait.ge @!p0 [sflag:s8], $0x0  }
0x24: {  	s3 =	sadd.s32 $0x88, s3;
	s6 =	simm.s32 @!p1 $0x1082;
	[sflag:s4] =	ssyncset.s32 $0xFFFFF086  }
0x25: {  	[simem:s6], [sflag:s4] =	dma.local [hbm:s3], $0xF7A  }
0x26: {  	[smem:$0x3F9D] =	sst s1;
	(tag) =	ssettag s2;
	_ =	strace s9  }
0x27: {  	s1 =	sld [smem:$0x3FAD]  }
0x28: {  	s2 =	sld [smem:$0x3FAE]  }
0x29: {  	s4 =	sld [smem:$0x3FB0]  }
0x2a: {  	p0 =	seq.s32 s5, $0x0;
	s5 =	sld [smem:$0x3FB1]  }
0x2b: {  	s6 =	sld [smem:$0x3FB2]  }
0x2c: {  	s7 =	sld [smem:$0x3FB3]  }
0x2d: {  	s3 =	simm.s32 $0x108;
	s8 =	sld [smem:$0x3FB4]  }
0x2e: {  	s3 =	simm.s32 @!p0 $0x1082;
	s9 =	sld [smem:$0x3FB5]  }
0x2f: {  	lr =	sadd.s32 s0, s3;
	s0 =	sld [smem:$0x3FAC]  }
0x30: {  	s3 =	sld [smem:$0x3FAF]  }
0x31: {  	[smem:$0x3FB8] =	sst s10  }
0x32: {  	s10 =	sld [smem:$0x3FB6];
	_ =	sdelay $0x3  }
0x33: {  	p0 =	seq.s32 s10, $0x1;
	s10 =	sld [smem:$0x3FB8];
	_ =	sdelay $0x3  }
0x34: {  	[smem:$0x3FB8] =	sst s10  }
0x35: {  	s10 =	sld [smem:$0x3FB7];
	_ =	sdelay $0x3  }
0x36: {  	p1 =	seq.s32 s10, $0x1;
	s10 =	sld [smem:$0x3FB8];
	_ =	sdelay $0x3  }
0x37: {  	[smem:$0x3FB8] =	sst s10  }
0x38: {  	s10 =	sld [smem:$0x3FB9]  }
0x39: {  	_ = 	snop;
	(pc) =	sbr.ind lr, $3  }
0x3a: {  	_ = 	snop  }
0x3b: {  	_ = 	snop  }
0x3c: {  	p2 =	seq.s32 s10, $0x1;
	s10 =	sld [smem:$0x3FB8]  }
0x3d: {  	_ =	shalt  }
0x3e: {  	_ =	shalt  }
0x3f: {  	_ =	shalt  }
0x40: {  	_ =	shalt  }
0x41: {  	_ =	shalt  }
0x42: {  	_ =	shalt  }
0x43: {  	_ =	shalt  }
0x44: {  	_ =	shalt  }
0x45: {  	_ =	shalt  }
0x46: {  	_ =	shalt  }
0x47: {  	_ =	shalt  }
0x48: {  	_ =	shalt  }
0x49: {  	_ =	shalt  }
0x4a: {  	_ =	shalt  }
0x4b: {  	_ =	shalt  }
0x4c: {  	_ =	shalt  }
0x4d: {  	_ =	shalt  }
0x4e: {  	_ =	shalt  }
0x4f: {  	_ =	shalt  }
0x50: {  	_ =	shalt  }
0x51: {  	_ =	shalt  }
0x52: {  	_ =	shalt  }
0x53: {  	_ =	shalt  }
0x54: {  	_ =	shalt  }
0x55: {  	_ =	shalt  }
0x56: {  	_ =	shalt  }
0x57: {  	_ =	shalt  }
0x58: {  	_ =	shalt  }
0x59: {  	_ =	shalt  }
0x5a: {  	_ =	shalt  }
0x5b: {  	_ =	shalt  }
0x5c: {  	_ =	shalt  }
0x5d: {  	_ =	shalt  }
0x5e: {  	_ =	shalt  }
0x5f: {  	_ =	shalt  }
0x60: {  	_ =	shalt  }
0x61: {  	_ =	shalt  }
0x62: {  	_ =	shalt  }
0x63: {  	_ =	shalt  }
0x64: {  	_ =	shalt  }
0x65: {  	_ =	shalt  }
0x66: {  	_ =	shalt  }
0x67: {  	_ =	shalt  }
0x68: {  	_ =	shalt  }
0x69: {  	_ =	shalt  }
0x6a: {  	_ =	shalt  }
0x6b: {  	_ =	shalt  }
0x6c: {  	_ =	shalt  }
0x6d: {  	_ =	shalt  }
0x6e: {  	_ =	shalt  }
0x6f: {  	_ =	shalt  }
0x70: {  	_ =	shalt  }
0x71: {  	_ =	shalt  }
0x72: {  	_ =	shalt  }
0x73: {  	_ =	shalt  }
0x74: {  	_ =	shalt  }
0x75: {  	_ =	shalt  }
0x76: {  	_ =	shalt  }
0x77: {  	_ =	shalt  }
0x78: {  	_ =	shalt  }
0x79: {  	_ =	shalt  }
0x7a: {  	_ =	shalt  }
0x7b: {  	_ =	shalt  }
0x7c: {  	_ =	shalt  }
0x7d: {  	_ =	shalt  }
0x7e: {  	_ =	shalt  }
0x7f: {  	_ =	shalt  }
0x80: {  	_ =	shalt  }
0x81: {  	_ =	shalt  }
0x82: {  	_ =	shalt  }
0x83: {  	_ =	shalt  }
0x84: {  	_ =	shalt  }
0x85: {  	_ =	shalt  }
0x86: {  	_ =	shalt  }
0x87: {  	_ =	shalt  }
.Lfunc_end0:
.L_simem_size_0:
called_computation_lowered:
.L_overlay_start_0:
0x88: {  	s2 =	sld [smem:$0x3FD9]  }
0x89: {  	s3 =	sld [smem:$0x3FFE];
	_ =	sdelay $0x1  }
0x8a: {  	s1 =	srdreg.scid  }
0x8b: {  	s0 =	sand.u32 $0x1, s1  }
0x8c: {  	s17 =	sshll.u32 s0, $0xA;
	s2 =	sadd.s32 s3, s2  }
0x8d: {  	s2 =	sadd.s32 s2, s17  }
0x8e: {  	[smem:$0x3FC4] =	sst s2  }
0x8f: {  	_ = 	snop  }
0x90: {  	s2 =	sld [smem:$0x3FD0];
	(tm) =	ssettm $0x1  }
0x91: {  	s18 =	sld [smem:$0x3FFB];
	_ =	sdelay $0x3  }
0x92: {  	_ =	strace s18  }
0x93: {  	s3 =	sld [smem:$0x3FFC];
	_ =	sdelay $0x3  }
0x94: {  	_ =	strace s3  }
0x95: {  	s3 =	sld [smem:$0x3FFD];
	_ =	sdelay $0x3  }
0x96: {  	_ =	strace s3  }
0x97: {  	_ =	strace $0x8FFFFFFF  }
0x98: {  	s19 =	sld [smem:$0x3FDB];
	_ =	sdelay $0x1  }
0x99: {  	s4 =	simm.s32 $_scs_section_size  }
0x9a: {  	s5 =	simm.s32 $_size__tile_overlayer_lowered;
	s6 =	simm.s32 $_tile_overlayer_lowered  }
0x9b: {  	s22 =	simm.s32 $0x1BFF;
	s21 =	sshll.u32 s6, $0x1;
	s3 =	sadd.s32 s4, s19  }
0x9c: {  	s7 =	simm.s32 $0x0;
	s20 =	sshll.u32 s5, $0x1;
	s5 =	sadd.s32 s21, s3  }
0x9d: {  	[timem:s7], [sflag:s22] =	dma.local [hbm:s5], s20  }
0x9e: {  	_ =	swait.ge [sflag:s22], s20  }
0x9f: {  	s4 =	ssub.s32 $0x0, s20;
	[sflag:s22] =	ssyncset.done $0x0  }
0xa0: {  	[sflag:s22] =	ssyncadd.s32 s4;
	_ =	sdelay $0x1  }
0xa1: {  	s23 =	simm.s32 $0x1B8B  }
0xa2: {  	_ =	swait.ge [sflag:s23], $0x1  }
0xa3: {  	[sflag:s23] =	ssyncset.done $0x0  }
0xa4: {  	s25 =	simm.s32 $0x1B8E;
	s24 =	sld [smem:$0x3FFE];
	[sflag:s23] =	ssyncadd.s32 $0xFFFFFFFF  }
0xa5: {  	s26 =	simm.s32 $execute0_lowered;
	[smem:$0x3FD2] =	sst s25  }
0xa6: {  	s5 =	sshll.u32 s26, $0x1;
	_ =	strace $0x80000046;
	[dreg:$0x1] =	wrdreg $0xFFFFFFFF  }
0xa7: {  	s28 =	simm.s32 $_size_execute0_lowered;
	s3 =	sadd.s32 s3, s5;
	[dreg:$0x0] =	wrdreg $0x0  }
0xa8: {  	s5 =	sshll.u32 s28, $0x1;
	[dreg:$0x2] =	wrdreg s3  }
0xa9: {  	[dreg:$0x3] =	wrdreg s5  }
0xaa: {  	[dreg:$0x4] =	wrdreg $0xC0  }
0xab: {  	_ =	task [dreg:s7], $0x5FFFF  }
0xac: {  	[dreg:$0x1] =	wrdreg $0xFFFFFFFF  }
0xad: {  	[dreg:$0x0] =	wrdreg $0x60  }
0xae: {  	[dreg:$0x2] =	wrdreg s24  }
0xaf: {  	[dreg:$0x3] =	wrdreg s2  }
0xb0: {  	[dreg:$0x4] =	wrdreg $0x9  }
0xb1: {  	_ =	task.clear_ibuf [dreg:s7], $0x5FFFF;
	_ =	strace $0x90000046  }
0xb2: {  	s29 =	simm.s32 $0x9;
	_ =	strace $0x80000048  }
0xb3: {  	_ =	swait.ge [sflag:s29], $0x1  }
0xb4: {  	[sflag:s29] =	ssyncadd.s32 $0xFFFFFFFF  }
0xb5: {  	_ =	strace $0x90000048  }
0xb6: {  	_ =	sfence  }
0xb7: {  	s30 =	sld [smem:$0x0];
	_ =	sdelay $0x2  }
0xb8: {  	s31 =	sshll.u32 s1, $0xD;
	s1 =	sshrl.u32 s1, $0x2  }
0xb9: {  	s3 =	sand.u32 $0x4000, s31;
	s1 =	sadd.s32 s1, s30  }
0xba: {  	s0 =	sor.u32 s3, s0;
	s1 =	sshll.u32 s1, $0x11  }
0xbb: {  	s0 =	sor.u32 s1, s0  }
0xbc: {  	s0 =	sadd.s32 $0x8F2B, s0  }
0xbd: {  	[sflag:s0] =	ssyncadd.remote.s32 $0x1  }
0xbe: {  	_ =	sfence.sel $0xFFFF  }
0xbf: {  	[dreg:$0x0] =	wrdreg $0xFFFFFFFF;
	(pc) =	sbr.abs _section_cstart, $3  }
0xc0: {  	[dreg:$0x1] =	wrdreg $0xFFFFFFFF  }
0xc1: {  	_ =	task.clear_ibuf [dreg:s7], $0x2FFFF;
	_ =	strace $0x9FFFFFFF  }
0xc2: {  	(tm) =	ssettm $0x7FFFFFFF  }
0xc3: {  	_ =	shalt  }
tec
execute0_lowered:
.L_overlay_start_1:
0x0: {  	(tag) =	ssettag $0x1  }
0x1: {  	s0 =	rddreg [dreg:$0x0];
	s1 =	srdreg.scid  }
0x2: {  	s2 =	stileid.u32;
	s4 =	rddreg [dreg:$0x1]  }
0x3: {  	s7 =	simm.s32 $0x1;
	s8 =	simm.s32 $0x80;
	s9 =	simm.s32 $0x8000  }
0x4: {  	s10 =	simm.s32 $0x48;
	s11 =	simm.s32 $0x9000;
	s13 =	simm.s32 $0x9900  }
0x5: {  	s15 =	simm.s32 $0xA900;
	s17 =	simm.s32 $0xB200;
	s19 =	simm.s32 $0xC200  }
0x6: {  	s21 =	simm.s32 $0xCB00;
	s23 =	simm.s32 $0xDB00;
	s28 =	simm.s32 $0xF400  }
0x7: {  	s30 =	simm.s32 $0xFD00;
	s12 =	simm.s32 $0x11600;
	s16 =	simm.s32 $0x12600  }
0x8: {  	s20 =	simm.s32 $0x12F00;
	s24 =	simm.s32 $0x13F00;
	s29 =	simm.s32 $0x3  }
0x9: {  	s1 =	sand.u32 $0x1, s1;
	s3 =	sshll.u32 s2, $0x1;
	s2 =	simm.s32 $0x0  }
0xa: {  	s14 =	simm.s32 $0x0;
	s5 =	sor.u32 s1, s3;
	[smem:$0x7FF] =	sst s2  }
0xb: {  	s1 =	ssub.s32 $0x2, s1;
	s3 =	sshll.u32 s5, $0xC;
	_ =	strace $0x80000047  }
0xc: {  	s25 =	sshrl.u32 s1, $0x1;
	s5 =	sshll.u32 s5, $0x9;
	s6 =	sadd.s32 s3, s0  }
0xd: {  	s3 =	sadd.s32 $0xF42E00, s0;
	s0 =	ssub.s32 s1, s25;
	s31 =	sadd.s32 s4, s5  }
0xe: {  	s25 =	simm.s32 $0xE400;
	s26 =	sadd.s32 $0xA00, s6;
	[dreg:$0x4] =	wrdreg s31  }
0xf: {  	s1 =	simm.s32 $0x10D00;
	s0 =	smax.u32 s0, $0x1;
	[dreg:$0x3] =	wrdreg s26  }
0x10: {  	[dreg:$0x5] =	wrdreg s0;
	s26 =	simm.s32 $0x2;
	s0 =	simm.s32 $0x4  }
.LBB2_1:
0x11: {  	s4 =	rddreg [dreg:$0x3]  }
0x12: {  	[tilespmem:s2], [sflag:$0x1] =	stream.linear.gather [hbm4b:s4+s2], $0x8000, $0x38;
	[tilespmem:$0x15800] =	vst v63  }
0x13: {  	_ =	swait.ge [sflag:s7], $0x8000  }
0x14: {  	[sflag:s7] =	ssyncset.done $0x0  }
0x15: {  	[sflag:s7] =	ssyncadd.s32 $0xFFFF8000  }
0x16: {  	[tilespmem:s9], [sflag:$0x2] =	stream.indirect.gather [hbm4b:s3+s8], $0x20, s2, s8, $0xb8;
	[tilespmem:$0x15800] =	vst v63  }
0x17: {  	_ = 	snop  }
0x18: {  	[tilespmem:s11], [sflag:$0x2] =	stream.indirect.gather [hbm4b:s3+s10], $0x20, s8, s10, $0xb8;
	[tilespmem:$0x15800] =	vst v63  }
0x19: {  	s6 =	simm.s32 $0x100  }
0x1a: {  	[tilespmem:s13], [sflag:$0x2] =	stream.indirect.gather [hbm4b:s3+s8], $0x20, s6, s8, $0xb8;
	[tilespmem:$0x15800] =	vst v63  }
0x1b: {  	s18 =	simm.s32 $0x180  }
0x1c: {  	[tilespmem:s15], [sflag:$0x2] =	stream.indirect.gather [hbm4b:s3+s10], $0x20, s18, s10, $0xb8;
	[tilespmem:$0x15800] =	vst v63  }
0x1d: {  	s22 =	simm.s32 $0x200  }
0x1e: {  	[tilespmem:s17], [sflag:$0x2] =	stream.indirect.gather [hbm4b:s3+s8], $0x20, s22, s8, $0xb8;
	[tilespmem:$0x15800] =	vst v63  }
0x1f: {  	s31 =	simm.s32 $0x280  }
0x20: {  	[tilespmem:s19], [sflag:$0x2] =	stream.indirect.gather [hbm4b:s3+s10], $0x20, s31, s10, $0xb8;
	[tilespmem:$0x15800] =	vst v63  }
0x21: {  	s5 =	simm.s32 $0x300  }
0x22: {  	[tilespmem:s21], [sflag:$0x2] =	stream.indirect.gather [hbm4b:s3+s8], $0x20, s5, s8, $0xb8;
	[tilespmem:$0x15800] =	vst v63  }
0x23: {  	s6 =	simm.s32 $0x380  }
0x24: {  	[tilespmem:s23], [sflag:$0x2] =	stream.indirect.gather [hbm4b:s3+s10], $0x20, s6, s10, $0xb8;
	[tilespmem:$0x15800] =	vst v63  }
0x25: {  	s18 =	simm.s32 $0x400  }
0x26: {  	[tilespmem:s25], [sflag:$0x3] =	stream.indirect.gather [hbm4b:s3+s8], $0x20, s18, s8, $0xb8;
	[tilespmem:$0x15800] =	vst v63  }
0x27: {  	s22 =	simm.s32 $0x480  }
0x28: {  	[tilespmem:s28], [sflag:$0x3] =	stream.indirect.gather [hbm4b:s3+s10], $0x20, s22, s10, $0xb8;
	[tilespmem:$0x15800] =	vst v63  }
0x29: {  	s31 =	simm.s32 $0x500  }
0x2a: {  	[tilespmem:s30], [sflag:$0x3] =	stream.indirect.gather [hbm4b:s3+s8], $0x20, s31, s8, $0xb8;
	[tilespmem:$0x15800] =	vst v63  }
0x2b: {  	s5 =	simm.s32 $0x580  }
0x2c: {  	[tilespmem:s1], [sflag:$0x3] =	stream.indirect.gather [hbm4b:s3+s10], $0x20, s5, s10, $0xb8;
	[tilespmem:$0x15800] =	vst v63  }
0x2d: {  	s6 =	simm.s32 $0x600  }
0x2e: {  	[tilespmem:s12], [sflag:$0x3] =	stream.indirect.gather [hbm4b:s3+s8], $0x20, s6, s8, $0xb8;
	[tilespmem:$0x15800] =	vst v63  }
0x2f: {  	s18 =	simm.s32 $0x680  }
0x30: {  	[tilespmem:s16], [sflag:$0x3] =	stream.indirect.gather [hbm4b:s3+s10], $0x20, s18, s10, $0xb8;
	[tilespmem:$0x15800] =	vst v63  }
0x31: {  	s22 =	simm.s32 $0x700  }
0x32: {  	[tilespmem:s20], [sflag:$0x3] =	stream.indirect.gather [hbm4b:s3+s8], $0x20, s22, s8, $0xb8;
	[tilespmem:$0x15800] =	vst v63  }
0x33: {  	s31 =	simm.s32 $0x780;
	s18 =	simm.s32 $0x0  }
0x34: {  	[tilespmem:s24], [sflag:$0x3] =	stream.indirect.gather [hbm4b:s3+s10], $0x20, s31, s10, $0xb8;
	[tilespmem:$0x15800] =	vst v63  }
.LBB2_2:
0x35: {  	_ =	swait.ge [sflag:s26], $0x1000  }
0x36: {  	[sflag:s26] =	ssyncset.done $0x0  }
0x37: {  	[sflag:s26] =	ssyncadd.s32 $0xFFFFF000  }
0x38: {  	_ =	swait.ge [sflag:s26], $0x900  }
0x39: {  	[sflag:s26] =	ssyncset.done $0x0  }
0x3a: {  	[sflag:s26] =	ssyncadd.s32 $0xFFFFF700  }
0x3b: {  	_ =	swait.ge [sflag:s26], $0x1000  }
0x3c: {  	[sflag:s26] =	ssyncset.done $0x0  }
0x3d: {  	[sflag:s26] =	ssyncadd.s32 $0xFFFFF000  }
0x3e: {  	_ =	swait.ge [sflag:s26], $0x900  }
0x3f: {  	[sflag:s26] =	ssyncset.done $0x0  }
0x40: {  	[sflag:s26] =	ssyncadd.s32 $0xFFFFF700  }
0x41: {  	_ =	swait.ge [sflag:s26], $0x1000  }
0x42: {  	[sflag:s26] =	ssyncset.done $0x0  }
0x43: {  	[sflag:s26] =	ssyncadd.s32 $0xFFFFF000  }
0x44: {  	_ =	swait.ge [sflag:s26], $0x900  }
0x45: {  	[sflag:s26] =	ssyncset.done $0x0  }
0x46: {  	[sflag:s26] =	ssyncadd.s32 $0xFFFFF700  }
0x47: {  	_ =	swait.ge [sflag:s26], $0x1000  }
0x48: {  	[sflag:s26] =	ssyncset.done $0x0  }
0x49: {  	[sflag:s26] =	ssyncadd.s32 $0xFFFFF000  }
0x4a: {  	_ =	swait.ge [sflag:s26], $0x900  }
0x4b: {  	[sflag:s26] =	ssyncset.done $0x0  }
0x4c: {  	s5 =	simm.s32 $0x0;
	[sflag:s26] =	ssyncadd.s32 $0xFFFFF700  }
0x4d: {  	v0 =	vld [tilespmem:s5+$0x8070]  }
0x4e: {  	v1 =	vld [tilespmem:s5+$0x8000]  }
0x4f: {  	v2 =	vld [tilespmem:s5+$0x8010]  }
0x50: {  	v5 =	vld [tilespmem:s5+$0x8020]  }
0x51: {  	v6 =	vld [tilespmem:s5+$0x8030]  }
0x52: {  	v3 =	vimm.f32 $0.0e+00;
	v4 =	vimm.f32 $0.0e+00;
	v7 =	vld [tilespmem:s5+$0x8040]  }
0x53: {  	v10 =	vimm.f32 $0.0e+00;
	v8 =	vimm.f32 $0.0e+00;
	v11 =	vld [tilespmem:s5+$0x8050];
	v0 =	vadd.f32 v0, v3  }
0x54: {  	s22 =	simm.s32 $0x80;
	s4 =	simm.s32 $0x400;
	v9 =	vimm.f32 $0.0e+00;
	v12 =	vld [tilespmem:s5+$0x8060];
	v1 =	vadd.f32 v1, v3;
	v2 =	vadd.f32 v2, v3  }
.LBB2_3:
0x55: {  	p0 =	sne.s32 s4, $0x6200;
	v13 =	vld [tilespmem:s22+$0x8070];
	v3 =	vadd.f32 v5, v3  }
0x56: {  	v14 =	vld [tilespmem:s22+$0x8000];
	v4 =	vadd.f32 v6, v4  }
0x57: {  	v15 =	vld [tilespmem:s22+$0x8010];
	v10 =	vadd.f32 v7, v10  }
.Ltmp0:
0x58: {  	v5 =	vld [tilespmem:s22+$0x8020];
	v8 =	vadd.f32 v11, v8;
	(pc) =	sbr.rel @p0 .LBB2_3-.Ltmp0, $4  }
0x59: {  	v6 =	vld [tilespmem:s22+$0x8030];
	v9 =	vadd.f32 v12, v9  }
0x5a: {  	v7 =	vld [tilespmem:s22+$0x8040];
	v0 =	vadd.f32 v13, v0  }
0x5b: {  	v1 =	vadd.f32 v14, v1;
	v11 =	vld [tilespmem:s22+$0x8050]  }
0x5c: {  	v2 =	vadd.f32 v15, v2;
	v12 =	vld [tilespmem:s22+$0x8060];
	s22 =	sshra.s32 s4, $0x2;
	s4 =	sadd.s32 $0x200, s4  }
0x5d: {  	v13 =	vld [tilespmem:s22+$0x8070]  }
0x5e: {  	v14 =	vld [tilespmem:s22+$0x8000]  }
0x5f: {  	v15 =	vld [tilespmem:s22+$0x8010]  }
0x60: {  	v16 =	vld [tilespmem:s22+$0x8020]  }
0x61: {  	v17 =	vld [tilespmem:s22+$0x8030]  }
0x62: {  	v18 =	vld [tilespmem:s22+$0x8040]  }
0x63: {  	v3 =	vadd.f32 v5, v3;
	v5 =	vld [tilespmem:s22+$0x8060]  }
0x64: {  	v4 =	vadd.f32 v6, v4;
	v6 =	vadd.f32 v7, v10;
	v7 =	vld [tilespmem:s22+$0x8050]  }
0x65: {  	v8 =	vadd.f32 v11, v8;
	v9 =	vadd.f32 v12, v9  }
0x66: {  	v0 =	vadd.f32 v13, v0;
	v1 =	vadd.f32 v14, v1  }
0x67: {  	v2 =	vadd.f32 v15, v2;
	v3 =	vadd.f32 v16, v3  }
0x68: {  	v6 =	vadd.f32 v18, v6;
	v5 =	vadd.f32 v5, v9  }
0x69: {  	v4 =	vadd.f32 v17, v4;
	v7 =	vadd.f32 v7, v8  }
0x6a: {  	v1 =	vadd.f32 v3, v1;
	v3 =	vadd.f32 v5, v6  }
0x6b: {  	v2 =	vadd.f32 v4, v2;
	v0 =	vadd.f32 v0, v7  }
0x6c: {  	v1 =	vadd.f32 v3, v1  }
0x6d: {  	v0 =	vadd.f32 v0, v2  }
0x6e: {  	s4 =	sshll.u32 s18, $0xA;
	v1 =	vmul.f32 $4.999999890e-03, v1  }
0x6f: {  	s22 =	sshra.s32 s4, $0x2;
	v0 =	vmul.f32 $4.999999890e-03, v0  }
0x70: {  	[tilespmem:s22+$0x14800] =	vst v1  }
0x71: {  	s5 =	simm.s32 $0x0;
	[tilespmem:s22+$0x14810] =	vst v0  }
0x72: {  	v0 =	vld [tilespmem:s5+$0x9970]  }
0x73: {  	v1 =	vld [tilespmem:s5+$0x9900]  }
0x74: {  	v2 =	vld [tilespmem:s5+$0x9910]  }
0x75: {  	v5 =	vld [tilespmem:s5+$0x9920]  }
0x76: {  	v6 =	vld [tilespmem:s5+$0x9930]  }
0x77: {  	v10 =	vimm.f32 $0.0e+00;
	v3 =	vimm.f32 $0.0e+00;
	v7 =	vld [tilespmem:s5+$0x9940]  }
0x78: {  	v9 =	vimm.f32 $0.0e+00;
	v4 =	vimm.f32 $0.0e+00;
	v11 =	vld [tilespmem:s5+$0x9950];
	v0 =	vadd.f32 v0, v3  }
0x79: {  	s31 =	simm.s32 $0x80;
	s4 =	simm.s32 $0x400;
	v8 =	vimm.f32 $0.0e+00;
	v12 =	vld [tilespmem:s5+$0x9960];
	v1 =	vadd.f32 v1, v3;
	v2 =	vadd.f32 v2, v3  }
.LBB2_5:
0x7a: {  	p0 =	sne.s32 s4, $0x6200;
	v13 =	vld [tilespmem:s31+$0x9970];
	v3 =	vadd.f32 v5, v3  }
0x7b: {  	v14 =	vld [tilespmem:s31+$0x9900];
	v4 =	vadd.f32 v6, v4  }
0x7c: {  	v15 =	vld [tilespmem:s31+$0x9910];
	v10 =	vadd.f32 v7, v10  }
.Ltmp1:
0x7d: {  	v5 =	vld [tilespmem:s31+$0x9920];
	v8 =	vadd.f32 v11, v8;
	(pc) =	sbr.rel @p0 .LBB2_5-.Ltmp1, $4  }
0x7e: {  	v6 =	vld [tilespmem:s31+$0x9930];
	v9 =	vadd.f32 v12, v9  }
0x7f: {  	v7 =	vld [tilespmem:s31+$0x9940];
	v0 =	vadd.f32 v13, v0  }
0x80: {  	v1 =	vadd.f32 v14, v1;
	v11 =	vld [tilespmem:s31+$0x9950]  }
0x81: {  	v2 =	vadd.f32 v15, v2;
	v12 =	vld [tilespmem:s31+$0x9960];
	s31 =	sshra.s32 s4, $0x2;
	s4 =	sadd.s32 $0x200, s4  }
0x82: {  	v13 =	vld [tilespmem:s31+$0x9970]  }
0x83: {  	v14 =	vld [tilespmem:s31+$0x9900]  }
0x84: {  	v15 =	vld [tilespmem:s31+$0x9910]  }
0x85: {  	v16 =	vld [tilespmem:s31+$0x9920]  }
0x86: {  	v17 =	vld [tilespmem:s31+$0x9930]  }
0x87: {  	v18 =	vld [tilespmem:s31+$0x9940]  }
0x88: {  	v3 =	vadd.f32 v5, v3;
	v5 =	vld [tilespmem:s31+$0x9960]  }
0x89: {  	v4 =	vadd.f32 v6, v4;
	v6 =	vadd.f32 v7, v10;
	v7 =	vld [tilespmem:s31+$0x9950]  }
0x8a: {  	v8 =	vadd.f32 v11, v8;
	v9 =	vadd.f32 v12, v9  }
0x8b: {  	v0 =	vadd.f32 v13, v0;
	v1 =	vadd.f32 v14, v1  }
0x8c: {  	v2 =	vadd.f32 v15, v2;
	v3 =	vadd.f32 v16, v3  }
0x8d: {  	v6 =	vadd.f32 v18, v6;
	v5 =	vadd.f32 v5, v9  }
0x8e: {  	v4 =	vadd.f32 v17, v4;
	v7 =	vadd.f32 v7, v8  }
0x8f: {  	v1 =	vadd.f32 v3, v1;
	v3 =	vadd.f32 v5, v6  }
0x90: {  	v2 =	vadd.f32 v4, v2;
	v0 =	vadd.f32 v0, v7  }
0x91: {  	v1 =	vadd.f32 v3, v1  }
0x92: {  	v0 =	vadd.f32 v0, v2  }
0x93: {  	v1 =	vmul.f32 $4.999999890e-03, v1  }
0x94: {  	v0 =	vmul.f32 $4.999999890e-03, v0  }
0x95: {  	[tilespmem:s22+$0x14820] =	vst v1  }
0x96: {  	s5 =	simm.s32 $0x0;
	[tilespmem:s22+$0x14830] =	vst v0  }
0x97: {  	v0 =	vld [tilespmem:s5+$0xB270]  }
0x98: {  	v1 =	vld [tilespmem:s5+$0xB200]  }
0x99: {  	v2 =	vld [tilespmem:s5+$0xB210]  }
0x9a: {  	v5 =	vld [tilespmem:s5+$0xB220]  }
0x9b: {  	v6 =	vld [tilespmem:s5+$0xB230]  }
0x9c: {  	v10 =	vimm.f32 $0.0e+00;
	v3 =	vimm.f32 $0.0e+00;
	v7 =	vld [tilespmem:s5+$0xB240]  }
0x9d: {  	v9 =	vimm.f32 $0.0e+00;
	v4 =	vimm.f32 $0.0e+00;
	v11 =	vld [tilespmem:s5+$0xB250];
	v0 =	vadd.f32 v0, v3  }
0x9e: {  	s4 =	simm.s32 $0x400;
	s31 =	simm.s32 $0x80;
	v8 =	vimm.f32 $0.0e+00;
	v12 =	vld [tilespmem:s5+$0xB260];
	v1 =	vadd.f32 v1, v3;
	v2 =	vadd.f32 v2, v3  }
.LBB2_7:
0x9f: {  	p0 =	sne.s32 s4, $0x6200;
	v13 =	vld [tilespmem:s31+$0xB270];
	v3 =	vadd.f32 v5, v3  }
0xa0: {  	v14 =	vld [tilespmem:s31+$0xB200];
	v4 =	vadd.f32 v6, v4  }
0xa1: {  	v15 =	vld [tilespmem:s31+$0xB210];
	v10 =	vadd.f32 v7, v10  }
.Ltmp2:
0xa2: {  	v5 =	vld [tilespmem:s31+$0xB220];
	v8 =	vadd.f32 v11, v8;
	(pc) =	sbr.rel @p0 .LBB2_7-.Ltmp2, $4  }
0xa3: {  	v6 =	vld [tilespmem:s31+$0xB230];
	v9 =	vadd.f32 v12, v9  }
0xa4: {  	v7 =	vld [tilespmem:s31+$0xB240];
	v0 =	vadd.f32 v13, v0  }
0xa5: {  	v1 =	vadd.f32 v14, v1;
	v11 =	vld [tilespmem:s31+$0xB250]  }
0xa6: {  	v2 =	vadd.f32 v15, v2;
	v12 =	vld [tilespmem:s31+$0xB260];
	s31 =	sshra.s32 s4, $0x2;
	s4 =	sadd.s32 $0x200, s4  }
0xa7: {  	v13 =	vld [tilespmem:s31+$0xB270]  }
0xa8: {  	v14 =	vld [tilespmem:s31+$0xB200]  }
0xa9: {  	v15 =	vld [tilespmem:s31+$0xB210]  }
0xaa: {  	v16 =	vld [tilespmem:s31+$0xB220]  }
0xab: {  	v17 =	vld [tilespmem:s31+$0xB230]  }
0xac: {  	v18 =	vld [tilespmem:s31+$0xB240]  }
0xad: {  	v3 =	vadd.f32 v5, v3;
	v5 =	vld [tilespmem:s31+$0xB260]  }
0xae: {  	v4 =	vadd.f32 v6, v4;
	v6 =	vadd.f32 v7, v10;
	v7 =	vld [tilespmem:s31+$0xB250]  }
0xaf: {  	v8 =	vadd.f32 v11, v8;
	v9 =	vadd.f32 v12, v9  }
0xb0: {  	v0 =	vadd.f32 v13, v0;
	v1 =	vadd.f32 v14, v1  }
0xb1: {  	v2 =	vadd.f32 v15, v2;
	v3 =	vadd.f32 v16, v3  }
0xb2: {  	v6 =	vadd.f32 v18, v6;
	v5 =	vadd.f32 v5, v9  }
0xb3: {  	v4 =	vadd.f32 v17, v4;
	v7 =	vadd.f32 v7, v8  }
0xb4: {  	v1 =	vadd.f32 v3, v1;
	v3 =	vadd.f32 v5, v6  }
0xb5: {  	v2 =	vadd.f32 v4, v2;
	v0 =	vadd.f32 v0, v7  }
0xb6: {  	v1 =	vadd.f32 v3, v1  }
0xb7: {  	v0 =	vadd.f32 v0, v2  }
0xb8: {  	v1 =	vmul.f32 $4.999999890e-03, v1  }
0xb9: {  	v0 =	vmul.f32 $4.999999890e-03, v0  }
0xba: {  	[tilespmem:s22+$0x14840] =	vst v1  }
0xbb: {  	s5 =	simm.s32 $0x0;
	[tilespmem:s22+$0x14850] =	vst v0  }
0xbc: {  	v0 =	vld [tilespmem:s5+$0xCB70]  }
0xbd: {  	v1 =	vld [tilespmem:s5+$0xCB00]  }
0xbe: {  	v2 =	vld [tilespmem:s5+$0xCB10]  }
0xbf: {  	v5 =	vld [tilespmem:s5+$0xCB20]  }
0xc0: {  	v6 =	vld [tilespmem:s5+$0xCB30]  }
0xc1: {  	v10 =	vimm.f32 $0.0e+00;
	v3 =	vimm.f32 $0.0e+00;
	v7 =	vld [tilespmem:s5+$0xCB40]  }
0xc2: {  	v9 =	vimm.f32 $0.0e+00;
	v4 =	vimm.f32 $0.0e+00;
	v11 =	vld [tilespmem:s5+$0xCB50];
	v0 =	vadd.f32 v0, v3  }
0xc3: {  	s4 =	simm.s32 $0x400;
	s31 =	simm.s32 $0x80;
	v8 =	vimm.f32 $0.0e+00;
	v12 =	vld [tilespmem:s5+$0xCB60];
	v1 =	vadd.f32 v1, v3;
	v2 =	vadd.f32 v2, v3  }
.LBB2_9:
0xc4: {  	p0 =	sne.s32 s4, $0x6200;
	v13 =	vld [tilespmem:s31+$0xCB70];
	v3 =	vadd.f32 v5, v3  }
0xc5: {  	v14 =	vld [tilespmem:s31+$0xCB00];
	v4 =	vadd.f32 v6, v4  }
0xc6: {  	v15 =	vld [tilespmem:s31+$0xCB10];
	v10 =	vadd.f32 v7, v10  }
.Ltmp3:
0xc7: {  	v5 =	vld [tilespmem:s31+$0xCB20];
	v8 =	vadd.f32 v11, v8;
	(pc) =	sbr.rel @p0 .LBB2_9-.Ltmp3, $4  }
0xc8: {  	v6 =	vld [tilespmem:s31+$0xCB30];
	v9 =	vadd.f32 v12, v9  }
0xc9: {  	v7 =	vld [tilespmem:s31+$0xCB40];
	v0 =	vadd.f32 v13, v0  }
0xca: {  	v1 =	vadd.f32 v14, v1;
	v11 =	vld [tilespmem:s31+$0xCB50]  }
0xcb: {  	v2 =	vadd.f32 v15, v2;
	v12 =	vld [tilespmem:s31+$0xCB60];
	s31 =	sshra.s32 s4, $0x2;
	s4 =	sadd.s32 $0x200, s4  }
0xcc: {  	v13 =	vld [tilespmem:s31+$0xCB70]  }
0xcd: {  	v14 =	vld [tilespmem:s31+$0xCB00]  }
0xce: {  	v15 =	vld [tilespmem:s31+$0xCB10]  }
0xcf: {  	v16 =	vld [tilespmem:s31+$0xCB20]  }
0xd0: {  	v17 =	vld [tilespmem:s31+$0xCB30]  }
0xd1: {  	v18 =	vld [tilespmem:s31+$0xCB40]  }
0xd2: {  	v3 =	vadd.f32 v5, v3;
	v5 =	vld [tilespmem:s31+$0xCB60]  }
0xd3: {  	v4 =	vadd.f32 v6, v4;
	v6 =	vadd.f32 v7, v10;
	v7 =	vld [tilespmem:s31+$0xCB50]  }
0xd4: {  	v8 =	vadd.f32 v11, v8;
	v9 =	vadd.f32 v12, v9  }
0xd5: {  	v0 =	vadd.f32 v13, v0;
	v1 =	vadd.f32 v14, v1  }
0xd6: {  	v2 =	vadd.f32 v15, v2;
	v3 =	vadd.f32 v16, v3  }
0xd7: {  	v6 =	vadd.f32 v18, v6;
	v5 =	vadd.f32 v5, v9  }
0xd8: {  	v4 =	vadd.f32 v17, v4;
	v7 =	vadd.f32 v7, v8  }
0xd9: {  	v1 =	vadd.f32 v3, v1;
	v3 =	vadd.f32 v5, v6  }
0xda: {  	v2 =	vadd.f32 v4, v2;
	v0 =	vadd.f32 v0, v7  }
0xdb: {  	v1 =	vadd.f32 v3, v1  }
0xdc: {  	v0 =	vadd.f32 v0, v2  }
0xdd: {  	v1 =	vmul.f32 $4.999999890e-03, v1  }
0xde: {  	s4 =	sshll.u32 s18, $0xB;
	v0 =	vmul.f32 $4.999999890e-03, v0  }
0xdf: {  	s31 =	sand.u32 $0x3FFFF800, s4;
	[tilespmem:s22+$0x14860] =	vst v1  }
0xe0: {  	s4 =	sadd.s32 $0x800, s31;
	[tilespmem:s22+$0x14870] =	vst v0  }
0xe1: {  	[tilespmem:s9], [sflag:$0x2] =	stream.indirect.gather [hbm4b:s3+s8], $0x20, s4, s8, $0xb8;
	[tilespmem:$0x15800] =	vst v63  }
0xe2: {  	s6 =	sadd.s32 $0x880, s31  }
0xe3: {  	[tilespmem:s11], [sflag:$0x2] =	stream.indirect.gather [hbm4b:s3+s10], $0x20, s6, s10, $0xb8;
	[tilespmem:$0x15800] =	vst v63  }
0xe4: {  	s5 =	sadd.s32 $0x900, s31  }
0xe5: {  	[tilespmem:s13], [sflag:$0x2] =	stream.indirect.gather [hbm4b:s3+s8], $0x20, s5, s8, $0xb8;
	[tilespmem:$0x15800] =	vst v63  }
0xe6: {  	s6 =	sadd.s32 $0x980, s31  }
0xe7: {  	[tilespmem:s15], [sflag:$0x2] =	stream.indirect.gather [hbm4b:s3+s10], $0x20, s6, s10, $0xb8;
	[tilespmem:$0x15800] =	vst v63  }
0xe8: {  	s5 =	sadd.s32 $0xA00, s31  }
0xe9: {  	[tilespmem:s17], [sflag:$0x2] =	stream.indirect.gather [hbm4b:s3+s8], $0x20, s5, s8, $0xb8;
	[tilespmem:$0x15800] =	vst v63  }
0xea: {  	s6 =	sadd.s32 $0xA80, s31  }
0xeb: {  	[tilespmem:s19], [sflag:$0x2] =	stream.indirect.gather [hbm4b:s3+s10], $0x20, s6, s10, $0xb8;
	[tilespmem:$0x15800] =	vst v63  }
0xec: {  	s5 =	sadd.s32 $0xB00, s31  }
0xed: {  	[tilespmem:s21], [sflag:$0x2] =	stream.indirect.gather [hbm4b:s3+s8], $0x20, s5, s8, $0xb8;
	[tilespmem:$0x15800] =	vst v63  }
0xee: {  	s6 =	sadd.s32 $0xB80, s31  }
0xef: {  	[tilespmem:s23], [sflag:$0x2] =	stream.indirect.gather [hbm4b:s3+s10], $0x20, s6, s10, $0xb8;
	[tilespmem:$0x15800] =	vst v63  }
0xf0: {  	_ =	swait.ge [sflag:s29], $0x1000  }
0xf1: {  	[sflag:s29] =	ssyncset.done $0x0  }
0xf2: {  	[sflag:s29] =	ssyncadd.s32 $0xFFFFF000  }
0xf3: {  	_ =	swait.ge [sflag:s29], $0x900  }
0xf4: {  	[sflag:s29] =	ssyncset.done $0x0  }
0xf5: {  	[sflag:s29] =	ssyncadd.s32 $0xFFFFF700  }
0xf6: {  	_ =	swait.ge [sflag:s29], $0x1000  }
0xf7: {  	[sflag:s29] =	ssyncset.done $0x0  }
0xf8: {  	[sflag:s29] =	ssyncadd.s32 $0xFFFFF000  }
0xf9: {  	_ =	swait.ge [sflag:s29], $0x900  }
0xfa: {  	[sflag:s29] =	ssyncset.done $0x0  }
0xfb: {  	[sflag:s29] =	ssyncadd.s32 $0xFFFFF700  }
0xfc: {  	_ =	swait.ge [sflag:s29], $0x1000  }
0xfd: {  	[sflag:s29] =	ssyncset.done $0x0  }
0xfe: {  	[sflag:s29] =	ssyncadd.s32 $0xFFFFF000  }
0xff: {  	_ =	swait.ge [sflag:s29], $0x900  }
0x100: {  	[sflag:s29] =	ssyncset.done $0x0  }
0x101: {  	[sflag:s29] =	ssyncadd.s32 $0xFFFFF700  }
0x102: {  	_ =	swait.ge [sflag:s29], $0x1000  }
0x103: {  	[sflag:s29] =	ssyncset.done $0x0  }
0x104: {  	[sflag:s29] =	ssyncadd.s32 $0xFFFFF000  }
0x105: {  	_ =	swait.ge [sflag:s29], $0x900  }
0x106: {  	[sflag:s29] =	ssyncset.done $0x0  }
0x107: {  	s6 =	simm.s32 $0x0;
	[sflag:s29] =	ssyncadd.s32 $0xFFFFF700  }
0x108: {  	v0 =	vld [tilespmem:s6+$0xE470]  }
0x109: {  	v1 =	vld [tilespmem:s6+$0xE400]  }
0x10a: {  	v2 =	vld [tilespmem:s6+$0xE410]  }
0x10b: {  	v5 =	vld [tilespmem:s6+$0xE420]  }
0x10c: {  	v6 =	vld [tilespmem:s6+$0xE430]  }
0x10d: {  	v10 =	vimm.f32 $0.0e+00;
	v3 =	vimm.f32 $0.0e+00;
	v7 =	vld [tilespmem:s6+$0xE440]  }
0x10e: {  	v9 =	vimm.f32 $0.0e+00;
	v4 =	vimm.f32 $0.0e+00;
	v11 =	vld [tilespmem:s6+$0xE450];
	v0 =	vadd.f32 v0, v3  }
0x10f: {  	v8 =	vimm.f32 $0.0e+00;
	s4 =	simm.s32 $0x80;
	s5 =	simm.s32 $0x400;
	v12 =	vld [tilespmem:s6+$0xE460];
	v1 =	vadd.f32 v1, v3;
	v2 =	vadd.f32 v2, v3  }
.LBB2_11:
0x110: {  	p0 =	sne.s32 s5, $0x6200;
	v13 =	vld [tilespmem:s4+$0xE470];
	v3 =	vadd.f32 v5, v3  }
0x111: {  	v14 =	vld [tilespmem:s4+$0xE400];
	v4 =	vadd.f32 v6, v4  }
0x112: {  	v15 =	vld [tilespmem:s4+$0xE410];
	v10 =	vadd.f32 v7, v10  }
.Ltmp4:
0x113: {  	v5 =	vld [tilespmem:s4+$0xE420];
	v8 =	vadd.f32 v11, v8;
	(pc) =	sbr.rel @p0 .LBB2_11-.Ltmp4, $4  }
0x114: {  	v6 =	vld [tilespmem:s4+$0xE430];
	v9 =	vadd.f32 v12, v9  }
0x115: {  	v7 =	vld [tilespmem:s4+$0xE440];
	v0 =	vadd.f32 v13, v0  }
0x116: {  	v1 =	vadd.f32 v14, v1;
	v11 =	vld [tilespmem:s4+$0xE450]  }
0x117: {  	v2 =	vadd.f32 v15, v2;
	v12 =	vld [tilespmem:s4+$0xE460];
	s4 =	sshra.s32 s5, $0x2;
	s5 =	sadd.s32 $0x200, s5  }
0x118: {  	v13 =	vld [tilespmem:s4+$0xE470]  }
0x119: {  	v14 =	vld [tilespmem:s4+$0xE400]  }
0x11a: {  	v15 =	vld [tilespmem:s4+$0xE410]  }
0x11b: {  	v16 =	vld [tilespmem:s4+$0xE420]  }
0x11c: {  	v17 =	vld [tilespmem:s4+$0xE430]  }
0x11d: {  	v18 =	vld [tilespmem:s4+$0xE440]  }
0x11e: {  	v3 =	vadd.f32 v5, v3;
	v5 =	vld [tilespmem:s4+$0xE460]  }
0x11f: {  	v4 =	vadd.f32 v6, v4;
	v6 =	vadd.f32 v7, v10;
	v7 =	vld [tilespmem:s4+$0xE450]  }
0x120: {  	v8 =	vadd.f32 v11, v8;
	v9 =	vadd.f32 v12, v9  }
0x121: {  	v0 =	vadd.f32 v13, v0;
	v1 =	vadd.f32 v14, v1  }
0x122: {  	v2 =	vadd.f32 v15, v2;
	v3 =	vadd.f32 v16, v3  }
0x123: {  	v6 =	vadd.f32 v18, v6;
	v5 =	vadd.f32 v5, v9  }
0x124: {  	v4 =	vadd.f32 v17, v4;
	v7 =	vadd.f32 v7, v8  }
0x125: {  	v1 =	vadd.f32 v3, v1;
	v3 =	vadd.f32 v5, v6  }
0x126: {  	v2 =	vadd.f32 v4, v2;
	v0 =	vadd.f32 v0, v7  }
0x127: {  	v1 =	vadd.f32 v3, v1  }
0x128: {  	v0 =	vadd.f32 v0, v2  }
0x129: {  	v1 =	vmul.f32 $4.999999890e-03, v1  }
0x12a: {  	v0 =	vmul.f32 $4.999999890e-03, v0  }
0x12b: {  	[tilespmem:s22+$0x14880] =	vst v1  }
0x12c: {  	s6 =	simm.s32 $0x0;
	[tilespmem:s22+$0x14890] =	vst v0  }
0x12d: {  	v0 =	vld [tilespmem:s6+$0xFD70]  }
0x12e: {  	v1 =	vld [tilespmem:s6+$0xFD00]  }
0x12f: {  	v2 =	vld [tilespmem:s6+$0xFD10]  }
0x130: {  	v5 =	vld [tilespmem:s6+$0xFD20]  }
0x131: {  	v6 =	vld [tilespmem:s6+$0xFD30]  }
0x132: {  	v10 =	vimm.f32 $0.0e+00;
	v3 =	vimm.f32 $0.0e+00;
	v7 =	vld [tilespmem:s6+$0xFD40]  }
0x133: {  	v9 =	vimm.f32 $0.0e+00;
	v4 =	vimm.f32 $0.0e+00;
	v11 =	vld [tilespmem:s6+$0xFD50];
	v0 =	vadd.f32 v0, v3  }
0x134: {  	s5 =	simm.s32 $0x400;
	s4 =	simm.s32 $0x80;
	v8 =	vimm.f32 $0.0e+00;
	v12 =	vld [tilespmem:s6+$0xFD60];
	v1 =	vadd.f32 v1, v3;
	v2 =	vadd.f32 v2, v3  }
.LBB2_13:
0x135: {  	p0 =	sne.s32 s5, $0x6200;
	v13 =	vld [tilespmem:s4+$0xFD70];
	v3 =	vadd.f32 v5, v3  }
0x136: {  	v14 =	vld [tilespmem:s4+$0xFD00];
	v4 =	vadd.f32 v6, v4  }
0x137: {  	v15 =	vld [tilespmem:s4+$0xFD10];
	v10 =	vadd.f32 v7, v10  }
.Ltmp5:
0x138: {  	v5 =	vld [tilespmem:s4+$0xFD20];
	v8 =	vadd.f32 v11, v8;
	(pc) =	sbr.rel @p0 .LBB2_13-.Ltmp5, $4  }
0x139: {  	v6 =	vld [tilespmem:s4+$0xFD30];
	v9 =	vadd.f32 v12, v9  }
0x13a: {  	v7 =	vld [tilespmem:s4+$0xFD40];
	v0 =	vadd.f32 v13, v0  }
0x13b: {  	v1 =	vadd.f32 v14, v1;
	v11 =	vld [tilespmem:s4+$0xFD50]  }
0x13c: {  	v2 =	vadd.f32 v15, v2;
	v12 =	vld [tilespmem:s4+$0xFD60];
	s4 =	sshra.s32 s5, $0x2;
	s5 =	sadd.s32 $0x200, s5  }
0x13d: {  	v13 =	vld [tilespmem:s4+$0xFD70]  }
0x13e: {  	v14 =	vld [tilespmem:s4+$0xFD00]  }
0x13f: {  	v15 =	vld [tilespmem:s4+$0xFD10]  }
0x140: {  	v16 =	vld [tilespmem:s4+$0xFD20]  }
0x141: {  	v17 =	vld [tilespmem:s4+$0xFD30]  }
0x142: {  	v18 =	vld [tilespmem:s4+$0xFD40]  }
0x143: {  	v3 =	vadd.f32 v5, v3;
	v5 =	vld [tilespmem:s4+$0xFD60]  }
0x144: {  	v4 =	vadd.f32 v6, v4;
	v6 =	vadd.f32 v7, v10;
	v7 =	vld [tilespmem:s4+$0xFD50]  }
0x145: {  	v8 =	vadd.f32 v11, v8;
	v9 =	vadd.f32 v12, v9  }
0x146: {  	v0 =	vadd.f32 v13, v0;
	v1 =	vadd.f32 v14, v1  }
0x147: {  	v2 =	vadd.f32 v15, v2;
	v3 =	vadd.f32 v16, v3  }
0x148: {  	v6 =	vadd.f32 v18, v6;
	v5 =	vadd.f32 v5, v9  }
0x149: {  	v4 =	vadd.f32 v17, v4;
	v7 =	vadd.f32 v7, v8  }
0x14a: {  	v1 =	vadd.f32 v3, v1;
	v3 =	vadd.f32 v5, v6  }
0x14b: {  	v2 =	vadd.f32 v4, v2;
	v0 =	vadd.f32 v0, v7  }
0x14c: {  	v1 =	vadd.f32 v3, v1  }
0x14d: {  	v0 =	vadd.f32 v0, v2  }
0x14e: {  	v1 =	vmul.f32 $4.999999890e-03, v1  }
0x14f: {  	v0 =	vmul.f32 $4.999999890e-03, v0  }
0x150: {  	[tilespmem:s22+$0x148A0] =	vst v1  }
0x151: {  	s6 =	simm.s32 $0x0;
	[tilespmem:s22+$0x148B0] =	vst v0  }
0x152: {  	v0 =	vld [tilespmem:s6+$0x11670]  }
0x153: {  	v1 =	vld [tilespmem:s6+$0x11600]  }
0x154: {  	v2 =	vld [tilespmem:s6+$0x11610]  }
0x155: {  	v5 =	vld [tilespmem:s6+$0x11620]  }
0x156: {  	v6 =	vld [tilespmem:s6+$0x11630]  }
0x157: {  	v10 =	vimm.f32 $0.0e+00;
	v3 =	vimm.f32 $0.0e+00;
	v7 =	vld [tilespmem:s6+$0x11640]  }
0x158: {  	v9 =	vimm.f32 $0.0e+00;
	v4 =	vimm.f32 $0.0e+00;
	v11 =	vld [tilespmem:s6+$0x11650];
	v0 =	vadd.f32 v0, v3  }
0x159: {  	s5 =	simm.s32 $0x400;
	s4 =	simm.s32 $0x80;
	v8 =	vimm.f32 $0.0e+00;
	v12 =	vld [tilespmem:s6+$0x11660];
	v1 =	vadd.f32 v1, v3;
	v2 =	vadd.f32 v2, v3  }
.LBB2_15:
0x15a: {  	p0 =	sne.s32 s5, $0x6200;
	v13 =	vld [tilespmem:s4+$0x11670];
	v3 =	vadd.f32 v5, v3  }
0x15b: {  	v14 =	vld [tilespmem:s4+$0x11600];
	v4 =	vadd.f32 v6, v4  }
0x15c: {  	v15 =	vld [tilespmem:s4+$0x11610];
	v10 =	vadd.f32 v7, v10  }
.Ltmp6:
0x15d: {  	v5 =	vld [tilespmem:s4+$0x11620];
	v8 =	vadd.f32 v11, v8;
	(pc) =	sbr.rel @p0 .LBB2_15-.Ltmp6, $4  }
0x15e: {  	v6 =	vld [tilespmem:s4+$0x11630];
	v9 =	vadd.f32 v12, v9  }
0x15f: {  	v7 =	vld [tilespmem:s4+$0x11640];
	v0 =	vadd.f32 v13, v0  }
0x160: {  	v1 =	vadd.f32 v14, v1;
	v11 =	vld [tilespmem:s4+$0x11650]  }
0x161: {  	v2 =	vadd.f32 v15, v2;
	v12 =	vld [tilespmem:s4+$0x11660];
	s4 =	sshra.s32 s5, $0x2;
	s5 =	sadd.s32 $0x200, s5  }
0x162: {  	v13 =	vld [tilespmem:s4+$0x11670]  }
0x163: {  	v14 =	vld [tilespmem:s4+$0x11600]  }
0x164: {  	v15 =	vld [tilespmem:s4+$0x11610]  }
0x165: {  	v16 =	vld [tilespmem:s4+$0x11620]  }
0x166: {  	v17 =	vld [tilespmem:s4+$0x11630]  }
0x167: {  	v18 =	vld [tilespmem:s4+$0x11640]  }
0x168: {  	v3 =	vadd.f32 v5, v3;
	v5 =	vld [tilespmem:s4+$0x11660]  }
0x169: {  	v4 =	vadd.f32 v6, v4;
	v6 =	vadd.f32 v7, v10;
	v7 =	vld [tilespmem:s4+$0x11650]  }
0x16a: {  	v8 =	vadd.f32 v11, v8;
	v9 =	vadd.f32 v12, v9  }
0x16b: {  	v0 =	vadd.f32 v13, v0;
	v1 =	vadd.f32 v14, v1  }
0x16c: {  	v2 =	vadd.f32 v15, v2;
	v3 =	vadd.f32 v16, v3  }
0x16d: {  	v6 =	vadd.f32 v18, v6;
	v5 =	vadd.f32 v5, v9  }
0x16e: {  	v4 =	vadd.f32 v17, v4;
	v7 =	vadd.f32 v7, v8  }
0x16f: {  	v1 =	vadd.f32 v3, v1;
	v3 =	vadd.f32 v5, v6  }
0x170: {  	v2 =	vadd.f32 v4, v2;
	v0 =	vadd.f32 v0, v7  }
0x171: {  	v1 =	vadd.f32 v3, v1  }
0x172: {  	v0 =	vadd.f32 v0, v2  }
0x173: {  	v1 =	vmul.f32 $4.999999890e-03, v1  }
0x174: {  	v0 =	vmul.f32 $4.999999890e-03, v0  }
0x175: {  	[tilespmem:s22+$0x148C0] =	vst v1  }
0x176: {  	s6 =	simm.s32 $0x0;
	[tilespmem:s22+$0x148D0] =	vst v0  }
0x177: {  	v0 =	vld [tilespmem:s6+$0x12F70]  }
0x178: {  	v1 =	vld [tilespmem:s6+$0x12F00]  }
0x179: {  	v2 =	vld [tilespmem:s6+$0x12F10]  }
0x17a: {  	v5 =	vld [tilespmem:s6+$0x12F20]  }
0x17b: {  	v6 =	vld [tilespmem:s6+$0x12F30]  }
0x17c: {  	v10 =	vimm.f32 $0.0e+00;
	v3 =	vimm.f32 $0.0e+00;
	v7 =	vld [tilespmem:s6+$0x12F40]  }
0x17d: {  	v9 =	vimm.f32 $0.0e+00;
	v4 =	vimm.f32 $0.0e+00;
	v11 =	vld [tilespmem:s6+$0x12F50];
	v0 =	vadd.f32 v0, v3  }
0x17e: {  	s5 =	simm.s32 $0x400;
	s4 =	simm.s32 $0x80;
	v8 =	vimm.f32 $0.0e+00;
	v12 =	vld [tilespmem:s6+$0x12F60];
	v1 =	vadd.f32 v1, v3;
	v2 =	vadd.f32 v2, v3  }
.LBB2_17:
0x17f: {  	p0 =	sne.s32 s5, $0x6200;
	v13 =	vld [tilespmem:s4+$0x12F70];
	v3 =	vadd.f32 v5, v3  }
0x180: {  	v14 =	vld [tilespmem:s4+$0x12F00];
	v4 =	vadd.f32 v6, v4  }
0x181: {  	v15 =	vld [tilespmem:s4+$0x12F10];
	v10 =	vadd.f32 v7, v10  }
.Ltmp7:
0x182: {  	v5 =	vld [tilespmem:s4+$0x12F20];
	v8 =	vadd.f32 v11, v8;
	(pc) =	sbr.rel @p0 .LBB2_17-.Ltmp7, $4  }
0x183: {  	v6 =	vld [tilespmem:s4+$0x12F30];
	v9 =	vadd.f32 v12, v9  }
0x184: {  	v7 =	vld [tilespmem:s4+$0x12F40];
	v0 =	vadd.f32 v13, v0  }
0x185: {  	v1 =	vadd.f32 v14, v1;
	v11 =	vld [tilespmem:s4+$0x12F50]  }
0x186: {  	v2 =	vadd.f32 v15, v2;
	v12 =	vld [tilespmem:s4+$0x12F60];
	s4 =	sshra.s32 s5, $0x2;
	s5 =	sadd.s32 $0x200, s5  }
0x187: {  	v13 =	vld [tilespmem:s4+$0x12F70]  }
0x188: {  	v14 =	vld [tilespmem:s4+$0x12F00]  }
0x189: {  	v15 =	vld [tilespmem:s4+$0x12F10]  }
0x18a: {  	v16 =	vld [tilespmem:s4+$0x12F20]  }
0x18b: {  	v17 =	vld [tilespmem:s4+$0x12F30]  }
0x18c: {  	v18 =	vld [tilespmem:s4+$0x12F40]  }
0x18d: {  	v3 =	vadd.f32 v5, v3;
	v62 =	vld [tilespmem:s4+$0x12F50]  }
0x18e: {  	v60 =	vld [tilespmem:s4+$0x12F60];
	v4 =	vadd.f32 v6, v4;
	v61 =	vadd.f32 v7, v10  }
0x18f: {  	v8 =	vadd.f32 v11, v8;
	v9 =	vadd.f32 v12, v9  }
0x190: {  	v0 =	vadd.f32 v13, v0;
	v1 =	vadd.f32 v14, v1  }
0x191: {  	v2 =	vadd.f32 v15, v2;
	v3 =	vadd.f32 v16, v3  }
0x192: {  	v4 =	vadd.f32 v17, v4;
	v7 =	vadd.f32 v62, v8  }
0x193: {  	v6 =	vadd.f32 v18, v61;
	v5 =	vadd.f32 v60, v9  }
0x194: {  	v2 =	vadd.f32 v4, v2;
	v0 =	vadd.f32 v0, v7  }
0x195: {  	v1 =	vadd.f32 v3, v1;
	v63 =	vadd.f32 v5, v6  }
0x196: {  	v0 =	vadd.f32 v0, v2  }
0x197: {  	v1 =	vadd.f32 v63, v1  }
0x198: {  	v0 =	vmul.f32 $4.999999890e-03, v0  }
0x199: {  	v1 =	vmul.f32 $4.999999890e-03, v1  }
0x19a: {  	[tilespmem:s22+$0x148F0] =	vst v0  }
0x19b: {  	[tilespmem:s22+$0x148E0] =	vst v1;
	s22 =	sadd.s32 $0xC00, s31  }
0x19c: {  	[tilespmem:s25], [sflag:$0x3] =	stream.indirect.gather [hbm4b:s3+s8], $0x20, s22, s8, $0xb8;
	[tilespmem:$0x15800] =	vst v63  }
0x19d: {  	s5 =	sadd.s32 $0xC80, s31  }
0x19e: {  	[tilespmem:s28], [sflag:$0x3] =	stream.indirect.gather [hbm4b:s3+s10], $0x20, s5, s10, $0xb8;
	[tilespmem:$0x15800] =	vst v63  }
0x19f: {  	s6 =	sadd.s32 $0xD00, s31  }
0x1a0: {  	[tilespmem:s30], [sflag:$0x3] =	stream.indirect.gather [hbm4b:s3+s8], $0x20, s6, s8, $0xb8;
	[tilespmem:$0x15800] =	vst v63  }
0x1a1: {  	s22 =	sadd.s32 $0xD80, s31  }
0x1a2: {  	[tilespmem:s1], [sflag:$0x3] =	stream.indirect.gather [hbm4b:s3+s10], $0x20, s22, s10, $0xb8;
	[tilespmem:$0x15800] =	vst v63  }
0x1a3: {  	s18 =	sadd.s32 $0x1, s18;
	s5 =	sadd.s32 $0xE00, s31  }
0x1a4: {  	[tilespmem:s12], [sflag:$0x3] =	stream.indirect.gather [hbm4b:s3+s8], $0x20, s5, s8, $0xb8;
	[tilespmem:$0x15800] =	vst v63  }
0x1a5: {  	p0 =	sne.s32 s18, $0xF;
	s6 =	sadd.s32 $0xE80, s31  }
0x1a6: {  	[tilespmem:s16], [sflag:$0x3] =	stream.indirect.gather [hbm4b:s3+s10], $0x20, s6, s10, $0xb8;
	[tilespmem:$0x15800] =	vst v63  }
.Ltmp8:
0x1a7: {  	_ = 	snop;
	(pc) =	sbr.rel @p0 .LBB2_2-.Ltmp8, $4  }
0x1a8: {  	s22 =	sadd.s32 $0xF00, s31  }
0x1a9: {  	[tilespmem:s20], [sflag:$0x3] =	stream.indirect.gather [hbm4b:s3+s8], $0x20, s22, s8, $0xb8;
	[tilespmem:$0x15800] =	vst v63  }
0x1aa: {  	s31 =	sadd.s32 $0xF80, s31  }
0x1ab: {  	[tilespmem:s24], [sflag:$0x3] =	stream.indirect.gather [hbm4b:s3+s10], $0x20, s31, s10, $0xb8;
	[tilespmem:$0x15800] =	vst v63  }
0x1ac: {  	_ =	swait.ge [sflag:s26], $0x1000  }
0x1ad: {  	[sflag:s26] =	ssyncset.done $0x0  }
0x1ae: {  	[sflag:s26] =	ssyncadd.s32 $0xFFFFF000  }
0x1af: {  	_ =	swait.ge [sflag:s26], $0x900  }
0x1b0: {  	[sflag:s26] =	ssyncset.done $0x0  }
0x1b1: {  	[sflag:s26] =	ssyncadd.s32 $0xFFFFF700  }
0x1b2: {  	_ =	swait.ge [sflag:s26], $0x1000  }
0x1b3: {  	[sflag:s26] =	ssyncset.done $0x0  }
0x1b4: {  	[sflag:s26] =	ssyncadd.s32 $0xFFFFF000  }
0x1b5: {  	_ =	swait.ge [sflag:s26], $0x900  }
0x1b6: {  	[sflag:s26] =	ssyncset.done $0x0  }
0x1b7: {  	[sflag:s26] =	ssyncadd.s32 $0xFFFFF700  }
0x1b8: {  	_ =	swait.ge [sflag:s26], $0x1000  }
0x1b9: {  	[sflag:s26] =	ssyncset.done $0x0  }
0x1ba: {  	[sflag:s26] =	ssyncadd.s32 $0xFFFFF000  }
0x1bb: {  	_ =	swait.ge [sflag:s26], $0x900  }
0x1bc: {  	[sflag:s26] =	ssyncset.done $0x0  }
0x1bd: {  	[sflag:s26] =	ssyncadd.s32 $0xFFFFF700  }
0x1be: {  	_ =	swait.ge [sflag:s26], $0x1000  }
0x1bf: {  	[sflag:s26] =	ssyncset.done $0x0  }
0x1c0: {  	[sflag:s26] =	ssyncadd.s32 $0xFFFFF000  }
0x1c1: {  	_ =	swait.ge [sflag:s26], $0x900  }
0x1c2: {  	[sflag:s26] =	ssyncset.done $0x0  }
0x1c3: {  	s6 =	simm.s32 $0x0;
	[sflag:s26] =	ssyncadd.s32 $0xFFFFF700  }
0x1c4: {  	v0 =	vld [tilespmem:s6+$0x8070]  }
0x1c5: {  	v1 =	vld [tilespmem:s6+$0x8000]  }
0x1c6: {  	v2 =	vld [tilespmem:s6+$0x8010]  }
0x1c7: {  	v5 =	vld [tilespmem:s6+$0x8020]  }
0x1c8: {  	v6 =	vld [tilespmem:s6+$0x8030]  }
0x1c9: {  	v3 =	vimm.f32 $0.0e+00;
	v4 =	vimm.f32 $0.0e+00;
	v7 =	vld [tilespmem:s6+$0x8040]  }
0x1ca: {  	v10 =	vimm.f32 $0.0e+00;
	v8 =	vimm.f32 $0.0e+00;
	v11 =	vld [tilespmem:s6+$0x8050];
	v0 =	vadd.f32 v0, v3  }
0x1cb: {  	s4 =	simm.s32 $0x80;
	s5 =	simm.s32 $0x400;
	v9 =	vimm.f32 $0.0e+00;
	v12 =	vld [tilespmem:s6+$0x8060];
	v1 =	vadd.f32 v1, v3;
	v2 =	vadd.f32 v2, v3  }
.LBB2_20:
0x1cc: {  	p0 =	sne.s32 s5, $0x6200;
	v13 =	vld [tilespmem:s4+$0x8070];
	v3 =	vadd.f32 v5, v3  }
0x1cd: {  	v14 =	vld [tilespmem:s4+$0x8000];
	v4 =	vadd.f32 v6, v4  }
0x1ce: {  	v15 =	vld [tilespmem:s4+$0x8010];
	v10 =	vadd.f32 v7, v10  }
.Ltmp9:
0x1cf: {  	v5 =	vld [tilespmem:s4+$0x8020];
	v8 =	vadd.f32 v11, v8;
	(pc) =	sbr.rel @p0 .LBB2_20-.Ltmp9, $4  }
0x1d0: {  	v6 =	vld [tilespmem:s4+$0x8030];
	v9 =	vadd.f32 v12, v9  }
0x1d1: {  	v7 =	vld [tilespmem:s4+$0x8040];
	v0 =	vadd.f32 v13, v0  }
0x1d2: {  	v1 =	vadd.f32 v14, v1;
	v11 =	vld [tilespmem:s4+$0x8050]  }
0x1d3: {  	v2 =	vadd.f32 v15, v2;
	v12 =	vld [tilespmem:s4+$0x8060];
	s4 =	sshra.s32 s5, $0x2;
	s5 =	sadd.s32 $0x200, s5  }
0x1d4: {  	v13 =	vld [tilespmem:s4+$0x8070]  }
0x1d5: {  	v14 =	vld [tilespmem:s4+$0x8000]  }
0x1d6: {  	v15 =	vld [tilespmem:s4+$0x8010]  }
0x1d7: {  	v16 =	vld [tilespmem:s4+$0x8020]  }
0x1d8: {  	v17 =	vld [tilespmem:s4+$0x8030]  }
0x1d9: {  	v18 =	vld [tilespmem:s4+$0x8040]  }
0x1da: {  	v3 =	vadd.f32 v5, v3;
	v5 =	vld [tilespmem:s4+$0x8060]  }
0x1db: {  	v4 =	vadd.f32 v6, v4;
	v6 =	vadd.f32 v7, v10;
	v7 =	vld [tilespmem:s4+$0x8050]  }
0x1dc: {  	v8 =	vadd.f32 v11, v8;
	v9 =	vadd.f32 v12, v9  }
0x1dd: {  	v0 =	vadd.f32 v13, v0;
	v1 =	vadd.f32 v14, v1  }
0x1de: {  	v2 =	vadd.f32 v15, v2;
	v3 =	vadd.f32 v16, v3  }
0x1df: {  	v6 =	vadd.f32 v18, v6;
	v5 =	vadd.f32 v5, v9  }
0x1e0: {  	v4 =	vadd.f32 v17, v4;
	v7 =	vadd.f32 v7, v8  }
0x1e1: {  	v1 =	vadd.f32 v3, v1;
	v3 =	vadd.f32 v5, v6  }
0x1e2: {  	v2 =	vadd.f32 v4, v2;
	v0 =	vadd.f32 v0, v7  }
0x1e3: {  	v1 =	vadd.f32 v3, v1  }
0x1e4: {  	v0 =	vadd.f32 v0, v2  }
0x1e5: {  	v1 =	vmul.f32 $4.999999890e-03, v1  }
0x1e6: {  	v0 =	vmul.f32 $4.999999890e-03, v0  }
0x1e7: {  	[tilespmem:$0x15700] =	vst v1  }
0x1e8: {  	s6 =	simm.s32 $0x0;
	[tilespmem:$0x15710] =	vst v0  }
0x1e9: {  	v0 =	vld [tilespmem:s6+$0x9970]  }
0x1ea: {  	v1 =	vld [tilespmem:s6+$0x9900]  }
0x1eb: {  	v2 =	vld [tilespmem:s6+$0x9910]  }
0x1ec: {  	v5 =	vld [tilespmem:s6+$0x9920]  }
0x1ed: {  	v6 =	vld [tilespmem:s6+$0x9930]  }
0x1ee: {  	v10 =	vimm.f32 $0.0e+00;
	v3 =	vimm.f32 $0.0e+00;
	v7 =	vld [tilespmem:s6+$0x9940]  }
0x1ef: {  	v9 =	vimm.f32 $0.0e+00;
	v4 =	vimm.f32 $0.0e+00;
	v11 =	vld [tilespmem:s6+$0x9950];
	v0 =	vadd.f32 v0, v3  }
0x1f0: {  	s5 =	simm.s32 $0x400;
	s4 =	simm.s32 $0x80;
	v8 =	vimm.f32 $0.0e+00;
	v12 =	vld [tilespmem:s6+$0x9960];
	v1 =	vadd.f32 v1, v3;
	v2 =	vadd.f32 v2, v3  }
.LBB2_22:
0x1f1: {  	p0 =	sne.s32 s5, $0x6200;
	v13 =	vld [tilespmem:s4+$0x9970];
	v3 =	vadd.f32 v5, v3  }
0x1f2: {  	v14 =	vld [tilespmem:s4+$0x9900];
	v4 =	vadd.f32 v6, v4  }
0x1f3: {  	v15 =	vld [tilespmem:s4+$0x9910];
	v10 =	vadd.f32 v7, v10  }
.Ltmp10:
0x1f4: {  	v5 =	vld [tilespmem:s4+$0x9920];
	v8 =	vadd.f32 v11, v8;
	(pc) =	sbr.rel @p0 .LBB2_22-.Ltmp10, $4  }
0x1f5: {  	v6 =	vld [tilespmem:s4+$0x9930];
	v9 =	vadd.f32 v12, v9  }
0x1f6: {  	v7 =	vld [tilespmem:s4+$0x9940];
	v0 =	vadd.f32 v13, v0  }
0x1f7: {  	v1 =	vadd.f32 v14, v1;
	v11 =	vld [tilespmem:s4+$0x9950]  }
0x1f8: {  	v2 =	vadd.f32 v15, v2;
	v12 =	vld [tilespmem:s4+$0x9960];
	s4 =	sshra.s32 s5, $0x2;
	s5 =	sadd.s32 $0x200, s5  }
0x1f9: {  	v13 =	vld [tilespmem:s4+$0x9970]  }
0x1fa: {  	v14 =	vld [tilespmem:s4+$0x9900]  }
0x1fb: {  	v15 =	vld [tilespmem:s4+$0x9910]  }
0x1fc: {  	v16 =	vld [tilespmem:s4+$0x9920]  }
0x1fd: {  	v17 =	vld [tilespmem:s4+$0x9930]  }
0x1fe: {  	v18 =	vld [tilespmem:s4+$0x9940]  }
0x1ff: {  	v3 =	vadd.f32 v5, v3;
	v5 =	vld [tilespmem:s4+$0x9960]  }
0x200: {  	v4 =	vadd.f32 v6, v4;
	v6 =	vadd.f32 v7, v10;
	v7 =	vld [tilespmem:s4+$0x9950]  }
0x201: {  	v8 =	vadd.f32 v11, v8;
	v9 =	vadd.f32 v12, v9  }
0x202: {  	v0 =	vadd.f32 v13, v0;
	v1 =	vadd.f32 v14, v1  }
0x203: {  	v2 =	vadd.f32 v15, v2;
	v3 =	vadd.f32 v16, v3  }
0x204: {  	v6 =	vadd.f32 v18, v6;
	v5 =	vadd.f32 v5, v9  }
0x205: {  	v4 =	vadd.f32 v17, v4;
	v7 =	vadd.f32 v7, v8  }
0x206: {  	v1 =	vadd.f32 v3, v1;
	v3 =	vadd.f32 v5, v6  }
0x207: {  	v2 =	vadd.f32 v4, v2;
	v0 =	vadd.f32 v0, v7  }
0x208: {  	v1 =	vadd.f32 v3, v1  }
0x209: {  	v0 =	vadd.f32 v0, v2  }
0x20a: {  	v1 =	vmul.f32 $4.999999890e-03, v1  }
0x20b: {  	v0 =	vmul.f32 $4.999999890e-03, v0  }
0x20c: {  	[tilespmem:$0x15720] =	vst v1  }
0x20d: {  	s6 =	simm.s32 $0x0;
	[tilespmem:$0x15730] =	vst v0  }
0x20e: {  	v0 =	vld [tilespmem:s6+$0xB270]  }
0x20f: {  	v1 =	vld [tilespmem:s6+$0xB200]  }
0x210: {  	v2 =	vld [tilespmem:s6+$0xB210]  }
0x211: {  	v5 =	vld [tilespmem:s6+$0xB220]  }
0x212: {  	v6 =	vld [tilespmem:s6+$0xB230]  }
0x213: {  	v10 =	vimm.f32 $0.0e+00;
	v3 =	vimm.f32 $0.0e+00;
	v7 =	vld [tilespmem:s6+$0xB240]  }
0x214: {  	v9 =	vimm.f32 $0.0e+00;
	v4 =	vimm.f32 $0.0e+00;
	v11 =	vld [tilespmem:s6+$0xB250];
	v0 =	vadd.f32 v0, v3  }
0x215: {  	s5 =	simm.s32 $0x400;
	s4 =	simm.s32 $0x80;
	v8 =	vimm.f32 $0.0e+00;
	v12 =	vld [tilespmem:s6+$0xB260];
	v1 =	vadd.f32 v1, v3;
	v2 =	vadd.f32 v2, v3  }
.LBB2_24:
0x216: {  	p0 =	sne.s32 s5, $0x6200;
	v13 =	vld [tilespmem:s4+$0xB270];
	v3 =	vadd.f32 v5, v3  }
0x217: {  	v14 =	vld [tilespmem:s4+$0xB200];
	v4 =	vadd.f32 v6, v4  }
0x218: {  	v15 =	vld [tilespmem:s4+$0xB210];
	v10 =	vadd.f32 v7, v10  }
.Ltmp11:
0x219: {  	v5 =	vld [tilespmem:s4+$0xB220];
	v8 =	vadd.f32 v11, v8;
	(pc) =	sbr.rel @p0 .LBB2_24-.Ltmp11, $4  }
0x21a: {  	v6 =	vld [tilespmem:s4+$0xB230];
	v9 =	vadd.f32 v12, v9  }
0x21b: {  	v7 =	vld [tilespmem:s4+$0xB240];
	v0 =	vadd.f32 v13, v0  }
0x21c: {  	v1 =	vadd.f32 v14, v1;
	v11 =	vld [tilespmem:s4+$0xB250]  }
0x21d: {  	v2 =	vadd.f32 v15, v2;
	v12 =	vld [tilespmem:s4+$0xB260];
	s4 =	sshra.s32 s5, $0x2;
	s5 =	sadd.s32 $0x200, s5  }
0x21e: {  	v13 =	vld [tilespmem:s4+$0xB270]  }
0x21f: {  	v14 =	vld [tilespmem:s4+$0xB200]  }
0x220: {  	v15 =	vld [tilespmem:s4+$0xB210]  }
0x221: {  	v16 =	vld [tilespmem:s4+$0xB220]  }
0x222: {  	v17 =	vld [tilespmem:s4+$0xB230]  }
0x223: {  	v18 =	vld [tilespmem:s4+$0xB240]  }
0x224: {  	v3 =	vadd.f32 v5, v3;
	v5 =	vld [tilespmem:s4+$0xB260]  }
0x225: {  	v4 =	vadd.f32 v6, v4;
	v6 =	vadd.f32 v7, v10;
	v7 =	vld [tilespmem:s4+$0xB250]  }
0x226: {  	v8 =	vadd.f32 v11, v8;
	v9 =	vadd.f32 v12, v9  }
0x227: {  	v0 =	vadd.f32 v13, v0;
	v1 =	vadd.f32 v14, v1  }
0x228: {  	v2 =	vadd.f32 v15, v2;
	v3 =	vadd.f32 v16, v3  }
0x229: {  	v6 =	vadd.f32 v18, v6;
	v5 =	vadd.f32 v5, v9  }
0x22a: {  	v4 =	vadd.f32 v17, v4;
	v7 =	vadd.f32 v7, v8  }
0x22b: {  	v1 =	vadd.f32 v3, v1;
	v3 =	vadd.f32 v5, v6  }
0x22c: {  	v2 =	vadd.f32 v4, v2;
	v0 =	vadd.f32 v0, v7  }
0x22d: {  	v1 =	vadd.f32 v3, v1  }
0x22e: {  	v0 =	vadd.f32 v0, v2  }
0x22f: {  	v1 =	vmul.f32 $4.999999890e-03, v1  }
0x230: {  	v0 =	vmul.f32 $4.999999890e-03, v0  }
0x231: {  	[tilespmem:$0x15740] =	vst v1  }
0x232: {  	s6 =	simm.s32 $0x0;
	[tilespmem:$0x15750] =	vst v0  }
0x233: {  	v0 =	vld [tilespmem:s6+$0xCB70]  }
0x234: {  	v1 =	vld [tilespmem:s6+$0xCB00]  }
0x235: {  	v2 =	vld [tilespmem:s6+$0xCB10]  }
0x236: {  	v5 =	vld [tilespmem:s6+$0xCB20]  }
0x237: {  	v6 =	vld [tilespmem:s6+$0xCB30]  }
0x238: {  	v10 =	vimm.f32 $0.0e+00;
	v3 =	vimm.f32 $0.0e+00;
	v7 =	vld [tilespmem:s6+$0xCB40]  }
0x239: {  	v9 =	vimm.f32 $0.0e+00;
	v4 =	vimm.f32 $0.0e+00;
	v11 =	vld [tilespmem:s6+$0xCB50];
	v0 =	vadd.f32 v0, v3  }
0x23a: {  	s5 =	simm.s32 $0x400;
	s4 =	simm.s32 $0x80;
	v8 =	vimm.f32 $0.0e+00;
	v12 =	vld [tilespmem:s6+$0xCB60];
	v1 =	vadd.f32 v1, v3;
	v2 =	vadd.f32 v2, v3  }
.LBB2_26:
0x23b: {  	p0 =	sne.s32 s5, $0x6200;
	v13 =	vld [tilespmem:s4+$0xCB70];
	v3 =	vadd.f32 v5, v3  }
0x23c: {  	v14 =	vld [tilespmem:s4+$0xCB00];
	v4 =	vadd.f32 v6, v4  }
0x23d: {  	v15 =	vld [tilespmem:s4+$0xCB10];
	v10 =	vadd.f32 v7, v10  }
.Ltmp12:
0x23e: {  	v5 =	vld [tilespmem:s4+$0xCB20];
	v8 =	vadd.f32 v11, v8;
	(pc) =	sbr.rel @p0 .LBB2_26-.Ltmp12, $4  }
0x23f: {  	v6 =	vld [tilespmem:s4+$0xCB30];
	v9 =	vadd.f32 v12, v9  }
0x240: {  	v7 =	vld [tilespmem:s4+$0xCB40];
	v0 =	vadd.f32 v13, v0  }
0x241: {  	v1 =	vadd.f32 v14, v1;
	v11 =	vld [tilespmem:s4+$0xCB50]  }
0x242: {  	v2 =	vadd.f32 v15, v2;
	v12 =	vld [tilespmem:s4+$0xCB60];
	s4 =	sshra.s32 s5, $0x2;
	s5 =	sadd.s32 $0x200, s5  }
0x243: {  	v13 =	vld [tilespmem:s4+$0xCB70]  }
0x244: {  	v14 =	vld [tilespmem:s4+$0xCB00]  }
0x245: {  	v15 =	vld [tilespmem:s4+$0xCB10]  }
0x246: {  	v16 =	vld [tilespmem:s4+$0xCB20]  }
0x247: {  	v17 =	vld [tilespmem:s4+$0xCB30]  }
0x248: {  	v18 =	vld [tilespmem:s4+$0xCB40]  }
0x249: {  	v3 =	vadd.f32 v5, v3;
	v5 =	vld [tilespmem:s4+$0xCB60]  }
0x24a: {  	v4 =	vadd.f32 v6, v4;
	v6 =	vadd.f32 v7, v10;
	v7 =	vld [tilespmem:s4+$0xCB50]  }
0x24b: {  	v8 =	vadd.f32 v11, v8;
	v9 =	vadd.f32 v12, v9  }
0x24c: {  	v0 =	vadd.f32 v13, v0;
	v1 =	vadd.f32 v14, v1  }
0x24d: {  	v2 =	vadd.f32 v15, v2;
	v3 =	vadd.f32 v16, v3  }
0x24e: {  	v6 =	vadd.f32 v18, v6;
	v5 =	vadd.f32 v5, v9  }
0x24f: {  	v4 =	vadd.f32 v17, v4;
	v7 =	vadd.f32 v7, v8  }
0x250: {  	v1 =	vadd.f32 v3, v1;
	v3 =	vadd.f32 v5, v6  }
0x251: {  	v2 =	vadd.f32 v4, v2;
	v0 =	vadd.f32 v0, v7  }
0x252: {  	v1 =	vadd.f32 v3, v1  }
0x253: {  	v0 =	vadd.f32 v0, v2  }
0x254: {  	v1 =	vmul.f32 $4.999999890e-03, v1  }
0x255: {  	v0 =	vmul.f32 $4.999999890e-03, v0  }
0x256: {  	[tilespmem:$0x15760] =	vst v1  }
0x257: {  	[tilespmem:$0x15770] =	vst v0  }
0x258: {  	_ =	swait.ge [sflag:s29], $0x1000  }
0x259: {  	[sflag:s29] =	ssyncset.done $0x0  }
0x25a: {  	[sflag:s29] =	ssyncadd.s32 $0xFFFFF000  }
0x25b: {  	_ =	swait.ge [sflag:s29], $0x900  }
0x25c: {  	[sflag:s29] =	ssyncset.done $0x0  }
0x25d: {  	[sflag:s29] =	ssyncadd.s32 $0xFFFFF700  }
0x25e: {  	_ =	swait.ge [sflag:s29], $0x1000  }
0x25f: {  	[sflag:s29] =	ssyncset.done $0x0  }
0x260: {  	[sflag:s29] =	ssyncadd.s32 $0xFFFFF000  }
0x261: {  	_ =	swait.ge [sflag:s29], $0x900  }
0x262: {  	[sflag:s29] =	ssyncset.done $0x0  }
0x263: {  	[sflag:s29] =	ssyncadd.s32 $0xFFFFF700  }
0x264: {  	_ =	swait.ge [sflag:s29], $0x1000  }
0x265: {  	[sflag:s29] =	ssyncset.done $0x0  }
0x266: {  	[sflag:s29] =	ssyncadd.s32 $0xFFFFF000  }
0x267: {  	_ =	swait.ge [sflag:s29], $0x900  }
0x268: {  	[sflag:s29] =	ssyncset.done $0x0  }
0x269: {  	[sflag:s29] =	ssyncadd.s32 $0xFFFFF700  }
0x26a: {  	_ =	swait.ge [sflag:s29], $0x1000  }
0x26b: {  	[sflag:s29] =	ssyncset.done $0x0  }
0x26c: {  	[sflag:s29] =	ssyncadd.s32 $0xFFFFF000  }
0x26d: {  	_ =	swait.ge [sflag:s29], $0x900  }
0x26e: {  	[sflag:s29] =	ssyncset.done $0x0  }
0x26f: {  	s6 =	simm.s32 $0x0;
	[sflag:s29] =	ssyncadd.s32 $0xFFFFF700  }
0x270: {  	v0 =	vld [tilespmem:s6+$0xE470]  }
0x271: {  	v1 =	vld [tilespmem:s6+$0xE400]  }
0x272: {  	v2 =	vld [tilespmem:s6+$0xE410]  }
0x273: {  	v5 =	vld [tilespmem:s6+$0xE420]  }
0x274: {  	v6 =	vld [tilespmem:s6+$0xE430]  }
0x275: {  	v10 =	vimm.f32 $0.0e+00;
	v3 =	vimm.f32 $0.0e+00;
	v7 =	vld [tilespmem:s6+$0xE440]  }
0x276: {  	v9 =	vimm.f32 $0.0e+00;
	v4 =	vimm.f32 $0.0e+00;
	v11 =	vld [tilespmem:s6+$0xE450];
	v0 =	vadd.f32 v0, v3  }
0x277: {  	s5 =	simm.s32 $0x400;
	s4 =	simm.s32 $0x80;
	v8 =	vimm.f32 $0.0e+00;
	v12 =	vld [tilespmem:s6+$0xE460];
	v1 =	vadd.f32 v1, v3;
	v2 =	vadd.f32 v2, v3  }
.LBB2_28:
0x278: {  	p0 =	sne.s32 s5, $0x6200;
	v13 =	vld [tilespmem:s4+$0xE470];
	v3 =	vadd.f32 v5, v3  }
0x279: {  	v14 =	vld [tilespmem:s4+$0xE400];
	v4 =	vadd.f32 v6, v4  }
0x27a: {  	v15 =	vld [tilespmem:s4+$0xE410];
	v10 =	vadd.f32 v7, v10  }
.Ltmp13:
0x27b: {  	v5 =	vld [tilespmem:s4+$0xE420];
	v8 =	vadd.f32 v11, v8;
	(pc) =	sbr.rel @p0 .LBB2_28-.Ltmp13, $4  }
0x27c: {  	v6 =	vld [tilespmem:s4+$0xE430];
	v9 =	vadd.f32 v12, v9  }
0x27d: {  	v7 =	vld [tilespmem:s4+$0xE440];
	v0 =	vadd.f32 v13, v0  }
0x27e: {  	v1 =	vadd.f32 v14, v1;
	v11 =	vld [tilespmem:s4+$0xE450]  }
0x27f: {  	v2 =	vadd.f32 v15, v2;
	v12 =	vld [tilespmem:s4+$0xE460];
	s4 =	sshra.s32 s5, $0x2;
	s5 =	sadd.s32 $0x200, s5  }
0x280: {  	v13 =	vld [tilespmem:s4+$0xE470]  }
0x281: {  	v14 =	vld [tilespmem:s4+$0xE400]  }
0x282: {  	v15 =	vld [tilespmem:s4+$0xE410]  }
0x283: {  	v16 =	vld [tilespmem:s4+$0xE420]  }
0x284: {  	v17 =	vld [tilespmem:s4+$0xE430]  }
0x285: {  	v18 =	vld [tilespmem:s4+$0xE440]  }
0x286: {  	v3 =	vadd.f32 v5, v3;
	v5 =	vld [tilespmem:s4+$0xE460]  }
0x287: {  	v4 =	vadd.f32 v6, v4;
	v6 =	vadd.f32 v7, v10;
	v7 =	vld [tilespmem:s4+$0xE450]  }
0x288: {  	v8 =	vadd.f32 v11, v8;
	v9 =	vadd.f32 v12, v9  }
0x289: {  	v0 =	vadd.f32 v13, v0;
	v1 =	vadd.f32 v14, v1  }
0x28a: {  	v2 =	vadd.f32 v15, v2;
	v3 =	vadd.f32 v16, v3  }
0x28b: {  	v6 =	vadd.f32 v18, v6;
	v5 =	vadd.f32 v5, v9  }
0x28c: {  	v4 =	vadd.f32 v17, v4;
	v7 =	vadd.f32 v7, v8  }
0x28d: {  	v1 =	vadd.f32 v3, v1;
	v3 =	vadd.f32 v5, v6  }
0x28e: {  	v2 =	vadd.f32 v4, v2;
	v0 =	vadd.f32 v0, v7  }
0x28f: {  	v1 =	vadd.f32 v3, v1  }
0x290: {  	v0 =	vadd.f32 v0, v2  }
0x291: {  	v1 =	vmul.f32 $4.999999890e-03, v1  }
0x292: {  	v0 =	vmul.f32 $4.999999890e-03, v0  }
0x293: {  	[tilespmem:$0x15780] =	vst v1  }
0x294: {  	s6 =	simm.s32 $0x0;
	[tilespmem:$0x15790] =	vst v0  }
0x295: {  	v0 =	vld [tilespmem:s6+$0xFD70]  }
0x296: {  	v1 =	vld [tilespmem:s6+$0xFD00]  }
0x297: {  	v2 =	vld [tilespmem:s6+$0xFD10]  }
0x298: {  	v5 =	vld [tilespmem:s6+$0xFD20]  }
0x299: {  	v6 =	vld [tilespmem:s6+$0xFD30]  }
0x29a: {  	v10 =	vimm.f32 $0.0e+00;
	v3 =	vimm.f32 $0.0e+00;
	v7 =	vld [tilespmem:s6+$0xFD40]  }
0x29b: {  	v9 =	vimm.f32 $0.0e+00;
	v4 =	vimm.f32 $0.0e+00;
	v11 =	vld [tilespmem:s6+$0xFD50];
	v0 =	vadd.f32 v0, v3  }
0x29c: {  	s5 =	simm.s32 $0x400;
	s4 =	simm.s32 $0x80;
	v8 =	vimm.f32 $0.0e+00;
	v12 =	vld [tilespmem:s6+$0xFD60];
	v1 =	vadd.f32 v1, v3;
	v2 =	vadd.f32 v2, v3  }
.LBB2_30:
0x29d: {  	p0 =	sne.s32 s5, $0x6200;
	v13 =	vld [tilespmem:s4+$0xFD70];
	v3 =	vadd.f32 v5, v3  }
0x29e: {  	v14 =	vld [tilespmem:s4+$0xFD00];
	v4 =	vadd.f32 v6, v4  }
0x29f: {  	v15 =	vld [tilespmem:s4+$0xFD10];
	v10 =	vadd.f32 v7, v10  }
.Ltmp14:
0x2a0: {  	v5 =	vld [tilespmem:s4+$0xFD20];
	v8 =	vadd.f32 v11, v8;
	(pc) =	sbr.rel @p0 .LBB2_30-.Ltmp14, $4  }
0x2a1: {  	v6 =	vld [tilespmem:s4+$0xFD30];
	v9 =	vadd.f32 v12, v9  }
0x2a2: {  	v7 =	vld [tilespmem:s4+$0xFD40];
	v0 =	vadd.f32 v13, v0  }
0x2a3: {  	v1 =	vadd.f32 v14, v1;
	v11 =	vld [tilespmem:s4+$0xFD50]  }
0x2a4: {  	v2 =	vadd.f32 v15, v2;
	v12 =	vld [tilespmem:s4+$0xFD60];
	s4 =	sshra.s32 s5, $0x2;
	s5 =	sadd.s32 $0x200, s5  }
0x2a5: {  	v13 =	vld [tilespmem:s4+$0xFD70]  }
0x2a6: {  	v14 =	vld [tilespmem:s4+$0xFD00]  }
0x2a7: {  	v15 =	vld [tilespmem:s4+$0xFD10]  }
0x2a8: {  	v16 =	vld [tilespmem:s4+$0xFD20]  }
0x2a9: {  	v17 =	vld [tilespmem:s4+$0xFD30]  }
0x2aa: {  	v18 =	vld [tilespmem:s4+$0xFD40]  }
0x2ab: {  	v3 =	vadd.f32 v5, v3;
	v5 =	vld [tilespmem:s4+$0xFD60]  }
0x2ac: {  	v4 =	vadd.f32 v6, v4;
	v6 =	vadd.f32 v7, v10;
	v7 =	vld [tilespmem:s4+$0xFD50]  }
0x2ad: {  	v8 =	vadd.f32 v11, v8;
	v9 =	vadd.f32 v12, v9  }
0x2ae: {  	v0 =	vadd.f32 v13, v0;
	v1 =	vadd.f32 v14, v1  }
0x2af: {  	v2 =	vadd.f32 v15, v2;
	v3 =	vadd.f32 v16, v3  }
0x2b0: {  	v6 =	vadd.f32 v18, v6;
	v5 =	vadd.f32 v5, v9  }
0x2b1: {  	v4 =	vadd.f32 v17, v4;
	v7 =	vadd.f32 v7, v8  }
0x2b2: {  	v1 =	vadd.f32 v3, v1;
	v3 =	vadd.f32 v5, v6  }
0x2b3: {  	v2 =	vadd.f32 v4, v2;
	v0 =	vadd.f32 v0, v7  }
0x2b4: {  	v1 =	vadd.f32 v3, v1  }
0x2b5: {  	v0 =	vadd.f32 v0, v2  }
0x2b6: {  	v1 =	vmul.f32 $4.999999890e-03, v1  }
0x2b7: {  	v0 =	vmul.f32 $4.999999890e-03, v0  }
0x2b8: {  	[tilespmem:$0x157A0] =	vst v1  }
0x2b9: {  	s6 =	simm.s32 $0x0;
	[tilespmem:$0x157B0] =	vst v0  }
0x2ba: {  	v0 =	vld [tilespmem:s6+$0x11670]  }
0x2bb: {  	v1 =	vld [tilespmem:s6+$0x11600]  }
0x2bc: {  	v2 =	vld [tilespmem:s6+$0x11610]  }
0x2bd: {  	v5 =	vld [tilespmem:s6+$0x11620]  }
0x2be: {  	v6 =	vld [tilespmem:s6+$0x11630]  }
0x2bf: {  	v10 =	vimm.f32 $0.0e+00;
	v3 =	vimm.f32 $0.0e+00;
	v7 =	vld [tilespmem:s6+$0x11640]  }
0x2c0: {  	v9 =	vimm.f32 $0.0e+00;
	v4 =	vimm.f32 $0.0e+00;
	v11 =	vld [tilespmem:s6+$0x11650];
	v0 =	vadd.f32 v0, v3  }
0x2c1: {  	s5 =	simm.s32 $0x400;
	s4 =	simm.s32 $0x80;
	v8 =	vimm.f32 $0.0e+00;
	v12 =	vld [tilespmem:s6+$0x11660];
	v1 =	vadd.f32 v1, v3;
	v2 =	vadd.f32 v2, v3  }
.LBB2_32:
0x2c2: {  	p0 =	sne.s32 s5, $0x6200;
	v13 =	vld [tilespmem:s4+$0x11670];
	v3 =	vadd.f32 v5, v3  }
0x2c3: {  	v14 =	vld [tilespmem:s4+$0x11600];
	v4 =	vadd.f32 v6, v4  }
0x2c4: {  	v15 =	vld [tilespmem:s4+$0x11610];
	v10 =	vadd.f32 v7, v10  }
.Ltmp15:
0x2c5: {  	v5 =	vld [tilespmem:s4+$0x11620];
	v8 =	vadd.f32 v11, v8;
	(pc) =	sbr.rel @p0 .LBB2_32-.Ltmp15, $4  }
0x2c6: {  	v6 =	vld [tilespmem:s4+$0x11630];
	v9 =	vadd.f32 v12, v9  }
0x2c7: {  	v7 =	vld [tilespmem:s4+$0x11640];
	v0 =	vadd.f32 v13, v0  }
0x2c8: {  	v1 =	vadd.f32 v14, v1;
	v11 =	vld [tilespmem:s4+$0x11650]  }
0x2c9: {  	v2 =	vadd.f32 v15, v2;
	v12 =	vld [tilespmem:s4+$0x11660];
	s4 =	sshra.s32 s5, $0x2;
	s5 =	sadd.s32 $0x200, s5  }
0x2ca: {  	v13 =	vld [tilespmem:s4+$0x11670]  }
0x2cb: {  	v14 =	vld [tilespmem:s4+$0x11600]  }
0x2cc: {  	v15 =	vld [tilespmem:s4+$0x11610]  }
0x2cd: {  	v16 =	vld [tilespmem:s4+$0x11620]  }
0x2ce: {  	v17 =	vld [tilespmem:s4+$0x11630]  }
0x2cf: {  	v18 =	vld [tilespmem:s4+$0x11640]  }
0x2d0: {  	v3 =	vadd.f32 v5, v3;
	v5 =	vld [tilespmem:s4+$0x11660]  }
0x2d1: {  	v4 =	vadd.f32 v6, v4;
	v6 =	vadd.f32 v7, v10;
	v7 =	vld [tilespmem:s4+$0x11650]  }
0x2d2: {  	v8 =	vadd.f32 v11, v8;
	v9 =	vadd.f32 v12, v9  }
0x2d3: {  	v0 =	vadd.f32 v13, v0;
	v1 =	vadd.f32 v14, v1  }
0x2d4: {  	v2 =	vadd.f32 v15, v2;
	v3 =	vadd.f32 v16, v3  }
0x2d5: {  	v6 =	vadd.f32 v18, v6;
	v5 =	vadd.f32 v5, v9  }
0x2d6: {  	v4 =	vadd.f32 v17, v4;
	v7 =	vadd.f32 v7, v8  }
0x2d7: {  	v1 =	vadd.f32 v3, v1;
	v3 =	vadd.f32 v5, v6  }
0x2d8: {  	v2 =	vadd.f32 v4, v2;
	v0 =	vadd.f32 v0, v7  }
0x2d9: {  	v1 =	vadd.f32 v3, v1  }
0x2da: {  	v0 =	vadd.f32 v0, v2  }
0x2db: {  	v1 =	vmul.f32 $4.999999890e-03, v1  }
0x2dc: {  	v0 =	vmul.f32 $4.999999890e-03, v0  }
0x2dd: {  	[tilespmem:$0x157C0] =	vst v1  }
0x2de: {  	s6 =	simm.s32 $0x0;
	[tilespmem:$0x157D0] =	vst v0  }
0x2df: {  	v0 =	vld [tilespmem:s6+$0x12F70]  }
0x2e0: {  	v1 =	vld [tilespmem:s6+$0x12F00]  }
0x2e1: {  	v2 =	vld [tilespmem:s6+$0x12F10]  }
0x2e2: {  	v5 =	vld [tilespmem:s6+$0x12F20]  }
0x2e3: {  	v6 =	vld [tilespmem:s6+$0x12F30]  }
0x2e4: {  	v10 =	vimm.f32 $0.0e+00;
	v3 =	vimm.f32 $0.0e+00;
	v7 =	vld [tilespmem:s6+$0x12F40]  }
0x2e5: {  	v9 =	vimm.f32 $0.0e+00;
	v4 =	vimm.f32 $0.0e+00;
	v11 =	vld [tilespmem:s6+$0x12F50];
	v0 =	vadd.f32 v0, v3  }
0x2e6: {  	s5 =	simm.s32 $0x400;
	s4 =	simm.s32 $0x80;
	v8 =	vimm.f32 $0.0e+00;
	v12 =	vld [tilespmem:s6+$0x12F60];
	v1 =	vadd.f32 v1, v3;
	v2 =	vadd.f32 v2, v3  }
.LBB2_34:
0x2e7: {  	p0 =	sne.s32 s5, $0x6200;
	v13 =	vld [tilespmem:s4+$0x12F70];
	v3 =	vadd.f32 v5, v3  }
0x2e8: {  	v14 =	vld [tilespmem:s4+$0x12F00];
	v4 =	vadd.f32 v6, v4  }
0x2e9: {  	v15 =	vld [tilespmem:s4+$0x12F10];
	v10 =	vadd.f32 v7, v10  }
.Ltmp16:
0x2ea: {  	v5 =	vld [tilespmem:s4+$0x12F20];
	v8 =	vadd.f32 v11, v8;
	(pc) =	sbr.rel @p0 .LBB2_34-.Ltmp16, $4  }
0x2eb: {  	v6 =	vld [tilespmem:s4+$0x12F30];
	v9 =	vadd.f32 v12, v9  }
0x2ec: {  	v7 =	vld [tilespmem:s4+$0x12F40];
	v0 =	vadd.f32 v13, v0  }
0x2ed: {  	v1 =	vadd.f32 v14, v1;
	v11 =	vld [tilespmem:s4+$0x12F50]  }
0x2ee: {  	v2 =	vadd.f32 v15, v2;
	v12 =	vld [tilespmem:s4+$0x12F60];
	s4 =	sshra.s32 s5, $0x2;
	s5 =	sadd.s32 $0x200, s5  }
0x2ef: {  	v13 =	vld [tilespmem:s4+$0x12F70]  }
0x2f0: {  	v14 =	vld [tilespmem:s4+$0x12F00]  }
0x2f1: {  	v15 =	vld [tilespmem:s4+$0x12F10]  }
0x2f2: {  	v16 =	vld [tilespmem:s4+$0x12F20]  }
0x2f3: {  	v17 =	vld [tilespmem:s4+$0x12F30]  }
0x2f4: {  	v18 =	vld [tilespmem:s4+$0x12F40]  }
0x2f5: {  	v3 =	vadd.f32 v5, v3;
	v62 =	vld [tilespmem:s4+$0x12F50]  }
0x2f6: {  	v60 =	vld [tilespmem:s4+$0x12F60];
	v4 =	vadd.f32 v6, v4;
	v61 =	vadd.f32 v7, v10  }
0x2f7: {  	v8 =	vadd.f32 v11, v8;
	v9 =	vadd.f32 v12, v9  }
0x2f8: {  	v0 =	vadd.f32 v13, v0;
	v1 =	vadd.f32 v14, v1  }
0x2f9: {  	v2 =	vadd.f32 v15, v2;
	v3 =	vadd.f32 v16, v3  }
0x2fa: {  	v4 =	vadd.f32 v17, v4;
	v7 =	vadd.f32 v62, v8  }
0x2fb: {  	v6 =	vadd.f32 v18, v61;
	v5 =	vadd.f32 v60, v9  }
0x2fc: {  	v2 =	vadd.f32 v4, v2;
	v0 =	vadd.f32 v0, v7  }
0x2fd: {  	v1 =	vadd.f32 v3, v1;
	v63 =	vadd.f32 v5, v6  }
0x2fe: {  	v0 =	vadd.f32 v0, v2  }
0x2ff: {  	v1 =	vadd.f32 v63, v1  }
0x300: {  	v0 =	vmul.f32 $4.999999890e-03, v0  }
0x301: {  	v1 =	vmul.f32 $4.999999890e-03, v1  }
0x302: {  	[tilespmem:$0x157F0] =	vst v0  }
0x303: {  	s22 =	rddreg [dreg:$0x4];
	s5 =	simm.s32 $0x14800;
	[tilespmem:$0x157E0] =	vst v1  }
0x304: {  	[hbm4b:s22+s2] =	stream.linear.scatter [tilespmem:s5], [sflag:$0x4], $0x1000, $0x38;
	[tilespmem:$0x15800] =	vst v63  }
0x305: {  	_ =	swait.ge [sflag:s0], $0x1000  }
0x306: {  	s14 =	sadd.s32 $0x1, s14;
	s31 =	rddreg [dreg:$0x5]  }
0x307: {  	p0 =	sne.s32 s14, s31  }
.Ltmp17:
0x308: {  	_ = 	snop;
	(pc) =	sbr.rel @p0 .LBB2_1-.Ltmp17, $3  }
0x309: {  	_ =	sdelay $0x1  }
0x30a: {  	[sflag:s0] =	ssyncset.done $0x0  }
0x30b: {  	[sflag:s0] =	ssyncadd.s32 $0xFFFFF000  }
0x30c: {  	_ =	sfence.sel $0x180000  }
0x30d: {  	[bflag:$0x0] =	sbarrier.arrive $0xFFFF  }
0x30e: {  	_ =	strace $0x90000047  }
0x30f: {  	s0 =	stileid.u32;
	[bflag:$0x2] =	sbarrier.arrive $0xFFFF  }
0x310: {  	p0 =	sne.s32 s0, $0x0;
	s0 =	rddreg [dreg:$0x2]  }
0x311: {  	s0 =	sadd.s32 @!p0 $0x100000, s0  }
0x312: {  	[sflag:s0] =	ssyncadd.tile.s32 @!p0 $0x1;
	_ =	shalt  }
.Lfunc_end2:
_tile_overlayer_lowered:
.L_overlay_start_2:
0x313: {  	(tag) =	ssettag $0x2  }
0x314: {  	s0 =	rddreg [dreg:$0x0];
	s2 =	stileid.u32  }
0x315: {  	s1 =	rddreg [dreg:$0x1];
	p0 =	sne.s32 s2, $0x0  }
0x316: {  	s3 =	rddreg [dreg:$0x2];
	[bflag:$0x3] =	sbarrier.arrive $0xFFFF;
	s2 =	simm.s32 @!p0 $0x1C04  }
0x317: {  	[timem:s3], [sflag:s2] =	dma.local @!p0 [hbm:s0], s1  }
0x318: {  	s0 =	simm.s32 @!p0 $0x4  }
0x319: {  	_ =	swait.ge @!p0 [sflag:s0], s1  }
0x31a: {  	s1 =	ssub.s32 @!p0 $0x0, s1;
	[sflag:s0] =	ssyncset.done @!p0 $0x0  }
0x31b: {  	[sflag:s0] =	ssyncadd.s32 @!p0 s1  }
0x31c: {  	[bflag:$0x3] =	sbarrier.arrive $0xFFFF  }
0x31d: {  	_ =	shalt  }

</sc_bundles>
